<compile_context>
chip_gen: v7x
topology: tpu7x:2x2x1
jax: 0.10.2.dev20260603
libtpu: 0.0.44.dev20260713+nightly
codegen_flags: <defaults>
</compile_context>

<pallas_src>
import functools

import jax
import jax.numpy as jnp
from jax import lax
from jax.experimental import pallas as pl
from jax.experimental.pallas import tpu as pltpu
from jax.experimental.pallas import tpu_sc as plsc

N = 10000
E = 320000
F_IN = 128
H = 128
C = 64

NC = 2
NS = 16
NW = NC * NS
EPT = E // NW
CHUNKP = 80
NCHUNK = EPT // CHUNKP
EPT2 = E // NS
NCHUNK2 = EPT2 // CHUNKP
ROW0 = 624
TAIL0 = N - NS * ROW0
ZR = 40
NBUF = 5
ROW_BLK = 2000


def _sc_mesh():
    return plsc.VectorSubcoreMesh(
        core_axis_name="c", subcore_axis_name="s",
        num_cores=NC, num_subcores=NS)


def _fill(ref, rows, width, value):
    vec = jnp.full((16,), value, jnp.float32)

    @pl.loop(0, rows)
    def _(r):
        for c in range(0, width, 16):
            ref[r, pl.ds(c, 16)] = vec


def _zero_acc(zb, acc, sid, sem):
    base = sid * ROW0
    for z in range(16):
        pltpu.async_copy(zb, acc.at[pl.ds(base + z * ZR, ZR)], sem).wait()


def _read_out(acc, out_hbm, cid, sid, sem):
    base = sid * ROW0
    pltpu.async_copy(acc.at[pl.ds(base, ROW0)],
                     out_hbm.at[cid, pl.ds(base, ROW0)], sem).wait()

    @pl.when(sid == NS - 1)
    def _():
        t0 = NS * ROW0
        pltpu.async_copy(acc.at[pl.ds(t0, TAIL0)],
                         out_hbm.at[cid, pl.ds(t0, TAIL0)], sem).wait()


def _sc_degree(dst3):

    @functools.partial(
        pl.kernel,
        out_type=jax.ShapeDtypeStruct((NC, N, 16), jnp.float32),
        mesh=_sc_mesh(),
        scratch_types=[
            pltpu.VMEM((NCHUNK, CHUNKP), jnp.int32),
            pltpu.VMEM((CHUNKP, 16), jnp.float32),
            pltpu.VMEM((ZR, 16), jnp.float32),
            pltpu.VMEM_SHARED((N, 16), jnp.float32),
            [pltpu.SemaphoreType.DMA] * NBUF,
            pltpu.SemaphoreType.DMA,
        ])
    def deg_kernel(dst_hbm, out_hbm, didx2, ones_v, zb, acc, ssems, zsem):
        cid = lax.axis_index("c")
        sid = lax.axis_index("s")
        gwid = sid * NC + cid
        pltpu.sync_copy(dst_hbm.at[gwid], didx2)
        _fill(ones_v, CHUNKP, 16, 1.0)
        _fill(zb, ZR, 16, 0.0)
        _zero_acc(zb, acc, sid, zsem)
        plsc.subcore_barrier()

        for b in range(NBUF):
            pltpu.async_copy(ones_v, acc.at[didx2.at[b]], ssems[b], add=True)

        @pl.loop(0, NCHUNK // NBUF - 1)
        def _(p):
            c0 = p * NBUF
            for b in range(NBUF):
                pltpu.make_async_copy(
                    ones_v, acc.at[didx2.at[c0 + b]], ssems[b]).wait()
                pltpu.async_copy(
                    ones_v, acc.at[didx2.at[c0 + NBUF + b]], ssems[b],
                    add=True)

        for b in range(NBUF):
            pltpu.make_async_copy(
                ones_v, acc.at[didx2.at[NCHUNK - NBUF + b]], ssems[b]).wait()

        plsc.subcore_barrier()
        _read_out(acc, out_hbm, cid, sid, zsem)

    return deg_kernel(dst3)


def _edge_pipeline(g_hbm, sidx, didx, bufs, acc, gsems, ssems, nchunk):

    def s(c):
        return pl.ds(c * CHUNKP, CHUNKP)

    @pl.loop(0, nchunk // NBUF - 1)
    def _(p):
        c0 = p * NBUF
        for b in range(NBUF):
            pltpu.make_async_copy(
                g_hbm.at[sidx.at[s(c0 + b)]], bufs[b], gsems[b]).wait()
            pltpu.async_copy(
                bufs[b], acc.at[didx.at[s(c0 + b)]], ssems[b], add=True)
        for b in range(NBUF):
            pltpu.make_async_copy(
                bufs[b], acc.at[didx.at[s(c0 + b)]], ssems[b]).wait()
            pltpu.async_copy(
                g_hbm.at[sidx.at[s(c0 + NBUF + b)]], bufs[b], gsems[b])

    c0 = nchunk - NBUF
    for b in range(NBUF):
        pltpu.make_async_copy(
            g_hbm.at[sidx.at[s(c0 + b)]], bufs[b], gsems[b]).wait()
        pltpu.async_copy(
            bufs[b], acc.at[didx.at[s(c0 + b)]], ssems[b], add=True)
    for b in range(NBUF):
        pltpu.make_async_copy(
            bufs[b], acc.at[didx.at[s(c0 + b)]], ssems[b]).wait()


def _sc_edge_sum_feat(g0, g1, src, dst):

    @functools.partial(
        pl.kernel,
        out_type=jax.ShapeDtypeStruct((NC, N, C), jnp.float32),
        mesh=_sc_mesh(),
        scratch_types=[
            pltpu.VMEM((EPT2,), jnp.int32),
            pltpu.VMEM((EPT2,), jnp.int32),
            [pltpu.VMEM((CHUNKP, C), jnp.float32)] * NBUF,
            pltpu.VMEM((ZR, C), jnp.float32),
            pltpu.VMEM_SHARED((N, C), jnp.float32),
            [pltpu.SemaphoreType.DMA] * NBUF,
            [pltpu.SemaphoreType.DMA] * NBUF,
            pltpu.SemaphoreType.DMA,
        ],
        compiler_params=pltpu.CompilerParams(use_tc_tiling_on_sc=False))
    def edge_kernel(g0_hbm, g1_hbm, src_hbm, dst_hbm, out_hbm,
                    sidx, didx, bufs, zb, acc, gsems, ssems, zsem):
        cid = lax.axis_index("c")
        sid = lax.axis_index("s")
        ebase = sid * EPT2
        pltpu.sync_copy(src_hbm.at[pl.ds(ebase, EPT2)], sidx)
        pltpu.sync_copy(dst_hbm.at[pl.ds(ebase, EPT2)], didx)
        _fill(zb, ZR, C, 0.0)
        _zero_acc(zb, acc, sid, zsem)
        plsc.subcore_barrier()

        @pl.when(cid == 0)
        def _():
            for b in range(NBUF):
                pltpu.async_copy(
                    g0_hbm.at[sidx.at[pl.ds(b * CHUNKP, CHUNKP)]],
                    bufs[b], gsems[b])
            _edge_pipeline(g0_hbm, sidx, didx, bufs, acc, gsems, ssems,
                           NCHUNK2)

        @pl.when(cid != 0)
        def _():
            for b in range(NBUF):
                pltpu.async_copy(
                    g1_hbm.at[sidx.at[pl.ds(b * CHUNKP, CHUNKP)]],
                    bufs[b], gsems[b])
            _edge_pipeline(g1_hbm, sidx, didx, bufs, acc, gsems, ssems,
                           NCHUNK2)

        plsc.subcore_barrier()
        _read_out(acc, out_hbm, cid, sid, zsem)

    return edge_kernel(g0, g1, src, dst)


def _sc_edge_sum(g, src, dst, width):

    @functools.partial(
        pl.kernel,
        out_type=jax.ShapeDtypeStruct((NC, N, width), jnp.float32),
        mesh=_sc_mesh(),
        scratch_types=[
            pltpu.VMEM((EPT,), jnp.int32),
            pltpu.VMEM((EPT,), jnp.int32),
            [pltpu.VMEM((CHUNKP, width), jnp.float32)] * NBUF,
            pltpu.VMEM((ZR, width), jnp.float32),
            pltpu.VMEM_SHARED((N, width), jnp.float32),
            [pltpu.SemaphoreType.DMA] * NBUF,
            [pltpu.SemaphoreType.DMA] * NBUF,
            pltpu.SemaphoreType.DMA,
        ],
        compiler_params=pltpu.CompilerParams(use_tc_tiling_on_sc=False))
    def edge_kernel(g_hbm, src_hbm, dst_hbm, out_hbm,
                    sidx, didx, bufs, zb, acc, gsems, ssems, zsem):
        cid = lax.axis_index("c")
        sid = lax.axis_index("s")
        gwid = sid * NC + cid
        ebase = gwid * EPT
        pltpu.sync_copy(src_hbm.at[pl.ds(ebase, EPT)], sidx)
        pltpu.sync_copy(dst_hbm.at[pl.ds(ebase, EPT)], didx)
        for b in range(NBUF):
            pltpu.async_copy(g_hbm.at[sidx.at[pl.ds(b * CHUNKP, CHUNKP)]],
                             bufs[b], gsems[b])
        _fill(zb, ZR, width, 0.0)
        _zero_acc(zb, acc, sid, zsem)
        plsc.subcore_barrier()
        _edge_pipeline(g_hbm, sidx, didx, bufs, acc, gsems, ssems, NCHUNK)
        plsc.subcore_barrier()
        _read_out(acc, out_hbm, cid, sid, zsem)

    return edge_kernel(g, src, dst)


def _deg_inv_sqrt(hist_blk):
    counts = hist_blk[0] + hist_blk[1]
    deg = jnp.sum(counts, axis=-1) * (1.0 / 16.0) + 1.0
    return lax.rsqrt(deg)[:, None]


def _tc_lin1(x, W1, hist):

    def lin1_kernel(x_ref, w_ref, hist_ref, g0_ref, g1_ref):
        h = jnp.dot(x_ref[...], w_ref[...],
                    preferred_element_type=jnp.float32)
        g = h * _deg_inv_sqrt(hist_ref[...])
        g0_ref[...] = g[:, :C]
        g1_ref[...] = g[:, C:]

    return pl.pallas_call(
        lin1_kernel,
        grid=(N // ROW_BLK,),
        in_specs=[
            pl.BlockSpec((ROW_BLK, F_IN), lambda i: (i, 0)),
            pl.BlockSpec((F_IN, H), lambda i: (0, 0)),
            pl.BlockSpec((NC, ROW_BLK, 16), lambda i: (0, i, 0)),
        ],
        out_specs=[
            pl.BlockSpec((ROW_BLK, C), lambda i: (i, 0)),
            pl.BlockSpec((ROW_BLK, C), lambda i: (i, 0)),
        ],
        out_shape=[
            jax.ShapeDtypeStruct((N, C), jnp.float32),
            jax.ShapeDtypeStruct((N, C), jnp.float32),
        ],
    )(x, W1, hist)


def _tc_layer2_in(S1s, g10, g11, hist, b1, W2):

    def l2_kernel(s_ref, g0_ref, g1_ref, hist_ref, b_ref, w_ref, o_ref):
        s = jnp.concatenate(
            [s_ref[0] + g0_ref[...], s_ref[1] + g1_ref[...]], axis=-1)
        dis = _deg_inv_sqrt(hist_ref[...])
        z = jnp.maximum(s * dis + b_ref[...], 0.0)
        o_ref[...] = jnp.dot(z, w_ref[...],
                             preferred_element_type=jnp.float32) * dis

    return pl.pallas_call(
        l2_kernel,
        grid=(N // ROW_BLK,),
        in_specs=[
            pl.BlockSpec((NC, ROW_BLK, C), lambda i: (0, i, 0)),
            pl.BlockSpec((ROW_BLK, C), lambda i: (i, 0)),
            pl.BlockSpec((ROW_BLK, C), lambda i: (i, 0)),
            pl.BlockSpec((NC, ROW_BLK, 16), lambda i: (0, i, 0)),
            pl.BlockSpec((H,), lambda i: (0,)),
            pl.BlockSpec((H, C), lambda i: (0, 0)),
        ],
        out_specs=pl.BlockSpec((ROW_BLK, C), lambda i: (i, 0)),
        out_shape=jax.ShapeDtypeStruct((N, C), jnp.float32),
    )(S1s, g10, g11, hist, b1, W2)


def _tc_out(S2, g2, hist, b2):

    def out_kernel(s_ref, g_ref, hist_ref, b_ref, o_ref):
        s = s_ref[0] + s_ref[1] + g_ref[...]
        dis = _deg_inv_sqrt(hist_ref[...])
        o_ref[...] = jax.nn.sigmoid(s * dis + b_ref[...])

    return pl.pallas_call(
        out_kernel,
        grid=(N // ROW_BLK,),
        in_specs=[
            pl.BlockSpec((NC, ROW_BLK, C), lambda i: (0, i, 0)),
            pl.BlockSpec((ROW_BLK, C), lambda i: (i, 0)),
            pl.BlockSpec((NC, ROW_BLK, 16), lambda i: (0, i, 0)),
            pl.BlockSpec((C,), lambda i: (0,)),
        ],
        out_specs=pl.BlockSpec((ROW_BLK, C), lambda i: (i, 0)),
        out_shape=jax.ShapeDtypeStruct((N, C), jnp.float32),
    )(S2, g2, hist, b2)


def kernel(x, adj, W1, b1, W2, b2):
    src = adj[0]
    dst = adj[1]
    dst3 = dst.reshape(NW, NCHUNK, CHUNKP)
    hist = _sc_degree(dst3)
    g10, g11 = _tc_lin1(x, W1, hist)
    S1s = _sc_edge_sum_feat(g10, g11, src, dst)
    g2 = _tc_layer2_in(S1s, g10, g11, hist, b1, W2)
    S2 = _sc_edge_sum(g2, src, dst, C)
    return _tc_out(S2, g2, hist, b2)

# --- scband reference (transcript-rebuilt; emitter-appended) ---
"""Pipeline reference for scband-gnn-28836410425761 (READ-ONLY COPY).

The authoritative reference and input builder live on the scoring server;
editing this copy changes nothing except your own understanding.
"""

import jax, jax.numpy as jnp
import numpy as np

N = 10000
E = 320000
F_IN = 128
H = 128
C = 64


def setup_inputs(seed: int = 0) -> dict:
    key = jax.random.key(seed)
    k1, k2, k3, k4 = jax.random.split(key, 4)
    x = jax.random.normal(k1, (N, F_IN), dtype=jnp.float32)
    adj = jax.random.randint(k2, (2, E), 0, N, dtype=jnp.int32)
    W1 = jax.random.normal(k3, (F_IN, H), dtype=jnp.float32) * (1.0 / np.sqrt(F_IN))
    b1 = jnp.zeros((H,), dtype=jnp.float32)
    W2 = jax.random.normal(k4, (H, C), dtype=jnp.float32) * (1.0 / np.sqrt(H))
    b2 = jnp.zeros((C,), dtype=jnp.float32)
    return {"x": x, "adj": adj, "W1": W1, "b1": b1, "W2": W2, "b2": b2}


def _gcn_conv(h_in, W, b, src, dst, n):
    # linear transform
    h = h_in @ W
    # symmetric degree normalization (self-loops already included in src/dst)
    ones = jnp.ones(src.shape[0], dtype=h.dtype)
    deg = jax.ops.segment_sum(ones, dst, num_segments=n)
    deg_inv_sqrt = jnp.where(deg > 0, 1.0 / jnp.sqrt(deg), 0.0)
    norm = deg_inv_sqrt[src] * deg_inv_sqrt[dst]
    # gather messages from source nodes, scale, scatter-add to destinations
    msg = h[src] * norm[:, None]
    out = jax.ops.segment_sum(msg, dst, num_segments=n)
    return out + b


def reference(x, adj, W1, b1, W2, b2):
    n = x.shape[0]
    loops = jnp.arange(n, dtype=adj.dtype)
    src = jnp.concatenate([adj[0], loops])
    dst = jnp.concatenate([adj[1], loops])
    h = jax.nn.relu(_gcn_conv(x, W1, b1, src, dst, n))
    # dropout is identity in eval mode
    out = _gcn_conv(h, W2, b2, src, dst, n)
    return jax.nn.sigmoid(out)

if __name__ == "__main__":
    import jax
    _d = setup_inputs()
    print(jax.jit(kernel)(*tuple(_d.values())))

</pallas_src>

<mosaic_0001>
#map = affine_map<(d0, d1) -> (0, 0)>
#map1 = affine_map<(d0, d1) -> (0)>
#map2 = affine_map<(d0, d1) -> (0, 0, 0)>
module attributes {stable_mosaic.version = 14 : i64} {
  func.func @edge_kernel(%arg0: i32, %arg1: i32, %arg2: memref<10000x64xf32, #tpu.memory_space<hbm>>, %arg3: memref<10000x64xf32, #tpu.memory_space<hbm>>, %arg4: memref<320000xi32, #tpu.memory_space<hbm>>, %arg5: memref<320000xi32, #tpu.memory_space<hbm>>, %arg6: memref<2x10000x64xf32, #tpu.memory_space<hbm>>, %arg7: memref<20000xi32, #tpu.memory_space<vmem>>, %arg8: memref<20000xi32, #tpu.memory_space<vmem>>, %arg9: memref<80x64xf32, #tpu.memory_space<vmem>>, %arg10: memref<80x64xf32, #tpu.memory_space<vmem>>, %arg11: memref<80x64xf32, #tpu.memory_space<vmem>>, %arg12: memref<80x64xf32, #tpu.memory_space<vmem>>, %arg13: memref<80x64xf32, #tpu.memory_space<vmem>>, %arg14: memref<40x64xf32, #tpu.memory_space<vmem>>, %arg15: memref<10000x64xf32, #tpu.memory_space<vmem_shared>>, %arg16: memref<!tpu.dma_semaphore, #tpu.memory_space<semaphore_mem>>, %arg17: memref<!tpu.dma_semaphore, #tpu.memory_space<semaphore_mem>>, %arg18: memref<!tpu.dma_semaphore, #tpu.memory_space<semaphore_mem>>, %arg19: memref<!tpu.dma_semaphore, #tpu.memory_space<semaphore_mem>>, %arg20: memref<!tpu.dma_semaphore, #tpu.memory_space<semaphore_mem>>, %arg21: memref<!tpu.dma_semaphore, #tpu.memory_space<semaphore_mem>>, %arg22: memref<!tpu.dma_semaphore, #tpu.memory_space<semaphore_mem>>, %arg23: memref<!tpu.dma_semaphore, #tpu.memory_space<semaphore_mem>>, %arg24: memref<!tpu.dma_semaphore, #tpu.memory_space<semaphore_mem>>, %arg25: memref<!tpu.dma_semaphore, #tpu.memory_space<semaphore_mem>>, %arg26: memref<!tpu.dma_semaphore, #tpu.memory_space<semaphore_mem>>) attributes {dimension_semantics = [#tpu.dimension_semantics<core_parallel>, #tpu.dimension_semantics<subcore_parallel>], iteration_bounds = array<i64: 2, 16>, scalar_prefetch = 0 : i64, scratch_operands = 20 : i64, tpu.core_type = #tpu.core_type<sc_vector_subcore>, window_params = [{transform_indices = #map}, {transform_indices = #map}, {transform_indices = #map1}, {transform_indices = #map1}, {transform_indices = #map2}]} {
    %mul3A = arith.constant 20000 : i32
    %mul3A_0 = arith.muli %arg1, %mul3A : i32
    "tpu.region"() ({
      %run_scoped3A = tpu.sem_alloc : memref<!tpu.dma_semaphore, #tpu.memory_space<semaphore_mem>>
      %dma_start3A_189 = tpu.memref_slice %arg4[%mul3A_0] : memref<320000xi32, #tpu.memory_space<hbm>> -> memref<20000xi32, #tpu.memory_space<hbm>>
      %dma_start3A_190 = tpu.memref_slice %arg4[%mul3A_0] : memref<320000xi32, #tpu.memory_space<hbm>> -> memref<20000xi32, #tpu.memory_space<hbm>>
      tpu.enqueue_dma source(%dma_start3A_190 : memref<20000xi32, #tpu.memory_space<hbm>>) target(%arg7 : memref<20000xi32, #tpu.memory_space<vmem>>) target_semaphore(%run_scoped3A : memref<!tpu.dma_semaphore, #tpu.memory_space<semaphore_mem>>)
      %dma_wait3A_191 = tpu.memref_slice %arg4[%mul3A_0] : memref<320000xi32, #tpu.memory_space<hbm>> -> memref<20000xi32, #tpu.memory_space<hbm>>
      %dma_wait3A_192 = tpu.memref_slice %arg4[%mul3A_0] : memref<320000xi32, #tpu.memory_space<hbm>> -> memref<20000xi32, #tpu.memory_space<hbm>>
      tpu.wait_dma2 semaphore(%run_scoped3A : memref<!tpu.dma_semaphore, #tpu.memory_space<semaphore_mem>>) src(%dma_wait3A_192 : memref<20000xi32, #tpu.memory_space<hbm>>) dst(%arg7 : memref<20000xi32, #tpu.memory_space<vmem>>)
      tpu.yield
    }) : () -> ()
    "tpu.region"() ({
      %run_scoped3A = tpu.sem_alloc : memref<!tpu.dma_semaphore, #tpu.memory_space<semaphore_mem>>
      %dma_start3A_189 = tpu.memref_slice %arg5[%mul3A_0] : memref<320000xi32, #tpu.memory_space<hbm>> -> memref<20000xi32, #tpu.memory_space<hbm>>
      %dma_start3A_190 = tpu.memref_slice %arg5[%mul3A_0] : memref<320000xi32, #tpu.memory_space<hbm>> -> memref<20000xi32, #tpu.memory_space<hbm>>
      tpu.enqueue_dma source(%dma_start3A_190 : memref<20000xi32, #tpu.memory_space<hbm>>) target(%arg8 : memref<20000xi32, #tpu.memory_space<vmem>>) target_semaphore(%run_scoped3A : memref<!tpu.dma_semaphore, #tpu.memory_space<semaphore_mem>>)
      %dma_wait3A_191 = tpu.memref_slice %arg5[%mul3A_0] : memref<320000xi32, #tpu.memory_space<hbm>> -> memref<20000xi32, #tpu.memory_space<hbm>>
      %dma_wait3A_192 = tpu.memref_slice %arg5[%mul3A_0] : memref<320000xi32, #tpu.memory_space<hbm>> -> memref<20000xi32, #tpu.memory_space<hbm>>
      tpu.wait_dma2 semaphore(%run_scoped3A : memref<!tpu.dma_semaphore, #tpu.memory_space<semaphore_mem>>) src(%dma_wait3A_192 : memref<20000xi32, #tpu.memory_space<hbm>>) dst(%arg8 : memref<20000xi32, #tpu.memory_space<vmem>>)
      tpu.yield
    }) : () -> ()
    %broadcast_in_dim3A = arith.constant 0.000000e+00 : f32
    %broadcast_in_dim3A_1 = vector.broadcast %broadcast_in_dim3A : f32 to vector<16xf32>
    %scan3A = arith.constant 0 : i32
    %scan3A_2 = arith.constant 40 : i32
    %scan3A_3 = arith.addi %scan3A, %scan3A_2 : i32
    %scan3A_4 = arith.constant 1 : i32
    scf.for %scan3A_189 = %scan3A to %scan3A_3 step %scan3A_4  : i32 {
      %mul3A_190 = arith.constant 1 : i32
      %mul3A_191 = arith.muli %scan3A_189, %mul3A_190 : i32
      %add3A_192 = arith.constant 0 : i32
      %add3A_193 = arith.addi %add3A_192, %mul3A_191 : i32
      %swap3A = arith.index_cast %add3A_193 : i32 to index
      %swap3A_194 = arith.constant 0 : index
      %swap3A_195 = tpu.vector_load %arg14[%swap3A, %swap3A_194] {strides = array<i32>} : memref<40x64xf32, #tpu.memory_space<vmem>>, vector<1x16xf32>,
      %swap3A_196 = vector.shape_cast %swap3A_195 : vector<1x16xf32> to vector<16xf32>
      %swap3A_197 = vector.shape_cast %broadcast_in_dim3A_1 : vector<16xf32> to vector<1x16xf32>
      tpu.vector_store %arg14[%swap3A, %swap3A_194], %swap3A_197 {strides = array<i32>} : memref<40x64xf32, #tpu.memory_space<vmem>>, vector<1x16xf32>,
      %swap3A_198 = arith.index_cast %add3A_193 : i32 to index
      %swap3A_199 = arith.constant 16 : index
      %swap3A_200 = tpu.vector_load %arg14[%swap3A_198, %swap3A_199] {strides = array<i32>} : memref<40x64xf32, #tpu.memory_space<vmem>>, vector<1x16xf32>,
      %swap3A_201 = vector.shape_cast %swap3A_200 : vector<1x16xf32> to vector<16xf32>
      %swap3A_202 = vector.shape_cast %broadcast_in_dim3A_1 : vector<16xf32> to vector<1x16xf32>
      tpu.vector_store %arg14[%swap3A_198, %swap3A_199], %swap3A_202 {strides = array<i32>} : memref<40x64xf32, #tpu.memory_space<vmem>>, vector<1x16xf32>,
      %swap3A_203 = arith.index_cast %add3A_193 : i32 to index
      %swap3A_204 = arith.constant 32 : index
      %swap3A_205 = tpu.vector_load %arg14[%swap3A_203, %swap3A_204] {strides = array<i32>} : memref<40x64xf32, #tpu.memory_space<vmem>>, vector<1x16xf32>,
      %swap3A_206 = vector.shape_cast %swap3A_205 : vector<1x16xf32> to vector<16xf32>
      %swap3A_207 = vector.shape_cast %broadcast_in_dim3A_1 : vector<16xf32> to vector<1x16xf32>
      tpu.vector_store %arg14[%swap3A_203, %swap3A_204], %swap3A_207 {strides = array<i32>} : memref<40x64xf32, #tpu.memory_space<vmem>>, vector<1x16xf32>,
      %swap3A_208 = arith.index_cast %add3A_193 : i32 to index
      %swap3A_209 = arith.constant 48 : index
      %swap3A_210 = tpu.vector_load %arg14[%swap3A_208, %swap3A_209] {strides = array<i32>} : memref<40x64xf32, #tpu.memory_space<vmem>>, vector<1x16xf32>,
      %swap3A_211 = vector.shape_cast %swap3A_210 : vector<1x16xf32> to vector<16xf32>
      %swap3A_212 = vector.shape_cast %broadcast_in_dim3A_1 : vector<16xf32> to vector<1x16xf32>
      tpu.vector_store %arg14[%swap3A_208, %swap3A_209], %swap3A_212 {strides = array<i32>} : memref<40x64xf32, #tpu.memory_space<vmem>>, vector<1x16xf32>,
    }
    %scan3A_5 = arith.constant 40 : i32
    %mul3A_6 = arith.constant 624 : i32
    %mul3A_7 = arith.muli %arg1, %mul3A_6 : i32
    %add3A = arith.constant 0 : i32
    %add3A_8 = arith.addi %mul3A_7, %add3A : i32
    %dma_start3A = arith.constant 0 : i32
    %dma_start3A_9 = tpu.memref_slice %arg15[%add3A_8, %dma_start3A] : memref<10000x64xf32, #tpu.memory_space<vmem_shared>> -> memref<40x64xf32, #tpu.memory_space<vmem_shared>>
    %dma_start3A_10 = arith.constant 0 : i32
    %dma_start3A_11 = tpu.memref_slice %arg15[%add3A_8, %dma_start3A_10] : memref<10000x64xf32, #tpu.memory_space<vmem_shared>> -> memref<40x64xf32, #tpu.memory_space<vmem_shared>>
    tpu.enqueue_dma source(%arg14 : memref<40x64xf32, #tpu.memory_space<vmem>>) target(%dma_start3A_11 : memref<40x64xf32, #tpu.memory_space<vmem_shared>>) target_semaphore(%arg26 : memref<!tpu.dma_semaphore, #tpu.memory_space<semaphore_mem>>)
    %dma_wait3A = arith.constant 0 : i32
    %dma_wait3A_12 = tpu.memref_slice %arg15[%add3A_8, %dma_wait3A] : memref<10000x64xf32, #tpu.memory_space<vmem_shared>> -> memref<40x64xf32, #tpu.memory_space<vmem_shared>>
    %dma_wait3A_13 = arith.constant 0 : i32
    %dma_wait3A_14 = tpu.memref_slice %arg15[%add3A_8, %dma_wait3A_13] : memref<10000x64xf32, #tpu.memory_space<vmem_shared>> -> memref<40x64xf32, #tpu.memory_space<vmem_shared>>
    tpu.wait_dma2 semaphore(%arg26 : memref<!tpu.dma_semaphore, #tpu.memory_space<semaphore_mem>>) src(%arg14 : memref<40x64xf32, #tpu.memory_space<vmem>>) dst(%dma_wait3A_14 : memref<40x64xf32, #tpu.memory_space<vmem_shared>>)
    %add3A_15 = arith.constant 40 : i32
    %add3A_16 = arith.addi %mul3A_7, %add3A_15 : i32
    %dma_start3A_17 = arith.constant 0 : i32
    %dma_start3A_18 = tpu.memref_slice %arg15[%add3A_16, %dma_start3A_17] : memref<10000x64xf32, #tpu.memory_space<vmem_shared>> -> memref<40x64xf32, #tpu.memory_space<vmem_shared>>
    %dma_start3A_19 = arith.constant 0 : i32
    %dma_start3A_20 = tpu.memref_slice %arg15[%add3A_16, %dma_start3A_19] : memref<10000x64xf32, #tpu.memory_space<vmem_shared>> -> memref<40x64xf32, #tpu.memory_space<vmem_shared>>
    tpu.enqueue_dma source(%arg14 : memref<40x64xf32, #tpu.memory_space<vmem>>) target(%dma_start3A_20 : memref<40x64xf32, #tpu.memory_space<vmem_shared>>) target_semaphore(%arg26 : memref<!tpu.dma_semaphore, #tpu.memory_space<semaphore_mem>>)
    %dma_wait3A_21 = arith.constant 0 : i32
    %dma_wait3A_22 = tpu.memref_slice %arg15[%add3A_16, %dma_wait3A_21] : memref<10000x64xf32, #tpu.memory_space<vmem_shared>> -> memref<40x64xf32, #tpu.memory_space<vmem_shared>>
    %dma_wait3A_23 = arith.constant 0 : i32
    %dma_wait3A_24 = tpu.memref_slice %arg15[%add3A_16, %dma_wait3A_23] : memref<10000x64xf32, #tpu.memory_space<vmem_shared>> -> memref<40x64xf32, #tpu.memory_space<vmem_shared>>
    tpu.wait_dma2 semaphore(%arg26 : memref<!tpu.dma_semaphore, #tpu.memory_space<semaphore_mem>>) src(%arg14 : memref<40x64xf32, #tpu.memory_space<vmem>>) dst(%dma_wait3A_24 : memref<40x64xf32, #tpu.memory_space<vmem_shared>>)
    %add3A_25 = arith.constant 80 : i32
    %add3A_26 = arith.addi %mul3A_7, %add3A_25 : i32
    %dma_start3A_27 = arith.constant 0 : i32
    %dma_start3A_28 = tpu.memref_slice %arg15[%add3A_26, %dma_start3A_27] : memref<10000x64xf32, #tpu.memory_space<vmem_shared>> -> memref<40x64xf32, #tpu.memory_space<vmem_shared>>
    %dma_start3A_29 = arith.constant 0 : i32
    %dma_start3A_30 = tpu.memref_slice %arg15[%add3A_26, %dma_start3A_29] : memref<10000x64xf32, #tpu.memory_space<vmem_shared>> -> memref<40x64xf32, #tpu.memory_space<vmem_shared>>
    tpu.enqueue_dma source(%arg14 : memref<40x64xf32, #tpu.memory_space<vmem>>) target(%dma_start3A_30 : memref<40x64xf32, #tpu.memory_space<vmem_shared>>) target_semaphore(%arg26 : memref<!tpu.dma_semaphore, #tpu.memory_space<semaphore_mem>>)
    %dma_wait3A_31 = arith.constant 0 : i32
    %dma_wait3A_32 = tpu.memref_slice %arg15[%add3A_26, %dma_wait3A_31] : memref<10000x64xf32, #tpu.memory_space<vmem_shared>> -> memref<40x64xf32, #tpu.memory_space<vmem_shared>>
    %dma_wait3A_33 = arith.constant 0 : i32
    %dma_wait3A_34 = tpu.memref_slice %arg15[%add3A_26, %dma_wait3A_33] : memref<10000x64xf32, #tpu.memory_space<vmem_shared>> -> memref<40x64xf32, #tpu.memory_space<vmem_shared>>
    tpu.wait_dma2 semaphore(%arg26 : memref<!tpu.dma_semaphore, #tpu.memory_space<semaphore_mem>>) src(%arg14 : memref<40x64xf32, #tpu.memory_space<vmem>>) dst(%dma_wait3A_34 : memref<40x64xf32, #tpu.memory_space<vmem_shared>>)
    %add3A_35 = arith.constant 120 : i32
    %add3A_36 = arith.addi %mul3A_7, %add3A_35 : i32
    %dma_start3A_37 = arith.constant 0 : i32
    %dma_start3A_38 = tpu.memref_slice %arg15[%add3A_36, %dma_start3A_37] : memref<10000x64xf32, #tpu.memory_space<vmem_shared>> -> memref<40x64xf32, #tpu.memory_space<vmem_shared>>
    %dma_start3A_39 = arith.constant 0 : i32
    %dma_start3A_40 = tpu.memref_slice %arg15[%add3A_36, %dma_start3A_39] : memref<10000x64xf32, #tpu.memory_space<vmem_shared>> -> memref<40x64xf32, #tpu.memory_space<vmem_shared>>
    tpu.enqueue_dma source(%arg14 : memref<40x64xf32, #tpu.memory_space<vmem>>) target(%dma_start3A_40 : memref<40x64xf32, #tpu.memory_space<vmem_shared>>) target_semaphore(%arg26 : memref<!tpu.dma_semaphore, #tpu.memory_space<semaphore_mem>>)
    %dma_wait3A_41 = arith.constant 0 : i32
    %dma_wait3A_42 = tpu.memref_slice %arg15[%add3A_36, %dma_wait3A_41] : memref<10000x64xf32, #tpu.memory_space<vmem_shared>> -> memref<40x64xf32, #tpu.memory_space<vmem_shared>>
    %dma_wait3A_43 = arith.constant 0 : i32
    %dma_wait3A_44 = tpu.memref_slice %arg15[%add3A_36, %dma_wait3A_43] : memref<10000x64xf32, #tpu.memory_space<vmem_shared>> -> memref<40x64xf32, #tpu.memory_space<vmem_shared>>
    tpu.wait_dma2 semaphore(%arg26 : memref<!tpu.dma_semaphore, #tpu.memory_space<semaphore_mem>>) src(%arg14 : memref<40x64xf32, #tpu.memory_space<vmem>>) dst(%dma_wait3A_44 : memref<40x64xf32, #tpu.memory_space<vmem_shared>>)
    %add3A_45 = arith.constant 160 : i32
    %add3A_46 = arith.addi %mul3A_7, %add3A_45 : i32
    %dma_start3A_47 = arith.constant 0 : i32
    %dma_start3A_48 = tpu.memref_slice %arg15[%add3A_46, %dma_start3A_47] : memref<10000x64xf32, #tpu.memory_space<vmem_shared>> -> memref<40x64xf32, #tpu.memory_space<vmem_shared>>
    %dma_start3A_49 = arith.constant 0 : i32
    %dma_start3A_50 = tpu.memref_slice %arg15[%add3A_46, %dma_start3A_49] : memref<10000x64xf32, #tpu.memory_space<vmem_shared>> -> memref<40x64xf32, #tpu.memory_space<vmem_shared>>
    tpu.enqueue_dma source(%arg14 : memref<40x64xf32, #tpu.memory_space<vmem>>) target(%dma_start3A_50 : memref<40x64xf32, #tpu.memory_space<vmem_shared>>) target_semaphore(%arg26 : memref<!tpu.dma_semaphore, #tpu.memory_space<semaphore_mem>>)
    %dma_wait3A_51 = arith.constant 0 : i32
    %dma_wait3A_52 = tpu.memref_slice %arg15[%add3A_46, %dma_wait3A_51] : memref<10000x64xf32, #tpu.memory_space<vmem_shared>> -> memref<40x64xf32, #tpu.memory_space<vmem_shared>>
    %dma_wait3A_53 = arith.constant 0 : i32
    %dma_wait3A_54 = tpu.memref_slice %arg15[%add3A_46, %dma_wait3A_53] : memref<10000x64xf32, #tpu.memory_space<vmem_shared>> -> memref<40x64xf32, #tpu.memory_space<vmem_shared>>
    tpu.wait_dma2 semaphore(%arg26 : memref<!tpu.dma_semaphore, #tpu.memory_space<semaphore_mem>>) src(%arg14 : memref<40x64xf32, #tpu.memory_space<vmem>>) dst(%dma_wait3A_54 : memref<40x64xf32, #tpu.memory_space<vmem_shared>>)
    %add3A_55 = arith.constant 200 : i32
    %add3A_56 = arith.addi %mul3A_7, %add3A_55 : i32
    %dma_start3A_57 = arith.constant 0 : i32
    %dma_start3A_58 = tpu.memref_slice %arg15[%add3A_56, %dma_start3A_57] : memref<10000x64xf32, #tpu.memory_space<vmem_shared>> -> memref<40x64xf32, #tpu.memory_space<vmem_shared>>
    %dma_start3A_59 = arith.constant 0 : i32
    %dma_start3A_60 = tpu.memref_slice %arg15[%add3A_56, %dma_start3A_59] : memref<10000x64xf32, #tpu.memory_space<vmem_shared>> -> memref<40x64xf32, #tpu.memory_space<vmem_shared>>
    tpu.enqueue_dma source(%arg14 : memref<40x64xf32, #tpu.memory_space<vmem>>) target(%dma_start3A_60 : memref<40x64xf32, #tpu.memory_space<vmem_shared>>) target_semaphore(%arg26 : memref<!tpu.dma_semaphore, #tpu.memory_space<semaphore_mem>>)
    %dma_wait3A_61 = arith.constant 0 : i32
    %dma_wait3A_62 = tpu.memref_slice %arg15[%add3A_56, %dma_wait3A_61] : memref<10000x64xf32, #tpu.memory_space<vmem_shared>> -> memref<40x64xf32, #tpu.memory_space<vmem_shared>>
    %dma_wait3A_63 = arith.constant 0 : i32
    %dma_wait3A_64 = tpu.memref_slice %arg15[%add3A_56, %dma_wait3A_63] : memref<10000x64xf32, #tpu.memory_space<vmem_shared>> -> memref<40x64xf32, #tpu.memory_space<vmem_shared>>
    tpu.wait_dma2 semaphore(%arg26 : memref<!tpu.dma_semaphore, #tpu.memory_space<semaphore_mem>>) src(%arg14 : memref<40x64xf32, #tpu.memory_space<vmem>>) dst(%dma_wait3A_64 : memref<40x64xf32, #tpu.memory_space<vmem_shared>>)
    %add3A_65 = arith.constant 240 : i32
    %add3A_66 = arith.addi %mul3A_7, %add3A_65 : i32
    %dma_start3A_67 = arith.constant 0 : i32
    %dma_start3A_68 = tpu.memref_slice %arg15[%add3A_66, %dma_start3A_67] : memref<10000x64xf32, #tpu.memory_space<vmem_shared>> -> memref<40x64xf32, #tpu.memory_space<vmem_shared>>
    %dma_start3A_69 = arith.constant 0 : i32
    %dma_start3A_70 = tpu.memref_slice %arg15[%add3A_66, %dma_start3A_69] : memref<10000x64xf32, #tpu.memory_space<vmem_shared>> -> memref<40x64xf32, #tpu.memory_space<vmem_shared>>
    tpu.enqueue_dma source(%arg14 : memref<40x64xf32, #tpu.memory_space<vmem>>) target(%dma_start3A_70 : memref<40x64xf32, #tpu.memory_space<vmem_shared>>) target_semaphore(%arg26 : memref<!tpu.dma_semaphore, #tpu.memory_space<semaphore_mem>>)
    %dma_wait3A_71 = arith.constant 0 : i32
    %dma_wait3A_72 = tpu.memref_slice %arg15[%add3A_66, %dma_wait3A_71] : memref<10000x64xf32, #tpu.memory_space<vmem_shared>> -> memref<40x64xf32, #tpu.memory_space<vmem_shared>>
    %dma_wait3A_73 = arith.constant 0 : i32
    %dma_wait3A_74 = tpu.memref_slice %arg15[%add3A_66, %dma_wait3A_73] : memref<10000x64xf32, #tpu.memory_space<vmem_shared>> -> memref<40x64xf32, #tpu.memory_space<vmem_shared>>
    tpu.wait_dma2 semaphore(%arg26 : memref<!tpu.dma_semaphore, #tpu.memory_space<semaphore_mem>>) src(%arg14 : memref<40x64xf32, #tpu.memory_space<vmem>>) dst(%dma_wait3A_74 : memref<40x64xf32, #tpu.memory_space<vmem_shared>>)
    %add3A_75 = arith.constant 280 : i32
    %add3A_76 = arith.addi %mul3A_7, %add3A_75 : i32
    %dma_start3A_77 = arith.constant 0 : i32
    %dma_start3A_78 = tpu.memref_slice %arg15[%add3A_76, %dma_start3A_77] : memref<10000x64xf32, #tpu.memory_space<vmem_shared>> -> memref<40x64xf32, #tpu.memory_space<vmem_shared>>
    %dma_start3A_79 = arith.constant 0 : i32
    %dma_start3A_80 = tpu.memref_slice %arg15[%add3A_76, %dma_start3A_79] : memref<10000x64xf32, #tpu.memory_space<vmem_shared>> -> memref<40x64xf32, #tpu.memory_space<vmem_shared>>
    tpu.enqueue_dma source(%arg14 : memref<40x64xf32, #tpu.memory_space<vmem>>) target(%dma_start3A_80 : memref<40x64xf32, #tpu.memory_space<vmem_shared>>) target_semaphore(%arg26 : memref<!tpu.dma_semaphore, #tpu.memory_space<semaphore_mem>>)
    %dma_wait3A_81 = arith.constant 0 : i32
    %dma_wait3A_82 = tpu.memref_slice %arg15[%add3A_76, %dma_wait3A_81] : memref<10000x64xf32, #tpu.memory_space<vmem_shared>> -> memref<40x64xf32, #tpu.memory_space<vmem_shared>>
    %dma_wait3A_83 = arith.constant 0 : i32
    %dma_wait3A_84 = tpu.memref_slice %arg15[%add3A_76, %dma_wait3A_83] : memref<10000x64xf32, #tpu.memory_space<vmem_shared>> -> memref<40x64xf32, #tpu.memory_space<vmem_shared>>
    tpu.wait_dma2 semaphore(%arg26 : memref<!tpu.dma_semaphore, #tpu.memory_space<semaphore_mem>>) src(%arg14 : memref<40x64xf32, #tpu.memory_space<vmem>>) dst(%dma_wait3A_84 : memref<40x64xf32, #tpu.memory_space<vmem_shared>>)
    %add3A_85 = arith.constant 320 : i32
    %add3A_86 = arith.addi %mul3A_7, %add3A_85 : i32
    %dma_start3A_87 = arith.constant 0 : i32
    %dma_start3A_88 = tpu.memref_slice %arg15[%add3A_86, %dma_start3A_87] : memref<10000x64xf32, #tpu.memory_space<vmem_shared>> -> memref<40x64xf32, #tpu.memory_space<vmem_shared>>
    %dma_start3A_89 = arith.constant 0 : i32
    %dma_start3A_90 = tpu.memref_slice %arg15[%add3A_86, %dma_start3A_89] : memref<10000x64xf32, #tpu.memory_space<vmem_shared>> -> memref<40x64xf32, #tpu.memory_space<vmem_shared>>
    tpu.enqueue_dma source(%arg14 : memref<40x64xf32, #tpu.memory_space<vmem>>) target(%dma_start3A_90 : memref<40x64xf32, #tpu.memory_space<vmem_shared>>) target_semaphore(%arg26 : memref<!tpu.dma_semaphore, #tpu.memory_space<semaphore_mem>>)
    %dma_wait3A_91 = arith.constant 0 : i32
    %dma_wait3A_92 = tpu.memref_slice %arg15[%add3A_86, %dma_wait3A_91] : memref<10000x64xf32, #tpu.memory_space<vmem_shared>> -> memref<40x64xf32, #tpu.memory_space<vmem_shared>>
    %dma_wait3A_93 = arith.constant 0 : i32
    %dma_wait3A_94 = tpu.memref_slice %arg15[%add3A_86, %dma_wait3A_93] : memref<10000x64xf32, #tpu.memory_space<vmem_shared>> -> memref<40x64xf32, #tpu.memory_space<vmem_shared>>
    tpu.wait_dma2 semaphore(%arg26 : memref<!tpu.dma_semaphore, #tpu.memory_space<semaphore_mem>>) src(%arg14 : memref<40x64xf32, #tpu.memory_space<vmem>>) dst(%dma_wait3A_94 : memref<40x64xf32, #tpu.memory_space<vmem_shared>>)
    %add3A_95 = arith.constant 360 : i32
    %add3A_96 = arith.addi %mul3A_7, %add3A_95 : i32
    %dma_start3A_97 = arith.constant 0 : i32
    %dma_start3A_98 = tpu.memref_slice %arg15[%add3A_96, %dma_start3A_97] : memref<10000x64xf32, #tpu.memory_space<vmem_shared>> -> memref<40x64xf32, #tpu.memory_space<vmem_shared>>
    %dma_start3A_99 = arith.constant 0 : i32
    %dma_start3A_100 = tpu.memref_slice %arg15[%add3A_96, %dma_start3A_99] : memref<10000x64xf32, #tpu.memory_space<vmem_shared>> -> memref<40x64xf32, #tpu.memory_space<vmem_shared>>
    tpu.enqueue_dma source(%arg14 : memref<40x64xf32, #tpu.memory_space<vmem>>) target(%dma_start3A_100 : memref<40x64xf32, #tpu.memory_space<vmem_shared>>) target_semaphore(%arg26 : memref<!tpu.dma_semaphore, #tpu.memory_space<semaphore_mem>>)
    %dma_wait3A_101 = arith.constant 0 : i32
    %dma_wait3A_102 = tpu.memref_slice %arg15[%add3A_96, %dma_wait3A_101] : memref<10000x64xf32, #tpu.memory_space<vmem_shared>> -> memref<40x64xf32, #tpu.memory_space<vmem_shared>>
    %dma_wait3A_103 = arith.constant 0 : i32
    %dma_wait3A_104 = tpu.memref_slice %arg15[%add3A_96, %dma_wait3A_103] : memref<10000x64xf32, #tpu.memory_space<vmem_shared>> -> memref<40x64xf32, #tpu.memory_space<vmem_shared>>
    tpu.wait_dma2 semaphore(%arg26 : memref<!tpu.dma_semaphore, #tpu.memory_space<semaphore_mem>>) src(%arg14 : memref<40x64xf32, #tpu.memory_space<vmem>>) dst(%dma_wait3A_104 : memref<40x64xf32, #tpu.memory_space<vmem_shared>>)
    %add3A_105 = arith.constant 400 : i32
    %add3A_106 = arith.addi %mul3A_7, %add3A_105 : i32
    %dma_start3A_107 = arith.constant 0 : i32
    %dma_start3A_108 = tpu.memref_slice %arg15[%add3A_106, %dma_start3A_107] : memref<10000x64xf32, #tpu.memory_space<vmem_shared>> -> memref<40x64xf32, #tpu.memory_space<vmem_shared>>
    %dma_start3A_109 = arith.constant 0 : i32
    %dma_start3A_110 = tpu.memref_slice %arg15[%add3A_106, %dma_start3A_109] : memref<10000x64xf32, #tpu.memory_space<vmem_shared>> -> memref<40x64xf32, #tpu.memory_space<vmem_shared>>
    tpu.enqueue_dma source(%arg14 : memref<40x64xf32, #tpu.memory_space<vmem>>) target(%dma_start3A_110 : memref<40x64xf32, #tpu.memory_space<vmem_shared>>) target_semaphore(%arg26 : memref<!tpu.dma_semaphore, #tpu.memory_space<semaphore_mem>>)
    %dma_wait3A_111 = arith.constant 0 : i32
    %dma_wait3A_112 = tpu.memref_slice %arg15[%add3A_106, %dma_wait3A_111] : memref<10000x64xf32, #tpu.memory_space<vmem_shared>> -> memref<40x64xf32, #tpu.memory_space<vmem_shared>>
    %dma_wait3A_113 = arith.constant 0 : i32
    %dma_wait3A_114 = tpu.memref_slice %arg15[%add3A_106, %dma_wait3A_113] : memref<10000x64xf32, #tpu.memory_space<vmem_shared>> -> memref<40x64xf32, #tpu.memory_space<vmem_shared>>
    tpu.wait_dma2 semaphore(%arg26 : memref<!tpu.dma_semaphore, #tpu.memory_space<semaphore_mem>>) src(%arg14 : memref<40x64xf32, #tpu.memory_space<vmem>>) dst(%dma_wait3A_114 : memref<40x64xf32, #tpu.memory_space<vmem_shared>>)
    %add3A_115 = arith.constant 440 : i32
    %add3A_116 = arith.addi %mul3A_7, %add3A_115 : i32
    %dma_start3A_117 = arith.constant 0 : i32
    %dma_start3A_118 = tpu.memref_slice %arg15[%add3A_116, %dma_start3A_117] : memref<10000x64xf32, #tpu.memory_space<vmem_shared>> -> memref<40x64xf32, #tpu.memory_space<vmem_shared>>
    %dma_start3A_119 = arith.constant 0 : i32
    %dma_start3A_120 = tpu.memref_slice %arg15[%add3A_116, %dma_start3A_119] : memref<10000x64xf32, #tpu.memory_space<vmem_shared>> -> memref<40x64xf32, #tpu.memory_space<vmem_shared>>
    tpu.enqueue_dma source(%arg14 : memref<40x64xf32, #tpu.memory_space<vmem>>) target(%dma_start3A_120 : memref<40x64xf32, #tpu.memory_space<vmem_shared>>) target_semaphore(%arg26 : memref<!tpu.dma_semaphore, #tpu.memory_space<semaphore_mem>>)
    %dma_wait3A_121 = arith.constant 0 : i32
    %dma_wait3A_122 = tpu.memref_slice %arg15[%add3A_116, %dma_wait3A_121] : memref<10000x64xf32, #tpu.memory_space<vmem_shared>> -> memref<40x64xf32, #tpu.memory_space<vmem_shared>>
    %dma_wait3A_123 = arith.constant 0 : i32
    %dma_wait3A_124 = tpu.memref_slice %arg15[%add3A_116, %dma_wait3A_123] : memref<10000x64xf32, #tpu.memory_space<vmem_shared>> -> memref<40x64xf32, #tpu.memory_space<vmem_shared>>
    tpu.wait_dma2 semaphore(%arg26 : memref<!tpu.dma_semaphore, #tpu.memory_space<semaphore_mem>>) src(%arg14 : memref<40x64xf32, #tpu.memory_space<vmem>>) dst(%dma_wait3A_124 : memref<40x64xf32, #tpu.memory_space<vmem_shared>>)
    %add3A_125 = arith.constant 480 : i32
    %add3A_126 = arith.addi %mul3A_7, %add3A_125 : i32
    %dma_start3A_127 = arith.constant 0 : i32
    %dma_start3A_128 = tpu.memref_slice %arg15[%add3A_126, %dma_start3A_127] : memref<10000x64xf32, #tpu.memory_space<vmem_shared>> -> memref<40x64xf32, #tpu.memory_space<vmem_shared>>
    %dma_start3A_129 = arith.constant 0 : i32
    %dma_start3A_130 = tpu.memref_slice %arg15[%add3A_126, %dma_start3A_129] : memref<10000x64xf32, #tpu.memory_space<vmem_shared>> -> memref<40x64xf32, #tpu.memory_space<vmem_shared>>
    tpu.enqueue_dma source(%arg14 : memref<40x64xf32, #tpu.memory_space<vmem>>) target(%dma_start3A_130 : memref<40x64xf32, #tpu.memory_space<vmem_shared>>) target_semaphore(%arg26 : memref<!tpu.dma_semaphore, #tpu.memory_space<semaphore_mem>>)
    %dma_wait3A_131 = arith.constant 0 : i32
    %dma_wait3A_132 = tpu.memref_slice %arg15[%add3A_126, %dma_wait3A_131] : memref<10000x64xf32, #tpu.memory_space<vmem_shared>> -> memref<40x64xf32, #tpu.memory_space<vmem_shared>>
    %dma_wait3A_133 = arith.constant 0 : i32
    %dma_wait3A_134 = tpu.memref_slice %arg15[%add3A_126, %dma_wait3A_133] : memref<10000x64xf32, #tpu.memory_space<vmem_shared>> -> memref<40x64xf32, #tpu.memory_space<vmem_shared>>
    tpu.wait_dma2 semaphore(%arg26 : memref<!tpu.dma_semaphore, #tpu.memory_space<semaphore_mem>>) src(%arg14 : memref<40x64xf32, #tpu.memory_space<vmem>>) dst(%dma_wait3A_134 : memref<40x64xf32, #tpu.memory_space<vmem_shared>>)
    %add3A_135 = arith.constant 520 : i32
    %add3A_136 = arith.addi %mul3A_7, %add3A_135 : i32
    %dma_start3A_137 = arith.constant 0 : i32
    %dma_start3A_138 = tpu.memref_slice %arg15[%add3A_136, %dma_start3A_137] : memref<10000x64xf32, #tpu.memory_space<vmem_shared>> -> memref<40x64xf32, #tpu.memory_space<vmem_shared>>
    %dma_start3A_139 = arith.constant 0 : i32
    %dma_start3A_140 = tpu.memref_slice %arg15[%add3A_136, %dma_start3A_139] : memref<10000x64xf32, #tpu.memory_space<vmem_shared>> -> memref<40x64xf32, #tpu.memory_space<vmem_shared>>
    tpu.enqueue_dma source(%arg14 : memref<40x64xf32, #tpu.memory_space<vmem>>) target(%dma_start3A_140 : memref<40x64xf32, #tpu.memory_space<vmem_shared>>) target_semaphore(%arg26 : memref<!tpu.dma_semaphore, #tpu.memory_space<semaphore_mem>>)
    %dma_wait3A_141 = arith.constant 0 : i32
    %dma_wait3A_142 = tpu.memref_slice %arg15[%add3A_136, %dma_wait3A_141] : memref<10000x64xf32, #tpu.memory_space<vmem_shared>> -> memref<40x64xf32, #tpu.memory_space<vmem_shared>>
    %dma_wait3A_143 = arith.constant 0 : i32
    %dma_wait3A_144 = tpu.memref_slice %arg15[%add3A_136, %dma_wait3A_143] : memref<10000x64xf32, #tpu.memory_space<vmem_shared>> -> memref<40x64xf32, #tpu.memory_space<vmem_shared>>
    tpu.wait_dma2 semaphore(%arg26 : memref<!tpu.dma_semaphore, #tpu.memory_space<semaphore_mem>>) src(%arg14 : memref<40x64xf32, #tpu.memory_space<vmem>>) dst(%dma_wait3A_144 : memref<40x64xf32, #tpu.memory_space<vmem_shared>>)
    %add3A_145 = arith.constant 560 : i32
    %add3A_146 = arith.addi %mul3A_7, %add3A_145 : i32
    %dma_start3A_147 = arith.constant 0 : i32
    %dma_start3A_148 = tpu.memref_slice %arg15[%add3A_146, %dma_start3A_147] : memref<10000x64xf32, #tpu.memory_space<vmem_shared>> -> memref<40x64xf32, #tpu.memory_space<vmem_shared>>
    %dma_start3A_149 = arith.constant 0 : i32
    %dma_start3A_150 = tpu.memref_slice %arg15[%add3A_146, %dma_start3A_149] : memref<10000x64xf32, #tpu.memory_space<vmem_shared>> -> memref<40x64xf32, #tpu.memory_space<vmem_shared>>
    tpu.enqueue_dma source(%arg14 : memref<40x64xf32, #tpu.memory_space<vmem>>) target(%dma_start3A_150 : memref<40x64xf32, #tpu.memory_space<vmem_shared>>) target_semaphore(%arg26 : memref<!tpu.dma_semaphore, #tpu.memory_space<semaphore_mem>>)
    %dma_wait3A_151 = arith.constant 0 : i32
    %dma_wait3A_152 = tpu.memref_slice %arg15[%add3A_146, %dma_wait3A_151] : memref<10000x64xf32, #tpu.memory_space<vmem_shared>> -> memref<40x64xf32, #tpu.memory_space<vmem_shared>>
    %dma_wait3A_153 = arith.constant 0 : i32
    %dma_wait3A_154 = tpu.memref_slice %arg15[%add3A_146, %dma_wait3A_153] : memref<10000x64xf32, #tpu.memory_space<vmem_shared>> -> memref<40x64xf32, #tpu.memory_space<vmem_shared>>
    tpu.wait_dma2 semaphore(%arg26 : memref<!tpu.dma_semaphore, #tpu.memory_space<semaphore_mem>>) src(%arg14 : memref<40x64xf32, #tpu.memory_space<vmem>>) dst(%dma_wait3A_154 : memref<40x64xf32, #tpu.memory_space<vmem_shared>>)
    %add3A_155 = arith.constant 600 : i32
    %add3A_156 = arith.addi %mul3A_7, %add3A_155 : i32
    %dma_start3A_157 = arith.constant 0 : i32
    %dma_start3A_158 = tpu.memref_slice %arg15[%add3A_156, %dma_start3A_157] : memref<10000x64xf32, #tpu.memory_space<vmem_shared>> -> memref<40x64xf32, #tpu.memory_space<vmem_shared>>
    %dma_start3A_159 = arith.constant 0 : i32
    %dma_start3A_160 = tpu.memref_slice %arg15[%add3A_156, %dma_start3A_159] : memref<10000x64xf32, #tpu.memory_space<vmem_shared>> -> memref<40x64xf32, #tpu.memory_space<vmem_shared>>
    tpu.enqueue_dma source(%arg14 : memref<40x64xf32, #tpu.memory_space<vmem>>) target(%dma_start3A_160 : memref<40x64xf32, #tpu.memory_space<vmem_shared>>) target_semaphore(%arg26 : memref<!tpu.dma_semaphore, #tpu.memory_space<semaphore_mem>>)
    %dma_wait3A_161 = arith.constant 0 : i32
    %dma_wait3A_162 = tpu.memref_slice %arg15[%add3A_156, %dma_wait3A_161] : memref<10000x64xf32, #tpu.memory_space<vmem_shared>> -> memref<40x64xf32, #tpu.memory_space<vmem_shared>>
    %dma_wait3A_163 = arith.constant 0 : i32
    %dma_wait3A_164 = tpu.memref_slice %arg15[%add3A_156, %dma_wait3A_163] : memref<10000x64xf32, #tpu.memory_space<vmem_shared>> -> memref<40x64xf32, #tpu.memory_space<vmem_shared>>
    tpu.wait_dma2 semaphore(%arg26 : memref<!tpu.dma_semaphore, #tpu.memory_space<semaphore_mem>>) src(%arg14 : memref<40x64xf32, #tpu.memory_space<vmem>>) dst(%dma_wait3A_164 : memref<40x64xf32, #tpu.memory_space<vmem_shared>>)
    %barrier3A = arith.constant 0 : index
    tpu.barrier barrier_id(%barrier3A)
    %eq3A = arith.constant 0 : i32
    %eq3A_165 = arith.cmpi eq, %arg0, %eq3A : i32
    %convert_element_type3A = arith.extui %eq3A_165 : i1 to i32
    %cond3A = arith.constant 0 : i32
    %cond3A_166 = arith.cmpi ne, %convert_element_type3A, %cond3A : i32
    scf.if %cond3A_166 {
      %dma_start3A_189 = arith.constant 0 : i32
      %dma_start3A_190 = tpu.memref_slice %arg7[%dma_start3A_189] : memref<20000xi32, #tpu.memory_space<vmem>> -> memref<80xi32, #tpu.memory_space<vmem>>
      %dma_start3A_191 = arith.constant 0 : i32
      %dma_start3A_192 = arith.constant 0 : i32
      %dma_start3A_193 = tpu.memref_slice %arg2[%dma_start3A_191, %dma_start3A_192] : memref<10000x64xf32, #tpu.memory_space<hbm>> -> memref<10000x64xf32, #tpu.memory_space<hbm>>
      tpu.enqueue_indirect_dma source(%dma_start3A_193 : memref<10000x64xf32, #tpu.memory_space<hbm>>) target(%arg9 : memref<80x64xf32, #tpu.memory_space<vmem>>) offsets(%dma_start3A_190 : memref<80xi32, #tpu.memory_space<vmem>>) semaphore(%arg16 : memref<!tpu.dma_semaphore, #tpu.memory_space<semaphore_mem>>)
      %dma_start3A_194 = arith.constant 80 : i32
      %dma_start3A_195 = tpu.memref_slice %arg7[%dma_start3A_194] : memref<20000xi32, #tpu.memory_space<vmem>> -> memref<80xi32, #tpu.memory_space<vmem>>
      %dma_start3A_196 = arith.constant 0 : i32
      %dma_start3A_197 = arith.constant 0 : i32
      %dma_start3A_198 = tpu.memref_slice %arg2[%dma_start3A_196, %dma_start3A_197] : memref<10000x64xf32, #tpu.memory_space<hbm>> -> memref<10000x64xf32, #tpu.memory_space<hbm>>
      tpu.enqueue_indirect_dma source(%dma_start3A_198 : memref<10000x64xf32, #tpu.memory_space<hbm>>) target(%arg10 : memref<80x64xf32, #tpu.memory_space<vmem>>) offsets(%dma_start3A_195 : memref<80xi32, #tpu.memory_space<vmem>>) semaphore(%arg17 : memref<!tpu.dma_semaphore, #tpu.memory_space<semaphore_mem>>)
      %dma_start3A_199 = arith.constant 160 : i32
      %dma_start3A_200 = tpu.memref_slice %arg7[%dma_start3A_199] : memref<20000xi32, #tpu.memory_space<vmem>> -> memref<80xi32, #tpu.memory_space<vmem>>
      %dma_start3A_201 = arith.constant 0 : i32
      %dma_start3A_202 = arith.constant 0 : i32
      %dma_start3A_203 = tpu.memref_slice %arg2[%dma_start3A_201, %dma_start3A_202] : memref<10000x64xf32, #tpu.memory_space<hbm>> -> memref<10000x64xf32, #tpu.memory_space<hbm>>
      tpu.enqueue_indirect_dma source(%dma_start3A_203 : memref<10000x64xf32, #tpu.memory_space<hbm>>) target(%arg11 : memref<80x64xf32, #tpu.memory_space<vmem>>) offsets(%dma_start3A_200 : memref<80xi32, #tpu.memory_space<vmem>>) semaphore(%arg18 : memref<!tpu.dma_semaphore, #tpu.memory_space<semaphore_mem>>)
      %dma_start3A_204 = arith.constant 240 : i32
      %dma_start3A_205 = tpu.memref_slice %arg7[%dma_start3A_204] : memref<20000xi32, #tpu.memory_space<vmem>> -> memref<80xi32, #tpu.memory_space<vmem>>
      %dma_start3A_206 = arith.constant 0 : i32
      %dma_start3A_207 = arith.constant 0 : i32
      %dma_start3A_208 = tpu.memref_slice %arg2[%dma_start3A_206, %dma_start3A_207] : memref<10000x64xf32, #tpu.memory_space<hbm>> -> memref<10000x64xf32, #tpu.memory_space<hbm>>
      tpu.enqueue_indirect_dma source(%dma_start3A_208 : memref<10000x64xf32, #tpu.memory_space<hbm>>) target(%arg12 : memref<80x64xf32, #tpu.memory_space<vmem>>) offsets(%dma_start3A_205 : memref<80xi32, #tpu.memory_space<vmem>>) semaphore(%arg19 : memref<!tpu.dma_semaphore, #tpu.memory_space<semaphore_mem>>)
      %dma_start3A_209 = arith.constant 320 : i32
      %dma_start3A_210 = tpu.memref_slice %arg7[%dma_start3A_209] : memref<20000xi32, #tpu.memory_space<vmem>> -> memref<80xi32, #tpu.memory_space<vmem>>
      %dma_start3A_211 = arith.constant 0 : i32
      %dma_start3A_212 = arith.constant 0 : i32
      %dma_start3A_213 = tpu.memref_slice %arg2[%dma_start3A_211, %dma_start3A_212] : memref<10000x64xf32, #tpu.memory_space<hbm>> -> memref<10000x64xf32, #tpu.memory_space<hbm>>
      tpu.enqueue_indirect_dma source(%dma_start3A_213 : memref<10000x64xf32, #tpu.memory_space<hbm>>) target(%arg13 : memref<80x64xf32, #tpu.memory_space<vmem>>) offsets(%dma_start3A_210 : memref<80xi32, #tpu.memory_space<vmem>>) semaphore(%arg20 : memref<!tpu.dma_semaphore, #tpu.memory_space<semaphore_mem>>)
      %scan3A_214 = arith.constant 0 : i32
      %scan3A_215 = arith.constant 49 : i32
      %scan3A_216 = arith.addi %scan3A_214, %scan3A_215 : i32
      %scan3A_217 = arith.constant 1 : i32
      scf.for %scan3A_294 = %scan3A_214 to %scan3A_216 step %scan3A_217  : i32 {
        %mul3A_295 = arith.constant 1 : i32
        %mul3A_296 = arith.muli %scan3A_294, %mul3A_295 : i32
        %add3A_297 = arith.constant 0 : i32
        %add3A_298 = arith.addi %add3A_297, %mul3A_296 : i32
        %mul3A_299 = arith.constant 5 : i32
        %mul3A_300 = arith.muli %add3A_298, %mul3A_299 : i32
        %add3A_301 = arith.constant 0 : i32
        %add3A_302 = arith.addi %mul3A_300, %add3A_301 : i32
        %mul3A_303 = arith.constant 80 : i32
        %mul3A_304 = arith.muli %add3A_302, %mul3A_303 : i32
        %dma_wait3A_305 = tpu.memref_slice %arg7[%mul3A_304] : memref<20000xi32, #tpu.memory_space<vmem>> -> memref<80xi32, #tpu.memory_space<vmem>>
        %dma_wait3A_306 = arith.constant 0 : i32
        %dma_wait3A_307 = arith.constant 0 : i32
        %dma_wait3A_308 = tpu.memref_slice %arg2[%dma_wait3A_306, %dma_wait3A_307] : memref<10000x64xf32, #tpu.memory_space<hbm>> -> memref<10000x64xf32, #tpu.memory_space<hbm>>
        tpu.wait_indirect_dma semaphore(%arg16 : memref<!tpu.dma_semaphore, #tpu.memory_space<semaphore_mem>>) src(%dma_wait3A_308 : memref<10000x64xf32, #tpu.memory_space<hbm>>) dst(%arg9 : memref<80x64xf32, #tpu.memory_space<vmem>>)
        %add3A_309 = arith.constant 0 : i32
        %add3A_310 = arith.addi %mul3A_300, %add3A_309 : i32
        %mul3A_311 = arith.constant 80 : i32
        %mul3A_312 = arith.muli %add3A_310, %mul3A_311 : i32
        %dma_start3A_313 = tpu.memref_slice %arg8[%mul3A_312] : memref<20000xi32, #tpu.memory_space<vmem>> -> memref<80xi32, #tpu.memory_space<vmem>>
        %dma_start3A_314 = arith.constant 0 : i32
        %dma_start3A_315 = arith.constant 0 : i32
        %dma_start3A_316 = tpu.memref_slice %arg15[%dma_start3A_314, %dma_start3A_315] : memref<10000x64xf32, #tpu.memory_space<vmem_shared>> -> memref<10000x64xf32, #tpu.memory_space<vmem_shared>>
        tpu.enqueue_indirect_dma source(%arg9 : memref<80x64xf32, #tpu.memory_space<vmem>>) target(%dma_start3A_316 : memref<10000x64xf32, #tpu.memory_space<vmem_shared>>) offsets(%dma_start3A_313 : memref<80xi32, #tpu.memory_space<vmem>>) semaphore(%arg21 : memref<!tpu.dma_semaphore, #tpu.memory_space<semaphore_mem>>) {add = true}
        %add3A_317 = arith.constant 1 : i32
        %add3A_318 = arith.addi %mul3A_300, %add3A_317 : i32
        %mul3A_319 = arith.constant 80 : i32
        %mul3A_320 = arith.muli %add3A_318, %mul3A_319 : i32
        %dma_wait3A_321 = tpu.memref_slice %arg7[%mul3A_320] : memref<20000xi32, #tpu.memory_space<vmem>> -> memref<80xi32, #tpu.memory_space<vmem>>
        %dma_wait3A_322 = arith.constant 0 : i32
        %dma_wait3A_323 = arith.constant 0 : i32
        %dma_wait3A_324 = tpu.memref_slice %arg2[%dma_wait3A_322, %dma_wait3A_323] : memref<10000x64xf32, #tpu.memory_space<hbm>> -> memref<10000x64xf32, #tpu.memory_space<hbm>>
        tpu.wait_indirect_dma semaphore(%arg17 : memref<!tpu.dma_semaphore, #tpu.memory_space<semaphore_mem>>) src(%dma_wait3A_324 : memref<10000x64xf32, #tpu.memory_space<hbm>>) dst(%arg10 : memref<80x64xf32, #tpu.memory_space<vmem>>)
        %add3A_325 = arith.constant 1 : i32
        %add3A_326 = arith.addi %mul3A_300, %add3A_325 : i32
        %mul3A_327 = arith.constant 80 : i32
        %mul3A_328 = arith.muli %add3A_326, %mul3A_327 : i32
        %dma_start3A_329 = tpu.memref_slice %arg8[%mul3A_328] : memref<20000xi32, #tpu.memory_space<vmem>> -> memref<80xi32, #tpu.memory_space<vmem>>
        %dma_start3A_330 = arith.constant 0 : i32
        %dma_start3A_331 = arith.constant 0 : i32
        %dma_start3A_332 = tpu.memref_slice %arg15[%dma_start3A_330, %dma_start3A_331] : memref<10000x64xf32, #tpu.memory_space<vmem_shared>> -> memref<10000x64xf32, #tpu.memory_space<vmem_shared>>
        tpu.enqueue_indirect_dma source(%arg10 : memref<80x64xf32, #tpu.memory_space<vmem>>) target(%dma_start3A_332 : memref<10000x64xf32, #tpu.memory_space<vmem_shared>>) offsets(%dma_start3A_329 : memref<80xi32, #tpu.memory_space<vmem>>) semaphore(%arg22 : memref<!tpu.dma_semaphore, #tpu.memory_space<semaphore_mem>>) {add = true}
        %add3A_333 = arith.constant 2 : i32
        %add3A_334 = arith.addi %mul3A_300, %add3A_333 : i32
        %mul3A_335 = arith.constant 80 : i32
        %mul3A_336 = arith.muli %add3A_334, %mul3A_335 : i32
        %dma_wait3A_337 = tpu.memref_slice %arg7[%mul3A_336] : memref<20000xi32, #tpu.memory_space<vmem>> -> memref<80xi32, #tpu.memory_space<vmem>>
        %dma_wait3A_338 = arith.constant 0 : i32
        %dma_wait3A_339 = arith.constant 0 : i32
        %dma_wait3A_340 = tpu.memref_slice %arg2[%dma_wait3A_338, %dma_wait3A_339] : memref<10000x64xf32, #tpu.memory_space<hbm>> -> memref<10000x64xf32, #tpu.memory_space<hbm>>
        tpu.wait_indirect_dma semaphore(%arg18 : memref<!tpu.dma_semaphore, #tpu.memory_space<semaphore_mem>>) src(%dma_wait3A_340 : memref<10000x64xf32, #tpu.memory_space<hbm>>) dst(%arg11 : memref<80x64xf32, #tpu.memory_space<vmem>>)
        %add3A_341 = arith.constant 2 : i32
        %add3A_342 = arith.addi %mul3A_300, %add3A_341 : i32
        %mul3A_343 = arith.constant 80 : i32
        %mul3A_344 = arith.muli %add3A_342, %mul3A_343 : i32
        %dma_start3A_345 = tpu.memref_slice %arg8[%mul3A_344] : memref<20000xi32, #tpu.memory_space<vmem>> -> memref<80xi32, #tpu.memory_space<vmem>>
        %dma_start3A_346 = arith.constant 0 : i32
        %dma_start3A_347 = arith.constant 0 : i32
        %dma_start3A_348 = tpu.memref_slice %arg15[%dma_start3A_346, %dma_start3A_347] : memref<10000x64xf32, #tpu.memory_space<vmem_shared>> -> memref<10000x64xf32, #tpu.memory_space<vmem_shared>>
        tpu.enqueue_indirect_dma source(%arg11 : memref<80x64xf32, #tpu.memory_space<vmem>>) target(%dma_start3A_348 : memref<10000x64xf32, #tpu.memory_space<vmem_shared>>) offsets(%dma_start3A_345 : memref<80xi32, #tpu.memory_space<vmem>>) semaphore(%arg23 : memref<!tpu.dma_semaphore, #tpu.memory_space<semaphore_mem>>) {add = true}
        %add3A_349 = arith.constant 3 : i32
        %add3A_350 = arith.addi %mul3A_300, %add3A_349 : i32
        %mul3A_351 = arith.constant 80 : i32
        %mul3A_352 = arith.muli %add3A_350, %mul3A_351 : i32
        %dma_wait3A_353 = tpu.memref_slice %arg7[%mul3A_352] : memref<20000xi32, #tpu.memory_space<vmem>> -> memref<80xi32, #tpu.memory_space<vmem>>
        %dma_wait3A_354 = arith.constant 0 : i32
        %dma_wait3A_355 = arith.constant 0 : i32
        %dma_wait3A_356 = tpu.memref_slice %arg2[%dma_wait3A_354, %dma_wait3A_355] : memref<10000x64xf32, #tpu.memory_space<hbm>> -> memref<10000x64xf32, #tpu.memory_space<hbm>>
        tpu.wait_indirect_dma semaphore(%arg19 : memref<!tpu.dma_semaphore, #tpu.memory_space<semaphore_mem>>) src(%dma_wait3A_356 : memref<10000x64xf32, #tpu.memory_space<hbm>>) dst(%arg12 : memref<80x64xf32, #tpu.memory_space<vmem>>)
        %add3A_357 = arith.constant 3 : i32
        %add3A_358 = arith.addi %mul3A_300, %add3A_357 : i32
        %mul3A_359 = arith.constant 80 : i32
        %mul3A_360 = arith.muli %add3A_358, %mul3A_359 : i32
        %dma_start3A_361 = tpu.memref_slice %arg8[%mul3A_360] : memref<20000xi32, #tpu.memory_space<vmem>> -> memref<80xi32, #tpu.memory_space<vmem>>
        %dma_start3A_362 = arith.constant 0 : i32
        %dma_start3A_363 = arith.constant 0 : i32
        %dma_start3A_364 = tpu.memref_slice %arg15[%dma_start3A_362, %dma_start3A_363] : memref<10000x64xf32, #tpu.memory_space<vmem_shared>> -> memref<10000x64xf32, #tpu.memory_space<vmem_shared>>
        tpu.enqueue_indirect_dma source(%arg12 : memref<80x64xf32, #tpu.memory_space<vmem>>) target(%dma_start3A_364 : memref<10000x64xf32, #tpu.memory_space<vmem_shared>>) offsets(%dma_start3A_361 : memref<80xi32, #tpu.memory_space<vmem>>) semaphore(%arg24 : memref<!tpu.dma_semaphore, #tpu.memory_space<semaphore_mem>>) {add = true}
        %add3A_365 = arith.constant 4 : i32
        %add3A_366 = arith.addi %mul3A_300, %add3A_365 : i32
        %mul3A_367 = arith.constant 80 : i32
        %mul3A_368 = arith.muli %add3A_366, %mul3A_367 : i32
        %dma_wait3A_369 = tpu.memref_slice %arg7[%mul3A_368] : memref<20000xi32, #tpu.memory_space<vmem>> -> memref<80xi32, #tpu.memory_space<vmem>>
        %dma_wait3A_370 = arith.constant 0 : i32
        %dma_wait3A_371 = arith.constant 0 : i32
        %dma_wait3A_372 = tpu.memref_slice %arg2[%dma_wait3A_370, %dma_wait3A_371] : memref<10000x64xf32, #tpu.memory_space<hbm>> -> memref<10000x64xf32, #tpu.memory_space<hbm>>
        tpu.wait_indirect_dma semaphore(%arg20 : memref<!tpu.dma_semaphore, #tpu.memory_space<semaphore_mem>>) src(%dma_wait3A_372 : memref<10000x64xf32, #tpu.memory_space<hbm>>) dst(%arg13 : memref<80x64xf32, #tpu.memory_space<vmem>>)
        %add3A_373 = arith.constant 4 : i32
        %add3A_374 = arith.addi %mul3A_300, %add3A_373 : i32
        %mul3A_375 = arith.constant 80 : i32
        %mul3A_376 = arith.muli %add3A_374, %mul3A_375 : i32
        %dma_start3A_377 = tpu.memref_slice %arg8[%mul3A_376] : memref<20000xi32, #tpu.memory_space<vmem>> -> memref<80xi32, #tpu.memory_space<vmem>>
        %dma_start3A_378 = arith.constant 0 : i32
        %dma_start3A_379 = arith.constant 0 : i32
        %dma_start3A_380 = tpu.memref_slice %arg15[%dma_start3A_378, %dma_start3A_379] : memref<10000x64xf32, #tpu.memory_space<vmem_shared>> -> memref<10000x64xf32, #tpu.memory_space<vmem_shared>>
        tpu.enqueue_indirect_dma source(%arg13 : memref<80x64xf32, #tpu.memory_space<vmem>>) target(%dma_start3A_380 : memref<10000x64xf32, #tpu.memory_space<vmem_shared>>) offsets(%dma_start3A_377 : memref<80xi32, #tpu.memory_space<vmem>>) semaphore(%arg25 : memref<!tpu.dma_semaphore, #tpu.memory_space<semaphore_mem>>) {add = true}
        %add3A_381 = arith.constant 0 : i32
        %add3A_382 = arith.addi %mul3A_300, %add3A_381 : i32
        %mul3A_383 = arith.constant 80 : i32
        %mul3A_384 = arith.muli %add3A_382, %mul3A_383 : i32
        %dma_wait3A_385 = tpu.memref_slice %arg8[%mul3A_384] : memref<20000xi32, #tpu.memory_space<vmem>> -> memref<80xi32, #tpu.memory_space<vmem>>
        %dma_wait3A_386 = arith.constant 0 : i32
        %dma_wait3A_387 = arith.constant 0 : i32
        %dma_wait3A_388 = tpu.memref_slice %arg15[%dma_wait3A_386, %dma_wait3A_387] : memref<10000x64xf32, #tpu.memory_space<vmem_shared>> -> memref<10000x64xf32, #tpu.memory_space<vmem_shared>>
        tpu.wait_indirect_dma semaphore(%arg21 : memref<!tpu.dma_semaphore, #tpu.memory_space<semaphore_mem>>) src(%arg9 : memref<80x64xf32, #tpu.memory_space<vmem>>) dst(%dma_wait3A_388 : memref<10000x64xf32, #tpu.memory_space<vmem_shared>>)
        %add3A_389 = arith.constant 5 : i32
        %add3A_390 = arith.addi %mul3A_300, %add3A_389 : i32
        %add3A_391 = arith.constant 0 : i32
        %add3A_392 = arith.addi %add3A_390, %add3A_391 : i32
        %mul3A_393 = arith.constant 80 : i32
        %mul3A_394 = arith.muli %add3A_392, %mul3A_393 : i32
        %dma_start3A_395 = tpu.memref_slice %arg7[%mul3A_394] : memref<20000xi32, #tpu.memory_space<vmem>> -> memref<80xi32, #tpu.memory_space<vmem>>
        %dma_start3A_396 = arith.constant 0 : i32
        %dma_start3A_397 = arith.constant 0 : i32
        %dma_start3A_398 = tpu.memref_slice %arg2[%dma_start3A_396, %dma_start3A_397] : memref<10000x64xf32, #tpu.memory_space<hbm>> -> memref<10000x64xf32, #tpu.memory_space<hbm>>
        tpu.enqueue_indirect_dma source(%dma_start3A_398 : memref<10000x64xf32, #tpu.memory_space<hbm>>) target(%arg9 : memref<80x64xf32, #tpu.memory_space<vmem>>) offsets(%dma_start3A_395 : memref<80xi32, #tpu.memory_space<vmem>>) semaphore(%arg16 : memref<!tpu.dma_semaphore, #tpu.memory_space<semaphore_mem>>)
        %add3A_399 = arith.constant 1 : i32
        %add3A_400 = arith.addi %mul3A_300, %add3A_399 : i32
        %mul3A_401 = arith.constant 80 : i32
        %mul3A_402 = arith.muli %add3A_400, %mul3A_401 : i32
        %dma_wait3A_403 = tpu.memref_slice %arg8[%mul3A_402] : memref<20000xi32, #tpu.memory_space<vmem>> -> memref<80xi32, #tpu.memory_space<vmem>>
        %dma_wait3A_404 = arith.constant 0 : i32
        %dma_wait3A_405 = arith.constant 0 : i32
        %dma_wait3A_406 = tpu.memref_slice %arg15[%dma_wait3A_404, %dma_wait3A_405] : memref<10000x64xf32, #tpu.memory_space<vmem_shared>> -> memref<10000x64xf32, #tpu.memory_space<vmem_shared>>
        tpu.wait_indirect_dma semaphore(%arg22 : memref<!tpu.dma_semaphore, #tpu.memory_space<semaphore_mem>>) src(%arg10 : memref<80x64xf32, #tpu.memory_space<vmem>>) dst(%dma_wait3A_406 : memref<10000x64xf32, #tpu.memory_space<vmem_shared>>)
        %add3A_407 = arith.constant 5 : i32
        %add3A_408 = arith.addi %mul3A_300, %add3A_407 : i32
        %add3A_409 = arith.constant 1 : i32
        %add3A_410 = arith.addi %add3A_408, %add3A_409 : i32
        %mul3A_411 = arith.constant 80 : i32
        %mul3A_412 = arith.muli %add3A_410, %mul3A_411 : i32
        %dma_start3A_413 = tpu.memref_slice %arg7[%mul3A_412] : memref<20000xi32, #tpu.memory_space<vmem>> -> memref<80xi32, #tpu.memory_space<vmem>>
        %dma_start3A_414 = arith.constant 0 : i32
        %dma_start3A_415 = arith.constant 0 : i32
        %dma_start3A_416 = tpu.memref_slice %arg2[%dma_start3A_414, %dma_start3A_415] : memref<10000x64xf32, #tpu.memory_space<hbm>> -> memref<10000x64xf32, #tpu.memory_space<hbm>>
        tpu.enqueue_indirect_dma source(%dma_start3A_416 : memref<10000x64xf32, #tpu.memory_space<hbm>>) target(%arg10 : memref<80x64xf32, #tpu.memory_space<vmem>>) offsets(%dma_start3A_413 : memref<80xi32, #tpu.memory_space<vmem>>) semaphore(%arg17 : memref<!tpu.dma_semaphore, #tpu.memory_space<semaphore_mem>>)
        %add3A_417 = arith.constant 2 : i32
        %add3A_418 = arith.addi %mul3A_300, %add3A_417 : i32
        %mul3A_419 = arith.constant 80 : i32
        %mul3A_420 = arith.muli %add3A_418, %mul3A_419 : i32
        %dma_wait3A_421 = tpu.memref_slice %arg8[%mul3A_420] : memref<20000xi32, #tpu.memory_space<vmem>> -> memref<80xi32, #tpu.memory_space<vmem>>
        %dma_wait3A_422 = arith.constant 0 : i32
        %dma_wait3A_423 = arith.constant 0 : i32
        %dma_wait3A_424 = tpu.memref_slice %arg15[%dma_wait3A_422, %dma_wait3A_423] : memref<10000x64xf32, #tpu.memory_space<vmem_shared>> -> memref<10000x64xf32, #tpu.memory_space<vmem_shared>>
        tpu.wait_indirect_dma semaphore(%arg23 : memref<!tpu.dma_semaphore, #tpu.memory_space<semaphore_mem>>) src(%arg11 : memref<80x64xf32, #tpu.memory_space<vmem>>) dst(%dma_wait3A_424 : memref<10000x64xf32, #tpu.memory_space<vmem_shared>>)
        %add3A_425 = arith.constant 5 : i32
        %add3A_426 = arith.addi %mul3A_300, %add3A_425 : i32
        %add3A_427 = arith.constant 2 : i32
        %add3A_428 = arith.addi %add3A_426, %add3A_427 : i32
        %mul3A_429 = arith.constant 80 : i32
        %mul3A_430 = arith.muli %add3A_428, %mul3A_429 : i32
        %dma_start3A_431 = tpu.memref_slice %arg7[%mul3A_430] : memref<20000xi32, #tpu.memory_space<vmem>> -> memref<80xi32, #tpu.memory_space<vmem>>
        %dma_start3A_432 = arith.constant 0 : i32
        %dma_start3A_433 = arith.constant 0 : i32
        %dma_start3A_434 = tpu.memref_slice %arg2[%dma_start3A_432, %dma_start3A_433] : memref<10000x64xf32, #tpu.memory_space<hbm>> -> memref<10000x64xf32, #tpu.memory_space<hbm>>
        tpu.enqueue_indirect_dma source(%dma_start3A_434 : memref<10000x64xf32, #tpu.memory_space<hbm>>) target(%arg11 : memref<80x64xf32, #tpu.memory_space<vmem>>) offsets(%dma_start3A_431 : memref<80xi32, #tpu.memory_space<vmem>>) semaphore(%arg18 : memref<!tpu.dma_semaphore, #tpu.memory_space<semaphore_mem>>)
        %add3A_435 = arith.constant 3 : i32
        %add3A_436 = arith.addi %mul3A_300, %add3A_435 : i32
        %mul3A_437 = arith.constant 80 : i32
        %mul3A_438 = arith.muli %add3A_436, %mul3A_437 : i32
        %dma_wait3A_439 = tpu.memref_slice %arg8[%mul3A_438] : memref<20000xi32, #tpu.memory_space<vmem>> -> memref<80xi32, #tpu.memory_space<vmem>>
        %dma_wait3A_440 = arith.constant 0 : i32
        %dma_wait3A_441 = arith.constant 0 : i32
        %dma_wait3A_442 = tpu.memref_slice %arg15[%dma_wait3A_440, %dma_wait3A_441] : memref<10000x64xf32, #tpu.memory_space<vmem_shared>> -> memref<10000x64xf32, #tpu.memory_space<vmem_shared>>
        tpu.wait_indirect_dma semaphore(%arg24 : memref<!tpu.dma_semaphore, #tpu.memory_space<semaphore_mem>>) src(%arg12 : memref<80x64xf32, #tpu.memory_space<vmem>>) dst(%dma_wait3A_442 : memref<10000x64xf32, #tpu.memory_space<vmem_shared>>)
        %add3A_443 = arith.constant 5 : i32
        %add3A_444 = arith.addi %mul3A_300, %add3A_443 : i32
        %add3A_445 = arith.constant 3 : i32
        %add3A_446 = arith.addi %add3A_444, %add3A_445 : i32
        %mul3A_447 = arith.constant 80 : i32
        %mul3A_448 = arith.muli %add3A_446, %mul3A_447 : i32
        %dma_start3A_449 = tpu.memref_slice %arg7[%mul3A_448] : memref<20000xi32, #tpu.memory_space<vmem>> -> memref<80xi32, #tpu.memory_space<vmem>>
        %dma_start3A_450 = arith.constant 0 : i32
        %dma_start3A_451 = arith.constant 0 : i32
        %dma_start3A_452 = tpu.memref_slice %arg2[%dma_start3A_450, %dma_start3A_451] : memref<10000x64xf32, #tpu.memory_space<hbm>> -> memref<10000x64xf32, #tpu.memory_space<hbm>>
        tpu.enqueue_indirect_dma source(%dma_start3A_452 : memref<10000x64xf32, #tpu.memory_space<hbm>>) target(%arg12 : memref<80x64xf32, #tpu.memory_space<vmem>>) offsets(%dma_start3A_449 : memref<80xi32, #tpu.memory_space<vmem>>) semaphore(%arg19 : memref<!tpu.dma_semaphore, #tpu.memory_space<semaphore_mem>>)
        %add3A_453 = arith.constant 4 : i32
        %add3A_454 = arith.addi %mul3A_300, %add3A_453 : i32
        %mul3A_455 = arith.constant 80 : i32
        %mul3A_456 = arith.muli %add3A_454, %mul3A_455 : i32
        %dma_wait3A_457 = tpu.memref_slice %arg8[%mul3A_456] : memref<20000xi32, #tpu.memory_space<vmem>> -> memref<80xi32, #tpu.memory_space<vmem>>
        %dma_wait3A_458 = arith.constant 0 : i32
        %dma_wait3A_459 = arith.constant 0 : i32
        %dma_wait3A_460 = tpu.memref_slice %arg15[%dma_wait3A_458, %dma_wait3A_459] : memref<10000x64xf32, #tpu.memory_space<vmem_shared>> -> memref<10000x64xf32, #tpu.memory_space<vmem_shared>>
        tpu.wait_indirect_dma semaphore(%arg25 : memref<!tpu.dma_semaphore, #tpu.memory_space<semaphore_mem>>) src(%arg13 : memref<80x64xf32, #tpu.memory_space<vmem>>) dst(%dma_wait3A_460 : memref<10000x64xf32, #tpu.memory_space<vmem_shared>>)
        %add3A_461 = arith.constant 5 : i32
        %add3A_462 = arith.addi %mul3A_300, %add3A_461 : i32
        %add3A_463 = arith.constant 4 : i32
        %add3A_464 = arith.addi %add3A_462, %add3A_463 : i32
        %mul3A_465 = arith.constant 80 : i32
        %mul3A_466 = arith.muli %add3A_464, %mul3A_465 : i32
        %dma_start3A_467 = tpu.memref_slice %arg7[%mul3A_466] : memref<20000xi32, #tpu.memory_space<vmem>> -> memref<80xi32, #tpu.memory_space<vmem>>
        %dma_start3A_468 = arith.constant 0 : i32
        %dma_start3A_469 = arith.constant 0 : i32
        %dma_start3A_470 = tpu.memref_slice %arg2[%dma_start3A_468, %dma_start3A_469] : memref<10000x64xf32, #tpu.memory_space<hbm>> -> memref<10000x64xf32, #tpu.memory_space<hbm>>
        tpu.enqueue_indirect_dma source(%dma_start3A_470 : memref<10000x64xf32, #tpu.memory_space<hbm>>) target(%arg13 : memref<80x64xf32, #tpu.memory_space<vmem>>) offsets(%dma_start3A_467 : memref<80xi32, #tpu.memory_space<vmem>>) semaphore(%arg20 : memref<!tpu.dma_semaphore, #tpu.memory_space<semaphore_mem>>)
      }
      %scan3A_218 = arith.constant 49 : i32
      %dma_wait3A_219 = arith.constant 19600 : i32
      %dma_wait3A_220 = tpu.memref_slice %arg7[%dma_wait3A_219] : memref<20000xi32, #tpu.memory_space<vmem>> -> memref<80xi32, #tpu.memory_space<vmem>>
      %dma_wait3A_221 = arith.constant 0 : i32
      %dma_wait3A_222 = arith.constant 0 : i32
      %dma_wait3A_223 = tpu.memref_slice %arg2[%dma_wait3A_221, %dma_wait3A_222] : memref<10000x64xf32, #tpu.memory_space<hbm>> -> memref<10000x64xf32, #tpu.memory_space<hbm>>
      tpu.wait_indirect_dma semaphore(%arg16 : memref<!tpu.dma_semaphore, #tpu.memory_space<semaphore_mem>>) src(%dma_wait3A_223 : memref<10000x64xf32, #tpu.memory_space<hbm>>) dst(%arg9 : memref<80x64xf32, #tpu.memory_space<vmem>>)
      %dma_start3A_224 = arith.constant 19600 : i32
      %dma_start3A_225 = tpu.memref_slice %arg8[%dma_start3A_224] : memref<20000xi32, #tpu.memory_space<vmem>> -> memref<80xi32, #tpu.memory_space<vmem>>
      %dma_start3A_226 = arith.constant 0 : i32
      %dma_start3A_227 = arith.constant 0 : i32
      %dma_start3A_228 = tpu.memref_slice %arg15[%dma_start3A_226, %dma_start3A_227] : memref<10000x64xf32, #tpu.memory_space<vmem_shared>> -> memref<10000x64xf32, #tpu.memory_space<vmem_shared>>
      tpu.enqueue_indirect_dma source(%arg9 : memref<80x64xf32, #tpu.memory_space<vmem>>) target(%dma_start3A_228 : memref<10000x64xf32, #tpu.memory_space<vmem_shared>>) offsets(%dma_start3A_225 : memref<80xi32, #tpu.memory_space<vmem>>) semaphore(%arg21 : memref<!tpu.dma_semaphore, #tpu.memory_space<semaphore_mem>>) {add = true}
      %dma_wait3A_229 = arith.constant 19680 : i32
      %dma_wait3A_230 = tpu.memref_slice %arg7[%dma_wait3A_229] : memref<20000xi32, #tpu.memory_space<vmem>> -> memref<80xi32, #tpu.memory_space<vmem>>
      %dma_wait3A_231 = arith.constant 0 : i32
      %dma_wait3A_232 = arith.constant 0 : i32
      %dma_wait3A_233 = tpu.memref_slice %arg2[%dma_wait3A_231, %dma_wait3A_232] : memref<10000x64xf32, #tpu.memory_space<hbm>> -> memref<10000x64xf32, #tpu.memory_space<hbm>>
      tpu.wait_indirect_dma semaphore(%arg17 : memref<!tpu.dma_semaphore, #tpu.memory_space<semaphore_mem>>) src(%dma_wait3A_233 : memref<10000x64xf32, #tpu.memory_space<hbm>>) dst(%arg10 : memref<80x64xf32, #tpu.memory_space<vmem>>)
      %dma_start3A_234 = arith.constant 19680 : i32
      %dma_start3A_235 = tpu.memref_slice %arg8[%dma_start3A_234] : memref<20000xi32, #tpu.memory_space<vmem>> -> memref<80xi32, #tpu.memory_space<vmem>>
      %dma_start3A_236 = arith.constant 0 : i32
      %dma_start3A_237 = arith.constant 0 : i32
      %dma_start3A_238 = tpu.memref_slice %arg15[%dma_start3A_236, %dma_start3A_237] : memref<10000x64xf32, #tpu.memory_space<vmem_shared>> -> memref<10000x64xf32, #tpu.memory_space<vmem_shared>>
      tpu.enqueue_indirect_dma source(%arg10 : memref<80x64xf32, #tpu.memory_space<vmem>>) target(%dma_start3A_238 : memref<10000x64xf32, #tpu.memory_space<vmem_shared>>) offsets(%dma_start3A_235 : memref<80xi32, #tpu.memory_space<vmem>>) semaphore(%arg22 : memref<!tpu.dma_semaphore, #tpu.memory_space<semaphore_mem>>) {add = true}
      %dma_wait3A_239 = arith.constant 19760 : i32
      %dma_wait3A_240 = tpu.memref_slice %arg7[%dma_wait3A_239] : memref<20000xi32, #tpu.memory_space<vmem>> -> memref<80xi32, #tpu.memory_space<vmem>>
      %dma_wait3A_241 = arith.constant 0 : i32
      %dma_wait3A_242 = arith.constant 0 : i32
      %dma_wait3A_243 = tpu.memref_slice %arg2[%dma_wait3A_241, %dma_wait3A_242] : memref<10000x64xf32, #tpu.memory_space<hbm>> -> memref<10000x64xf32, #tpu.memory_space<hbm>>
      tpu.wait_indirect_dma semaphore(%arg18 : memref<!tpu.dma_semaphore, #tpu.memory_space<semaphore_mem>>) src(%dma_wait3A_243 : memref<10000x64xf32, #tpu.memory_space<hbm>>) dst(%arg11 : memref<80x64xf32, #tpu.memory_space<vmem>>)
      %dma_start3A_244 = arith.constant 19760 : i32
      %dma_start3A_245 = tpu.memref_slice %arg8[%dma_start3A_244] : memref<20000xi32, #tpu.memory_space<vmem>> -> memref<80xi32, #tpu.memory_space<vmem>>
      %dma_start3A_246 = arith.constant 0 : i32
      %dma_start3A_247 = arith.constant 0 : i32
      %dma_start3A_248 = tpu.memref_slice %arg15[%dma_start3A_246, %dma_start3A_247] : memref<10000x64xf32, #tpu.memory_space<vmem_shared>> -> memref<10000x64xf32, #tpu.memory_space<vmem_shared>>
      tpu.enqueue_indirect_dma source(%arg11 : memref<80x64xf32, #tpu.memory_space<vmem>>) target(%dma_start3A_248 : memref<10000x64xf32, #tpu.memory_space<vmem_shared>>) offsets(%dma_start3A_245 : memref<80xi32, #tpu.memory_space<vmem>>) semaphore(%arg23 : memref<!tpu.dma_semaphore, #tpu.memory_space<semaphore_mem>>) {add = true}
      %dma_wait3A_249 = arith.constant 19840 : i32
      %dma_wait3A_250 = tpu.memref_slice %arg7[%dma_wait3A_249] : memref<20000xi32, #tpu.memory_space<vmem>> -> memref<80xi32, #tpu.memory_space<vmem>>
      %dma_wait3A_251 = arith.constant 0 : i32
      %dma_wait3A_252 = arith.constant 0 : i32
      %dma_wait3A_253 = tpu.memref_slice %arg2[%dma_wait3A_251, %dma_wait3A_252] : memref<10000x64xf32, #tpu.memory_space<hbm>> -> memref<10000x64xf32, #tpu.memory_space<hbm>>
      tpu.wait_indirect_dma semaphore(%arg19 : memref<!tpu.dma_semaphore, #tpu.memory_space<semaphore_mem>>) src(%dma_wait3A_253 : memref<10000x64xf32, #tpu.memory_space<hbm>>) dst(%arg12 : memref<80x64xf32, #tpu.memory_space<vmem>>)
      %dma_start3A_254 = arith.constant 19840 : i32
      %dma_start3A_255 = tpu.memref_slice %arg8[%dma_start3A_254] : memref<20000xi32, #tpu.memory_space<vmem>> -> memref<80xi32, #tpu.memory_space<vmem>>
      %dma_start3A_256 = arith.constant 0 : i32
      %dma_start3A_257 = arith.constant 0 : i32
      %dma_start3A_258 = tpu.memref_slice %arg15[%dma_start3A_256, %dma_start3A_257] : memref<10000x64xf32, #tpu.memory_space<vmem_shared>> -> memref<10000x64xf32, #tpu.memory_space<vmem_shared>>
      tpu.enqueue_indirect_dma source(%arg12 : memref<80x64xf32, #tpu.memory_space<vmem>>) target(%dma_start3A_258 : memref<10000x64xf32, #tpu.memory_space<vmem_shared>>) offsets(%dma_start3A_255 : memref<80xi32, #tpu.memory_space<vmem>>) semaphore(%arg24 : memref<!tpu.dma_semaphore, #tpu.memory_space<semaphore_mem>>) {add = true}
      %dma_wait3A_259 = arith.constant 19920 : i32
      %dma_wait3A_260 = tpu.memref_slice %arg7[%dma_wait3A_259] : memref<20000xi32, #tpu.memory_space<vmem>> -> memref<80xi32, #tpu.memory_space<vmem>>
      %dma_wait3A_261 = arith.constant 0 : i32
      %dma_wait3A_262 = arith.constant 0 : i32
      %dma_wait3A_263 = tpu.memref_slice %arg2[%dma_wait3A_261, %dma_wait3A_262] : memref<10000x64xf32, #tpu.memory_space<hbm>> -> memref<10000x64xf32, #tpu.memory_space<hbm>>
      tpu.wait_indirect_dma semaphore(%arg20 : memref<!tpu.dma_semaphore, #tpu.memory_space<semaphore_mem>>) src(%dma_wait3A_263 : memref<10000x64xf32, #tpu.memory_space<hbm>>) dst(%arg13 : memref<80x64xf32, #tpu.memory_space<vmem>>)
      %dma_start3A_264 = arith.constant 19920 : i32
      %dma_start3A_265 = tpu.memref_slice %arg8[%dma_start3A_264] : memref<20000xi32, #tpu.memory_space<vmem>> -> memref<80xi32, #tpu.memory_space<vmem>>
      %dma_start3A_266 = arith.constant 0 : i32
      %dma_start3A_267 = arith.constant 0 : i32
      %dma_start3A_268 = tpu.memref_slice %arg15[%dma_start3A_266, %dma_start3A_267] : memref<10000x64xf32, #tpu.memory_space<vmem_shared>> -> memref<10000x64xf32, #tpu.memory_space<vmem_shared>>
      tpu.enqueue_indirect_dma source(%arg13 : memref<80x64xf32, #tpu.memory_space<vmem>>) target(%dma_start3A_268 : memref<10000x64xf32, #tpu.memory_space<vmem_shared>>) offsets(%dma_start3A_265 : memref<80xi32, #tpu.memory_space<vmem>>) semaphore(%arg25 : memref<!tpu.dma_semaphore, #tpu.memory_space<semaphore_mem>>) {add = true}
      %dma_wait3A_269 = arith.constant 19600 : i32
      %dma_wait3A_270 = tpu.memref_slice %arg8[%dma_wait3A_269] : memref<20000xi32, #tpu.memory_space<vmem>> -> memref<80xi32, #tpu.memory_space<vmem>>
      %dma_wait3A_271 = arith.constant 0 : i32
      %dma_wait3A_272 = arith.constant 0 : i32
      %dma_wait3A_273 = tpu.memref_slice %arg15[%dma_wait3A_271, %dma_wait3A_272] : memref<10000x64xf32, #tpu.memory_space<vmem_shared>> -> memref<10000x64xf32, #tpu.memory_space<vmem_shared>>
      tpu.wait_indirect_dma semaphore(%arg21 : memref<!tpu.dma_semaphore, #tpu.memory_space<semaphore_mem>>) src(%arg9 : memref<80x64xf32, #tpu.memory_space<vmem>>) dst(%dma_wait3A_273 : memref<10000x64xf32, #tpu.memory_space<vmem_shared>>)
      %dma_wait3A_274 = arith.constant 19680 : i32
      %dma_wait3A_275 = tpu.memref_slice %arg8[%dma_wait3A_274] : memref<20000xi32, #tpu.memory_space<vmem>> -> memref<80xi32, #tpu.memory_space<vmem>>
      %dma_wait3A_276 = arith.constant 0 : i32
      %dma_wait3A_277 = arith.constant 0 : i32
      %dma_wait3A_278 = tpu.memref_slice %arg15[%dma_wait3A_276, %dma_wait3A_277] : memref<10000x64xf32, #tpu.memory_space<vmem_shared>> -> memref<10000x64xf32, #tpu.memory_space<vmem_shared>>
      tpu.wait_indirect_dma semaphore(%arg22 : memref<!tpu.dma_semaphore, #tpu.memory_space<semaphore_mem>>) src(%arg10 : memref<80x64xf32, #tpu.memory_space<vmem>>) dst(%dma_wait3A_278 : memref<10000x64xf32, #tpu.memory_space<vmem_shared>>)
      %dma_wait3A_279 = arith.constant 19760 : i32
      %dma_wait3A_280 = tpu.memref_slice %arg8[%dma_wait3A_279] : memref<20000xi32, #tpu.memory_space<vmem>> -> memref<80xi32, #tpu.memory_space<vmem>>
      %dma_wait3A_281 = arith.constant 0 : i32
      %dma_wait3A_282 = arith.constant 0 : i32
      %dma_wait3A_283 = tpu.memref_slice %arg15[%dma_wait3A_281, %dma_wait3A_282] : memref<10000x64xf32, #tpu.memory_space<vmem_shared>> -> memref<10000x64xf32, #tpu.memory_space<vmem_shared>>
      tpu.wait_indirect_dma semaphore(%arg23 : memref<!tpu.dma_semaphore, #tpu.memory_space<semaphore_mem>>) src(%arg11 : memref<80x64xf32, #tpu.memory_space<vmem>>) dst(%dma_wait3A_283 : memref<10000x64xf32, #tpu.memory_space<vmem_shared>>)
      %dma_wait3A_284 = arith.constant 19840 : i32
      %dma_wait3A_285 = tpu.memref_slice %arg8[%dma_wait3A_284] : memref<20000xi32, #tpu.memory_space<vmem>> -> memref<80xi32, #tpu.memory_space<vmem>>
      %dma_wait3A_286 = arith.constant 0 : i32
      %dma_wait3A_287 = arith.constant 0 : i32
      %dma_wait3A_288 = tpu.memref_slice %arg15[%dma_wait3A_286, %dma_wait3A_287] : memref<10000x64xf32, #tpu.memory_space<vmem_shared>> -> memref<10000x64xf32, #tpu.memory_space<vmem_shared>>
      tpu.wait_indirect_dma semaphore(%arg24 : memref<!tpu.dma_semaphore, #tpu.memory_space<semaphore_mem>>) src(%arg12 : memref<80x64xf32, #tpu.memory_space<vmem>>) dst(%dma_wait3A_288 : memref<10000x64xf32, #tpu.memory_space<vmem_shared>>)
      %dma_wait3A_289 = arith.constant 19920 : i32
      %dma_wait3A_290 = tpu.memref_slice %arg8[%dma_wait3A_289] : memref<20000xi32, #tpu.memory_space<vmem>> -> memref<80xi32, #tpu.memory_space<vmem>>
      %dma_wait3A_291 = arith.constant 0 : i32
      %dma_wait3A_292 = arith.constant 0 : i32
      %dma_wait3A_293 = tpu.memref_slice %arg15[%dma_wait3A_291, %dma_wait3A_292] : memref<10000x64xf32, #tpu.memory_space<vmem_shared>> -> memref<10000x64xf32, #tpu.memory_space<vmem_shared>>
      tpu.wait_indirect_dma semaphore(%arg25 : memref<!tpu.dma_semaphore, #tpu.memory_space<semaphore_mem>>) src(%arg13 : memref<80x64xf32, #tpu.memory_space<vmem>>) dst(%dma_wait3A_293 : memref<10000x64xf32, #tpu.memory_space<vmem_shared>>)
    } else {
    }
    %ne3A = arith.constant 0 : i32
    %ne3A_167 = arith.cmpi ne, %arg0, %ne3A : i32
    %convert_element_type3A_168 = arith.extui %ne3A_167 : i1 to i32
    %cond3A_169 = arith.constant 0 : i32
    %cond3A_170 = arith.cmpi ne, %convert_element_type3A_168, %cond3A_169 : i32
    scf.if %cond3A_170 {
      %dma_start3A_189 = arith.constant 0 : i32
      %dma_start3A_190 = tpu.memref_slice %arg7[%dma_start3A_189] : memref<20000xi32, #tpu.memory_space<vmem>> -> memref<80xi32, #tpu.memory_space<vmem>>
      %dma_start3A_191 = arith.constant 0 : i32
      %dma_start3A_192 = arith.constant 0 : i32
      %dma_start3A_193 = tpu.memref_slice %arg3[%dma_start3A_191, %dma_start3A_192] : memref<10000x64xf32, #tpu.memory_space<hbm>> -> memref<10000x64xf32, #tpu.memory_space<hbm>>
      tpu.enqueue_indirect_dma source(%dma_start3A_193 : memref<10000x64xf32, #tpu.memory_space<hbm>>) target(%arg9 : memref<80x64xf32, #tpu.memory_space<vmem>>) offsets(%dma_start3A_190 : memref<80xi32, #tpu.memory_space<vmem>>) semaphore(%arg16 : memref<!tpu.dma_semaphore, #tpu.memory_space<semaphore_mem>>)
      %dma_start3A_194 = arith.constant 80 : i32
      %dma_start3A_195 = tpu.memref_slice %arg7[%dma_start3A_194] : memref<20000xi32, #tpu.memory_space<vmem>> -> memref<80xi32, #tpu.memory_space<vmem>>
      %dma_start3A_196 = arith.constant 0 : i32
      %dma_start3A_197 = arith.constant 0 : i32
      %dma_start3A_198 = tpu.memref_slice %arg3[%dma_start3A_196, %dma_start3A_197] : memref<10000x64xf32, #tpu.memory_space<hbm>> -> memref<10000x64xf32, #tpu.memory_space<hbm>>
      tpu.enqueue_indirect_dma source(%dma_start3A_198 : memref<10000x64xf32, #tpu.memory_space<hbm>>) target(%arg10 : memref<80x64xf32, #tpu.memory_space<vmem>>) offsets(%dma_start3A_195 : memref<80xi32, #tpu.memory_space<vmem>>) semaphore(%arg17 : memref<!tpu.dma_semaphore, #tpu.memory_space<semaphore_mem>>)
      %dma_start3A_199 = arith.constant 160 : i32
      %dma_start3A_200 = tpu.memref_slice %arg7[%dma_start3A_199] : memref<20000xi32, #tpu.memory_space<vmem>> -> memref<80xi32, #tpu.memory_space<vmem>>
      %dma_start3A_201 = arith.constant 0 : i32
      %dma_start3A_202 = arith.constant 0 : i32
      %dma_start3A_203 = tpu.memref_slice %arg3[%dma_start3A_201, %dma_start3A_202] : memref<10000x64xf32, #tpu.memory_space<hbm>> -> memref<10000x64xf32, #tpu.memory_space<hbm>>
      tpu.enqueue_indirect_dma source(%dma_start3A_203 : memref<10000x64xf32, #tpu.memory_space<hbm>>) target(%arg11 : memref<80x64xf32, #tpu.memory_space<vmem>>) offsets(%dma_start3A_200 : memref<80xi32, #tpu.memory_space<vmem>>) semaphore(%arg18 : memref<!tpu.dma_semaphore, #tpu.memory_space<semaphore_mem>>)
      %dma_start3A_204 = arith.constant 240 : i32
      %dma_start3A_205 = tpu.memref_slice %arg7[%dma_start3A_204] : memref<20000xi32, #tpu.memory_space<vmem>> -> memref<80xi32, #tpu.memory_space<vmem>>
      %dma_start3A_206 = arith.constant 0 : i32
      %dma_start3A_207 = arith.constant 0 : i32
      %dma_start3A_208 = tpu.memref_slice %arg3[%dma_start3A_206, %dma_start3A_207] : memref<10000x64xf32, #tpu.memory_space<hbm>> -> memref<10000x64xf32, #tpu.memory_space<hbm>>
      tpu.enqueue_indirect_dma source(%dma_start3A_208 : memref<10000x64xf32, #tpu.memory_space<hbm>>) target(%arg12 : memref<80x64xf32, #tpu.memory_space<vmem>>) offsets(%dma_start3A_205 : memref<80xi32, #tpu.memory_space<vmem>>) semaphore(%arg19 : memref<!tpu.dma_semaphore, #tpu.memory_space<semaphore_mem>>)
      %dma_start3A_209 = arith.constant 320 : i32
      %dma_start3A_210 = tpu.memref_slice %arg7[%dma_start3A_209] : memref<20000xi32, #tpu.memory_space<vmem>> -> memref<80xi32, #tpu.memory_space<vmem>>
      %dma_start3A_211 = arith.constant 0 : i32
      %dma_start3A_212 = arith.constant 0 : i32
      %dma_start3A_213 = tpu.memref_slice %arg3[%dma_start3A_211, %dma_start3A_212] : memref<10000x64xf32, #tpu.memory_space<hbm>> -> memref<10000x64xf32, #tpu.memory_space<hbm>>
      tpu.enqueue_indirect_dma source(%dma_start3A_213 : memref<10000x64xf32, #tpu.memory_space<hbm>>) target(%arg13 : memref<80x64xf32, #tpu.memory_space<vmem>>) offsets(%dma_start3A_210 : memref<80xi32, #tpu.memory_space<vmem>>) semaphore(%arg20 : memref<!tpu.dma_semaphore, #tpu.memory_space<semaphore_mem>>)
      %scan3A_214 = arith.constant 0 : i32
      %scan3A_215 = arith.constant 49 : i32
      %scan3A_216 = arith.addi %scan3A_214, %scan3A_215 : i32
      %scan3A_217 = arith.constant 1 : i32
      scf.for %scan3A_294 = %scan3A_214 to %scan3A_216 step %scan3A_217  : i32 {
        %mul3A_295 = arith.constant 1 : i32
        %mul3A_296 = arith.muli %scan3A_294, %mul3A_295 : i32
        %add3A_297 = arith.constant 0 : i32
        %add3A_298 = arith.addi %add3A_297, %mul3A_296 : i32
        %mul3A_299 = arith.constant 5 : i32
        %mul3A_300 = arith.muli %add3A_298, %mul3A_299 : i32
        %add3A_301 = arith.constant 0 : i32
        %add3A_302 = arith.addi %mul3A_300, %add3A_301 : i32
        %mul3A_303 = arith.constant 80 : i32
        %mul3A_304 = arith.muli %add3A_302, %mul3A_303 : i32
        %dma_wait3A_305 = tpu.memref_slice %arg7[%mul3A_304] : memref<20000xi32, #tpu.memory_space<vmem>> -> memref<80xi32, #tpu.memory_space<vmem>>
        %dma_wait3A_306 = arith.constant 0 : i32
        %dma_wait3A_307 = arith.constant 0 : i32
        %dma_wait3A_308 = tpu.memref_slice %arg3[%dma_wait3A_306, %dma_wait3A_307] : memref<10000x64xf32, #tpu.memory_space<hbm>> -> memref<10000x64xf32, #tpu.memory_space<hbm>>
        tpu.wait_indirect_dma semaphore(%arg16 : memref<!tpu.dma_semaphore, #tpu.memory_space<semaphore_mem>>) src(%dma_wait3A_308 : memref<10000x64xf32, #tpu.memory_space<hbm>>) dst(%arg9 : memref<80x64xf32, #tpu.memory_space<vmem>>)
        %add3A_309 = arith.constant 0 : i32
        %add3A_310 = arith.addi %mul3A_300, %add3A_309 : i32
        %mul3A_311 = arith.constant 80 : i32
        %mul3A_312 = arith.muli %add3A_310, %mul3A_311 : i32
        %dma_start3A_313 = tpu.memref_slice %arg8[%mul3A_312] : memref<20000xi32, #tpu.memory_space<vmem>> -> memref<80xi32, #tpu.memory_space<vmem>>
        %dma_start3A_314 = arith.constant 0 : i32
        %dma_start3A_315 = arith.constant 0 : i32
        %dma_start3A_316 = tpu.memref_slice %arg15[%dma_start3A_314, %dma_start3A_315] : memref<10000x64xf32, #tpu.memory_space<vmem_shared>> -> memref<10000x64xf32, #tpu.memory_space<vmem_shared>>
        tpu.enqueue_indirect_dma source(%arg9 : memref<80x64xf32, #tpu.memory_space<vmem>>) target(%dma_start3A_316 : memref<10000x64xf32, #tpu.memory_space<vmem_shared>>) offsets(%dma_start3A_313 : memref<80xi32, #tpu.memory_space<vmem>>) semaphore(%arg21 : memref<!tpu.dma_semaphore, #tpu.memory_space<semaphore_mem>>) {add = true}
        %add3A_317 = arith.constant 1 : i32
        %add3A_318 = arith.addi %mul3A_300, %add3A_317 : i32
        %mul3A_319 = arith.constant 80 : i32
        %mul3A_320 = arith.muli %add3A_318, %mul3A_319 : i32
        %dma_wait3A_321 = tpu.memref_slice %arg7[%mul3A_320] : memref<20000xi32, #tpu.memory_space<vmem>> -> memref<80xi32, #tpu.memory_space<vmem>>
        %dma_wait3A_322 = arith.constant 0 : i32
        %dma_wait3A_323 = arith.constant 0 : i32
        %dma_wait3A_324 = tpu.memref_slice %arg3[%dma_wait3A_322, %dma_wait3A_323] : memref<10000x64xf32, #tpu.memory_space<hbm>> -> memref<10000x64xf32, #tpu.memory_space<hbm>>
        tpu.wait_indirect_dma semaphore(%arg17 : memref<!tpu.dma_semaphore, #tpu.memory_space<semaphore_mem>>) src(%dma_wait3A_324 : memref<10000x64xf32, #tpu.memory_space<hbm>>) dst(%arg10 : memref<80x64xf32, #tpu.memory_space<vmem>>)
        %add3A_325 = arith.constant 1 : i32
        %add3A_326 = arith.addi %mul3A_300, %add3A_325 : i32
        %mul3A_327 = arith.constant 80 : i32
        %mul3A_328 = arith.muli %add3A_326, %mul3A_327 : i32
        %dma_start3A_329 = tpu.memref_slice %arg8[%mul3A_328] : memref<20000xi32, #tpu.memory_space<vmem>> -> memref<80xi32, #tpu.memory_space<vmem>>
        %dma_start3A_330 = arith.constant 0 : i32
        %dma_start3A_331 = arith.constant 0 : i32
        %dma_start3A_332 = tpu.memref_slice %arg15[%dma_start3A_330, %dma_start3A_331] : memref<10000x64xf32, #tpu.memory_space<vmem_shared>> -> memref<10000x64xf32, #tpu.memory_space<vmem_shared>>
        tpu.enqueue_indirect_dma source(%arg10 : memref<80x64xf32, #tpu.memory_space<vmem>>) target(%dma_start3A_332 : memref<10000x64xf32, #tpu.memory_space<vmem_shared>>) offsets(%dma_start3A_329 : memref<80xi32, #tpu.memory_space<vmem>>) semaphore(%arg22 : memref<!tpu.dma_semaphore, #tpu.memory_space<semaphore_mem>>) {add = true}
        %add3A_333 = arith.constant 2 : i32
        %add3A_334 = arith.addi %mul3A_300, %add3A_333 : i32
        %mul3A_335 = arith.constant 80 : i32
        %mul3A_336 = arith.muli %add3A_334, %mul3A_335 : i32
        %dma_wait3A_337 = tpu.memref_slice %arg7[%mul3A_336] : memref<20000xi32, #tpu.memory_space<vmem>> -> memref<80xi32, #tpu.memory_space<vmem>>
        %dma_wait3A_338 = arith.constant 0 : i32
        %dma_wait3A_339 = arith.constant 0 : i32
        %dma_wait3A_340 = tpu.memref_slice %arg3[%dma_wait3A_338, %dma_wait3A_339] : memref<10000x64xf32, #tpu.memory_space<hbm>> -> memref<10000x64xf32, #tpu.memory_space<hbm>>
        tpu.wait_indirect_dma semaphore(%arg18 : memref<!tpu.dma_semaphore, #tpu.memory_space<semaphore_mem>>) src(%dma_wait3A_340 : memref<10000x64xf32, #tpu.memory_space<hbm>>) dst(%arg11 : memref<80x64xf32, #tpu.memory_space<vmem>>)
        %add3A_341 = arith.constant 2 : i32
        %add3A_342 = arith.addi %mul3A_300, %add3A_341 : i32
        %mul3A_343 = arith.constant 80 : i32
        %mul3A_344 = arith.muli %add3A_342, %mul3A_343 : i32
        %dma_start3A_345 = tpu.memref_slice %arg8[%mul3A_344] : memref<20000xi32, #tpu.memory_space<vmem>> -> memref<80xi32, #tpu.memory_space<vmem>>
        %dma_start3A_346 = arith.constant 0 : i32
        %dma_start3A_347 = arith.constant 0 : i32
        %dma_start3A_348 = tpu.memref_slice %arg15[%dma_start3A_346, %dma_start3A_347] : memref<10000x64xf32, #tpu.memory_space<vmem_shared>> -> memref<10000x64xf32, #tpu.memory_space<vmem_shared>>
        tpu.enqueue_indirect_dma source(%arg11 : memref<80x64xf32, #tpu.memory_space<vmem>>) target(%dma_start3A_348 : memref<10000x64xf32, #tpu.memory_space<vmem_shared>>) offsets(%dma_start3A_345 : memref<80xi32, #tpu.memory_space<vmem>>) semaphore(%arg23 : memref<!tpu.dma_semaphore, #tpu.memory_space<semaphore_mem>>) {add = true}
        %add3A_349 = arith.constant 3 : i32
        %add3A_350 = arith.addi %mul3A_300, %add3A_349 : i32
        %mul3A_351 = arith.constant 80 : i32
        %mul3A_352 = arith.muli %add3A_350, %mul3A_351 : i32
        %dma_wait3A_353 = tpu.memref_slice %arg7[%mul3A_352] : memref<20000xi32, #tpu.memory_space<vmem>> -> memref<80xi32, #tpu.memory_space<vmem>>
        %dma_wait3A_354 = arith.constant 0 : i32
        %dma_wait3A_355 = arith.constant 0 : i32
        %dma_wait3A_356 = tpu.memref_slice %arg3[%dma_wait3A_354, %dma_wait3A_355] : memref<10000x64xf32, #tpu.memory_space<hbm>> -> memref<10000x64xf32, #tpu.memory_space<hbm>>
        tpu.wait_indirect_dma semaphore(%arg19 : memref<!tpu.dma_semaphore, #tpu.memory_space<semaphore_mem>>) src(%dma_wait3A_356 : memref<10000x64xf32, #tpu.memory_space<hbm>>) dst(%arg12 : memref<80x64xf32, #tpu.memory_space<vmem>>)
        %add3A_357 = arith.constant 3 : i32
        %add3A_358 = arith.addi %mul3A_300, %add3A_357 : i32
        %mul3A_359 = arith.constant 80 : i32
        %mul3A_360 = arith.muli %add3A_358, %mul3A_359 : i32
        %dma_start3A_361 = tpu.memref_slice %arg8[%mul3A_360] : memref<20000xi32, #tpu.memory_space<vmem>> -> memref<80xi32, #tpu.memory_space<vmem>>
        %dma_start3A_362 = arith.constant 0 : i32
        %dma_start3A_363 = arith.constant 0 : i32
        %dma_start3A_364 = tpu.memref_slice %arg15[%dma_start3A_362, %dma_start3A_363] : memref<10000x64xf32, #tpu.memory_space<vmem_shared>> -> memref<10000x64xf32, #tpu.memory_space<vmem_shared>>
        tpu.enqueue_indirect_dma source(%arg12 : memref<80x64xf32, #tpu.memory_space<vmem>>) target(%dma_start3A_364 : memref<10000x64xf32, #tpu.memory_space<vmem_shared>>) offsets(%dma_start3A_361 : memref<80xi32, #tpu.memory_space<vmem>>) semaphore(%arg24 : memref<!tpu.dma_semaphore, #tpu.memory_space<semaphore_mem>>) {add = true}
        %add3A_365 = arith.constant 4 : i32
        %add3A_366 = arith.addi %mul3A_300, %add3A_365 : i32
        %mul3A_367 = arith.constant 80 : i32
        %mul3A_368 = arith.muli %add3A_366, %mul3A_367 : i32
        %dma_wait3A_369 = tpu.memref_slice %arg7[%mul3A_368] : memref<20000xi32, #tpu.memory_space<vmem>> -> memref<80xi32, #tpu.memory_space<vmem>>
        %dma_wait3A_370 = arith.constant 0 : i32
        %dma_wait3A_371 = arith.constant 0 : i32
        %dma_wait3A_372 = tpu.memref_slice %arg3[%dma_wait3A_370, %dma_wait3A_371] : memref<10000x64xf32, #tpu.memory_space<hbm>> -> memref<10000x64xf32, #tpu.memory_space<hbm>>
        tpu.wait_indirect_dma semaphore(%arg20 : memref<!tpu.dma_semaphore, #tpu.memory_space<semaphore_mem>>) src(%dma_wait3A_372 : memref<10000x64xf32, #tpu.memory_space<hbm>>) dst(%arg13 : memref<80x64xf32, #tpu.memory_space<vmem>>)
        %add3A_373 = arith.constant 4 : i32
        %add3A_374 = arith.addi %mul3A_300, %add3A_373 : i32
        %mul3A_375 = arith.constant 80 : i32
        %mul3A_376 = arith.muli %add3A_374, %mul3A_375 : i32
        %dma_start3A_377 = tpu.memref_slice %arg8[%mul3A_376] : memref<20000xi32, #tpu.memory_space<vmem>> -> memref<80xi32, #tpu.memory_space<vmem>>
        %dma_start3A_378 = arith.constant 0 : i32
        %dma_start3A_379 = arith.constant 0 : i32
        %dma_start3A_380 = tpu.memref_slice %arg15[%dma_start3A_378, %dma_start3A_379] : memref<10000x64xf32, #tpu.memory_space<vmem_shared>> -> memref<10000x64xf32, #tpu.memory_space<vmem_shared>>
        tpu.enqueue_indirect_dma source(%arg13 : memref<80x64xf32, #tpu.memory_space<vmem>>) target(%dma_start3A_380 : memref<10000x64xf32, #tpu.memory_space<vmem_shared>>) offsets(%dma_start3A_377 : memref<80xi32, #tpu.memory_space<vmem>>) semaphore(%arg25 : memref<!tpu.dma_semaphore, #tpu.memory_space<semaphore_mem>>) {add = true}
        %add3A_381 = arith.constant 0 : i32
        %add3A_382 = arith.addi %mul3A_300, %add3A_381 : i32
        %mul3A_383 = arith.constant 80 : i32
        %mul3A_384 = arith.muli %add3A_382, %mul3A_383 : i32
        %dma_wait3A_385 = tpu.memref_slice %arg8[%mul3A_384] : memref<20000xi32, #tpu.memory_space<vmem>> -> memref<80xi32, #tpu.memory_space<vmem>>
        %dma_wait3A_386 = arith.constant 0 : i32
        %dma_wait3A_387 = arith.constant 0 : i32
        %dma_wait3A_388 = tpu.memref_slice %arg15[%dma_wait3A_386, %dma_wait3A_387] : memref<10000x64xf32, #tpu.memory_space<vmem_shared>> -> memref<10000x64xf32, #tpu.memory_space<vmem_shared>>
        tpu.wait_indirect_dma semaphore(%arg21 : memref<!tpu.dma_semaphore, #tpu.memory_space<semaphore_mem>>) src(%arg9 : memref<80x64xf32, #tpu.memory_space<vmem>>) dst(%dma_wait3A_388 : memref<10000x64xf32, #tpu.memory_space<vmem_shared>>)
        %add3A_389 = arith.constant 5 : i32
        %add3A_390 = arith.addi %mul3A_300, %add3A_389 : i32
        %add3A_391 = arith.constant 0 : i32
        %add3A_392 = arith.addi %add3A_390, %add3A_391 : i32
        %mul3A_393 = arith.constant 80 : i32
        %mul3A_394 = arith.muli %add3A_392, %mul3A_393 : i32
        %dma_start3A_395 = tpu.memref_slice %arg7[%mul3A_394] : memref<20000xi32, #tpu.memory_space<vmem>> -> memref<80xi32, #tpu.memory_space<vmem>>
        %dma_start3A_396 = arith.constant 0 : i32
        %dma_start3A_397 = arith.constant 0 : i32
        %dma_start3A_398 = tpu.memref_slice %arg3[%dma_start3A_396, %dma_start3A_397] : memref<10000x64xf32, #tpu.memory_space<hbm>> -> memref<10000x64xf32, #tpu.memory_space<hbm>>
        tpu.enqueue_indirect_dma source(%dma_start3A_398 : memref<10000x64xf32, #tpu.memory_space<hbm>>) target(%arg9 : memref<80x64xf32, #tpu.memory_space<vmem>>) offsets(%dma_start3A_395 : memref<80xi32, #tpu.memory_space<vmem>>) semaphore(%arg16 : memref<!tpu.dma_semaphore, #tpu.memory_space<semaphore_mem>>)
        %add3A_399 = arith.constant 1 : i32
        %add3A_400 = arith.addi %mul3A_300, %add3A_399 : i32
        %mul3A_401 = arith.constant 80 : i32
        %mul3A_402 = arith.muli %add3A_400, %mul3A_401 : i32
        %dma_wait3A_403 = tpu.memref_slice %arg8[%mul3A_402] : memref<20000xi32, #tpu.memory_space<vmem>> -> memref<80xi32, #tpu.memory_space<vmem>>
        %dma_wait3A_404 = arith.constant 0 : i32
        %dma_wait3A_405 = arith.constant 0 : i32
        %dma_wait3A_406 = tpu.memref_slice %arg15[%dma_wait3A_404, %dma_wait3A_405] : memref<10000x64xf32, #tpu.memory_space<vmem_shared>> -> memref<10000x64xf32, #tpu.memory_space<vmem_shared>>
        tpu.wait_indirect_dma semaphore(%arg22 : memref<!tpu.dma_semaphore, #tpu.memory_space<semaphore_mem>>) src(%arg10 : memref<80x64xf32, #tpu.memory_space<vmem>>) dst(%dma_wait3A_406 : memref<10000x64xf32, #tpu.memory_space<vmem_shared>>)
        %add3A_407 = arith.constant 5 : i32
        %add3A_408 = arith.addi %mul3A_300, %add3A_407 : i32
        %add3A_409 = arith.constant 1 : i32
        %add3A_410 = arith.addi %add3A_408, %add3A_409 : i32
        %mul3A_411 = arith.constant 80 : i32
        %mul3A_412 = arith.muli %add3A_410, %mul3A_411 : i32
        %dma_start3A_413 = tpu.memref_slice %arg7[%mul3A_412] : memref<20000xi32, #tpu.memory_space<vmem>> -> memref<80xi32, #tpu.memory_space<vmem>>
        %dma_start3A_414 = arith.constant 0 : i32
        %dma_start3A_415 = arith.constant 0 : i32
        %dma_start3A_416 = tpu.memref_slice %arg3[%dma_start3A_414, %dma_start3A_415] : memref<10000x64xf32, #tpu.memory_space<hbm>> -> memref<10000x64xf32, #tpu.memory_space<hbm>>
        tpu.enqueue_indirect_dma source(%dma_start3A_416 : memref<10000x64xf32, #tpu.memory_space<hbm>>) target(%arg10 : memref<80x64xf32, #tpu.memory_space<vmem>>) offsets(%dma_start3A_413 : memref<80xi32, #tpu.memory_space<vmem>>) semaphore(%arg17 : memref<!tpu.dma_semaphore, #tpu.memory_space<semaphore_mem>>)
        %add3A_417 = arith.constant 2 : i32
        %add3A_418 = arith.addi %mul3A_300, %add3A_417 : i32
        %mul3A_419 = arith.constant 80 : i32
        %mul3A_420 = arith.muli %add3A_418, %mul3A_419 : i32
        %dma_wait3A_421 = tpu.memref_slice %arg8[%mul3A_420] : memref<20000xi32, #tpu.memory_space<vmem>> -> memref<80xi32, #tpu.memory_space<vmem>>
        %dma_wait3A_422 = arith.constant 0 : i32
        %dma_wait3A_423 = arith.constant 0 : i32
        %dma_wait3A_424 = tpu.memref_slice %arg15[%dma_wait3A_422, %dma_wait3A_423] : memref<10000x64xf32, #tpu.memory_space<vmem_shared>> -> memref<10000x64xf32, #tpu.memory_space<vmem_shared>>
        tpu.wait_indirect_dma semaphore(%arg23 : memref<!tpu.dma_semaphore, #tpu.memory_space<semaphore_mem>>) src(%arg11 : memref<80x64xf32, #tpu.memory_space<vmem>>) dst(%dma_wait3A_424 : memref<10000x64xf32, #tpu.memory_space<vmem_shared>>)
        %add3A_425 = arith.constant 5 : i32
        %add3A_426 = arith.addi %mul3A_300, %add3A_425 : i32
        %add3A_427 = arith.constant 2 : i32
        %add3A_428 = arith.addi %add3A_426, %add3A_427 : i32
        %mul3A_429 = arith.constant 80 : i32
        %mul3A_430 = arith.muli %add3A_428, %mul3A_429 : i32
        %dma_start3A_431 = tpu.memref_slice %arg7[%mul3A_430] : memref<20000xi32, #tpu.memory_space<vmem>> -> memref<80xi32, #tpu.memory_space<vmem>>
        %dma_start3A_432 = arith.constant 0 : i32
        %dma_start3A_433 = arith.constant 0 : i32
        %dma_start3A_434 = tpu.memref_slice %arg3[%dma_start3A_432, %dma_start3A_433] : memref<10000x64xf32, #tpu.memory_space<hbm>> -> memref<10000x64xf32, #tpu.memory_space<hbm>>
        tpu.enqueue_indirect_dma source(%dma_start3A_434 : memref<10000x64xf32, #tpu.memory_space<hbm>>) target(%arg11 : memref<80x64xf32, #tpu.memory_space<vmem>>) offsets(%dma_start3A_431 : memref<80xi32, #tpu.memory_space<vmem>>) semaphore(%arg18 : memref<!tpu.dma_semaphore, #tpu.memory_space<semaphore_mem>>)
        %add3A_435 = arith.constant 3 : i32
        %add3A_436 = arith.addi %mul3A_300, %add3A_435 : i32
        %mul3A_437 = arith.constant 80 : i32
        %mul3A_438 = arith.muli %add3A_436, %mul3A_437 : i32
        %dma_wait3A_439 = tpu.memref_slice %arg8[%mul3A_438] : memref<20000xi32, #tpu.memory_space<vmem>> -> memref<80xi32, #tpu.memory_space<vmem>>
        %dma_wait3A_440 = arith.constant 0 : i32
        %dma_wait3A_441 = arith.constant 0 : i32
        %dma_wait3A_442 = tpu.memref_slice %arg15[%dma_wait3A_440, %dma_wait3A_441] : memref<10000x64xf32, #tpu.memory_space<vmem_shared>> -> memref<10000x64xf32, #tpu.memory_space<vmem_shared>>
        tpu.wait_indirect_dma semaphore(%arg24 : memref<!tpu.dma_semaphore, #tpu.memory_space<semaphore_mem>>) src(%arg12 : memref<80x64xf32, #tpu.memory_space<vmem>>) dst(%dma_wait3A_442 : memref<10000x64xf32, #tpu.memory_space<vmem_shared>>)
        %add3A_443 = arith.constant 5 : i32
        %add3A_444 = arith.addi %mul3A_300, %add3A_443 : i32
        %add3A_445 = arith.constant 3 : i32
        %add3A_446 = arith.addi %add3A_444, %add3A_445 : i32
        %mul3A_447 = arith.constant 80 : i32
        %mul3A_448 = arith.muli %add3A_446, %mul3A_447 : i32
        %dma_start3A_449 = tpu.memref_slice %arg7[%mul3A_448] : memref<20000xi32, #tpu.memory_space<vmem>> -> memref<80xi32, #tpu.memory_space<vmem>>
        %dma_start3A_450 = arith.constant 0 : i32
        %dma_start3A_451 = arith.constant 0 : i32
        %dma_start3A_452 = tpu.memref_slice %arg3[%dma_start3A_450, %dma_start3A_451] : memref<10000x64xf32, #tpu.memory_space<hbm>> -> memref<10000x64xf32, #tpu.memory_space<hbm>>
        tpu.enqueue_indirect_dma source(%dma_start3A_452 : memref<10000x64xf32, #tpu.memory_space<hbm>>) target(%arg12 : memref<80x64xf32, #tpu.memory_space<vmem>>) offsets(%dma_start3A_449 : memref<80xi32, #tpu.memory_space<vmem>>) semaphore(%arg19 : memref<!tpu.dma_semaphore, #tpu.memory_space<semaphore_mem>>)
        %add3A_453 = arith.constant 4 : i32
        %add3A_454 = arith.addi %mul3A_300, %add3A_453 : i32
        %mul3A_455 = arith.constant 80 : i32
        %mul3A_456 = arith.muli %add3A_454, %mul3A_455 : i32
        %dma_wait3A_457 = tpu.memref_slice %arg8[%mul3A_456] : memref<20000xi32, #tpu.memory_space<vmem>> -> memref<80xi32, #tpu.memory_space<vmem>>
        %dma_wait3A_458 = arith.constant 0 : i32
        %dma_wait3A_459 = arith.constant 0 : i32
        %dma_wait3A_460 = tpu.memref_slice %arg15[%dma_wait3A_458, %dma_wait3A_459] : memref<10000x64xf32, #tpu.memory_space<vmem_shared>> -> memref<10000x64xf32, #tpu.memory_space<vmem_shared>>
        tpu.wait_indirect_dma semaphore(%arg25 : memref<!tpu.dma_semaphore, #tpu.memory_space<semaphore_mem>>) src(%arg13 : memref<80x64xf32, #tpu.memory_space<vmem>>) dst(%dma_wait3A_460 : memref<10000x64xf32, #tpu.memory_space<vmem_shared>>)
        %add3A_461 = arith.constant 5 : i32
        %add3A_462 = arith.addi %mul3A_300, %add3A_461 : i32
        %add3A_463 = arith.constant 4 : i32
        %add3A_464 = arith.addi %add3A_462, %add3A_463 : i32
        %mul3A_465 = arith.constant 80 : i32
        %mul3A_466 = arith.muli %add3A_464, %mul3A_465 : i32
        %dma_start3A_467 = tpu.memref_slice %arg7[%mul3A_466] : memref<20000xi32, #tpu.memory_space<vmem>> -> memref<80xi32, #tpu.memory_space<vmem>>
        %dma_start3A_468 = arith.constant 0 : i32
        %dma_start3A_469 = arith.constant 0 : i32
        %dma_start3A_470 = tpu.memref_slice %arg3[%dma_start3A_468, %dma_start3A_469] : memref<10000x64xf32, #tpu.memory_space<hbm>> -> memref<10000x64xf32, #tpu.memory_space<hbm>>
        tpu.enqueue_indirect_dma source(%dma_start3A_470 : memref<10000x64xf32, #tpu.memory_space<hbm>>) target(%arg13 : memref<80x64xf32, #tpu.memory_space<vmem>>) offsets(%dma_start3A_467 : memref<80xi32, #tpu.memory_space<vmem>>) semaphore(%arg20 : memref<!tpu.dma_semaphore, #tpu.memory_space<semaphore_mem>>)
      }
      %scan3A_218 = arith.constant 49 : i32
      %dma_wait3A_219 = arith.constant 19600 : i32
      %dma_wait3A_220 = tpu.memref_slice %arg7[%dma_wait3A_219] : memref<20000xi32, #tpu.memory_space<vmem>> -> memref<80xi32, #tpu.memory_space<vmem>>
      %dma_wait3A_221 = arith.constant 0 : i32
      %dma_wait3A_222 = arith.constant 0 : i32
      %dma_wait3A_223 = tpu.memref_slice %arg3[%dma_wait3A_221, %dma_wait3A_222] : memref<10000x64xf32, #tpu.memory_space<hbm>> -> memref<10000x64xf32, #tpu.memory_space<hbm>>
      tpu.wait_indirect_dma semaphore(%arg16 : memref<!tpu.dma_semaphore, #tpu.memory_space<semaphore_mem>>) src(%dma_wait3A_223 : memref<10000x64xf32, #tpu.memory_space<hbm>>) dst(%arg9 : memref<80x64xf32, #tpu.memory_space<vmem>>)
      %dma_start3A_224 = arith.constant 19600 : i32
      %dma_start3A_225 = tpu.memref_slice %arg8[%dma_start3A_224] : memref<20000xi32, #tpu.memory_space<vmem>> -> memref<80xi32, #tpu.memory_space<vmem>>
      %dma_start3A_226 = arith.constant 0 : i32
      %dma_start3A_227 = arith.constant 0 : i32
      %dma_start3A_228 = tpu.memref_slice %arg15[%dma_start3A_226, %dma_start3A_227] : memref<10000x64xf32, #tpu.memory_space<vmem_shared>> -> memref<10000x64xf32, #tpu.memory_space<vmem_shared>>
      tpu.enqueue_indirect_dma source(%arg9 : memref<80x64xf32, #tpu.memory_space<vmem>>) target(%dma_start3A_228 : memref<10000x64xf32, #tpu.memory_space<vmem_shared>>) offsets(%dma_start3A_225 : memref<80xi32, #tpu.memory_space<vmem>>) semaphore(%arg21 : memref<!tpu.dma_semaphore, #tpu.memory_space<semaphore_mem>>) {add = true}
      %dma_wait3A_229 = arith.constant 19680 : i32
      %dma_wait3A_230 = tpu.memref_slice %arg7[%dma_wait3A_229] : memref<20000xi32, #tpu.memory_space<vmem>> -> memref<80xi32, #tpu.memory_space<vmem>>
      %dma_wait3A_231 = arith.constant 0 : i32
      %dma_wait3A_232 = arith.constant 0 : i32
      %dma_wait3A_233 = tpu.memref_slice %arg3[%dma_wait3A_231, %dma_wait3A_232] : memref<10000x64xf32, #tpu.memory_space<hbm>> -> memref<10000x64xf32, #tpu.memory_space<hbm>>
      tpu.wait_indirect_dma semaphore(%arg17 : memref<!tpu.dma_semaphore, #tpu.memory_space<semaphore_mem>>) src(%dma_wait3A_233 : memref<10000x64xf32, #tpu.memory_space<hbm>>) dst(%arg10 : memref<80x64xf32, #tpu.memory_space<vmem>>)
      %dma_start3A_234 = arith.constant 19680 : i32
      %dma_start3A_235 = tpu.memref_slice %arg8[%dma_start3A_234] : memref<20000xi32, #tpu.memory_space<vmem>> -> memref<80xi32, #tpu.memory_space<vmem>>
      %dma_start3A_236 = arith.constant 0 : i32
      %dma_start3A_237 = arith.constant 0 : i32
      %dma_start3A_238 = tpu.memref_slice %arg15[%dma_start3A_236, %dma_start3A_237] : memref<10000x64xf32, #tpu.memory_space<vmem_shared>> -> memref<10000x64xf32, #tpu.memory_space<vmem_shared>>
      tpu.enqueue_indirect_dma source(%arg10 : memref<80x64xf32, #tpu.memory_space<vmem>>) target(%dma_start3A_238 : memref<10000x64xf32, #tpu.memory_space<vmem_shared>>) offsets(%dma_start3A_235 : memref<80xi32, #tpu.memory_space<vmem>>) semaphore(%arg22 : memref<!tpu.dma_semaphore, #tpu.memory_space<semaphore_mem>>) {add = true}
      %dma_wait3A_239 = arith.constant 19760 : i32
      %dma_wait3A_240 = tpu.memref_slice %arg7[%dma_wait3A_239] : memref<20000xi32, #tpu.memory_space<vmem>> -> memref<80xi32, #tpu.memory_space<vmem>>
      %dma_wait3A_241 = arith.constant 0 : i32
      %dma_wait3A_242 = arith.constant 0 : i32
      %dma_wait3A_243 = tpu.memref_slice %arg3[%dma_wait3A_241, %dma_wait3A_242] : memref<10000x64xf32, #tpu.memory_space<hbm>> -> memref<10000x64xf32, #tpu.memory_space<hbm>>
      tpu.wait_indirect_dma semaphore(%arg18 : memref<!tpu.dma_semaphore, #tpu.memory_space<semaphore_mem>>) src(%dma_wait3A_243 : memref<10000x64xf32, #tpu.memory_space<hbm>>) dst(%arg11 : memref<80x64xf32, #tpu.memory_space<vmem>>)
      %dma_start3A_244 = arith.constant 19760 : i32
      %dma_start3A_245 = tpu.memref_slice %arg8[%dma_start3A_244] : memref<20000xi32, #tpu.memory_space<vmem>> -> memref<80xi32, #tpu.memory_space<vmem>>
      %dma_start3A_246 = arith.constant 0 : i32
      %dma_start3A_247 = arith.constant 0 : i32
      %dma_start3A_248 = tpu.memref_slice %arg15[%dma_start3A_246, %dma_start3A_247] : memref<10000x64xf32, #tpu.memory_space<vmem_shared>> -> memref<10000x64xf32, #tpu.memory_space<vmem_shared>>
      tpu.enqueue_indirect_dma source(%arg11 : memref<80x64xf32, #tpu.memory_space<vmem>>) target(%dma_start3A_248 : memref<10000x64xf32, #tpu.memory_space<vmem_shared>>) offsets(%dma_start3A_245 : memref<80xi32, #tpu.memory_space<vmem>>) semaphore(%arg23 : memref<!tpu.dma_semaphore, #tpu.memory_space<semaphore_mem>>) {add = true}
      %dma_wait3A_249 = arith.constant 19840 : i32
      %dma_wait3A_250 = tpu.memref_slice %arg7[%dma_wait3A_249] : memref<20000xi32, #tpu.memory_space<vmem>> -> memref<80xi32, #tpu.memory_space<vmem>>
      %dma_wait3A_251 = arith.constant 0 : i32
      %dma_wait3A_252 = arith.constant 0 : i32
      %dma_wait3A_253 = tpu.memref_slice %arg3[%dma_wait3A_251, %dma_wait3A_252] : memref<10000x64xf32, #tpu.memory_space<hbm>> -> memref<10000x64xf32, #tpu.memory_space<hbm>>
      tpu.wait_indirect_dma semaphore(%arg19 : memref<!tpu.dma_semaphore, #tpu.memory_space<semaphore_mem>>) src(%dma_wait3A_253 : memref<10000x64xf32, #tpu.memory_space<hbm>>) dst(%arg12 : memref<80x64xf32, #tpu.memory_space<vmem>>)
      %dma_start3A_254 = arith.constant 19840 : i32
      %dma_start3A_255 = tpu.memref_slice %arg8[%dma_start3A_254] : memref<20000xi32, #tpu.memory_space<vmem>> -> memref<80xi32, #tpu.memory_space<vmem>>
      %dma_start3A_256 = arith.constant 0 : i32
      %dma_start3A_257 = arith.constant 0 : i32
      %dma_start3A_258 = tpu.memref_slice %arg15[%dma_start3A_256, %dma_start3A_257] : memref<10000x64xf32, #tpu.memory_space<vmem_shared>> -> memref<10000x64xf32, #tpu.memory_space<vmem_shared>>
      tpu.enqueue_indirect_dma source(%arg12 : memref<80x64xf32, #tpu.memory_space<vmem>>) target(%dma_start3A_258 : memref<10000x64xf32, #tpu.memory_space<vmem_shared>>) offsets(%dma_start3A_255 : memref<80xi32, #tpu.memory_space<vmem>>) semaphore(%arg24 : memref<!tpu.dma_semaphore, #tpu.memory_space<semaphore_mem>>) {add = true}
      %dma_wait3A_259 = arith.constant 19920 : i32
      %dma_wait3A_260 = tpu.memref_slice %arg7[%dma_wait3A_259] : memref<20000xi32, #tpu.memory_space<vmem>> -> memref<80xi32, #tpu.memory_space<vmem>>
      %dma_wait3A_261 = arith.constant 0 : i32
      %dma_wait3A_262 = arith.constant 0 : i32
      %dma_wait3A_263 = tpu.memref_slice %arg3[%dma_wait3A_261, %dma_wait3A_262] : memref<10000x64xf32, #tpu.memory_space<hbm>> -> memref<10000x64xf32, #tpu.memory_space<hbm>>
      tpu.wait_indirect_dma semaphore(%arg20 : memref<!tpu.dma_semaphore, #tpu.memory_space<semaphore_mem>>) src(%dma_wait3A_263 : memref<10000x64xf32, #tpu.memory_space<hbm>>) dst(%arg13 : memref<80x64xf32, #tpu.memory_space<vmem>>)
      %dma_start3A_264 = arith.constant 19920 : i32
      %dma_start3A_265 = tpu.memref_slice %arg8[%dma_start3A_264] : memref<20000xi32, #tpu.memory_space<vmem>> -> memref<80xi32, #tpu.memory_space<vmem>>
      %dma_start3A_266 = arith.constant 0 : i32
      %dma_start3A_267 = arith.constant 0 : i32
      %dma_start3A_268 = tpu.memref_slice %arg15[%dma_start3A_266, %dma_start3A_267] : memref<10000x64xf32, #tpu.memory_space<vmem_shared>> -> memref<10000x64xf32, #tpu.memory_space<vmem_shared>>
      tpu.enqueue_indirect_dma source(%arg13 : memref<80x64xf32, #tpu.memory_space<vmem>>) target(%dma_start3A_268 : memref<10000x64xf32, #tpu.memory_space<vmem_shared>>) offsets(%dma_start3A_265 : memref<80xi32, #tpu.memory_space<vmem>>) semaphore(%arg25 : memref<!tpu.dma_semaphore, #tpu.memory_space<semaphore_mem>>) {add = true}
      %dma_wait3A_269 = arith.constant 19600 : i32
      %dma_wait3A_270 = tpu.memref_slice %arg8[%dma_wait3A_269] : memref<20000xi32, #tpu.memory_space<vmem>> -> memref<80xi32, #tpu.memory_space<vmem>>
      %dma_wait3A_271 = arith.constant 0 : i32
      %dma_wait3A_272 = arith.constant 0 : i32
      %dma_wait3A_273 = tpu.memref_slice %arg15[%dma_wait3A_271, %dma_wait3A_272] : memref<10000x64xf32, #tpu.memory_space<vmem_shared>> -> memref<10000x64xf32, #tpu.memory_space<vmem_shared>>
      tpu.wait_indirect_dma semaphore(%arg21 : memref<!tpu.dma_semaphore, #tpu.memory_space<semaphore_mem>>) src(%arg9 : memref<80x64xf32, #tpu.memory_space<vmem>>) dst(%dma_wait3A_273 : memref<10000x64xf32, #tpu.memory_space<vmem_shared>>)
      %dma_wait3A_274 = arith.constant 19680 : i32
      %dma_wait3A_275 = tpu.memref_slice %arg8[%dma_wait3A_274] : memref<20000xi32, #tpu.memory_space<vmem>> -> memref<80xi32, #tpu.memory_space<vmem>>
      %dma_wait3A_276 = arith.constant 0 : i32
      %dma_wait3A_277 = arith.constant 0 : i32
      %dma_wait3A_278 = tpu.memref_slice %arg15[%dma_wait3A_276, %dma_wait3A_277] : memref<10000x64xf32, #tpu.memory_space<vmem_shared>> -> memref<10000x64xf32, #tpu.memory_space<vmem_shared>>
      tpu.wait_indirect_dma semaphore(%arg22 : memref<!tpu.dma_semaphore, #tpu.memory_space<semaphore_mem>>) src(%arg10 : memref<80x64xf32, #tpu.memory_space<vmem>>) dst(%dma_wait3A_278 : memref<10000x64xf32, #tpu.memory_space<vmem_shared>>)
      %dma_wait3A_279 = arith.constant 19760 : i32
      %dma_wait3A_280 = tpu.memref_slice %arg8[%dma_wait3A_279] : memref<20000xi32, #tpu.memory_space<vmem>> -> memref<80xi32, #tpu.memory_space<vmem>>
      %dma_wait3A_281 = arith.constant 0 : i32
      %dma_wait3A_282 = arith.constant 0 : i32
      %dma_wait3A_283 = tpu.memref_slice %arg15[%dma_wait3A_281, %dma_wait3A_282] : memref<10000x64xf32, #tpu.memory_space<vmem_shared>> -> memref<10000x64xf32, #tpu.memory_space<vmem_shared>>
      tpu.wait_indirect_dma semaphore(%arg23 : memref<!tpu.dma_semaphore, #tpu.memory_space<semaphore_mem>>) src(%arg11 : memref<80x64xf32, #tpu.memory_space<vmem>>) dst(%dma_wait3A_283 : memref<10000x64xf32, #tpu.memory_space<vmem_shared>>)
      %dma_wait3A_284 = arith.constant 19840 : i32
      %dma_wait3A_285 = tpu.memref_slice %arg8[%dma_wait3A_284] : memref<20000xi32, #tpu.memory_space<vmem>> -> memref<80xi32, #tpu.memory_space<vmem>>
      %dma_wait3A_286 = arith.constant 0 : i32
      %dma_wait3A_287 = arith.constant 0 : i32
      %dma_wait3A_288 = tpu.memref_slice %arg15[%dma_wait3A_286, %dma_wait3A_287] : memref<10000x64xf32, #tpu.memory_space<vmem_shared>> -> memref<10000x64xf32, #tpu.memory_space<vmem_shared>>
      tpu.wait_indirect_dma semaphore(%arg24 : memref<!tpu.dma_semaphore, #tpu.memory_space<semaphore_mem>>) src(%arg12 : memref<80x64xf32, #tpu.memory_space<vmem>>) dst(%dma_wait3A_288 : memref<10000x64xf32, #tpu.memory_space<vmem_shared>>)
      %dma_wait3A_289 = arith.constant 19920 : i32
      %dma_wait3A_290 = tpu.memref_slice %arg8[%dma_wait3A_289] : memref<20000xi32, #tpu.memory_space<vmem>> -> memref<80xi32, #tpu.memory_space<vmem>>
      %dma_wait3A_291 = arith.constant 0 : i32
      %dma_wait3A_292 = arith.constant 0 : i32
      %dma_wait3A_293 = tpu.memref_slice %arg15[%dma_wait3A_291, %dma_wait3A_292] : memref<10000x64xf32, #tpu.memory_space<vmem_shared>> -> memref<10000x64xf32, #tpu.memory_space<vmem_shared>>
      tpu.wait_indirect_dma semaphore(%arg25 : memref<!tpu.dma_semaphore, #tpu.memory_space<semaphore_mem>>) src(%arg13 : memref<80x64xf32, #tpu.memory_space<vmem>>) dst(%dma_wait3A_293 : memref<10000x64xf32, #tpu.memory_space<vmem_shared>>)
    } else {
    }
    %barrier3A_171 = arith.constant 0 : index
    tpu.barrier barrier_id(%barrier3A_171)
    %mul3A_172 = arith.constant 624 : i32
    %mul3A_173 = arith.muli %arg1, %mul3A_172 : i32
    %dma_start3A_174 = arith.constant 0 : i32
    %dma_start3A_175 = tpu.memref_slice %arg6[%arg0, %mul3A_173, %dma_start3A_174] : memref<2x10000x64xf32, #tpu.memory_space<hbm>> -> memref<1x624x64xf32, #tpu.memory_space<hbm>>
    %dma_start3A_176 = tpu.memref_squeeze %dma_start3A_175 : memref<1x624x64xf32, #tpu.memory_space<hbm>> -> memref<624x64xf32, #tpu.memory_space<hbm>>
    %dma_start3A_177 = arith.constant 0 : i32
    %dma_start3A_178 = tpu.memref_slice %arg15[%mul3A_173, %dma_start3A_177] : memref<10000x64xf32, #tpu.memory_space<vmem_shared>> -> memref<624x64xf32, #tpu.memory_space<vmem_shared>>
    tpu.enqueue_dma source(%dma_start3A_178 : memref<624x64xf32, #tpu.memory_space<vmem_shared>>) target(%dma_start3A_176 : memref<624x64xf32, #tpu.memory_space<hbm>>) target_semaphore(%arg26 : memref<!tpu.dma_semaphore, #tpu.memory_space<semaphore_mem>>)
    %dma_wait3A_179 = arith.constant 0 : i32
    %dma_wait3A_180 = tpu.memref_slice %arg6[%arg0, %mul3A_173, %dma_wait3A_179] : memref<2x10000x64xf32, #tpu.memory_space<hbm>> -> memref<1x624x64xf32, #tpu.memory_space<hbm>>
    %dma_wait3A_181 = tpu.memref_squeeze %dma_wait3A_180 : memref<1x624x64xf32, #tpu.memory_space<hbm>> -> memref<624x64xf32, #tpu.memory_space<hbm>>
    %dma_wait3A_182 = arith.constant 0 : i32
    %dma_wait3A_183 = tpu.memref_slice %arg15[%mul3A_173, %dma_wait3A_182] : memref<10000x64xf32, #tpu.memory_space<vmem_shared>> -> memref<624x64xf32, #tpu.memory_space<vmem_shared>>
    tpu.wait_dma2 semaphore(%arg26 : memref<!tpu.dma_semaphore, #tpu.memory_space<semaphore_mem>>) src(%dma_wait3A_183 : memref<624x64xf32, #tpu.memory_space<vmem_shared>>) dst(%dma_wait3A_181 : memref<624x64xf32, #tpu.memory_space<hbm>>)
    %eq3A_184 = arith.constant 15 : i32
    %eq3A_185 = arith.cmpi eq, %arg1, %eq3A_184 : i32
    %convert_element_type3A_186 = arith.extui %eq3A_185 : i1 to i32
    %cond3A_187 = arith.constant 0 : i32
    %cond3A_188 = arith.cmpi ne, %convert_element_type3A_186, %cond3A_187 : i32
    scf.if %cond3A_188 {
      %dma_start3A_189 = arith.constant 9984 : i32
      %dma_start3A_190 = arith.constant 0 : i32
      %dma_start3A_191 = tpu.memref_slice %arg6[%arg0, %dma_start3A_189, %dma_start3A_190] : memref<2x10000x64xf32, #tpu.memory_space<hbm>> -> memref<1x16x64xf32, #tpu.memory_space<hbm>>
      %dma_start3A_192 = tpu.memref_squeeze %dma_start3A_191 : memref<1x16x64xf32, #tpu.memory_space<hbm>> -> memref<16x64xf32, #tpu.memory_space<hbm>>
      %dma_start3A_193 = arith.constant 9984 : i32
      %dma_start3A_194 = arith.constant 0 : i32
      %dma_start3A_195 = tpu.memref_slice %arg15[%dma_start3A_193, %dma_start3A_194] : memref<10000x64xf32, #tpu.memory_space<vmem_shared>> -> memref<16x64xf32, #tpu.memory_space<vmem_shared>>
      tpu.enqueue_dma source(%dma_start3A_195 : memref<16x64xf32, #tpu.memory_space<vmem_shared>>) target(%dma_start3A_192 : memref<16x64xf32, #tpu.memory_space<hbm>>) target_semaphore(%arg26 : memref<!tpu.dma_semaphore, #tpu.memory_space<semaphore_mem>>)
      %dma_wait3A_196 = arith.constant 9984 : i32
      %dma_wait3A_197 = arith.constant 0 : i32
      %dma_wait3A_198 = tpu.memref_slice %arg6[%arg0, %dma_wait3A_196, %dma_wait3A_197] : memref<2x10000x64xf32, #tpu.memory_space<hbm>> -> memref<1x16x64xf32, #tpu.memory_space<hbm>>
      %dma_wait3A_199 = tpu.memref_squeeze %dma_wait3A_198 : memref<1x16x64xf32, #tpu.memory_space<hbm>> -> memref<16x64xf32, #tpu.memory_space<hbm>>
      %dma_wait3A_200 = arith.constant 9984 : i32
      %dma_wait3A_201 = arith.constant 0 : i32
      %dma_wait3A_202 = tpu.memref_slice %arg15[%dma_wait3A_200, %dma_wait3A_201] : memref<10000x64xf32, #tpu.memory_space<vmem_shared>> -> memref<16x64xf32, #tpu.memory_space<vmem_shared>>
      tpu.wait_dma2 semaphore(%arg26 : memref<!tpu.dma_semaphore, #tpu.memory_space<semaphore_mem>>) src(%dma_wait3A_202 : memref<16x64xf32, #tpu.memory_space<vmem_shared>>) dst(%dma_wait3A_199 : memref<16x64xf32, #tpu.memory_space<hbm>>)
    } else {
    }
    return
  }
}

#map = affine_map<(d0, d1) -> (0, 0, 0)>
module attributes {stable_mosaic.version = 14 : i64} {
  func.func @deg_kernel(%arg0: i32, %arg1: i32, %arg2: memref<32x125x80xi32, #tpu.memory_space<hbm>>, %arg3: memref<2x10000x16xf32, #tpu.memory_space<hbm>>, %arg4: memref<125x80xi32, #tpu.memory_space<vmem>>, %arg5: memref<80x16xf32, #tpu.memory_space<vmem>>, %arg6: memref<40x16xf32, #tpu.memory_space<vmem>>, %arg7: memref<10000x16xf32, #tpu.memory_space<vmem_shared>>, %arg8: memref<!tpu.dma_semaphore, #tpu.memory_space<semaphore_mem>>, %arg9: memref<!tpu.dma_semaphore, #tpu.memory_space<semaphore_mem>>, %arg10: memref<!tpu.dma_semaphore, #tpu.memory_space<semaphore_mem>>, %arg11: memref<!tpu.dma_semaphore, #tpu.memory_space<semaphore_mem>>, %arg12: memref<!tpu.dma_semaphore, #tpu.memory_space<semaphore_mem>>, %arg13: memref<!tpu.dma_semaphore, #tpu.memory_space<semaphore_mem>>) attributes {dimension_semantics = [#tpu.dimension_semantics<core_parallel>, #tpu.dimension_semantics<subcore_parallel>], iteration_bounds = array<i64: 2, 16>, scalar_prefetch = 0 : i64, scratch_operands = 10 : i64, tpu.core_type = #tpu.core_type<sc_vector_subcore>, window_params = [{transform_indices = #map}, {transform_indices = #map}]} {
    %mul3A = arith.constant 2 : i32
    %mul3A_0 = arith.muli %arg1, %mul3A : i32
    %add3A = arith.addi %mul3A_0, %arg0 : i32
    "tpu.region"() ({
      %run_scoped3A = tpu.sem_alloc : memref<!tpu.dma_semaphore, #tpu.memory_space<semaphore_mem>>
      %dma_start3A_263 = arith.constant 0 : i32
      %dma_start3A_264 = arith.constant 0 : i32
      %dma_start3A_265 = tpu.memref_slice %arg2[%add3A, %dma_start3A_263, %dma_start3A_264] : memref<32x125x80xi32, #tpu.memory_space<hbm>> -> memref<1x125x80xi32, #tpu.memory_space<hbm>>
      %dma_start3A_266 = tpu.memref_squeeze %dma_start3A_265 : memref<1x125x80xi32, #tpu.memory_space<hbm>> -> memref<125x80xi32, #tpu.memory_space<hbm>>
      %dma_start3A_267 = arith.constant 0 : i32
      %dma_start3A_268 = arith.constant 0 : i32
      %dma_start3A_269 = tpu.memref_slice %arg2[%add3A, %dma_start3A_267, %dma_start3A_268] : memref<32x125x80xi32, #tpu.memory_space<hbm>> -> memref<1x125x80xi32, #tpu.memory_space<hbm>>
      %dma_start3A_270 = tpu.memref_squeeze %dma_start3A_269 : memref<1x125x80xi32, #tpu.memory_space<hbm>> -> memref<125x80xi32, #tpu.memory_space<hbm>>
      tpu.enqueue_dma source(%dma_start3A_270 : memref<125x80xi32, #tpu.memory_space<hbm>>) target(%arg4 : memref<125x80xi32, #tpu.memory_space<vmem>>) target_semaphore(%run_scoped3A : memref<!tpu.dma_semaphore, #tpu.memory_space<semaphore_mem>>)
      %dma_wait3A_271 = arith.constant 0 : i32
      %dma_wait3A_272 = arith.constant 0 : i32
      %dma_wait3A_273 = tpu.memref_slice %arg2[%add3A, %dma_wait3A_271, %dma_wait3A_272] : memref<32x125x80xi32, #tpu.memory_space<hbm>> -> memref<1x125x80xi32, #tpu.memory_space<hbm>>
      %dma_wait3A_274 = tpu.memref_squeeze %dma_wait3A_273 : memref<1x125x80xi32, #tpu.memory_space<hbm>> -> memref<125x80xi32, #tpu.memory_space<hbm>>
      %dma_wait3A_275 = arith.constant 0 : i32
      %dma_wait3A_276 = arith.constant 0 : i32
      %dma_wait3A_277 = tpu.memref_slice %arg2[%add3A, %dma_wait3A_275, %dma_wait3A_276] : memref<32x125x80xi32, #tpu.memory_space<hbm>> -> memref<1x125x80xi32, #tpu.memory_space<hbm>>
      %dma_wait3A_278 = tpu.memref_squeeze %dma_wait3A_277 : memref<1x125x80xi32, #tpu.memory_space<hbm>> -> memref<125x80xi32, #tpu.memory_space<hbm>>
      tpu.wait_dma2 semaphore(%run_scoped3A : memref<!tpu.dma_semaphore, #tpu.memory_space<semaphore_mem>>) src(%dma_wait3A_278 : memref<125x80xi32, #tpu.memory_space<hbm>>) dst(%arg4 : memref<125x80xi32, #tpu.memory_space<vmem>>)
      tpu.yield
    }) : () -> ()
    %broadcast_in_dim3A = arith.constant 1.000000e+00 : f32
    %broadcast_in_dim3A_1 = vector.broadcast %broadcast_in_dim3A : f32 to vector<16xf32>
    %scan3A = arith.constant 0 : i32
    %scan3A_2 = arith.constant 80 : i32
    %scan3A_3 = arith.addi %scan3A, %scan3A_2 : i32
    %scan3A_4 = arith.constant 1 : i32
    scf.for %scan3A_263 = %scan3A to %scan3A_3 step %scan3A_4  : i32 {
      %mul3A_264 = arith.constant 1 : i32
      %mul3A_265 = arith.muli %scan3A_263, %mul3A_264 : i32
      %add3A_266 = arith.constant 0 : i32
      %add3A_267 = arith.addi %add3A_266, %mul3A_265 : i32
      %swap3A = arith.index_cast %add3A_267 : i32 to index
      %swap3A_268 = arith.constant 0 : index
      %swap3A_269 = tpu.vector_load %arg5[%swap3A, %swap3A_268] {strides = array<i32>} : memref<80x16xf32, #tpu.memory_space<vmem>>, vector<1x16xf32>,
      %swap3A_270 = vector.shape_cast %swap3A_269 : vector<1x16xf32> to vector<16xf32>
      %swap3A_271 = vector.shape_cast %broadcast_in_dim3A_1 : vector<16xf32> to vector<1x16xf32>
      tpu.vector_store %arg5[%swap3A, %swap3A_268], %swap3A_271 {strides = array<i32>} : memref<80x16xf32, #tpu.memory_space<vmem>>, vector<1x16xf32>,
    }
    %scan3A_5 = arith.constant 80 : i32
    %broadcast_in_dim3A_6 = arith.constant 0.000000e+00 : f32
    %broadcast_in_dim3A_7 = vector.broadcast %broadcast_in_dim3A_6 : f32 to vector<16xf32>
    %scan3A_8 = arith.constant 0 : i32
    %scan3A_9 = arith.constant 40 : i32
    %scan3A_10 = arith.addi %scan3A_8, %scan3A_9 : i32
    %scan3A_11 = arith.constant 1 : i32
    scf.for %scan3A_263 = %scan3A_8 to %scan3A_10 step %scan3A_11  : i32 {
      %mul3A_264 = arith.constant 1 : i32
      %mul3A_265 = arith.muli %scan3A_263, %mul3A_264 : i32
      %add3A_266 = arith.constant 0 : i32
      %add3A_267 = arith.addi %add3A_266, %mul3A_265 : i32
      %swap3A = arith.index_cast %add3A_267 : i32 to index
      %swap3A_268 = arith.constant 0 : index
      %swap3A_269 = tpu.vector_load %arg6[%swap3A, %swap3A_268] {strides = array<i32>} : memref<40x16xf32, #tpu.memory_space<vmem>>, vector<1x16xf32>,
      %swap3A_270 = vector.shape_cast %swap3A_269 : vector<1x16xf32> to vector<16xf32>
      %swap3A_271 = vector.shape_cast %broadcast_in_dim3A_7 : vector<16xf32> to vector<1x16xf32>
      tpu.vector_store %arg6[%swap3A, %swap3A_268], %swap3A_271 {strides = array<i32>} : memref<40x16xf32, #tpu.memory_space<vmem>>, vector<1x16xf32>,
    }
    %scan3A_12 = arith.constant 40 : i32
    %mul3A_13 = arith.constant 624 : i32
    %mul3A_14 = arith.muli %arg1, %mul3A_13 : i32
    %add3A_15 = arith.constant 0 : i32
    %add3A_16 = arith.addi %mul3A_14, %add3A_15 : i32
    %dma_start3A = arith.constant 0 : i32
    %dma_start3A_17 = tpu.memref_slice %arg7[%add3A_16, %dma_start3A] : memref<10000x16xf32, #tpu.memory_space<vmem_shared>> -> memref<40x16xf32, #tpu.memory_space<vmem_shared>>
    %dma_start3A_18 = arith.constant 0 : i32
    %dma_start3A_19 = tpu.memref_slice %arg7[%add3A_16, %dma_start3A_18] : memref<10000x16xf32, #tpu.memory_space<vmem_shared>> -> memref<40x16xf32, #tpu.memory_space<vmem_shared>>
    tpu.enqueue_dma source(%arg6 : memref<40x16xf32, #tpu.memory_space<vmem>>) target(%dma_start3A_19 : memref<40x16xf32, #tpu.memory_space<vmem_shared>>) target_semaphore(%arg13 : memref<!tpu.dma_semaphore, #tpu.memory_space<semaphore_mem>>)
    %dma_wait3A = arith.constant 0 : i32
    %dma_wait3A_20 = tpu.memref_slice %arg7[%add3A_16, %dma_wait3A] : memref<10000x16xf32, #tpu.memory_space<vmem_shared>> -> memref<40x16xf32, #tpu.memory_space<vmem_shared>>
    %dma_wait3A_21 = arith.constant 0 : i32
    %dma_wait3A_22 = tpu.memref_slice %arg7[%add3A_16, %dma_wait3A_21] : memref<10000x16xf32, #tpu.memory_space<vmem_shared>> -> memref<40x16xf32, #tpu.memory_space<vmem_shared>>
    tpu.wait_dma2 semaphore(%arg13 : memref<!tpu.dma_semaphore, #tpu.memory_space<semaphore_mem>>) src(%arg6 : memref<40x16xf32, #tpu.memory_space<vmem>>) dst(%dma_wait3A_22 : memref<40x16xf32, #tpu.memory_space<vmem_shared>>)
    %add3A_23 = arith.constant 40 : i32
    %add3A_24 = arith.addi %mul3A_14, %add3A_23 : i32
    %dma_start3A_25 = arith.constant 0 : i32
    %dma_start3A_26 = tpu.memref_slice %arg7[%add3A_24, %dma_start3A_25] : memref<10000x16xf32, #tpu.memory_space<vmem_shared>> -> memref<40x16xf32, #tpu.memory_space<vmem_shared>>
    %dma_start3A_27 = arith.constant 0 : i32
    %dma_start3A_28 = tpu.memref_slice %arg7[%add3A_24, %dma_start3A_27] : memref<10000x16xf32, #tpu.memory_space<vmem_shared>> -> memref<40x16xf32, #tpu.memory_space<vmem_shared>>
    tpu.enqueue_dma source(%arg6 : memref<40x16xf32, #tpu.memory_space<vmem>>) target(%dma_start3A_28 : memref<40x16xf32, #tpu.memory_space<vmem_shared>>) target_semaphore(%arg13 : memref<!tpu.dma_semaphore, #tpu.memory_space<semaphore_mem>>)
    %dma_wait3A_29 = arith.constant 0 : i32
    %dma_wait3A_30 = tpu.memref_slice %arg7[%add3A_24, %dma_wait3A_29] : memref<10000x16xf32, #tpu.memory_space<vmem_shared>> -> memref<40x16xf32, #tpu.memory_space<vmem_shared>>
    %dma_wait3A_31 = arith.constant 0 : i32
    %dma_wait3A_32 = tpu.memref_slice %arg7[%add3A_24, %dma_wait3A_31] : memref<10000x16xf32, #tpu.memory_space<vmem_shared>> -> memref<40x16xf32, #tpu.memory_space<vmem_shared>>
    tpu.wait_dma2 semaphore(%arg13 : memref<!tpu.dma_semaphore, #tpu.memory_space<semaphore_mem>>) src(%arg6 : memref<40x16xf32, #tpu.memory_space<vmem>>) dst(%dma_wait3A_32 : memref<40x16xf32, #tpu.memory_space<vmem_shared>>)
    %add3A_33 = arith.constant 80 : i32
    %add3A_34 = arith.addi %mul3A_14, %add3A_33 : i32
    %dma_start3A_35 = arith.constant 0 : i32
    %dma_start3A_36 = tpu.memref_slice %arg7[%add3A_34, %dma_start3A_35] : memref<10000x16xf32, #tpu.memory_space<vmem_shared>> -> memref<40x16xf32, #tpu.memory_space<vmem_shared>>
    %dma_start3A_37 = arith.constant 0 : i32
    %dma_start3A_38 = tpu.memref_slice %arg7[%add3A_34, %dma_start3A_37] : memref<10000x16xf32, #tpu.memory_space<vmem_shared>> -> memref<40x16xf32, #tpu.memory_space<vmem_shared>>
    tpu.enqueue_dma source(%arg6 : memref<40x16xf32, #tpu.memory_space<vmem>>) target(%dma_start3A_38 : memref<40x16xf32, #tpu.memory_space<vmem_shared>>) target_semaphore(%arg13 : memref<!tpu.dma_semaphore, #tpu.memory_space<semaphore_mem>>)
    %dma_wait3A_39 = arith.constant 0 : i32
    %dma_wait3A_40 = tpu.memref_slice %arg7[%add3A_34, %dma_wait3A_39] : memref<10000x16xf32, #tpu.memory_space<vmem_shared>> -> memref<40x16xf32, #tpu.memory_space<vmem_shared>>
    %dma_wait3A_41 = arith.constant 0 : i32
    %dma_wait3A_42 = tpu.memref_slice %arg7[%add3A_34, %dma_wait3A_41] : memref<10000x16xf32, #tpu.memory_space<vmem_shared>> -> memref<40x16xf32, #tpu.memory_space<vmem_shared>>
    tpu.wait_dma2 semaphore(%arg13 : memref<!tpu.dma_semaphore, #tpu.memory_space<semaphore_mem>>) src(%arg6 : memref<40x16xf32, #tpu.memory_space<vmem>>) dst(%dma_wait3A_42 : memref<40x16xf32, #tpu.memory_space<vmem_shared>>)
    %add3A_43 = arith.constant 120 : i32
    %add3A_44 = arith.addi %mul3A_14, %add3A_43 : i32
    %dma_start3A_45 = arith.constant 0 : i32
    %dma_start3A_46 = tpu.memref_slice %arg7[%add3A_44, %dma_start3A_45] : memref<10000x16xf32, #tpu.memory_space<vmem_shared>> -> memref<40x16xf32, #tpu.memory_space<vmem_shared>>
    %dma_start3A_47 = arith.constant 0 : i32
    %dma_start3A_48 = tpu.memref_slice %arg7[%add3A_44, %dma_start3A_47] : memref<10000x16xf32, #tpu.memory_space<vmem_shared>> -> memref<40x16xf32, #tpu.memory_space<vmem_shared>>
    tpu.enqueue_dma source(%arg6 : memref<40x16xf32, #tpu.memory_space<vmem>>) target(%dma_start3A_48 : memref<40x16xf32, #tpu.memory_space<vmem_shared>>) target_semaphore(%arg13 : memref<!tpu.dma_semaphore, #tpu.memory_space<semaphore_mem>>)
    %dma_wait3A_49 = arith.constant 0 : i32
    %dma_wait3A_50 = tpu.memref_slice %arg7[%add3A_44, %dma_wait3A_49] : memref<10000x16xf32, #tpu.memory_space<vmem_shared>> -> memref<40x16xf32, #tpu.memory_space<vmem_shared>>
    %dma_wait3A_51 = arith.constant 0 : i32
    %dma_wait3A_52 = tpu.memref_slice %arg7[%add3A_44, %dma_wait3A_51] : memref<10000x16xf32, #tpu.memory_space<vmem_shared>> -> memref<40x16xf32, #tpu.memory_space<vmem_shared>>
    tpu.wait_dma2 semaphore(%arg13 : memref<!tpu.dma_semaphore, #tpu.memory_space<semaphore_mem>>) src(%arg6 : memref<40x16xf32, #tpu.memory_space<vmem>>) dst(%dma_wait3A_52 : memref<40x16xf32, #tpu.memory_space<vmem_shared>>)
    %add3A_53 = arith.constant 160 : i32
    %add3A_54 = arith.addi %mul3A_14, %add3A_53 : i32
    %dma_start3A_55 = arith.constant 0 : i32
    %dma_start3A_56 = tpu.memref_slice %arg7[%add3A_54, %dma_start3A_55] : memref<10000x16xf32, #tpu.memory_space<vmem_shared>> -> memref<40x16xf32, #tpu.memory_space<vmem_shared>>
    %dma_start3A_57 = arith.constant 0 : i32
    %dma_start3A_58 = tpu.memref_slice %arg7[%add3A_54, %dma_start3A_57] : memref<10000x16xf32, #tpu.memory_space<vmem_shared>> -> memref<40x16xf32, #tpu.memory_space<vmem_shared>>
    tpu.enqueue_dma source(%arg6 : memref<40x16xf32, #tpu.memory_space<vmem>>) target(%dma_start3A_58 : memref<40x16xf32, #tpu.memory_space<vmem_shared>>) target_semaphore(%arg13 : memref<!tpu.dma_semaphore, #tpu.memory_space<semaphore_mem>>)
    %dma_wait3A_59 = arith.constant 0 : i32
    %dma_wait3A_60 = tpu.memref_slice %arg7[%add3A_54, %dma_wait3A_59] : memref<10000x16xf32, #tpu.memory_space<vmem_shared>> -> memref<40x16xf32, #tpu.memory_space<vmem_shared>>
    %dma_wait3A_61 = arith.constant 0 : i32
    %dma_wait3A_62 = tpu.memref_slice %arg7[%add3A_54, %dma_wait3A_61] : memref<10000x16xf32, #tpu.memory_space<vmem_shared>> -> memref<40x16xf32, #tpu.memory_space<vmem_shared>>
    tpu.wait_dma2 semaphore(%arg13 : memref<!tpu.dma_semaphore, #tpu.memory_space<semaphore_mem>>) src(%arg6 : memref<40x16xf32, #tpu.memory_space<vmem>>) dst(%dma_wait3A_62 : memref<40x16xf32, #tpu.memory_space<vmem_shared>>)
    %add3A_63 = arith.constant 200 : i32
    %add3A_64 = arith.addi %mul3A_14, %add3A_63 : i32
    %dma_start3A_65 = arith.constant 0 : i32
    %dma_start3A_66 = tpu.memref_slice %arg7[%add3A_64, %dma_start3A_65] : memref<10000x16xf32, #tpu.memory_space<vmem_shared>> -> memref<40x16xf32, #tpu.memory_space<vmem_shared>>
    %dma_start3A_67 = arith.constant 0 : i32
    %dma_start3A_68 = tpu.memref_slice %arg7[%add3A_64, %dma_start3A_67] : memref<10000x16xf32, #tpu.memory_space<vmem_shared>> -> memref<40x16xf32, #tpu.memory_space<vmem_shared>>
    tpu.enqueue_dma source(%arg6 : memref<40x16xf32, #tpu.memory_space<vmem>>) target(%dma_start3A_68 : memref<40x16xf32, #tpu.memory_space<vmem_shared>>) target_semaphore(%arg13 : memref<!tpu.dma_semaphore, #tpu.memory_space<semaphore_mem>>)
    %dma_wait3A_69 = arith.constant 0 : i32
    %dma_wait3A_70 = tpu.memref_slice %arg7[%add3A_64, %dma_wait3A_69] : memref<10000x16xf32, #tpu.memory_space<vmem_shared>> -> memref<40x16xf32, #tpu.memory_space<vmem_shared>>
    %dma_wait3A_71 = arith.constant 0 : i32
    %dma_wait3A_72 = tpu.memref_slice %arg7[%add3A_64, %dma_wait3A_71] : memref<10000x16xf32, #tpu.memory_space<vmem_shared>> -> memref<40x16xf32, #tpu.memory_space<vmem_shared>>
    tpu.wait_dma2 semaphore(%arg13 : memref<!tpu.dma_semaphore, #tpu.memory_space<semaphore_mem>>) src(%arg6 : memref<40x16xf32, #tpu.memory_space<vmem>>) dst(%dma_wait3A_72 : memref<40x16xf32, #tpu.memory_space<vmem_shared>>)
    %add3A_73 = arith.constant 240 : i32
    %add3A_74 = arith.addi %mul3A_14, %add3A_73 : i32
    %dma_start3A_75 = arith.constant 0 : i32
    %dma_start3A_76 = tpu.memref_slice %arg7[%add3A_74, %dma_start3A_75] : memref<10000x16xf32, #tpu.memory_space<vmem_shared>> -> memref<40x16xf32, #tpu.memory_space<vmem_shared>>
    %dma_start3A_77 = arith.constant 0 : i32
    %dma_start3A_78 = tpu.memref_slice %arg7[%add3A_74, %dma_start3A_77] : memref<10000x16xf32, #tpu.memory_space<vmem_shared>> -> memref<40x16xf32, #tpu.memory_space<vmem_shared>>
    tpu.enqueue_dma source(%arg6 : memref<40x16xf32, #tpu.memory_space<vmem>>) target(%dma_start3A_78 : memref<40x16xf32, #tpu.memory_space<vmem_shared>>) target_semaphore(%arg13 : memref<!tpu.dma_semaphore, #tpu.memory_space<semaphore_mem>>)
    %dma_wait3A_79 = arith.constant 0 : i32
    %dma_wait3A_80 = tpu.memref_slice %arg7[%add3A_74, %dma_wait3A_79] : memref<10000x16xf32, #tpu.memory_space<vmem_shared>> -> memref<40x16xf32, #tpu.memory_space<vmem_shared>>
    %dma_wait3A_81 = arith.constant 0 : i32
    %dma_wait3A_82 = tpu.memref_slice %arg7[%add3A_74, %dma_wait3A_81] : memref<10000x16xf32, #tpu.memory_space<vmem_shared>> -> memref<40x16xf32, #tpu.memory_space<vmem_shared>>
    tpu.wait_dma2 semaphore(%arg13 : memref<!tpu.dma_semaphore, #tpu.memory_space<semaphore_mem>>) src(%arg6 : memref<40x16xf32, #tpu.memory_space<vmem>>) dst(%dma_wait3A_82 : memref<40x16xf32, #tpu.memory_space<vmem_shared>>)
    %add3A_83 = arith.constant 280 : i32
    %add3A_84 = arith.addi %mul3A_14, %add3A_83 : i32
    %dma_start3A_85 = arith.constant 0 : i32
    %dma_start3A_86 = tpu.memref_slice %arg7[%add3A_84, %dma_start3A_85] : memref<10000x16xf32, #tpu.memory_space<vmem_shared>> -> memref<40x16xf32, #tpu.memory_space<vmem_shared>>
    %dma_start3A_87 = arith.constant 0 : i32
    %dma_start3A_88 = tpu.memref_slice %arg7[%add3A_84, %dma_start3A_87] : memref<10000x16xf32, #tpu.memory_space<vmem_shared>> -> memref<40x16xf32, #tpu.memory_space<vmem_shared>>
    tpu.enqueue_dma source(%arg6 : memref<40x16xf32, #tpu.memory_space<vmem>>) target(%dma_start3A_88 : memref<40x16xf32, #tpu.memory_space<vmem_shared>>) target_semaphore(%arg13 : memref<!tpu.dma_semaphore, #tpu.memory_space<semaphore_mem>>)
    %dma_wait3A_89 = arith.constant 0 : i32
    %dma_wait3A_90 = tpu.memref_slice %arg7[%add3A_84, %dma_wait3A_89] : memref<10000x16xf32, #tpu.memory_space<vmem_shared>> -> memref<40x16xf32, #tpu.memory_space<vmem_shared>>
    %dma_wait3A_91 = arith.constant 0 : i32
    %dma_wait3A_92 = tpu.memref_slice %arg7[%add3A_84, %dma_wait3A_91] : memref<10000x16xf32, #tpu.memory_space<vmem_shared>> -> memref<40x16xf32, #tpu.memory_space<vmem_shared>>
    tpu.wait_dma2 semaphore(%arg13 : memref<!tpu.dma_semaphore, #tpu.memory_space<semaphore_mem>>) src(%arg6 : memref<40x16xf32, #tpu.memory_space<vmem>>) dst(%dma_wait3A_92 : memref<40x16xf32, #tpu.memory_space<vmem_shared>>)
    %add3A_93 = arith.constant 320 : i32
    %add3A_94 = arith.addi %mul3A_14, %add3A_93 : i32
    %dma_start3A_95 = arith.constant 0 : i32
    %dma_start3A_96 = tpu.memref_slice %arg7[%add3A_94, %dma_start3A_95] : memref<10000x16xf32, #tpu.memory_space<vmem_shared>> -> memref<40x16xf32, #tpu.memory_space<vmem_shared>>
    %dma_start3A_97 = arith.constant 0 : i32
    %dma_start3A_98 = tpu.memref_slice %arg7[%add3A_94, %dma_start3A_97] : memref<10000x16xf32, #tpu.memory_space<vmem_shared>> -> memref<40x16xf32, #tpu.memory_space<vmem_shared>>
    tpu.enqueue_dma source(%arg6 : memref<40x16xf32, #tpu.memory_space<vmem>>) target(%dma_start3A_98 : memref<40x16xf32, #tpu.memory_space<vmem_shared>>) target_semaphore(%arg13 : memref<!tpu.dma_semaphore, #tpu.memory_space<semaphore_mem>>)
    %dma_wait3A_99 = arith.constant 0 : i32
    %dma_wait3A_100 = tpu.memref_slice %arg7[%add3A_94, %dma_wait3A_99] : memref<10000x16xf32, #tpu.memory_space<vmem_shared>> -> memref<40x16xf32, #tpu.memory_space<vmem_shared>>
    %dma_wait3A_101 = arith.constant 0 : i32
    %dma_wait3A_102 = tpu.memref_slice %arg7[%add3A_94, %dma_wait3A_101] : memref<10000x16xf32, #tpu.memory_space<vmem_shared>> -> memref<40x16xf32, #tpu.memory_space<vmem_shared>>
    tpu.wait_dma2 semaphore(%arg13 : memref<!tpu.dma_semaphore, #tpu.memory_space<semaphore_mem>>) src(%arg6 : memref<40x16xf32, #tpu.memory_space<vmem>>) dst(%dma_wait3A_102 : memref<40x16xf32, #tpu.memory_space<vmem_shared>>)
    %add3A_103 = arith.constant 360 : i32
    %add3A_104 = arith.addi %mul3A_14, %add3A_103 : i32
    %dma_start3A_105 = arith.constant 0 : i32
    %dma_start3A_106 = tpu.memref_slice %arg7[%add3A_104, %dma_start3A_105] : memref<10000x16xf32, #tpu.memory_space<vmem_shared>> -> memref<40x16xf32, #tpu.memory_space<vmem_shared>>
    %dma_start3A_107 = arith.constant 0 : i32
    %dma_start3A_108 = tpu.memref_slice %arg7[%add3A_104, %dma_start3A_107] : memref<10000x16xf32, #tpu.memory_space<vmem_shared>> -> memref<40x16xf32, #tpu.memory_space<vmem_shared>>
    tpu.enqueue_dma source(%arg6 : memref<40x16xf32, #tpu.memory_space<vmem>>) target(%dma_start3A_108 : memref<40x16xf32, #tpu.memory_space<vmem_shared>>) target_semaphore(%arg13 : memref<!tpu.dma_semaphore, #tpu.memory_space<semaphore_mem>>)
    %dma_wait3A_109 = arith.constant 0 : i32
    %dma_wait3A_110 = tpu.memref_slice %arg7[%add3A_104, %dma_wait3A_109] : memref<10000x16xf32, #tpu.memory_space<vmem_shared>> -> memref<40x16xf32, #tpu.memory_space<vmem_shared>>
    %dma_wait3A_111 = arith.constant 0 : i32
    %dma_wait3A_112 = tpu.memref_slice %arg7[%add3A_104, %dma_wait3A_111] : memref<10000x16xf32, #tpu.memory_space<vmem_shared>> -> memref<40x16xf32, #tpu.memory_space<vmem_shared>>
    tpu.wait_dma2 semaphore(%arg13 : memref<!tpu.dma_semaphore, #tpu.memory_space<semaphore_mem>>) src(%arg6 : memref<40x16xf32, #tpu.memory_space<vmem>>) dst(%dma_wait3A_112 : memref<40x16xf32, #tpu.memory_space<vmem_shared>>)
    %add3A_113 = arith.constant 400 : i32
    %add3A_114 = arith.addi %mul3A_14, %add3A_113 : i32
    %dma_start3A_115 = arith.constant 0 : i32
    %dma_start3A_116 = tpu.memref_slice %arg7[%add3A_114, %dma_start3A_115] : memref<10000x16xf32, #tpu.memory_space<vmem_shared>> -> memref<40x16xf32, #tpu.memory_space<vmem_shared>>
    %dma_start3A_117 = arith.constant 0 : i32
    %dma_start3A_118 = tpu.memref_slice %arg7[%add3A_114, %dma_start3A_117] : memref<10000x16xf32, #tpu.memory_space<vmem_shared>> -> memref<40x16xf32, #tpu.memory_space<vmem_shared>>
    tpu.enqueue_dma source(%arg6 : memref<40x16xf32, #tpu.memory_space<vmem>>) target(%dma_start3A_118 : memref<40x16xf32, #tpu.memory_space<vmem_shared>>) target_semaphore(%arg13 : memref<!tpu.dma_semaphore, #tpu.memory_space<semaphore_mem>>)
    %dma_wait3A_119 = arith.constant 0 : i32
    %dma_wait3A_120 = tpu.memref_slice %arg7[%add3A_114, %dma_wait3A_119] : memref<10000x16xf32, #tpu.memory_space<vmem_shared>> -> memref<40x16xf32, #tpu.memory_space<vmem_shared>>
    %dma_wait3A_121 = arith.constant 0 : i32
    %dma_wait3A_122 = tpu.memref_slice %arg7[%add3A_114, %dma_wait3A_121] : memref<10000x16xf32, #tpu.memory_space<vmem_shared>> -> memref<40x16xf32, #tpu.memory_space<vmem_shared>>
    tpu.wait_dma2 semaphore(%arg13 : memref<!tpu.dma_semaphore, #tpu.memory_space<semaphore_mem>>) src(%arg6 : memref<40x16xf32, #tpu.memory_space<vmem>>) dst(%dma_wait3A_122 : memref<40x16xf32, #tpu.memory_space<vmem_shared>>)
    %add3A_123 = arith.constant 440 : i32
    %add3A_124 = arith.addi %mul3A_14, %add3A_123 : i32
    %dma_start3A_125 = arith.constant 0 : i32
    %dma_start3A_126 = tpu.memref_slice %arg7[%add3A_124, %dma_start3A_125] : memref<10000x16xf32, #tpu.memory_space<vmem_shared>> -> memref<40x16xf32, #tpu.memory_space<vmem_shared>>
    %dma_start3A_127 = arith.constant 0 : i32
    %dma_start3A_128 = tpu.memref_slice %arg7[%add3A_124, %dma_start3A_127] : memref<10000x16xf32, #tpu.memory_space<vmem_shared>> -> memref<40x16xf32, #tpu.memory_space<vmem_shared>>
    tpu.enqueue_dma source(%arg6 : memref<40x16xf32, #tpu.memory_space<vmem>>) target(%dma_start3A_128 : memref<40x16xf32, #tpu.memory_space<vmem_shared>>) target_semaphore(%arg13 : memref<!tpu.dma_semaphore, #tpu.memory_space<semaphore_mem>>)
    %dma_wait3A_129 = arith.constant 0 : i32
    %dma_wait3A_130 = tpu.memref_slice %arg7[%add3A_124, %dma_wait3A_129] : memref<10000x16xf32, #tpu.memory_space<vmem_shared>> -> memref<40x16xf32, #tpu.memory_space<vmem_shared>>
    %dma_wait3A_131 = arith.constant 0 : i32
    %dma_wait3A_132 = tpu.memref_slice %arg7[%add3A_124, %dma_wait3A_131] : memref<10000x16xf32, #tpu.memory_space<vmem_shared>> -> memref<40x16xf32, #tpu.memory_space<vmem_shared>>
    tpu.wait_dma2 semaphore(%arg13 : memref<!tpu.dma_semaphore, #tpu.memory_space<semaphore_mem>>) src(%arg6 : memref<40x16xf32, #tpu.memory_space<vmem>>) dst(%dma_wait3A_132 : memref<40x16xf32, #tpu.memory_space<vmem_shared>>)
    %add3A_133 = arith.constant 480 : i32
    %add3A_134 = arith.addi %mul3A_14, %add3A_133 : i32
    %dma_start3A_135 = arith.constant 0 : i32
    %dma_start3A_136 = tpu.memref_slice %arg7[%add3A_134, %dma_start3A_135] : memref<10000x16xf32, #tpu.memory_space<vmem_shared>> -> memref<40x16xf32, #tpu.memory_space<vmem_shared>>
    %dma_start3A_137 = arith.constant 0 : i32
    %dma_start3A_138 = tpu.memref_slice %arg7[%add3A_134, %dma_start3A_137] : memref<10000x16xf32, #tpu.memory_space<vmem_shared>> -> memref<40x16xf32, #tpu.memory_space<vmem_shared>>
    tpu.enqueue_dma source(%arg6 : memref<40x16xf32, #tpu.memory_space<vmem>>) target(%dma_start3A_138 : memref<40x16xf32, #tpu.memory_space<vmem_shared>>) target_semaphore(%arg13 : memref<!tpu.dma_semaphore, #tpu.memory_space<semaphore_mem>>)
    %dma_wait3A_139 = arith.constant 0 : i32
    %dma_wait3A_140 = tpu.memref_slice %arg7[%add3A_134, %dma_wait3A_139] : memref<10000x16xf32, #tpu.memory_space<vmem_shared>> -> memref<40x16xf32, #tpu.memory_space<vmem_shared>>
    %dma_wait3A_141 = arith.constant 0 : i32
    %dma_wait3A_142 = tpu.memref_slice %arg7[%add3A_134, %dma_wait3A_141] : memref<10000x16xf32, #tpu.memory_space<vmem_shared>> -> memref<40x16xf32, #tpu.memory_space<vmem_shared>>
    tpu.wait_dma2 semaphore(%arg13 : memref<!tpu.dma_semaphore, #tpu.memory_space<semaphore_mem>>) src(%arg6 : memref<40x16xf32, #tpu.memory_space<vmem>>) dst(%dma_wait3A_142 : memref<40x16xf32, #tpu.memory_space<vmem_shared>>)
    %add3A_143 = arith.constant 520 : i32
    %add3A_144 = arith.addi %mul3A_14, %add3A_143 : i32
    %dma_start3A_145 = arith.constant 0 : i32
    %dma_start3A_146 = tpu.memref_slice %arg7[%add3A_144, %dma_start3A_145] : memref<10000x16xf32, #tpu.memory_space<vmem_shared>> -> memref<40x16xf32, #tpu.memory_space<vmem_shared>>
    %dma_start3A_147 = arith.constant 0 : i32
    %dma_start3A_148 = tpu.memref_slice %arg7[%add3A_144, %dma_start3A_147] : memref<10000x16xf32, #tpu.memory_space<vmem_shared>> -> memref<40x16xf32, #tpu.memory_space<vmem_shared>>
    tpu.enqueue_dma source(%arg6 : memref<40x16xf32, #tpu.memory_space<vmem>>) target(%dma_start3A_148 : memref<40x16xf32, #tpu.memory_space<vmem_shared>>) target_semaphore(%arg13 : memref<!tpu.dma_semaphore, #tpu.memory_space<semaphore_mem>>)
    %dma_wait3A_149 = arith.constant 0 : i32
    %dma_wait3A_150 = tpu.memref_slice %arg7[%add3A_144, %dma_wait3A_149] : memref<10000x16xf32, #tpu.memory_space<vmem_shared>> -> memref<40x16xf32, #tpu.memory_space<vmem_shared>>
    %dma_wait3A_151 = arith.constant 0 : i32
    %dma_wait3A_152 = tpu.memref_slice %arg7[%add3A_144, %dma_wait3A_151] : memref<10000x16xf32, #tpu.memory_space<vmem_shared>> -> memref<40x16xf32, #tpu.memory_space<vmem_shared>>
    tpu.wait_dma2 semaphore(%arg13 : memref<!tpu.dma_semaphore, #tpu.memory_space<semaphore_mem>>) src(%arg6 : memref<40x16xf32, #tpu.memory_space<vmem>>) dst(%dma_wait3A_152 : memref<40x16xf32, #tpu.memory_space<vmem_shared>>)
    %add3A_153 = arith.constant 560 : i32
    %add3A_154 = arith.addi %mul3A_14, %add3A_153 : i32
    %dma_start3A_155 = arith.constant 0 : i32
    %dma_start3A_156 = tpu.memref_slice %arg7[%add3A_154, %dma_start3A_155] : memref<10000x16xf32, #tpu.memory_space<vmem_shared>> -> memref<40x16xf32, #tpu.memory_space<vmem_shared>>
    %dma_start3A_157 = arith.constant 0 : i32
    %dma_start3A_158 = tpu.memref_slice %arg7[%add3A_154, %dma_start3A_157] : memref<10000x16xf32, #tpu.memory_space<vmem_shared>> -> memref<40x16xf32, #tpu.memory_space<vmem_shared>>
    tpu.enqueue_dma source(%arg6 : memref<40x16xf32, #tpu.memory_space<vmem>>) target(%dma_start3A_158 : memref<40x16xf32, #tpu.memory_space<vmem_shared>>) target_semaphore(%arg13 : memref<!tpu.dma_semaphore, #tpu.memory_space<semaphore_mem>>)
    %dma_wait3A_159 = arith.constant 0 : i32
    %dma_wait3A_160 = tpu.memref_slice %arg7[%add3A_154, %dma_wait3A_159] : memref<10000x16xf32, #tpu.memory_space<vmem_shared>> -> memref<40x16xf32, #tpu.memory_space<vmem_shared>>
    %dma_wait3A_161 = arith.constant 0 : i32
    %dma_wait3A_162 = tpu.memref_slice %arg7[%add3A_154, %dma_wait3A_161] : memref<10000x16xf32, #tpu.memory_space<vmem_shared>> -> memref<40x16xf32, #tpu.memory_space<vmem_shared>>
    tpu.wait_dma2 semaphore(%arg13 : memref<!tpu.dma_semaphore, #tpu.memory_space<semaphore_mem>>) src(%arg6 : memref<40x16xf32, #tpu.memory_space<vmem>>) dst(%dma_wait3A_162 : memref<40x16xf32, #tpu.memory_space<vmem_shared>>)
    %add3A_163 = arith.constant 600 : i32
    %add3A_164 = arith.addi %mul3A_14, %add3A_163 : i32
    %dma_start3A_165 = arith.constant 0 : i32
    %dma_start3A_166 = tpu.memref_slice %arg7[%add3A_164, %dma_start3A_165] : memref<10000x16xf32, #tpu.memory_space<vmem_shared>> -> memref<40x16xf32, #tpu.memory_space<vmem_shared>>
    %dma_start3A_167 = arith.constant 0 : i32
    %dma_start3A_168 = tpu.memref_slice %arg7[%add3A_164, %dma_start3A_167] : memref<10000x16xf32, #tpu.memory_space<vmem_shared>> -> memref<40x16xf32, #tpu.memory_space<vmem_shared>>
    tpu.enqueue_dma source(%arg6 : memref<40x16xf32, #tpu.memory_space<vmem>>) target(%dma_start3A_168 : memref<40x16xf32, #tpu.memory_space<vmem_shared>>) target_semaphore(%arg13 : memref<!tpu.dma_semaphore, #tpu.memory_space<semaphore_mem>>)
    %dma_wait3A_169 = arith.constant 0 : i32
    %dma_wait3A_170 = tpu.memref_slice %arg7[%add3A_164, %dma_wait3A_169] : memref<10000x16xf32, #tpu.memory_space<vmem_shared>> -> memref<40x16xf32, #tpu.memory_space<vmem_shared>>
    %dma_wait3A_171 = arith.constant 0 : i32
    %dma_wait3A_172 = tpu.memref_slice %arg7[%add3A_164, %dma_wait3A_171] : memref<10000x16xf32, #tpu.memory_space<vmem_shared>> -> memref<40x16xf32, #tpu.memory_space<vmem_shared>>
    tpu.wait_dma2 semaphore(%arg13 : memref<!tpu.dma_semaphore, #tpu.memory_space<semaphore_mem>>) src(%arg6 : memref<40x16xf32, #tpu.memory_space<vmem>>) dst(%dma_wait3A_172 : memref<40x16xf32, #tpu.memory_space<vmem_shared>>)
    %barrier3A = arith.constant 0 : index
    tpu.barrier barrier_id(%barrier3A)
    %dma_start3A_173 = arith.constant 0 : i32
    %dma_start3A_174 = arith.constant 0 : i32
    %dma_start3A_175 = tpu.memref_slice %arg4[%dma_start3A_173, %dma_start3A_174] : memref<125x80xi32, #tpu.memory_space<vmem>> -> memref<1x80xi32, #tpu.memory_space<vmem>>
    %dma_start3A_176 = tpu.memref_squeeze %dma_start3A_175 : memref<1x80xi32, #tpu.memory_space<vmem>> -> memref<80xi32, #tpu.memory_space<vmem>>
    %dma_start3A_177 = arith.constant 0 : i32
    %dma_start3A_178 = arith.constant 0 : i32
    %dma_start3A_179 = tpu.memref_slice %arg7[%dma_start3A_177, %dma_start3A_178] : memref<10000x16xf32, #tpu.memory_space<vmem_shared>> -> memref<10000x16xf32, #tpu.memory_space<vmem_shared>>
    tpu.enqueue_indirect_dma source(%arg5 : memref<80x16xf32, #tpu.memory_space<vmem>>) target(%dma_start3A_179 : memref<10000x16xf32, #tpu.memory_space<vmem_shared>>) offsets(%dma_start3A_176 : memref<80xi32, #tpu.memory_space<vmem>>) semaphore(%arg8 : memref<!tpu.dma_semaphore, #tpu.memory_space<semaphore_mem>>) {add = true}
    %dma_start3A_180 = arith.constant 1 : i32
    %dma_start3A_181 = arith.constant 0 : i32
    %dma_start3A_182 = tpu.memref_slice %arg4[%dma_start3A_180, %dma_start3A_181] : memref<125x80xi32, #tpu.memory_space<vmem>> -> memref<1x80xi32, #tpu.memory_space<vmem>>
    %dma_start3A_183 = tpu.memref_squeeze %dma_start3A_182 : memref<1x80xi32, #tpu.memory_space<vmem>> -> memref<80xi32, #tpu.memory_space<vmem>>
    %dma_start3A_184 = arith.constant 0 : i32
    %dma_start3A_185 = arith.constant 0 : i32
    %dma_start3A_186 = tpu.memref_slice %arg7[%dma_start3A_184, %dma_start3A_185] : memref<10000x16xf32, #tpu.memory_space<vmem_shared>> -> memref<10000x16xf32, #tpu.memory_space<vmem_shared>>
    tpu.enqueue_indirect_dma source(%arg5 : memref<80x16xf32, #tpu.memory_space<vmem>>) target(%dma_start3A_186 : memref<10000x16xf32, #tpu.memory_space<vmem_shared>>) offsets(%dma_start3A_183 : memref<80xi32, #tpu.memory_space<vmem>>) semaphore(%arg9 : memref<!tpu.dma_semaphore, #tpu.memory_space<semaphore_mem>>) {add = true}
    %dma_start3A_187 = arith.constant 2 : i32
    %dma_start3A_188 = arith.constant 0 : i32
    %dma_start3A_189 = tpu.memref_slice %arg4[%dma_start3A_187, %dma_start3A_188] : memref<125x80xi32, #tpu.memory_space<vmem>> -> memref<1x80xi32, #tpu.memory_space<vmem>>
    %dma_start3A_190 = tpu.memref_squeeze %dma_start3A_189 : memref<1x80xi32, #tpu.memory_space<vmem>> -> memref<80xi32, #tpu.memory_space<vmem>>
    %dma_start3A_191 = arith.constant 0 : i32
    %dma_start3A_192 = arith.constant 0 : i32
    %dma_start3A_193 = tpu.memref_slice %arg7[%dma_start3A_191, %dma_start3A_192] : memref<10000x16xf32, #tpu.memory_space<vmem_shared>> -> memref<10000x16xf32, #tpu.memory_space<vmem_shared>>
    tpu.enqueue_indirect_dma source(%arg5 : memref<80x16xf32, #tpu.memory_space<vmem>>) target(%dma_start3A_193 : memref<10000x16xf32, #tpu.memory_space<vmem_shared>>) offsets(%dma_start3A_190 : memref<80xi32, #tpu.memory_space<vmem>>) semaphore(%arg10 : memref<!tpu.dma_semaphore, #tpu.memory_space<semaphore_mem>>) {add = true}
    %dma_start3A_194 = arith.constant 3 : i32
    %dma_start3A_195 = arith.constant 0 : i32
    %dma_start3A_196 = tpu.memref_slice %arg4[%dma_start3A_194, %dma_start3A_195] : memref<125x80xi32, #tpu.memory_space<vmem>> -> memref<1x80xi32, #tpu.memory_space<vmem>>
    %dma_start3A_197 = tpu.memref_squeeze %dma_start3A_196 : memref<1x80xi32, #tpu.memory_space<vmem>> -> memref<80xi32, #tpu.memory_space<vmem>>
    %dma_start3A_198 = arith.constant 0 : i32
    %dma_start3A_199 = arith.constant 0 : i32
    %dma_start3A_200 = tpu.memref_slice %arg7[%dma_start3A_198, %dma_start3A_199] : memref<10000x16xf32, #tpu.memory_space<vmem_shared>> -> memref<10000x16xf32, #tpu.memory_space<vmem_shared>>
    tpu.enqueue_indirect_dma source(%arg5 : memref<80x16xf32, #tpu.memory_space<vmem>>) target(%dma_start3A_200 : memref<10000x16xf32, #tpu.memory_space<vmem_shared>>) offsets(%dma_start3A_197 : memref<80xi32, #tpu.memory_space<vmem>>) semaphore(%arg11 : memref<!tpu.dma_semaphore, #tpu.memory_space<semaphore_mem>>) {add = true}
    %dma_start3A_201 = arith.constant 4 : i32
    %dma_start3A_202 = arith.constant 0 : i32
    %dma_start3A_203 = tpu.memref_slice %arg4[%dma_start3A_201, %dma_start3A_202] : memref<125x80xi32, #tpu.memory_space<vmem>> -> memref<1x80xi32, #tpu.memory_space<vmem>>
    %dma_start3A_204 = tpu.memref_squeeze %dma_start3A_203 : memref<1x80xi32, #tpu.memory_space<vmem>> -> memref<80xi32, #tpu.memory_space<vmem>>
    %dma_start3A_205 = arith.constant 0 : i32
    %dma_start3A_206 = arith.constant 0 : i32
    %dma_start3A_207 = tpu.memref_slice %arg7[%dma_start3A_205, %dma_start3A_206] : memref<10000x16xf32, #tpu.memory_space<vmem_shared>> -> memref<10000x16xf32, #tpu.memory_space<vmem_shared>>
    tpu.enqueue_indirect_dma source(%arg5 : memref<80x16xf32, #tpu.memory_space<vmem>>) target(%dma_start3A_207 : memref<10000x16xf32, #tpu.memory_space<vmem_shared>>) offsets(%dma_start3A_204 : memref<80xi32, #tpu.memory_space<vmem>>) semaphore(%arg12 : memref<!tpu.dma_semaphore, #tpu.memory_space<semaphore_mem>>) {add = true}
    %scan3A_208 = arith.constant 0 : i32
    %scan3A_209 = arith.constant 24 : i32
    %scan3A_210 = arith.addi %scan3A_208, %scan3A_209 : i32
    %scan3A_211 = arith.constant 1 : i32
    scf.for %scan3A_263 = %scan3A_208 to %scan3A_210 step %scan3A_211  : i32 {
      %mul3A_264 = arith.constant 1 : i32
      %mul3A_265 = arith.muli %scan3A_263, %mul3A_264 : i32
      %add3A_266 = arith.constant 0 : i32
      %add3A_267 = arith.addi %add3A_266, %mul3A_265 : i32
      %mul3A_268 = arith.constant 5 : i32
      %mul3A_269 = arith.muli %add3A_267, %mul3A_268 : i32
      %add3A_270 = arith.constant 0 : i32
      %add3A_271 = arith.addi %mul3A_269, %add3A_270 : i32
      %dma_wait3A_272 = arith.constant 0 : i32
      %dma_wait3A_273 = tpu.memref_slice %arg4[%add3A_271, %dma_wait3A_272] : memref<125x80xi32, #tpu.memory_space<vmem>> -> memref<1x80xi32, #tpu.memory_space<vmem>>
      %dma_wait3A_274 = tpu.memref_squeeze %dma_wait3A_273 : memref<1x80xi32, #tpu.memory_space<vmem>> -> memref<80xi32, #tpu.memory_space<vmem>>
      %dma_wait3A_275 = arith.constant 0 : i32
      %dma_wait3A_276 = arith.constant 0 : i32
      %dma_wait3A_277 = tpu.memref_slice %arg7[%dma_wait3A_275, %dma_wait3A_276] : memref<10000x16xf32, #tpu.memory_space<vmem_shared>> -> memref<10000x16xf32, #tpu.memory_space<vmem_shared>>
      tpu.wait_indirect_dma semaphore(%arg8 : memref<!tpu.dma_semaphore, #tpu.memory_space<semaphore_mem>>) src(%arg5 : memref<80x16xf32, #tpu.memory_space<vmem>>) dst(%dma_wait3A_277 : memref<10000x16xf32, #tpu.memory_space<vmem_shared>>)
      %add3A_278 = arith.constant 5 : i32
      %add3A_279 = arith.addi %mul3A_269, %add3A_278 : i32
      %add3A_280 = arith.constant 0 : i32
      %add3A_281 = arith.addi %add3A_279, %add3A_280 : i32
      %dma_start3A_282 = arith.constant 0 : i32
      %dma_start3A_283 = tpu.memref_slice %arg4[%add3A_281, %dma_start3A_282] : memref<125x80xi32, #tpu.memory_space<vmem>> -> memref<1x80xi32, #tpu.memory_space<vmem>>
      %dma_start3A_284 = tpu.memref_squeeze %dma_start3A_283 : memref<1x80xi32, #tpu.memory_space<vmem>> -> memref<80xi32, #tpu.memory_space<vmem>>
      %dma_start3A_285 = arith.constant 0 : i32
      %dma_start3A_286 = arith.constant 0 : i32
      %dma_start3A_287 = tpu.memref_slice %arg7[%dma_start3A_285, %dma_start3A_286] : memref<10000x16xf32, #tpu.memory_space<vmem_shared>> -> memref<10000x16xf32, #tpu.memory_space<vmem_shared>>
      tpu.enqueue_indirect_dma source(%arg5 : memref<80x16xf32, #tpu.memory_space<vmem>>) target(%dma_start3A_287 : memref<10000x16xf32, #tpu.memory_space<vmem_shared>>) offsets(%dma_start3A_284 : memref<80xi32, #tpu.memory_space<vmem>>) semaphore(%arg8 : memref<!tpu.dma_semaphore, #tpu.memory_space<semaphore_mem>>) {add = true}
      %add3A_288 = arith.constant 1 : i32
      %add3A_289 = arith.addi %mul3A_269, %add3A_288 : i32
      %dma_wait3A_290 = arith.constant 0 : i32
      %dma_wait3A_291 = tpu.memref_slice %arg4[%add3A_289, %dma_wait3A_290] : memref<125x80xi32, #tpu.memory_space<vmem>> -> memref<1x80xi32, #tpu.memory_space<vmem>>
      %dma_wait3A_292 = tpu.memref_squeeze %dma_wait3A_291 : memref<1x80xi32, #tpu.memory_space<vmem>> -> memref<80xi32, #tpu.memory_space<vmem>>
      %dma_wait3A_293 = arith.constant 0 : i32
      %dma_wait3A_294 = arith.constant 0 : i32
      %dma_wait3A_295 = tpu.memref_slice %arg7[%dma_wait3A_293, %dma_wait3A_294] : memref<10000x16xf32, #tpu.memory_space<vmem_shared>> -> memref<10000x16xf32, #tpu.memory_space<vmem_shared>>
      tpu.wait_indirect_dma semaphore(%arg9 : memref<!tpu.dma_semaphore, #tpu.memory_space<semaphore_mem>>) src(%arg5 : memref<80x16xf32, #tpu.memory_space<vmem>>) dst(%dma_wait3A_295 : memref<10000x16xf32, #tpu.memory_space<vmem_shared>>)
      %add3A_296 = arith.constant 5 : i32
      %add3A_297 = arith.addi %mul3A_269, %add3A_296 : i32
      %add3A_298 = arith.constant 1 : i32
      %add3A_299 = arith.addi %add3A_297, %add3A_298 : i32
      %dma_start3A_300 = arith.constant 0 : i32
      %dma_start3A_301 = tpu.memref_slice %arg4[%add3A_299, %dma_start3A_300] : memref<125x80xi32, #tpu.memory_space<vmem>> -> memref<1x80xi32, #tpu.memory_space<vmem>>
      %dma_start3A_302 = tpu.memref_squeeze %dma_start3A_301 : memref<1x80xi32, #tpu.memory_space<vmem>> -> memref<80xi32, #tpu.memory_space<vmem>>
      %dma_start3A_303 = arith.constant 0 : i32
      %dma_start3A_304 = arith.constant 0 : i32
      %dma_start3A_305 = tpu.memref_slice %arg7[%dma_start3A_303, %dma_start3A_304] : memref<10000x16xf32, #tpu.memory_space<vmem_shared>> -> memref<10000x16xf32, #tpu.memory_space<vmem_shared>>
      tpu.enqueue_indirect_dma source(%arg5 : memref<80x16xf32, #tpu.memory_space<vmem>>) target(%dma_start3A_305 : memref<10000x16xf32, #tpu.memory_space<vmem_shared>>) offsets(%dma_start3A_302 : memref<80xi32, #tpu.memory_space<vmem>>) semaphore(%arg9 : memref<!tpu.dma_semaphore, #tpu.memory_space<semaphore_mem>>) {add = true}
      %add3A_306 = arith.constant 2 : i32
      %add3A_307 = arith.addi %mul3A_269, %add3A_306 : i32
      %dma_wait3A_308 = arith.constant 0 : i32
      %dma_wait3A_309 = tpu.memref_slice %arg4[%add3A_307, %dma_wait3A_308] : memref<125x80xi32, #tpu.memory_space<vmem>> -> memref<1x80xi32, #tpu.memory_space<vmem>>
      %dma_wait3A_310 = tpu.memref_squeeze %dma_wait3A_309 : memref<1x80xi32, #tpu.memory_space<vmem>> -> memref<80xi32, #tpu.memory_space<vmem>>
      %dma_wait3A_311 = arith.constant 0 : i32
      %dma_wait3A_312 = arith.constant 0 : i32
      %dma_wait3A_313 = tpu.memref_slice %arg7[%dma_wait3A_311, %dma_wait3A_312] : memref<10000x16xf32, #tpu.memory_space<vmem_shared>> -> memref<10000x16xf32, #tpu.memory_space<vmem_shared>>
      tpu.wait_indirect_dma semaphore(%arg10 : memref<!tpu.dma_semaphore, #tpu.memory_space<semaphore_mem>>) src(%arg5 : memref<80x16xf32, #tpu.memory_space<vmem>>) dst(%dma_wait3A_313 : memref<10000x16xf32, #tpu.memory_space<vmem_shared>>)
      %add3A_314 = arith.constant 5 : i32
      %add3A_315 = arith.addi %mul3A_269, %add3A_314 : i32
      %add3A_316 = arith.constant 2 : i32
      %add3A_317 = arith.addi %add3A_315, %add3A_316 : i32
      %dma_start3A_318 = arith.constant 0 : i32
      %dma_start3A_319 = tpu.memref_slice %arg4[%add3A_317, %dma_start3A_318] : memref<125x80xi32, #tpu.memory_space<vmem>> -> memref<1x80xi32, #tpu.memory_space<vmem>>
      %dma_start3A_320 = tpu.memref_squeeze %dma_start3A_319 : memref<1x80xi32, #tpu.memory_space<vmem>> -> memref<80xi32, #tpu.memory_space<vmem>>
      %dma_start3A_321 = arith.constant 0 : i32
      %dma_start3A_322 = arith.constant 0 : i32
      %dma_start3A_323 = tpu.memref_slice %arg7[%dma_start3A_321, %dma_start3A_322] : memref<10000x16xf32, #tpu.memory_space<vmem_shared>> -> memref<10000x16xf32, #tpu.memory_space<vmem_shared>>
      tpu.enqueue_indirect_dma source(%arg5 : memref<80x16xf32, #tpu.memory_space<vmem>>) target(%dma_start3A_323 : memref<10000x16xf32, #tpu.memory_space<vmem_shared>>) offsets(%dma_start3A_320 : memref<80xi32, #tpu.memory_space<vmem>>) semaphore(%arg10 : memref<!tpu.dma_semaphore, #tpu.memory_space<semaphore_mem>>) {add = true}
      %add3A_324 = arith.constant 3 : i32
      %add3A_325 = arith.addi %mul3A_269, %add3A_324 : i32
      %dma_wait3A_326 = arith.constant 0 : i32
      %dma_wait3A_327 = tpu.memref_slice %arg4[%add3A_325, %dma_wait3A_326] : memref<125x80xi32, #tpu.memory_space<vmem>> -> memref<1x80xi32, #tpu.memory_space<vmem>>
      %dma_wait3A_328 = tpu.memref_squeeze %dma_wait3A_327 : memref<1x80xi32, #tpu.memory_space<vmem>> -> memref<80xi32, #tpu.memory_space<vmem>>
      %dma_wait3A_329 = arith.constant 0 : i32
      %dma_wait3A_330 = arith.constant 0 : i32
      %dma_wait3A_331 = tpu.memref_slice %arg7[%dma_wait3A_329, %dma_wait3A_330] : memref<10000x16xf32, #tpu.memory_space<vmem_shared>> -> memref<10000x16xf32, #tpu.memory_space<vmem_shared>>
      tpu.wait_indirect_dma semaphore(%arg11 : memref<!tpu.dma_semaphore, #tpu.memory_space<semaphore_mem>>) src(%arg5 : memref<80x16xf32, #tpu.memory_space<vmem>>) dst(%dma_wait3A_331 : memref<10000x16xf32, #tpu.memory_space<vmem_shared>>)
      %add3A_332 = arith.constant 5 : i32
      %add3A_333 = arith.addi %mul3A_269, %add3A_332 : i32
      %add3A_334 = arith.constant 3 : i32
      %add3A_335 = arith.addi %add3A_333, %add3A_334 : i32
      %dma_start3A_336 = arith.constant 0 : i32
      %dma_start3A_337 = tpu.memref_slice %arg4[%add3A_335, %dma_start3A_336] : memref<125x80xi32, #tpu.memory_space<vmem>> -> memref<1x80xi32, #tpu.memory_space<vmem>>
      %dma_start3A_338 = tpu.memref_squeeze %dma_start3A_337 : memref<1x80xi32, #tpu.memory_space<vmem>> -> memref<80xi32, #tpu.memory_space<vmem>>
      %dma_start3A_339 = arith.constant 0 : i32
      %dma_start3A_340 = arith.constant 0 : i32
      %dma_start3A_341 = tpu.memref_slice %arg7[%dma_start3A_339, %dma_start3A_340] : memref<10000x16xf32, #tpu.memory_space<vmem_shared>> -> memref<10000x16xf32, #tpu.memory_space<vmem_shared>>
      tpu.enqueue_indirect_dma source(%arg5 : memref<80x16xf32, #tpu.memory_space<vmem>>) target(%dma_start3A_341 : memref<10000x16xf32, #tpu.memory_space<vmem_shared>>) offsets(%dma_start3A_338 : memref<80xi32, #tpu.memory_space<vmem>>) semaphore(%arg11 : memref<!tpu.dma_semaphore, #tpu.memory_space<semaphore_mem>>) {add = true}
      %add3A_342 = arith.constant 4 : i32
      %add3A_343 = arith.addi %mul3A_269, %add3A_342 : i32
      %dma_wait3A_344 = arith.constant 0 : i32
      %dma_wait3A_345 = tpu.memref_slice %arg4[%add3A_343, %dma_wait3A_344] : memref<125x80xi32, #tpu.memory_space<vmem>> -> memref<1x80xi32, #tpu.memory_space<vmem>>
      %dma_wait3A_346 = tpu.memref_squeeze %dma_wait3A_345 : memref<1x80xi32, #tpu.memory_space<vmem>> -> memref<80xi32, #tpu.memory_space<vmem>>
      %dma_wait3A_347 = arith.constant 0 : i32
      %dma_wait3A_348 = arith.constant 0 : i32
      %dma_wait3A_349 = tpu.memref_slice %arg7[%dma_wait3A_347, %dma_wait3A_348] : memref<10000x16xf32, #tpu.memory_space<vmem_shared>> -> memref<10000x16xf32, #tpu.memory_space<vmem_shared>>
      tpu.wait_indirect_dma semaphore(%arg12 : memref<!tpu.dma_semaphore, #tpu.memory_space<semaphore_mem>>) src(%arg5 : memref<80x16xf32, #tpu.memory_space<vmem>>) dst(%dma_wait3A_349 : memref<10000x16xf32, #tpu.memory_space<vmem_shared>>)
      %add3A_350 = arith.constant 5 : i32
      %add3A_351 = arith.addi %mul3A_269, %add3A_350 : i32
      %add3A_352 = arith.constant 4 : i32
      %add3A_353 = arith.addi %add3A_351, %add3A_352 : i32
      %dma_start3A_354 = arith.constant 0 : i32
      %dma_start3A_355 = tpu.memref_slice %arg4[%add3A_353, %dma_start3A_354] : memref<125x80xi32, #tpu.memory_space<vmem>> -> memref<1x80xi32, #tpu.memory_space<vmem>>
      %dma_start3A_356 = tpu.memref_squeeze %dma_start3A_355 : memref<1x80xi32, #tpu.memory_space<vmem>> -> memref<80xi32, #tpu.memory_space<vmem>>
      %dma_start3A_357 = arith.constant 0 : i32
      %dma_start3A_358 = arith.constant 0 : i32
      %dma_start3A_359 = tpu.memref_slice %arg7[%dma_start3A_357, %dma_start3A_358] : memref<10000x16xf32, #tpu.memory_space<vmem_shared>> -> memref<10000x16xf32, #tpu.memory_space<vmem_shared>>
      tpu.enqueue_indirect_dma source(%arg5 : memref<80x16xf32, #tpu.memory_space<vmem>>) target(%dma_start3A_359 : memref<10000x16xf32, #tpu.memory_space<vmem_shared>>) offsets(%dma_start3A_356 : memref<80xi32, #tpu.memory_space<vmem>>) semaphore(%arg12 : memref<!tpu.dma_semaphore, #tpu.memory_space<semaphore_mem>>) {add = true}
    }
    %scan3A_212 = arith.constant 24 : i32
    %dma_wait3A_213 = arith.constant 120 : i32
    %dma_wait3A_214 = arith.constant 0 : i32
    %dma_wait3A_215 = tpu.memref_slice %arg4[%dma_wait3A_213, %dma_wait3A_214] : memref<125x80xi32, #tpu.memory_space<vmem>> -> memref<1x80xi32, #tpu.memory_space<vmem>>
    %dma_wait3A_216 = tpu.memref_squeeze %dma_wait3A_215 : memref<1x80xi32, #tpu.memory_space<vmem>> -> memref<80xi32, #tpu.memory_space<vmem>>
    %dma_wait3A_217 = arith.constant 0 : i32
    %dma_wait3A_218 = arith.constant 0 : i32
    %dma_wait3A_219 = tpu.memref_slice %arg7[%dma_wait3A_217, %dma_wait3A_218] : memref<10000x16xf32, #tpu.memory_space<vmem_shared>> -> memref<10000x16xf32, #tpu.memory_space<vmem_shared>>
    tpu.wait_indirect_dma semaphore(%arg8 : memref<!tpu.dma_semaphore, #tpu.memory_space<semaphore_mem>>) src(%arg5 : memref<80x16xf32, #tpu.memory_space<vmem>>) dst(%dma_wait3A_219 : memref<10000x16xf32, #tpu.memory_space<vmem_shared>>)
    %dma_wait3A_220 = arith.constant 121 : i32
    %dma_wait3A_221 = arith.constant 0 : i32
    %dma_wait3A_222 = tpu.memref_slice %arg4[%dma_wait3A_220, %dma_wait3A_221] : memref<125x80xi32, #tpu.memory_space<vmem>> -> memref<1x80xi32, #tpu.memory_space<vmem>>
    %dma_wait3A_223 = tpu.memref_squeeze %dma_wait3A_222 : memref<1x80xi32, #tpu.memory_space<vmem>> -> memref<80xi32, #tpu.memory_space<vmem>>
    %dma_wait3A_224 = arith.constant 0 : i32
    %dma_wait3A_225 = arith.constant 0 : i32
    %dma_wait3A_226 = tpu.memref_slice %arg7[%dma_wait3A_224, %dma_wait3A_225] : memref<10000x16xf32, #tpu.memory_space<vmem_shared>> -> memref<10000x16xf32, #tpu.memory_space<vmem_shared>>
    tpu.wait_indirect_dma semaphore(%arg9 : memref<!tpu.dma_semaphore, #tpu.memory_space<semaphore_mem>>) src(%arg5 : memref<80x16xf32, #tpu.memory_space<vmem>>) dst(%dma_wait3A_226 : memref<10000x16xf32, #tpu.memory_space<vmem_shared>>)
    %dma_wait3A_227 = arith.constant 122 : i32
    %dma_wait3A_228 = arith.constant 0 : i32
    %dma_wait3A_229 = tpu.memref_slice %arg4[%dma_wait3A_227, %dma_wait3A_228] : memref<125x80xi32, #tpu.memory_space<vmem>> -> memref<1x80xi32, #tpu.memory_space<vmem>>
    %dma_wait3A_230 = tpu.memref_squeeze %dma_wait3A_229 : memref<1x80xi32, #tpu.memory_space<vmem>> -> memref<80xi32, #tpu.memory_space<vmem>>
    %dma_wait3A_231 = arith.constant 0 : i32
    %dma_wait3A_232 = arith.constant 0 : i32
    %dma_wait3A_233 = tpu.memref_slice %arg7[%dma_wait3A_231, %dma_wait3A_232] : memref<10000x16xf32, #tpu.memory_space<vmem_shared>> -> memref<10000x16xf32, #tpu.memory_space<vmem_shared>>
    tpu.wait_indirect_dma semaphore(%arg10 : memref<!tpu.dma_semaphore, #tpu.memory_space<semaphore_mem>>) src(%arg5 : memref<80x16xf32, #tpu.memory_space<vmem>>) dst(%dma_wait3A_233 : memref<10000x16xf32, #tpu.memory_space<vmem_shared>>)
    %dma_wait3A_234 = arith.constant 123 : i32
    %dma_wait3A_235 = arith.constant 0 : i32
    %dma_wait3A_236 = tpu.memref_slice %arg4[%dma_wait3A_234, %dma_wait3A_235] : memref<125x80xi32, #tpu.memory_space<vmem>> -> memref<1x80xi32, #tpu.memory_space<vmem>>
    %dma_wait3A_237 = tpu.memref_squeeze %dma_wait3A_236 : memref<1x80xi32, #tpu.memory_space<vmem>> -> memref<80xi32, #tpu.memory_space<vmem>>
    %dma_wait3A_238 = arith.constant 0 : i32
    %dma_wait3A_239 = arith.constant 0 : i32
    %dma_wait3A_240 = tpu.memref_slice %arg7[%dma_wait3A_238, %dma_wait3A_239] : memref<10000x16xf32, #tpu.memory_space<vmem_shared>> -> memref<10000x16xf32, #tpu.memory_space<vmem_shared>>
    tpu.wait_indirect_dma semaphore(%arg11 : memref<!tpu.dma_semaphore, #tpu.memory_space<semaphore_mem>>) src(%arg5 : memref<80x16xf32, #tpu.memory_space<vmem>>) dst(%dma_wait3A_240 : memref<10000x16xf32, #tpu.memory_space<vmem_shared>>)
    %dma_wait3A_241 = arith.constant 124 : i32
    %dma_wait3A_242 = arith.constant 0 : i32
    %dma_wait3A_243 = tpu.memref_slice %arg4[%dma_wait3A_241, %dma_wait3A_242] : memref<125x80xi32, #tpu.memory_space<vmem>> -> memref<1x80xi32, #tpu.memory_space<vmem>>
    %dma_wait3A_244 = tpu.memref_squeeze %dma_wait3A_243 : memref<1x80xi32, #tpu.memory_space<vmem>> -> memref<80xi32, #tpu.memory_space<vmem>>
    %dma_wait3A_245 = arith.constant 0 : i32
    %dma_wait3A_246 = arith.constant 0 : i32
    %dma_wait3A_247 = tpu.memref_slice %arg7[%dma_wait3A_245, %dma_wait3A_246] : memref<10000x16xf32, #tpu.memory_space<vmem_shared>> -> memref<10000x16xf32, #tpu.memory_space<vmem_shared>>
    tpu.wait_indirect_dma semaphore(%arg12 : memref<!tpu.dma_semaphore, #tpu.memory_space<semaphore_mem>>) src(%arg5 : memref<80x16xf32, #tpu.memory_space<vmem>>) dst(%dma_wait3A_247 : memref<10000x16xf32, #tpu.memory_space<vmem_shared>>)
    %barrier3A_248 = arith.constant 0 : index
    tpu.barrier barrier_id(%barrier3A_248)
    %mul3A_249 = arith.constant 624 : i32
    %mul3A_250 = arith.muli %arg1, %mul3A_249 : i32
    %dma_start3A_251 = arith.constant 0 : i32
    %dma_start3A_252 = tpu.memref_slice %arg3[%arg0, %mul3A_250, %dma_start3A_251] : memref<2x10000x16xf32, #tpu.memory_space<hbm>> -> memref<1x624x16xf32, #tpu.memory_space<hbm>>
    %dma_start3A_253 = tpu.memref_squeeze %dma_start3A_252 : memref<1x624x16xf32, #tpu.memory_space<hbm>> -> memref<624x16xf32, #tpu.memory_space<hbm>>
    %dma_start3A_254 = arith.constant 0 : i32
    %dma_start3A_255 = tpu.memref_slice %arg7[%mul3A_250, %dma_start3A_254] : memref<10000x16xf32, #tpu.memory_space<vmem_shared>> -> memref<624x16xf32, #tpu.memory_space<vmem_shared>>
    tpu.enqueue_dma source(%dma_start3A_255 : memref<624x16xf32, #tpu.memory_space<vmem_shared>>) target(%dma_start3A_253 : memref<624x16xf32, #tpu.memory_space<hbm>>) target_semaphore(%arg13 : memref<!tpu.dma_semaphore, #tpu.memory_space<semaphore_mem>>)
    %dma_wait3A_256 = arith.constant 0 : i32
    %dma_wait3A_257 = tpu.memref_slice %arg3[%arg0, %mul3A_250, %dma_wait3A_256] : memref<2x10000x16xf32, #tpu.memory_space<hbm>> -> memref<1x624x16xf32, #tpu.memory_space<hbm>>
    %dma_wait3A_258 = tpu.memref_squeeze %dma_wait3A_257 : memref<1x624x16xf32, #tpu.memory_space<hbm>> -> memref<624x16xf32, #tpu.memory_space<hbm>>
    %dma_wait3A_259 = arith.constant 0 : i32
    %dma_wait3A_260 = tpu.memref_slice %arg7[%mul3A_250, %dma_wait3A_259] : memref<10000x16xf32, #tpu.memory_space<vmem_shared>> -> memref<624x16xf32, #tpu.memory_space<vmem_shared>>
    tpu.wait_dma2 semaphore(%arg13 : memref<!tpu.dma_semaphore, #tpu.memory_space<semaphore_mem>>) src(%dma_wait3A_260 : memref<624x16xf32, #tpu.memory_space<vmem_shared>>) dst(%dma_wait3A_258 : memref<624x16xf32, #tpu.memory_space<hbm>>)
    %eq3A = arith.constant 15 : i32
    %eq3A_261 = arith.cmpi eq, %arg1, %eq3A : i32
    %convert_element_type3A = arith.extui %eq3A_261 : i1 to i32
    %cond3A = arith.constant 0 : i32
    %cond3A_262 = arith.cmpi ne, %convert_element_type3A, %cond3A : i32
    scf.if %cond3A_262 {
      %dma_start3A_263 = arith.constant 9984 : i32
      %dma_start3A_264 = arith.constant 0 : i32
      %dma_start3A_265 = tpu.memref_slice %arg3[%arg0, %dma_start3A_263, %dma_start3A_264] : memref<2x10000x16xf32, #tpu.memory_space<hbm>> -> memref<1x16x16xf32, #tpu.memory_space<hbm>>
      %dma_start3A_266 = tpu.memref_squeeze %dma_start3A_265 : memref<1x16x16xf32, #tpu.memory_space<hbm>> -> memref<16x16xf32, #tpu.memory_space<hbm>>
      %dma_start3A_267 = arith.constant 9984 : i32
      %dma_start3A_268 = arith.constant 0 : i32
      %dma_start3A_269 = tpu.memref_slice %arg7[%dma_start3A_267, %dma_start3A_268] : memref<10000x16xf32, #tpu.memory_space<vmem_shared>> -> memref<16x16xf32, #tpu.memory_space<vmem_shared>>
      tpu.enqueue_dma source(%dma_start3A_269 : memref<16x16xf32, #tpu.memory_space<vmem_shared>>) target(%dma_start3A_266 : memref<16x16xf32, #tpu.memory_space<hbm>>) target_semaphore(%arg13 : memref<!tpu.dma_semaphore, #tpu.memory_space<semaphore_mem>>)
      %dma_wait3A_270 = arith.constant 9984 : i32
      %dma_wait3A_271 = arith.constant 0 : i32
      %dma_wait3A_272 = tpu.memref_slice %arg3[%arg0, %dma_wait3A_270, %dma_wait3A_271] : memref<2x10000x16xf32, #tpu.memory_space<hbm>> -> memref<1x16x16xf32, #tpu.memory_space<hbm>>
      %dma_wait3A_273 = tpu.memref_squeeze %dma_wait3A_272 : memref<1x16x16xf32, #tpu.memory_space<hbm>> -> memref<16x16xf32, #tpu.memory_space<hbm>>
      %dma_wait3A_274 = arith.constant 9984 : i32
      %dma_wait3A_275 = arith.constant 0 : i32
      %dma_wait3A_276 = tpu.memref_slice %arg7[%dma_wait3A_274, %dma_wait3A_275] : memref<10000x16xf32, #tpu.memory_space<vmem_shared>> -> memref<16x16xf32, #tpu.memory_space<vmem_shared>>
      tpu.wait_dma2 semaphore(%arg13 : memref<!tpu.dma_semaphore, #tpu.memory_space<semaphore_mem>>) src(%dma_wait3A_276 : memref<16x16xf32, #tpu.memory_space<vmem_shared>>) dst(%dma_wait3A_273 : memref<16x16xf32, #tpu.memory_space<hbm>>)
    } else {
    }
    return
  }
}

#map = affine_map<(d0, d1) -> (0, 0)>
#map1 = affine_map<(d0, d1) -> (0)>
#map2 = affine_map<(d0, d1) -> (0, 0, 0)>
module attributes {stable_mosaic.version = 14 : i64} {
  func.func @edge_kernel(%arg0: i32, %arg1: i32, %arg2: memref<10000x64xf32, #tpu.memory_space<hbm>>, %arg3: memref<320000xi32, #tpu.memory_space<hbm>>, %arg4: memref<320000xi32, #tpu.memory_space<hbm>>, %arg5: memref<2x10000x64xf32, #tpu.memory_space<hbm>>, %arg6: memref<10000xi32, #tpu.memory_space<vmem>>, %arg7: memref<10000xi32, #tpu.memory_space<vmem>>, %arg8: memref<80x64xf32, #tpu.memory_space<vmem>>, %arg9: memref<80x64xf32, #tpu.memory_space<vmem>>, %arg10: memref<80x64xf32, #tpu.memory_space<vmem>>, %arg11: memref<80x64xf32, #tpu.memory_space<vmem>>, %arg12: memref<80x64xf32, #tpu.memory_space<vmem>>, %arg13: memref<40x64xf32, #tpu.memory_space<vmem>>, %arg14: memref<10000x64xf32, #tpu.memory_space<vmem_shared>>, %arg15: memref<!tpu.dma_semaphore, #tpu.memory_space<semaphore_mem>>, %arg16: memref<!tpu.dma_semaphore, #tpu.memory_space<semaphore_mem>>, %arg17: memref<!tpu.dma_semaphore, #tpu.memory_space<semaphore_mem>>, %arg18: memref<!tpu.dma_semaphore, #tpu.memory_space<semaphore_mem>>, %arg19: memref<!tpu.dma_semaphore, #tpu.memory_space<semaphore_mem>>, %arg20: memref<!tpu.dma_semaphore, #tpu.memory_space<semaphore_mem>>, %arg21: memref<!tpu.dma_semaphore, #tpu.memory_space<semaphore_mem>>, %arg22: memref<!tpu.dma_semaphore, #tpu.memory_space<semaphore_mem>>, %arg23: memref<!tpu.dma_semaphore, #tpu.memory_space<semaphore_mem>>, %arg24: memref<!tpu.dma_semaphore, #tpu.memory_space<semaphore_mem>>, %arg25: memref<!tpu.dma_semaphore, #tpu.memory_space<semaphore_mem>>) attributes {dimension_semantics = [#tpu.dimension_semantics<core_parallel>, #tpu.dimension_semantics<subcore_parallel>], iteration_bounds = array<i64: 2, 16>, scalar_prefetch = 0 : i64, scratch_operands = 20 : i64, tpu.core_type = #tpu.core_type<sc_vector_subcore>, window_params = [{transform_indices = #map}, {transform_indices = #map1}, {transform_indices = #map1}, {transform_indices = #map2}]} {
    %mul3A = arith.constant 2 : i32
    %mul3A_0 = arith.muli %arg1, %mul3A : i32
    %add3A = arith.addi %mul3A_0, %arg0 : i32
    %mul3A_1 = arith.constant 10000 : i32
    %mul3A_2 = arith.muli %add3A, %mul3A_1 : i32
    "tpu.region"() ({
      %run_scoped3A = tpu.sem_alloc : memref<!tpu.dma_semaphore, #tpu.memory_space<semaphore_mem>>
      %dma_start3A_288 = tpu.memref_slice %arg3[%mul3A_2] : memref<320000xi32, #tpu.memory_space<hbm>> -> memref<10000xi32, #tpu.memory_space<hbm>>
      %dma_start3A_289 = tpu.memref_slice %arg3[%mul3A_2] : memref<320000xi32, #tpu.memory_space<hbm>> -> memref<10000xi32, #tpu.memory_space<hbm>>
      tpu.enqueue_dma source(%dma_start3A_289 : memref<10000xi32, #tpu.memory_space<hbm>>) target(%arg6 : memref<10000xi32, #tpu.memory_space<vmem>>) target_semaphore(%run_scoped3A : memref<!tpu.dma_semaphore, #tpu.memory_space<semaphore_mem>>)
      %dma_wait3A_290 = tpu.memref_slice %arg3[%mul3A_2] : memref<320000xi32, #tpu.memory_space<hbm>> -> memref<10000xi32, #tpu.memory_space<hbm>>
      %dma_wait3A_291 = tpu.memref_slice %arg3[%mul3A_2] : memref<320000xi32, #tpu.memory_space<hbm>> -> memref<10000xi32, #tpu.memory_space<hbm>>
      tpu.wait_dma2 semaphore(%run_scoped3A : memref<!tpu.dma_semaphore, #tpu.memory_space<semaphore_mem>>) src(%dma_wait3A_291 : memref<10000xi32, #tpu.memory_space<hbm>>) dst(%arg6 : memref<10000xi32, #tpu.memory_space<vmem>>)
      tpu.yield
    }) : () -> ()
    "tpu.region"() ({
      %run_scoped3A = tpu.sem_alloc : memref<!tpu.dma_semaphore, #tpu.memory_space<semaphore_mem>>
      %dma_start3A_288 = tpu.memref_slice %arg4[%mul3A_2] : memref<320000xi32, #tpu.memory_space<hbm>> -> memref<10000xi32, #tpu.memory_space<hbm>>
      %dma_start3A_289 = tpu.memref_slice %arg4[%mul3A_2] : memref<320000xi32, #tpu.memory_space<hbm>> -> memref<10000xi32, #tpu.memory_space<hbm>>
      tpu.enqueue_dma source(%dma_start3A_289 : memref<10000xi32, #tpu.memory_space<hbm>>) target(%arg7 : memref<10000xi32, #tpu.memory_space<vmem>>) target_semaphore(%run_scoped3A : memref<!tpu.dma_semaphore, #tpu.memory_space<semaphore_mem>>)
      %dma_wait3A_290 = tpu.memref_slice %arg4[%mul3A_2] : memref<320000xi32, #tpu.memory_space<hbm>> -> memref<10000xi32, #tpu.memory_space<hbm>>
      %dma_wait3A_291 = tpu.memref_slice %arg4[%mul3A_2] : memref<320000xi32, #tpu.memory_space<hbm>> -> memref<10000xi32, #tpu.memory_space<hbm>>
      tpu.wait_dma2 semaphore(%run_scoped3A : memref<!tpu.dma_semaphore, #tpu.memory_space<semaphore_mem>>) src(%dma_wait3A_291 : memref<10000xi32, #tpu.memory_space<hbm>>) dst(%arg7 : memref<10000xi32, #tpu.memory_space<vmem>>)
      tpu.yield
    }) : () -> ()
    %dma_start3A = arith.constant 0 : i32
    %dma_start3A_3 = tpu.memref_slice %arg6[%dma_start3A] : memref<10000xi32, #tpu.memory_space<vmem>> -> memref<80xi32, #tpu.memory_space<vmem>>
    %dma_start3A_4 = arith.constant 0 : i32
    %dma_start3A_5 = arith.constant 0 : i32
    %dma_start3A_6 = tpu.memref_slice %arg2[%dma_start3A_4, %dma_start3A_5] : memref<10000x64xf32, #tpu.memory_space<hbm>> -> memref<10000x64xf32, #tpu.memory_space<hbm>>
    tpu.enqueue_indirect_dma source(%dma_start3A_6 : memref<10000x64xf32, #tpu.memory_space<hbm>>) target(%arg8 : memref<80x64xf32, #tpu.memory_space<vmem>>) offsets(%dma_start3A_3 : memref<80xi32, #tpu.memory_space<vmem>>) semaphore(%arg15 : memref<!tpu.dma_semaphore, #tpu.memory_space<semaphore_mem>>)
    %dma_start3A_7 = arith.constant 80 : i32
    %dma_start3A_8 = tpu.memref_slice %arg6[%dma_start3A_7] : memref<10000xi32, #tpu.memory_space<vmem>> -> memref<80xi32, #tpu.memory_space<vmem>>
    %dma_start3A_9 = arith.constant 0 : i32
    %dma_start3A_10 = arith.constant 0 : i32
    %dma_start3A_11 = tpu.memref_slice %arg2[%dma_start3A_9, %dma_start3A_10] : memref<10000x64xf32, #tpu.memory_space<hbm>> -> memref<10000x64xf32, #tpu.memory_space<hbm>>
    tpu.enqueue_indirect_dma source(%dma_start3A_11 : memref<10000x64xf32, #tpu.memory_space<hbm>>) target(%arg9 : memref<80x64xf32, #tpu.memory_space<vmem>>) offsets(%dma_start3A_8 : memref<80xi32, #tpu.memory_space<vmem>>) semaphore(%arg16 : memref<!tpu.dma_semaphore, #tpu.memory_space<semaphore_mem>>)
    %dma_start3A_12 = arith.constant 160 : i32
    %dma_start3A_13 = tpu.memref_slice %arg6[%dma_start3A_12] : memref<10000xi32, #tpu.memory_space<vmem>> -> memref<80xi32, #tpu.memory_space<vmem>>
    %dma_start3A_14 = arith.constant 0 : i32
    %dma_start3A_15 = arith.constant 0 : i32
    %dma_start3A_16 = tpu.memref_slice %arg2[%dma_start3A_14, %dma_start3A_15] : memref<10000x64xf32, #tpu.memory_space<hbm>> -> memref<10000x64xf32, #tpu.memory_space<hbm>>
    tpu.enqueue_indirect_dma source(%dma_start3A_16 : memref<10000x64xf32, #tpu.memory_space<hbm>>) target(%arg10 : memref<80x64xf32, #tpu.memory_space<vmem>>) offsets(%dma_start3A_13 : memref<80xi32, #tpu.memory_space<vmem>>) semaphore(%arg17 : memref<!tpu.dma_semaphore, #tpu.memory_space<semaphore_mem>>)
    %dma_start3A_17 = arith.constant 240 : i32
    %dma_start3A_18 = tpu.memref_slice %arg6[%dma_start3A_17] : memref<10000xi32, #tpu.memory_space<vmem>> -> memref<80xi32, #tpu.memory_space<vmem>>
    %dma_start3A_19 = arith.constant 0 : i32
    %dma_start3A_20 = arith.constant 0 : i32
    %dma_start3A_21 = tpu.memref_slice %arg2[%dma_start3A_19, %dma_start3A_20] : memref<10000x64xf32, #tpu.memory_space<hbm>> -> memref<10000x64xf32, #tpu.memory_space<hbm>>
    tpu.enqueue_indirect_dma source(%dma_start3A_21 : memref<10000x64xf32, #tpu.memory_space<hbm>>) target(%arg11 : memref<80x64xf32, #tpu.memory_space<vmem>>) offsets(%dma_start3A_18 : memref<80xi32, #tpu.memory_space<vmem>>) semaphore(%arg18 : memref<!tpu.dma_semaphore, #tpu.memory_space<semaphore_mem>>)
    %dma_start3A_22 = arith.constant 320 : i32
    %dma_start3A_23 = tpu.memref_slice %arg6[%dma_start3A_22] : memref<10000xi32, #tpu.memory_space<vmem>> -> memref<80xi32, #tpu.memory_space<vmem>>
    %dma_start3A_24 = arith.constant 0 : i32
    %dma_start3A_25 = arith.constant 0 : i32
    %dma_start3A_26 = tpu.memref_slice %arg2[%dma_start3A_24, %dma_start3A_25] : memref<10000x64xf32, #tpu.memory_space<hbm>> -> memref<10000x64xf32, #tpu.memory_space<hbm>>
    tpu.enqueue_indirect_dma source(%dma_start3A_26 : memref<10000x64xf32, #tpu.memory_space<hbm>>) target(%arg12 : memref<80x64xf32, #tpu.memory_space<vmem>>) offsets(%dma_start3A_23 : memref<80xi32, #tpu.memory_space<vmem>>) semaphore(%arg19 : memref<!tpu.dma_semaphore, #tpu.memory_space<semaphore_mem>>)
    %broadcast_in_dim3A = arith.constant 0.000000e+00 : f32
    %broadcast_in_dim3A_27 = vector.broadcast %broadcast_in_dim3A : f32 to vector<16xf32>
    %scan3A = arith.constant 0 : i32
    %scan3A_28 = arith.constant 40 : i32
    %scan3A_29 = arith.addi %scan3A, %scan3A_28 : i32
    %scan3A_30 = arith.constant 1 : i32
    scf.for %scan3A_288 = %scan3A to %scan3A_29 step %scan3A_30  : i32 {
      %mul3A_289 = arith.constant 1 : i32
      %mul3A_290 = arith.muli %scan3A_288, %mul3A_289 : i32
      %add3A_291 = arith.constant 0 : i32
      %add3A_292 = arith.addi %add3A_291, %mul3A_290 : i32
      %swap3A = arith.index_cast %add3A_292 : i32 to index
      %swap3A_293 = arith.constant 0 : index
      %swap3A_294 = tpu.vector_load %arg13[%swap3A, %swap3A_293] {strides = array<i32>} : memref<40x64xf32, #tpu.memory_space<vmem>>, vector<1x16xf32>,
      %swap3A_295 = vector.shape_cast %swap3A_294 : vector<1x16xf32> to vector<16xf32>
      %swap3A_296 = vector.shape_cast %broadcast_in_dim3A_27 : vector<16xf32> to vector<1x16xf32>
      tpu.vector_store %arg13[%swap3A, %swap3A_293], %swap3A_296 {strides = array<i32>} : memref<40x64xf32, #tpu.memory_space<vmem>>, vector<1x16xf32>,
      %swap3A_297 = arith.index_cast %add3A_292 : i32 to index
      %swap3A_298 = arith.constant 16 : index
      %swap3A_299 = tpu.vector_load %arg13[%swap3A_297, %swap3A_298] {strides = array<i32>} : memref<40x64xf32, #tpu.memory_space<vmem>>, vector<1x16xf32>,
      %swap3A_300 = vector.shape_cast %swap3A_299 : vector<1x16xf32> to vector<16xf32>
      %swap3A_301 = vector.shape_cast %broadcast_in_dim3A_27 : vector<16xf32> to vector<1x16xf32>
      tpu.vector_store %arg13[%swap3A_297, %swap3A_298], %swap3A_301 {strides = array<i32>} : memref<40x64xf32, #tpu.memory_space<vmem>>, vector<1x16xf32>,
      %swap3A_302 = arith.index_cast %add3A_292 : i32 to index
      %swap3A_303 = arith.constant 32 : index
      %swap3A_304 = tpu.vector_load %arg13[%swap3A_302, %swap3A_303] {strides = array<i32>} : memref<40x64xf32, #tpu.memory_space<vmem>>, vector<1x16xf32>,
      %swap3A_305 = vector.shape_cast %swap3A_304 : vector<1x16xf32> to vector<16xf32>
      %swap3A_306 = vector.shape_cast %broadcast_in_dim3A_27 : vector<16xf32> to vector<1x16xf32>
      tpu.vector_store %arg13[%swap3A_302, %swap3A_303], %swap3A_306 {strides = array<i32>} : memref<40x64xf32, #tpu.memory_space<vmem>>, vector<1x16xf32>,
      %swap3A_307 = arith.index_cast %add3A_292 : i32 to index
      %swap3A_308 = arith.constant 48 : index
      %swap3A_309 = tpu.vector_load %arg13[%swap3A_307, %swap3A_308] {strides = array<i32>} : memref<40x64xf32, #tpu.memory_space<vmem>>, vector<1x16xf32>,
      %swap3A_310 = vector.shape_cast %swap3A_309 : vector<1x16xf32> to vector<16xf32>
      %swap3A_311 = vector.shape_cast %broadcast_in_dim3A_27 : vector<16xf32> to vector<1x16xf32>
      tpu.vector_store %arg13[%swap3A_307, %swap3A_308], %swap3A_311 {strides = array<i32>} : memref<40x64xf32, #tpu.memory_space<vmem>>, vector<1x16xf32>,
    }
    %scan3A_31 = arith.constant 40 : i32
    %mul3A_32 = arith.constant 624 : i32
    %mul3A_33 = arith.muli %arg1, %mul3A_32 : i32
    %add3A_34 = arith.constant 0 : i32
    %add3A_35 = arith.addi %mul3A_33, %add3A_34 : i32
    %dma_start3A_36 = arith.constant 0 : i32
    %dma_start3A_37 = tpu.memref_slice %arg14[%add3A_35, %dma_start3A_36] : memref<10000x64xf32, #tpu.memory_space<vmem_shared>> -> memref<40x64xf32, #tpu.memory_space<vmem_shared>>
    %dma_start3A_38 = arith.constant 0 : i32
    %dma_start3A_39 = tpu.memref_slice %arg14[%add3A_35, %dma_start3A_38] : memref<10000x64xf32, #tpu.memory_space<vmem_shared>> -> memref<40x64xf32, #tpu.memory_space<vmem_shared>>
    tpu.enqueue_dma source(%arg13 : memref<40x64xf32, #tpu.memory_space<vmem>>) target(%dma_start3A_39 : memref<40x64xf32, #tpu.memory_space<vmem_shared>>) target_semaphore(%arg25 : memref<!tpu.dma_semaphore, #tpu.memory_space<semaphore_mem>>)
    %dma_wait3A = arith.constant 0 : i32
    %dma_wait3A_40 = tpu.memref_slice %arg14[%add3A_35, %dma_wait3A] : memref<10000x64xf32, #tpu.memory_space<vmem_shared>> -> memref<40x64xf32, #tpu.memory_space<vmem_shared>>
    %dma_wait3A_41 = arith.constant 0 : i32
    %dma_wait3A_42 = tpu.memref_slice %arg14[%add3A_35, %dma_wait3A_41] : memref<10000x64xf32, #tpu.memory_space<vmem_shared>> -> memref<40x64xf32, #tpu.memory_space<vmem_shared>>
    tpu.wait_dma2 semaphore(%arg25 : memref<!tpu.dma_semaphore, #tpu.memory_space<semaphore_mem>>) src(%arg13 : memref<40x64xf32, #tpu.memory_space<vmem>>) dst(%dma_wait3A_42 : memref<40x64xf32, #tpu.memory_space<vmem_shared>>)
    %add3A_43 = arith.constant 40 : i32
    %add3A_44 = arith.addi %mul3A_33, %add3A_43 : i32
    %dma_start3A_45 = arith.constant 0 : i32
    %dma_start3A_46 = tpu.memref_slice %arg14[%add3A_44, %dma_start3A_45] : memref<10000x64xf32, #tpu.memory_space<vmem_shared>> -> memref<40x64xf32, #tpu.memory_space<vmem_shared>>
    %dma_start3A_47 = arith.constant 0 : i32
    %dma_start3A_48 = tpu.memref_slice %arg14[%add3A_44, %dma_start3A_47] : memref<10000x64xf32, #tpu.memory_space<vmem_shared>> -> memref<40x64xf32, #tpu.memory_space<vmem_shared>>
    tpu.enqueue_dma source(%arg13 : memref<40x64xf32, #tpu.memory_space<vmem>>) target(%dma_start3A_48 : memref<40x64xf32, #tpu.memory_space<vmem_shared>>) target_semaphore(%arg25 : memref<!tpu.dma_semaphore, #tpu.memory_space<semaphore_mem>>)
    %dma_wait3A_49 = arith.constant 0 : i32
    %dma_wait3A_50 = tpu.memref_slice %arg14[%add3A_44, %dma_wait3A_49] : memref<10000x64xf32, #tpu.memory_space<vmem_shared>> -> memref<40x64xf32, #tpu.memory_space<vmem_shared>>
    %dma_wait3A_51 = arith.constant 0 : i32
    %dma_wait3A_52 = tpu.memref_slice %arg14[%add3A_44, %dma_wait3A_51] : memref<10000x64xf32, #tpu.memory_space<vmem_shared>> -> memref<40x64xf32, #tpu.memory_space<vmem_shared>>
    tpu.wait_dma2 semaphore(%arg25 : memref<!tpu.dma_semaphore, #tpu.memory_space<semaphore_mem>>) src(%arg13 : memref<40x64xf32, #tpu.memory_space<vmem>>) dst(%dma_wait3A_52 : memref<40x64xf32, #tpu.memory_space<vmem_shared>>)
    %add3A_53 = arith.constant 80 : i32
    %add3A_54 = arith.addi %mul3A_33, %add3A_53 : i32
    %dma_start3A_55 = arith.constant 0 : i32
    %dma_start3A_56 = tpu.memref_slice %arg14[%add3A_54, %dma_start3A_55] : memref<10000x64xf32, #tpu.memory_space<vmem_shared>> -> memref<40x64xf32, #tpu.memory_space<vmem_shared>>
    %dma_start3A_57 = arith.constant 0 : i32
    %dma_start3A_58 = tpu.memref_slice %arg14[%add3A_54, %dma_start3A_57] : memref<10000x64xf32, #tpu.memory_space<vmem_shared>> -> memref<40x64xf32, #tpu.memory_space<vmem_shared>>
    tpu.enqueue_dma source(%arg13 : memref<40x64xf32, #tpu.memory_space<vmem>>) target(%dma_start3A_58 : memref<40x64xf32, #tpu.memory_space<vmem_shared>>) target_semaphore(%arg25 : memref<!tpu.dma_semaphore, #tpu.memory_space<semaphore_mem>>)
    %dma_wait3A_59 = arith.constant 0 : i32
    %dma_wait3A_60 = tpu.memref_slice %arg14[%add3A_54, %dma_wait3A_59] : memref<10000x64xf32, #tpu.memory_space<vmem_shared>> -> memref<40x64xf32, #tpu.memory_space<vmem_shared>>
    %dma_wait3A_61 = arith.constant 0 : i32
    %dma_wait3A_62 = tpu.memref_slice %arg14[%add3A_54, %dma_wait3A_61] : memref<10000x64xf32, #tpu.memory_space<vmem_shared>> -> memref<40x64xf32, #tpu.memory_space<vmem_shared>>
    tpu.wait_dma2 semaphore(%arg25 : memref<!tpu.dma_semaphore, #tpu.memory_space<semaphore_mem>>) src(%arg13 : memref<40x64xf32, #tpu.memory_space<vmem>>) dst(%dma_wait3A_62 : memref<40x64xf32, #tpu.memory_space<vmem_shared>>)
    %add3A_63 = arith.constant 120 : i32
    %add3A_64 = arith.addi %mul3A_33, %add3A_63 : i32
    %dma_start3A_65 = arith.constant 0 : i32
    %dma_start3A_66 = tpu.memref_slice %arg14[%add3A_64, %dma_start3A_65] : memref<10000x64xf32, #tpu.memory_space<vmem_shared>> -> memref<40x64xf32, #tpu.memory_space<vmem_shared>>
    %dma_start3A_67 = arith.constant 0 : i32
    %dma_start3A_68 = tpu.memref_slice %arg14[%add3A_64, %dma_start3A_67] : memref<10000x64xf32, #tpu.memory_space<vmem_shared>> -> memref<40x64xf32, #tpu.memory_space<vmem_shared>>
    tpu.enqueue_dma source(%arg13 : memref<40x64xf32, #tpu.memory_space<vmem>>) target(%dma_start3A_68 : memref<40x64xf32, #tpu.memory_space<vmem_shared>>) target_semaphore(%arg25 : memref<!tpu.dma_semaphore, #tpu.memory_space<semaphore_mem>>)
    %dma_wait3A_69 = arith.constant 0 : i32
    %dma_wait3A_70 = tpu.memref_slice %arg14[%add3A_64, %dma_wait3A_69] : memref<10000x64xf32, #tpu.memory_space<vmem_shared>> -> memref<40x64xf32, #tpu.memory_space<vmem_shared>>
    %dma_wait3A_71 = arith.constant 0 : i32
    %dma_wait3A_72 = tpu.memref_slice %arg14[%add3A_64, %dma_wait3A_71] : memref<10000x64xf32, #tpu.memory_space<vmem_shared>> -> memref<40x64xf32, #tpu.memory_space<vmem_shared>>
    tpu.wait_dma2 semaphore(%arg25 : memref<!tpu.dma_semaphore, #tpu.memory_space<semaphore_mem>>) src(%arg13 : memref<40x64xf32, #tpu.memory_space<vmem>>) dst(%dma_wait3A_72 : memref<40x64xf32, #tpu.memory_space<vmem_shared>>)
    %add3A_73 = arith.constant 160 : i32
    %add3A_74 = arith.addi %mul3A_33, %add3A_73 : i32
    %dma_start3A_75 = arith.constant 0 : i32
    %dma_start3A_76 = tpu.memref_slice %arg14[%add3A_74, %dma_start3A_75] : memref<10000x64xf32, #tpu.memory_space<vmem_shared>> -> memref<40x64xf32, #tpu.memory_space<vmem_shared>>
    %dma_start3A_77 = arith.constant 0 : i32
    %dma_start3A_78 = tpu.memref_slice %arg14[%add3A_74, %dma_start3A_77] : memref<10000x64xf32, #tpu.memory_space<vmem_shared>> -> memref<40x64xf32, #tpu.memory_space<vmem_shared>>
    tpu.enqueue_dma source(%arg13 : memref<40x64xf32, #tpu.memory_space<vmem>>) target(%dma_start3A_78 : memref<40x64xf32, #tpu.memory_space<vmem_shared>>) target_semaphore(%arg25 : memref<!tpu.dma_semaphore, #tpu.memory_space<semaphore_mem>>)
    %dma_wait3A_79 = arith.constant 0 : i32
    %dma_wait3A_80 = tpu.memref_slice %arg14[%add3A_74, %dma_wait3A_79] : memref<10000x64xf32, #tpu.memory_space<vmem_shared>> -> memref<40x64xf32, #tpu.memory_space<vmem_shared>>
    %dma_wait3A_81 = arith.constant 0 : i32
    %dma_wait3A_82 = tpu.memref_slice %arg14[%add3A_74, %dma_wait3A_81] : memref<10000x64xf32, #tpu.memory_space<vmem_shared>> -> memref<40x64xf32, #tpu.memory_space<vmem_shared>>
    tpu.wait_dma2 semaphore(%arg25 : memref<!tpu.dma_semaphore, #tpu.memory_space<semaphore_mem>>) src(%arg13 : memref<40x64xf32, #tpu.memory_space<vmem>>) dst(%dma_wait3A_82 : memref<40x64xf32, #tpu.memory_space<vmem_shared>>)
    %add3A_83 = arith.constant 200 : i32
    %add3A_84 = arith.addi %mul3A_33, %add3A_83 : i32
    %dma_start3A_85 = arith.constant 0 : i32
    %dma_start3A_86 = tpu.memref_slice %arg14[%add3A_84, %dma_start3A_85] : memref<10000x64xf32, #tpu.memory_space<vmem_shared>> -> memref<40x64xf32, #tpu.memory_space<vmem_shared>>
    %dma_start3A_87 = arith.constant 0 : i32
    %dma_start3A_88 = tpu.memref_slice %arg14[%add3A_84, %dma_start3A_87] : memref<10000x64xf32, #tpu.memory_space<vmem_shared>> -> memref<40x64xf32, #tpu.memory_space<vmem_shared>>
    tpu.enqueue_dma source(%arg13 : memref<40x64xf32, #tpu.memory_space<vmem>>) target(%dma_start3A_88 : memref<40x64xf32, #tpu.memory_space<vmem_shared>>) target_semaphore(%arg25 : memref<!tpu.dma_semaphore, #tpu.memory_space<semaphore_mem>>)
    %dma_wait3A_89 = arith.constant 0 : i32
    %dma_wait3A_90 = tpu.memref_slice %arg14[%add3A_84, %dma_wait3A_89] : memref<10000x64xf32, #tpu.memory_space<vmem_shared>> -> memref<40x64xf32, #tpu.memory_space<vmem_shared>>
    %dma_wait3A_91 = arith.constant 0 : i32
    %dma_wait3A_92 = tpu.memref_slice %arg14[%add3A_84, %dma_wait3A_91] : memref<10000x64xf32, #tpu.memory_space<vmem_shared>> -> memref<40x64xf32, #tpu.memory_space<vmem_shared>>
    tpu.wait_dma2 semaphore(%arg25 : memref<!tpu.dma_semaphore, #tpu.memory_space<semaphore_mem>>) src(%arg13 : memref<40x64xf32, #tpu.memory_space<vmem>>) dst(%dma_wait3A_92 : memref<40x64xf32, #tpu.memory_space<vmem_shared>>)
    %add3A_93 = arith.constant 240 : i32
    %add3A_94 = arith.addi %mul3A_33, %add3A_93 : i32
    %dma_start3A_95 = arith.constant 0 : i32
    %dma_start3A_96 = tpu.memref_slice %arg14[%add3A_94, %dma_start3A_95] : memref<10000x64xf32, #tpu.memory_space<vmem_shared>> -> memref<40x64xf32, #tpu.memory_space<vmem_shared>>
    %dma_start3A_97 = arith.constant 0 : i32
    %dma_start3A_98 = tpu.memref_slice %arg14[%add3A_94, %dma_start3A_97] : memref<10000x64xf32, #tpu.memory_space<vmem_shared>> -> memref<40x64xf32, #tpu.memory_space<vmem_shared>>
    tpu.enqueue_dma source(%arg13 : memref<40x64xf32, #tpu.memory_space<vmem>>) target(%dma_start3A_98 : memref<40x64xf32, #tpu.memory_space<vmem_shared>>) target_semaphore(%arg25 : memref<!tpu.dma_semaphore, #tpu.memory_space<semaphore_mem>>)
    %dma_wait3A_99 = arith.constant 0 : i32
    %dma_wait3A_100 = tpu.memref_slice %arg14[%add3A_94, %dma_wait3A_99] : memref<10000x64xf32, #tpu.memory_space<vmem_shared>> -> memref<40x64xf32, #tpu.memory_space<vmem_shared>>
    %dma_wait3A_101 = arith.constant 0 : i32
    %dma_wait3A_102 = tpu.memref_slice %arg14[%add3A_94, %dma_wait3A_101] : memref<10000x64xf32, #tpu.memory_space<vmem_shared>> -> memref<40x64xf32, #tpu.memory_space<vmem_shared>>
    tpu.wait_dma2 semaphore(%arg25 : memref<!tpu.dma_semaphore, #tpu.memory_space<semaphore_mem>>) src(%arg13 : memref<40x64xf32, #tpu.memory_space<vmem>>) dst(%dma_wait3A_102 : memref<40x64xf32, #tpu.memory_space<vmem_shared>>)
    %add3A_103 = arith.constant 280 : i32
    %add3A_104 = arith.addi %mul3A_33, %add3A_103 : i32
    %dma_start3A_105 = arith.constant 0 : i32
    %dma_start3A_106 = tpu.memref_slice %arg14[%add3A_104, %dma_start3A_105] : memref<10000x64xf32, #tpu.memory_space<vmem_shared>> -> memref<40x64xf32, #tpu.memory_space<vmem_shared>>
    %dma_start3A_107 = arith.constant 0 : i32
    %dma_start3A_108 = tpu.memref_slice %arg14[%add3A_104, %dma_start3A_107] : memref<10000x64xf32, #tpu.memory_space<vmem_shared>> -> memref<40x64xf32, #tpu.memory_space<vmem_shared>>
    tpu.enqueue_dma source(%arg13 : memref<40x64xf32, #tpu.memory_space<vmem>>) target(%dma_start3A_108 : memref<40x64xf32, #tpu.memory_space<vmem_shared>>) target_semaphore(%arg25 : memref<!tpu.dma_semaphore, #tpu.memory_space<semaphore_mem>>)
    %dma_wait3A_109 = arith.constant 0 : i32
    %dma_wait3A_110 = tpu.memref_slice %arg14[%add3A_104, %dma_wait3A_109] : memref<10000x64xf32, #tpu.memory_space<vmem_shared>> -> memref<40x64xf32, #tpu.memory_space<vmem_shared>>
    %dma_wait3A_111 = arith.constant 0 : i32
    %dma_wait3A_112 = tpu.memref_slice %arg14[%add3A_104, %dma_wait3A_111] : memref<10000x64xf32, #tpu.memory_space<vmem_shared>> -> memref<40x64xf32, #tpu.memory_space<vmem_shared>>
    tpu.wait_dma2 semaphore(%arg25 : memref<!tpu.dma_semaphore, #tpu.memory_space<semaphore_mem>>) src(%arg13 : memref<40x64xf32, #tpu.memory_space<vmem>>) dst(%dma_wait3A_112 : memref<40x64xf32, #tpu.memory_space<vmem_shared>>)
    %add3A_113 = arith.constant 320 : i32
    %add3A_114 = arith.addi %mul3A_33, %add3A_113 : i32
    %dma_start3A_115 = arith.constant 0 : i32
    %dma_start3A_116 = tpu.memref_slice %arg14[%add3A_114, %dma_start3A_115] : memref<10000x64xf32, #tpu.memory_space<vmem_shared>> -> memref<40x64xf32, #tpu.memory_space<vmem_shared>>
    %dma_start3A_117 = arith.constant 0 : i32
    %dma_start3A_118 = tpu.memref_slice %arg14[%add3A_114, %dma_start3A_117] : memref<10000x64xf32, #tpu.memory_space<vmem_shared>> -> memref<40x64xf32, #tpu.memory_space<vmem_shared>>
    tpu.enqueue_dma source(%arg13 : memref<40x64xf32, #tpu.memory_space<vmem>>) target(%dma_start3A_118 : memref<40x64xf32, #tpu.memory_space<vmem_shared>>) target_semaphore(%arg25 : memref<!tpu.dma_semaphore, #tpu.memory_space<semaphore_mem>>)
    %dma_wait3A_119 = arith.constant 0 : i32
    %dma_wait3A_120 = tpu.memref_slice %arg14[%add3A_114, %dma_wait3A_119] : memref<10000x64xf32, #tpu.memory_space<vmem_shared>> -> memref<40x64xf32, #tpu.memory_space<vmem_shared>>
    %dma_wait3A_121 = arith.constant 0 : i32
    %dma_wait3A_122 = tpu.memref_slice %arg14[%add3A_114, %dma_wait3A_121] : memref<10000x64xf32, #tpu.memory_space<vmem_shared>> -> memref<40x64xf32, #tpu.memory_space<vmem_shared>>
    tpu.wait_dma2 semaphore(%arg25 : memref<!tpu.dma_semaphore, #tpu.memory_space<semaphore_mem>>) src(%arg13 : memref<40x64xf32, #tpu.memory_space<vmem>>) dst(%dma_wait3A_122 : memref<40x64xf32, #tpu.memory_space<vmem_shared>>)
    %add3A_123 = arith.constant 360 : i32
    %add3A_124 = arith.addi %mul3A_33, %add3A_123 : i32
    %dma_start3A_125 = arith.constant 0 : i32
    %dma_start3A_126 = tpu.memref_slice %arg14[%add3A_124, %dma_start3A_125] : memref<10000x64xf32, #tpu.memory_space<vmem_shared>> -> memref<40x64xf32, #tpu.memory_space<vmem_shared>>
    %dma_start3A_127 = arith.constant 0 : i32
    %dma_start3A_128 = tpu.memref_slice %arg14[%add3A_124, %dma_start3A_127] : memref<10000x64xf32, #tpu.memory_space<vmem_shared>> -> memref<40x64xf32, #tpu.memory_space<vmem_shared>>
    tpu.enqueue_dma source(%arg13 : memref<40x64xf32, #tpu.memory_space<vmem>>) target(%dma_start3A_128 : memref<40x64xf32, #tpu.memory_space<vmem_shared>>) target_semaphore(%arg25 : memref<!tpu.dma_semaphore, #tpu.memory_space<semaphore_mem>>)
    %dma_wait3A_129 = arith.constant 0 : i32
    %dma_wait3A_130 = tpu.memref_slice %arg14[%add3A_124, %dma_wait3A_129] : memref<10000x64xf32, #tpu.memory_space<vmem_shared>> -> memref<40x64xf32, #tpu.memory_space<vmem_shared>>
    %dma_wait3A_131 = arith.constant 0 : i32
    %dma_wait3A_132 = tpu.memref_slice %arg14[%add3A_124, %dma_wait3A_131] : memref<10000x64xf32, #tpu.memory_space<vmem_shared>> -> memref<40x64xf32, #tpu.memory_space<vmem_shared>>
    tpu.wait_dma2 semaphore(%arg25 : memref<!tpu.dma_semaphore, #tpu.memory_space<semaphore_mem>>) src(%arg13 : memref<40x64xf32, #tpu.memory_space<vmem>>) dst(%dma_wait3A_132 : memref<40x64xf32, #tpu.memory_space<vmem_shared>>)
    %add3A_133 = arith.constant 400 : i32
    %add3A_134 = arith.addi %mul3A_33, %add3A_133 : i32
    %dma_start3A_135 = arith.constant 0 : i32
    %dma_start3A_136 = tpu.memref_slice %arg14[%add3A_134, %dma_start3A_135] : memref<10000x64xf32, #tpu.memory_space<vmem_shared>> -> memref<40x64xf32, #tpu.memory_space<vmem_shared>>
    %dma_start3A_137 = arith.constant 0 : i32
    %dma_start3A_138 = tpu.memref_slice %arg14[%add3A_134, %dma_start3A_137] : memref<10000x64xf32, #tpu.memory_space<vmem_shared>> -> memref<40x64xf32, #tpu.memory_space<vmem_shared>>
    tpu.enqueue_dma source(%arg13 : memref<40x64xf32, #tpu.memory_space<vmem>>) target(%dma_start3A_138 : memref<40x64xf32, #tpu.memory_space<vmem_shared>>) target_semaphore(%arg25 : memref<!tpu.dma_semaphore, #tpu.memory_space<semaphore_mem>>)
    %dma_wait3A_139 = arith.constant 0 : i32
    %dma_wait3A_140 = tpu.memref_slice %arg14[%add3A_134, %dma_wait3A_139] : memref<10000x64xf32, #tpu.memory_space<vmem_shared>> -> memref<40x64xf32, #tpu.memory_space<vmem_shared>>
    %dma_wait3A_141 = arith.constant 0 : i32
    %dma_wait3A_142 = tpu.memref_slice %arg14[%add3A_134, %dma_wait3A_141] : memref<10000x64xf32, #tpu.memory_space<vmem_shared>> -> memref<40x64xf32, #tpu.memory_space<vmem_shared>>
    tpu.wait_dma2 semaphore(%arg25 : memref<!tpu.dma_semaphore, #tpu.memory_space<semaphore_mem>>) src(%arg13 : memref<40x64xf32, #tpu.memory_space<vmem>>) dst(%dma_wait3A_142 : memref<40x64xf32, #tpu.memory_space<vmem_shared>>)
    %add3A_143 = arith.constant 440 : i32
    %add3A_144 = arith.addi %mul3A_33, %add3A_143 : i32
    %dma_start3A_145 = arith.constant 0 : i32
    %dma_start3A_146 = tpu.memref_slice %arg14[%add3A_144, %dma_start3A_145] : memref<10000x64xf32, #tpu.memory_space<vmem_shared>> -> memref<40x64xf32, #tpu.memory_space<vmem_shared>>
    %dma_start3A_147 = arith.constant 0 : i32
    %dma_start3A_148 = tpu.memref_slice %arg14[%add3A_144, %dma_start3A_147] : memref<10000x64xf32, #tpu.memory_space<vmem_shared>> -> memref<40x64xf32, #tpu.memory_space<vmem_shared>>
    tpu.enqueue_dma source(%arg13 : memref<40x64xf32, #tpu.memory_space<vmem>>) target(%dma_start3A_148 : memref<40x64xf32, #tpu.memory_space<vmem_shared>>) target_semaphore(%arg25 : memref<!tpu.dma_semaphore, #tpu.memory_space<semaphore_mem>>)
    %dma_wait3A_149 = arith.constant 0 : i32
    %dma_wait3A_150 = tpu.memref_slice %arg14[%add3A_144, %dma_wait3A_149] : memref<10000x64xf32, #tpu.memory_space<vmem_shared>> -> memref<40x64xf32, #tpu.memory_space<vmem_shared>>
    %dma_wait3A_151 = arith.constant 0 : i32
    %dma_wait3A_152 = tpu.memref_slice %arg14[%add3A_144, %dma_wait3A_151] : memref<10000x64xf32, #tpu.memory_space<vmem_shared>> -> memref<40x64xf32, #tpu.memory_space<vmem_shared>>
    tpu.wait_dma2 semaphore(%arg25 : memref<!tpu.dma_semaphore, #tpu.memory_space<semaphore_mem>>) src(%arg13 : memref<40x64xf32, #tpu.memory_space<vmem>>) dst(%dma_wait3A_152 : memref<40x64xf32, #tpu.memory_space<vmem_shared>>)
    %add3A_153 = arith.constant 480 : i32
    %add3A_154 = arith.addi %mul3A_33, %add3A_153 : i32
    %dma_start3A_155 = arith.constant 0 : i32
    %dma_start3A_156 = tpu.memref_slice %arg14[%add3A_154, %dma_start3A_155] : memref<10000x64xf32, #tpu.memory_space<vmem_shared>> -> memref<40x64xf32, #tpu.memory_space<vmem_shared>>
    %dma_start3A_157 = arith.constant 0 : i32
    %dma_start3A_158 = tpu.memref_slice %arg14[%add3A_154, %dma_start3A_157] : memref<10000x64xf32, #tpu.memory_space<vmem_shared>> -> memref<40x64xf32, #tpu.memory_space<vmem_shared>>
    tpu.enqueue_dma source(%arg13 : memref<40x64xf32, #tpu.memory_space<vmem>>) target(%dma_start3A_158 : memref<40x64xf32, #tpu.memory_space<vmem_shared>>) target_semaphore(%arg25 : memref<!tpu.dma_semaphore, #tpu.memory_space<semaphore_mem>>)
    %dma_wait3A_159 = arith.constant 0 : i32
    %dma_wait3A_160 = tpu.memref_slice %arg14[%add3A_154, %dma_wait3A_159] : memref<10000x64xf32, #tpu.memory_space<vmem_shared>> -> memref<40x64xf32, #tpu.memory_space<vmem_shared>>
    %dma_wait3A_161 = arith.constant 0 : i32
    %dma_wait3A_162 = tpu.memref_slice %arg14[%add3A_154, %dma_wait3A_161] : memref<10000x64xf32, #tpu.memory_space<vmem_shared>> -> memref<40x64xf32, #tpu.memory_space<vmem_shared>>
    tpu.wait_dma2 semaphore(%arg25 : memref<!tpu.dma_semaphore, #tpu.memory_space<semaphore_mem>>) src(%arg13 : memref<40x64xf32, #tpu.memory_space<vmem>>) dst(%dma_wait3A_162 : memref<40x64xf32, #tpu.memory_space<vmem_shared>>)
    %add3A_163 = arith.constant 520 : i32
    %add3A_164 = arith.addi %mul3A_33, %add3A_163 : i32
    %dma_start3A_165 = arith.constant 0 : i32
    %dma_start3A_166 = tpu.memref_slice %arg14[%add3A_164, %dma_start3A_165] : memref<10000x64xf32, #tpu.memory_space<vmem_shared>> -> memref<40x64xf32, #tpu.memory_space<vmem_shared>>
    %dma_start3A_167 = arith.constant 0 : i32
    %dma_start3A_168 = tpu.memref_slice %arg14[%add3A_164, %dma_start3A_167] : memref<10000x64xf32, #tpu.memory_space<vmem_shared>> -> memref<40x64xf32, #tpu.memory_space<vmem_shared>>
    tpu.enqueue_dma source(%arg13 : memref<40x64xf32, #tpu.memory_space<vmem>>) target(%dma_start3A_168 : memref<40x64xf32, #tpu.memory_space<vmem_shared>>) target_semaphore(%arg25 : memref<!tpu.dma_semaphore, #tpu.memory_space<semaphore_mem>>)
    %dma_wait3A_169 = arith.constant 0 : i32
    %dma_wait3A_170 = tpu.memref_slice %arg14[%add3A_164, %dma_wait3A_169] : memref<10000x64xf32, #tpu.memory_space<vmem_shared>> -> memref<40x64xf32, #tpu.memory_space<vmem_shared>>
    %dma_wait3A_171 = arith.constant 0 : i32
    %dma_wait3A_172 = tpu.memref_slice %arg14[%add3A_164, %dma_wait3A_171] : memref<10000x64xf32, #tpu.memory_space<vmem_shared>> -> memref<40x64xf32, #tpu.memory_space<vmem_shared>>
    tpu.wait_dma2 semaphore(%arg25 : memref<!tpu.dma_semaphore, #tpu.memory_space<semaphore_mem>>) src(%arg13 : memref<40x64xf32, #tpu.memory_space<vmem>>) dst(%dma_wait3A_172 : memref<40x64xf32, #tpu.memory_space<vmem_shared>>)
    %add3A_173 = arith.constant 560 : i32
    %add3A_174 = arith.addi %mul3A_33, %add3A_173 : i32
    %dma_start3A_175 = arith.constant 0 : i32
    %dma_start3A_176 = tpu.memref_slice %arg14[%add3A_174, %dma_start3A_175] : memref<10000x64xf32, #tpu.memory_space<vmem_shared>> -> memref<40x64xf32, #tpu.memory_space<vmem_shared>>
    %dma_start3A_177 = arith.constant 0 : i32
    %dma_start3A_178 = tpu.memref_slice %arg14[%add3A_174, %dma_start3A_177] : memref<10000x64xf32, #tpu.memory_space<vmem_shared>> -> memref<40x64xf32, #tpu.memory_space<vmem_shared>>
    tpu.enqueue_dma source(%arg13 : memref<40x64xf32, #tpu.memory_space<vmem>>) target(%dma_start3A_178 : memref<40x64xf32, #tpu.memory_space<vmem_shared>>) target_semaphore(%arg25 : memref<!tpu.dma_semaphore, #tpu.memory_space<semaphore_mem>>)
    %dma_wait3A_179 = arith.constant 0 : i32
    %dma_wait3A_180 = tpu.memref_slice %arg14[%add3A_174, %dma_wait3A_179] : memref<10000x64xf32, #tpu.memory_space<vmem_shared>> -> memref<40x64xf32, #tpu.memory_space<vmem_shared>>
    %dma_wait3A_181 = arith.constant 0 : i32
    %dma_wait3A_182 = tpu.memref_slice %arg14[%add3A_174, %dma_wait3A_181] : memref<10000x64xf32, #tpu.memory_space<vmem_shared>> -> memref<40x64xf32, #tpu.memory_space<vmem_shared>>
    tpu.wait_dma2 semaphore(%arg25 : memref<!tpu.dma_semaphore, #tpu.memory_space<semaphore_mem>>) src(%arg13 : memref<40x64xf32, #tpu.memory_space<vmem>>) dst(%dma_wait3A_182 : memref<40x64xf32, #tpu.memory_space<vmem_shared>>)
    %add3A_183 = arith.constant 600 : i32
    %add3A_184 = arith.addi %mul3A_33, %add3A_183 : i32
    %dma_start3A_185 = arith.constant 0 : i32
    %dma_start3A_186 = tpu.memref_slice %arg14[%add3A_184, %dma_start3A_185] : memref<10000x64xf32, #tpu.memory_space<vmem_shared>> -> memref<40x64xf32, #tpu.memory_space<vmem_shared>>
    %dma_start3A_187 = arith.constant 0 : i32
    %dma_start3A_188 = tpu.memref_slice %arg14[%add3A_184, %dma_start3A_187] : memref<10000x64xf32, #tpu.memory_space<vmem_shared>> -> memref<40x64xf32, #tpu.memory_space<vmem_shared>>
    tpu.enqueue_dma source(%arg13 : memref<40x64xf32, #tpu.memory_space<vmem>>) target(%dma_start3A_188 : memref<40x64xf32, #tpu.memory_space<vmem_shared>>) target_semaphore(%arg25 : memref<!tpu.dma_semaphore, #tpu.memory_space<semaphore_mem>>)
    %dma_wait3A_189 = arith.constant 0 : i32
    %dma_wait3A_190 = tpu.memref_slice %arg14[%add3A_184, %dma_wait3A_189] : memref<10000x64xf32, #tpu.memory_space<vmem_shared>> -> memref<40x64xf32, #tpu.memory_space<vmem_shared>>
    %dma_wait3A_191 = arith.constant 0 : i32
    %dma_wait3A_192 = tpu.memref_slice %arg14[%add3A_184, %dma_wait3A_191] : memref<10000x64xf32, #tpu.memory_space<vmem_shared>> -> memref<40x64xf32, #tpu.memory_space<vmem_shared>>
    tpu.wait_dma2 semaphore(%arg25 : memref<!tpu.dma_semaphore, #tpu.memory_space<semaphore_mem>>) src(%arg13 : memref<40x64xf32, #tpu.memory_space<vmem>>) dst(%dma_wait3A_192 : memref<40x64xf32, #tpu.memory_space<vmem_shared>>)
    %barrier3A = arith.constant 0 : index
    tpu.barrier barrier_id(%barrier3A)
    %scan3A_193 = arith.constant 0 : i32
    %scan3A_194 = arith.constant 24 : i32
    %scan3A_195 = arith.addi %scan3A_193, %scan3A_194 : i32
    %scan3A_196 = arith.constant 1 : i32
    scf.for %scan3A_288 = %scan3A_193 to %scan3A_195 step %scan3A_196  : i32 {
      %mul3A_289 = arith.constant 1 : i32
      %mul3A_290 = arith.muli %scan3A_288, %mul3A_289 : i32
      %add3A_291 = arith.constant 0 : i32
      %add3A_292 = arith.addi %add3A_291, %mul3A_290 : i32
      %mul3A_293 = arith.constant 5 : i32
      %mul3A_294 = arith.muli %add3A_292, %mul3A_293 : i32
      %add3A_295 = arith.constant 0 : i32
      %add3A_296 = arith.addi %mul3A_294, %add3A_295 : i32
      %mul3A_297 = arith.constant 80 : i32
      %mul3A_298 = arith.muli %add3A_296, %mul3A_297 : i32
      %dma_wait3A_299 = tpu.memref_slice %arg6[%mul3A_298] : memref<10000xi32, #tpu.memory_space<vmem>> -> memref<80xi32, #tpu.memory_space<vmem>>
      %dma_wait3A_300 = arith.constant 0 : i32
      %dma_wait3A_301 = arith.constant 0 : i32
      %dma_wait3A_302 = tpu.memref_slice %arg2[%dma_wait3A_300, %dma_wait3A_301] : memref<10000x64xf32, #tpu.memory_space<hbm>> -> memref<10000x64xf32, #tpu.memory_space<hbm>>
      tpu.wait_indirect_dma semaphore(%arg15 : memref<!tpu.dma_semaphore, #tpu.memory_space<semaphore_mem>>) src(%dma_wait3A_302 : memref<10000x64xf32, #tpu.memory_space<hbm>>) dst(%arg8 : memref<80x64xf32, #tpu.memory_space<vmem>>)
      %add3A_303 = arith.constant 0 : i32
      %add3A_304 = arith.addi %mul3A_294, %add3A_303 : i32
      %mul3A_305 = arith.constant 80 : i32
      %mul3A_306 = arith.muli %add3A_304, %mul3A_305 : i32
      %dma_start3A_307 = tpu.memref_slice %arg7[%mul3A_306] : memref<10000xi32, #tpu.memory_space<vmem>> -> memref<80xi32, #tpu.memory_space<vmem>>
      %dma_start3A_308 = arith.constant 0 : i32
      %dma_start3A_309 = arith.constant 0 : i32
      %dma_start3A_310 = tpu.memref_slice %arg14[%dma_start3A_308, %dma_start3A_309] : memref<10000x64xf32, #tpu.memory_space<vmem_shared>> -> memref<10000x64xf32, #tpu.memory_space<vmem_shared>>
      tpu.enqueue_indirect_dma source(%arg8 : memref<80x64xf32, #tpu.memory_space<vmem>>) target(%dma_start3A_310 : memref<10000x64xf32, #tpu.memory_space<vmem_shared>>) offsets(%dma_start3A_307 : memref<80xi32, #tpu.memory_space<vmem>>) semaphore(%arg20 : memref<!tpu.dma_semaphore, #tpu.memory_space<semaphore_mem>>) {add = true}
      %add3A_311 = arith.constant 1 : i32
      %add3A_312 = arith.addi %mul3A_294, %add3A_311 : i32
      %mul3A_313 = arith.constant 80 : i32
      %mul3A_314 = arith.muli %add3A_312, %mul3A_313 : i32
      %dma_wait3A_315 = tpu.memref_slice %arg6[%mul3A_314] : memref<10000xi32, #tpu.memory_space<vmem>> -> memref<80xi32, #tpu.memory_space<vmem>>
      %dma_wait3A_316 = arith.constant 0 : i32
      %dma_wait3A_317 = arith.constant 0 : i32
      %dma_wait3A_318 = tpu.memref_slice %arg2[%dma_wait3A_316, %dma_wait3A_317] : memref<10000x64xf32, #tpu.memory_space<hbm>> -> memref<10000x64xf32, #tpu.memory_space<hbm>>
      tpu.wait_indirect_dma semaphore(%arg16 : memref<!tpu.dma_semaphore, #tpu.memory_space<semaphore_mem>>) src(%dma_wait3A_318 : memref<10000x64xf32, #tpu.memory_space<hbm>>) dst(%arg9 : memref<80x64xf32, #tpu.memory_space<vmem>>)
      %add3A_319 = arith.constant 1 : i32
      %add3A_320 = arith.addi %mul3A_294, %add3A_319 : i32
      %mul3A_321 = arith.constant 80 : i32
      %mul3A_322 = arith.muli %add3A_320, %mul3A_321 : i32
      %dma_start3A_323 = tpu.memref_slice %arg7[%mul3A_322] : memref<10000xi32, #tpu.memory_space<vmem>> -> memref<80xi32, #tpu.memory_space<vmem>>
      %dma_start3A_324 = arith.constant 0 : i32
      %dma_start3A_325 = arith.constant 0 : i32
      %dma_start3A_326 = tpu.memref_slice %arg14[%dma_start3A_324, %dma_start3A_325] : memref<10000x64xf32, #tpu.memory_space<vmem_shared>> -> memref<10000x64xf32, #tpu.memory_space<vmem_shared>>
      tpu.enqueue_indirect_dma source(%arg9 : memref<80x64xf32, #tpu.memory_space<vmem>>) target(%dma_start3A_326 : memref<10000x64xf32, #tpu.memory_space<vmem_shared>>) offsets(%dma_start3A_323 : memref<80xi32, #tpu.memory_space<vmem>>) semaphore(%arg21 : memref<!tpu.dma_semaphore, #tpu.memory_space<semaphore_mem>>) {add = true}
      %add3A_327 = arith.constant 2 : i32
      %add3A_328 = arith.addi %mul3A_294, %add3A_327 : i32
      %mul3A_329 = arith.constant 80 : i32
      %mul3A_330 = arith.muli %add3A_328, %mul3A_329 : i32
      %dma_wait3A_331 = tpu.memref_slice %arg6[%mul3A_330] : memref<10000xi32, #tpu.memory_space<vmem>> -> memref<80xi32, #tpu.memory_space<vmem>>
      %dma_wait3A_332 = arith.constant 0 : i32
      %dma_wait3A_333 = arith.constant 0 : i32
      %dma_wait3A_334 = tpu.memref_slice %arg2[%dma_wait3A_332, %dma_wait3A_333] : memref<10000x64xf32, #tpu.memory_space<hbm>> -> memref<10000x64xf32, #tpu.memory_space<hbm>>
      tpu.wait_indirect_dma semaphore(%arg17 : memref<!tpu.dma_semaphore, #tpu.memory_space<semaphore_mem>>) src(%dma_wait3A_334 : memref<10000x64xf32, #tpu.memory_space<hbm>>) dst(%arg10 : memref<80x64xf32, #tpu.memory_space<vmem>>)
      %add3A_335 = arith.constant 2 : i32
      %add3A_336 = arith.addi %mul3A_294, %add3A_335 : i32
      %mul3A_337 = arith.constant 80 : i32
      %mul3A_338 = arith.muli %add3A_336, %mul3A_337 : i32
      %dma_start3A_339 = tpu.memref_slice %arg7[%mul3A_338] : memref<10000xi32, #tpu.memory_space<vmem>> -> memref<80xi32, #tpu.memory_space<vmem>>
      %dma_start3A_340 = arith.constant 0 : i32
      %dma_start3A_341 = arith.constant 0 : i32
      %dma_start3A_342 = tpu.memref_slice %arg14[%dma_start3A_340, %dma_start3A_341] : memref<10000x64xf32, #tpu.memory_space<vmem_shared>> -> memref<10000x64xf32, #tpu.memory_space<vmem_shared>>
      tpu.enqueue_indirect_dma source(%arg10 : memref<80x64xf32, #tpu.memory_space<vmem>>) target(%dma_start3A_342 : memref<10000x64xf32, #tpu.memory_space<vmem_shared>>) offsets(%dma_start3A_339 : memref<80xi32, #tpu.memory_space<vmem>>) semaphore(%arg22 : memref<!tpu.dma_semaphore, #tpu.memory_space<semaphore_mem>>) {add = true}
      %add3A_343 = arith.constant 3 : i32
      %add3A_344 = arith.addi %mul3A_294, %add3A_343 : i32
      %mul3A_345 = arith.constant 80 : i32
      %mul3A_346 = arith.muli %add3A_344, %mul3A_345 : i32
      %dma_wait3A_347 = tpu.memref_slice %arg6[%mul3A_346] : memref<10000xi32, #tpu.memory_space<vmem>> -> memref<80xi32, #tpu.memory_space<vmem>>
      %dma_wait3A_348 = arith.constant 0 : i32
      %dma_wait3A_349 = arith.constant 0 : i32
      %dma_wait3A_350 = tpu.memref_slice %arg2[%dma_wait3A_348, %dma_wait3A_349] : memref<10000x64xf32, #tpu.memory_space<hbm>> -> memref<10000x64xf32, #tpu.memory_space<hbm>>
      tpu.wait_indirect_dma semaphore(%arg18 : memref<!tpu.dma_semaphore, #tpu.memory_space<semaphore_mem>>) src(%dma_wait3A_350 : memref<10000x64xf32, #tpu.memory_space<hbm>>) dst(%arg11 : memref<80x64xf32, #tpu.memory_space<vmem>>)
      %add3A_351 = arith.constant 3 : i32
      %add3A_352 = arith.addi %mul3A_294, %add3A_351 : i32
      %mul3A_353 = arith.constant 80 : i32
      %mul3A_354 = arith.muli %add3A_352, %mul3A_353 : i32
      %dma_start3A_355 = tpu.memref_slice %arg7[%mul3A_354] : memref<10000xi32, #tpu.memory_space<vmem>> -> memref<80xi32, #tpu.memory_space<vmem>>
      %dma_start3A_356 = arith.constant 0 : i32
      %dma_start3A_357 = arith.constant 0 : i32
      %dma_start3A_358 = tpu.memref_slice %arg14[%dma_start3A_356, %dma_start3A_357] : memref<10000x64xf32, #tpu.memory_space<vmem_shared>> -> memref<10000x64xf32, #tpu.memory_space<vmem_shared>>
      tpu.enqueue_indirect_dma source(%arg11 : memref<80x64xf32, #tpu.memory_space<vmem>>) target(%dma_start3A_358 : memref<10000x64xf32, #tpu.memory_space<vmem_shared>>) offsets(%dma_start3A_355 : memref<80xi32, #tpu.memory_space<vmem>>) semaphore(%arg23 : memref<!tpu.dma_semaphore, #tpu.memory_space<semaphore_mem>>) {add = true}
      %add3A_359 = arith.constant 4 : i32
      %add3A_360 = arith.addi %mul3A_294, %add3A_359 : i32
      %mul3A_361 = arith.constant 80 : i32
      %mul3A_362 = arith.muli %add3A_360, %mul3A_361 : i32
      %dma_wait3A_363 = tpu.memref_slice %arg6[%mul3A_362] : memref<10000xi32, #tpu.memory_space<vmem>> -> memref<80xi32, #tpu.memory_space<vmem>>
      %dma_wait3A_364 = arith.constant 0 : i32
      %dma_wait3A_365 = arith.constant 0 : i32
      %dma_wait3A_366 = tpu.memref_slice %arg2[%dma_wait3A_364, %dma_wait3A_365] : memref<10000x64xf32, #tpu.memory_space<hbm>> -> memref<10000x64xf32, #tpu.memory_space<hbm>>
      tpu.wait_indirect_dma semaphore(%arg19 : memref<!tpu.dma_semaphore, #tpu.memory_space<semaphore_mem>>) src(%dma_wait3A_366 : memref<10000x64xf32, #tpu.memory_space<hbm>>) dst(%arg12 : memref<80x64xf32, #tpu.memory_space<vmem>>)
      %add3A_367 = arith.constant 4 : i32
      %add3A_368 = arith.addi %mul3A_294, %add3A_367 : i32
      %mul3A_369 = arith.constant 80 : i32
      %mul3A_370 = arith.muli %add3A_368, %mul3A_369 : i32
      %dma_start3A_371 = tpu.memref_slice %arg7[%mul3A_370] : memref<10000xi32, #tpu.memory_space<vmem>> -> memref<80xi32, #tpu.memory_space<vmem>>
      %dma_start3A_372 = arith.constant 0 : i32
      %dma_start3A_373 = arith.constant 0 : i32
      %dma_start3A_374 = tpu.memref_slice %arg14[%dma_start3A_372, %dma_start3A_373] : memref<10000x64xf32, #tpu.memory_space<vmem_shared>> -> memref<10000x64xf32, #tpu.memory_space<vmem_shared>>
      tpu.enqueue_indirect_dma source(%arg12 : memref<80x64xf32, #tpu.memory_space<vmem>>) target(%dma_start3A_374 : memref<10000x64xf32, #tpu.memory_space<vmem_shared>>) offsets(%dma_start3A_371 : memref<80xi32, #tpu.memory_space<vmem>>) semaphore(%arg24 : memref<!tpu.dma_semaphore, #tpu.memory_space<semaphore_mem>>) {add = true}
      %add3A_375 = arith.constant 0 : i32
      %add3A_376 = arith.addi %mul3A_294, %add3A_375 : i32
      %mul3A_377 = arith.constant 80 : i32
      %mul3A_378 = arith.muli %add3A_376, %mul3A_377 : i32
      %dma_wait3A_379 = tpu.memref_slice %arg7[%mul3A_378] : memref<10000xi32, #tpu.memory_space<vmem>> -> memref<80xi32, #tpu.memory_space<vmem>>
      %dma_wait3A_380 = arith.constant 0 : i32
      %dma_wait3A_381 = arith.constant 0 : i32
      %dma_wait3A_382 = tpu.memref_slice %arg14[%dma_wait3A_380, %dma_wait3A_381] : memref<10000x64xf32, #tpu.memory_space<vmem_shared>> -> memref<10000x64xf32, #tpu.memory_space<vmem_shared>>
      tpu.wait_indirect_dma semaphore(%arg20 : memref<!tpu.dma_semaphore, #tpu.memory_space<semaphore_mem>>) src(%arg8 : memref<80x64xf32, #tpu.memory_space<vmem>>) dst(%dma_wait3A_382 : memref<10000x64xf32, #tpu.memory_space<vmem_shared>>)
      %add3A_383 = arith.constant 5 : i32
      %add3A_384 = arith.addi %mul3A_294, %add3A_383 : i32
      %add3A_385 = arith.constant 0 : i32
      %add3A_386 = arith.addi %add3A_384, %add3A_385 : i32
      %mul3A_387 = arith.constant 80 : i32
      %mul3A_388 = arith.muli %add3A_386, %mul3A_387 : i32
      %dma_start3A_389 = tpu.memref_slice %arg6[%mul3A_388] : memref<10000xi32, #tpu.memory_space<vmem>> -> memref<80xi32, #tpu.memory_space<vmem>>
      %dma_start3A_390 = arith.constant 0 : i32
      %dma_start3A_391 = arith.constant 0 : i32
      %dma_start3A_392 = tpu.memref_slice %arg2[%dma_start3A_390, %dma_start3A_391] : memref<10000x64xf32, #tpu.memory_space<hbm>> -> memref<10000x64xf32, #tpu.memory_space<hbm>>
      tpu.enqueue_indirect_dma source(%dma_start3A_392 : memref<10000x64xf32, #tpu.memory_space<hbm>>) target(%arg8 : memref<80x64xf32, #tpu.memory_space<vmem>>) offsets(%dma_start3A_389 : memref<80xi32, #tpu.memory_space<vmem>>) semaphore(%arg15 : memref<!tpu.dma_semaphore, #tpu.memory_space<semaphore_mem>>)
      %add3A_393 = arith.constant 1 : i32
      %add3A_394 = arith.addi %mul3A_294, %add3A_393 : i32
      %mul3A_395 = arith.constant 80 : i32
      %mul3A_396 = arith.muli %add3A_394, %mul3A_395 : i32
      %dma_wait3A_397 = tpu.memref_slice %arg7[%mul3A_396] : memref<10000xi32, #tpu.memory_space<vmem>> -> memref<80xi32, #tpu.memory_space<vmem>>
      %dma_wait3A_398 = arith.constant 0 : i32
      %dma_wait3A_399 = arith.constant 0 : i32
      %dma_wait3A_400 = tpu.memref_slice %arg14[%dma_wait3A_398, %dma_wait3A_399] : memref<10000x64xf32, #tpu.memory_space<vmem_shared>> -> memref<10000x64xf32, #tpu.memory_space<vmem_shared>>
      tpu.wait_indirect_dma semaphore(%arg21 : memref<!tpu.dma_semaphore, #tpu.memory_space<semaphore_mem>>) src(%arg9 : memref<80x64xf32, #tpu.memory_space<vmem>>) dst(%dma_wait3A_400 : memref<10000x64xf32, #tpu.memory_space<vmem_shared>>)
      %add3A_401 = arith.constant 5 : i32
      %add3A_402 = arith.addi %mul3A_294, %add3A_401 : i32
      %add3A_403 = arith.constant 1 : i32
      %add3A_404 = arith.addi %add3A_402, %add3A_403 : i32
      %mul3A_405 = arith.constant 80 : i32
      %mul3A_406 = arith.muli %add3A_404, %mul3A_405 : i32
      %dma_start3A_407 = tpu.memref_slice %arg6[%mul3A_406] : memref<10000xi32, #tpu.memory_space<vmem>> -> memref<80xi32, #tpu.memory_space<vmem>>
      %dma_start3A_408 = arith.constant 0 : i32
      %dma_start3A_409 = arith.constant 0 : i32
      %dma_start3A_410 = tpu.memref_slice %arg2[%dma_start3A_408, %dma_start3A_409] : memref<10000x64xf32, #tpu.memory_space<hbm>> -> memref<10000x64xf32, #tpu.memory_space<hbm>>
      tpu.enqueue_indirect_dma source(%dma_start3A_410 : memref<10000x64xf32, #tpu.memory_space<hbm>>) target(%arg9 : memref<80x64xf32, #tpu.memory_space<vmem>>) offsets(%dma_start3A_407 : memref<80xi32, #tpu.memory_space<vmem>>) semaphore(%arg16 : memref<!tpu.dma_semaphore, #tpu.memory_space<semaphore_mem>>)
      %add3A_411 = arith.constant 2 : i32
      %add3A_412 = arith.addi %mul3A_294, %add3A_411 : i32
      %mul3A_413 = arith.constant 80 : i32
      %mul3A_414 = arith.muli %add3A_412, %mul3A_413 : i32
      %dma_wait3A_415 = tpu.memref_slice %arg7[%mul3A_414] : memref<10000xi32, #tpu.memory_space<vmem>> -> memref<80xi32, #tpu.memory_space<vmem>>
      %dma_wait3A_416 = arith.constant 0 : i32
      %dma_wait3A_417 = arith.constant 0 : i32
      %dma_wait3A_418 = tpu.memref_slice %arg14[%dma_wait3A_416, %dma_wait3A_417] : memref<10000x64xf32, #tpu.memory_space<vmem_shared>> -> memref<10000x64xf32, #tpu.memory_space<vmem_shared>>
      tpu.wait_indirect_dma semaphore(%arg22 : memref<!tpu.dma_semaphore, #tpu.memory_space<semaphore_mem>>) src(%arg10 : memref<80x64xf32, #tpu.memory_space<vmem>>) dst(%dma_wait3A_418 : memref<10000x64xf32, #tpu.memory_space<vmem_shared>>)
      %add3A_419 = arith.constant 5 : i32
      %add3A_420 = arith.addi %mul3A_294, %add3A_419 : i32
      %add3A_421 = arith.constant 2 : i32
      %add3A_422 = arith.addi %add3A_420, %add3A_421 : i32
      %mul3A_423 = arith.constant 80 : i32
      %mul3A_424 = arith.muli %add3A_422, %mul3A_423 : i32
      %dma_start3A_425 = tpu.memref_slice %arg6[%mul3A_424] : memref<10000xi32, #tpu.memory_space<vmem>> -> memref<80xi32, #tpu.memory_space<vmem>>
      %dma_start3A_426 = arith.constant 0 : i32
      %dma_start3A_427 = arith.constant 0 : i32
      %dma_start3A_428 = tpu.memref_slice %arg2[%dma_start3A_426, %dma_start3A_427] : memref<10000x64xf32, #tpu.memory_space<hbm>> -> memref<10000x64xf32, #tpu.memory_space<hbm>>
      tpu.enqueue_indirect_dma source(%dma_start3A_428 : memref<10000x64xf32, #tpu.memory_space<hbm>>) target(%arg10 : memref<80x64xf32, #tpu.memory_space<vmem>>) offsets(%dma_start3A_425 : memref<80xi32, #tpu.memory_space<vmem>>) semaphore(%arg17 : memref<!tpu.dma_semaphore, #tpu.memory_space<semaphore_mem>>)
      %add3A_429 = arith.constant 3 : i32
      %add3A_430 = arith.addi %mul3A_294, %add3A_429 : i32
      %mul3A_431 = arith.constant 80 : i32
      %mul3A_432 = arith.muli %add3A_430, %mul3A_431 : i32
      %dma_wait3A_433 = tpu.memref_slice %arg7[%mul3A_432] : memref<10000xi32, #tpu.memory_space<vmem>> -> memref<80xi32, #tpu.memory_space<vmem>>
      %dma_wait3A_434 = arith.constant 0 : i32
      %dma_wait3A_435 = arith.constant 0 : i32
      %dma_wait3A_436 = tpu.memref_slice %arg14[%dma_wait3A_434, %dma_wait3A_435] : memref<10000x64xf32, #tpu.memory_space<vmem_shared>> -> memref<10000x64xf32, #tpu.memory_space<vmem_shared>>
      tpu.wait_indirect_dma semaphore(%arg23 : memref<!tpu.dma_semaphore, #tpu.memory_space<semaphore_mem>>) src(%arg11 : memref<80x64xf32, #tpu.memory_space<vmem>>) dst(%dma_wait3A_436 : memref<10000x64xf32, #tpu.memory_space<vmem_shared>>)
      %add3A_437 = arith.constant 5 : i32
      %add3A_438 = arith.addi %mul3A_294, %add3A_437 : i32
      %add3A_439 = arith.constant 3 : i32
      %add3A_440 = arith.addi %add3A_438, %add3A_439 : i32
      %mul3A_441 = arith.constant 80 : i32
      %mul3A_442 = arith.muli %add3A_440, %mul3A_441 : i32
      %dma_start3A_443 = tpu.memref_slice %arg6[%mul3A_442] : memref<10000xi32, #tpu.memory_space<vmem>> -> memref<80xi32, #tpu.memory_space<vmem>>
      %dma_start3A_444 = arith.constant 0 : i32
      %dma_start3A_445 = arith.constant 0 : i32
      %dma_start3A_446 = tpu.memref_slice %arg2[%dma_start3A_444, %dma_start3A_445] : memref<10000x64xf32, #tpu.memory_space<hbm>> -> memref<10000x64xf32, #tpu.memory_space<hbm>>
      tpu.enqueue_indirect_dma source(%dma_start3A_446 : memref<10000x64xf32, #tpu.memory_space<hbm>>) target(%arg11 : memref<80x64xf32, #tpu.memory_space<vmem>>) offsets(%dma_start3A_443 : memref<80xi32, #tpu.memory_space<vmem>>) semaphore(%arg18 : memref<!tpu.dma_semaphore, #tpu.memory_space<semaphore_mem>>)
      %add3A_447 = arith.constant 4 : i32
      %add3A_448 = arith.addi %mul3A_294, %add3A_447 : i32
      %mul3A_449 = arith.constant 80 : i32
      %mul3A_450 = arith.muli %add3A_448, %mul3A_449 : i32
      %dma_wait3A_451 = tpu.memref_slice %arg7[%mul3A_450] : memref<10000xi32, #tpu.memory_space<vmem>> -> memref<80xi32, #tpu.memory_space<vmem>>
      %dma_wait3A_452 = arith.constant 0 : i32
      %dma_wait3A_453 = arith.constant 0 : i32
      %dma_wait3A_454 = tpu.memref_slice %arg14[%dma_wait3A_452, %dma_wait3A_453] : memref<10000x64xf32, #tpu.memory_space<vmem_shared>> -> memref<10000x64xf32, #tpu.memory_space<vmem_shared>>
      tpu.wait_indirect_dma semaphore(%arg24 : memref<!tpu.dma_semaphore, #tpu.memory_space<semaphore_mem>>) src(%arg12 : memref<80x64xf32, #tpu.memory_space<vmem>>) dst(%dma_wait3A_454 : memref<10000x64xf32, #tpu.memory_space<vmem_shared>>)
      %add3A_455 = arith.constant 5 : i32
      %add3A_456 = arith.addi %mul3A_294, %add3A_455 : i32
      %add3A_457 = arith.constant 4 : i32
      %add3A_458 = arith.addi %add3A_456, %add3A_457 : i32
      %mul3A_459 = arith.constant 80 : i32
      %mul3A_460 = arith.muli %add3A_458, %mul3A_459 : i32
      %dma_start3A_461 = tpu.memref_slice %arg6[%mul3A_460] : memref<10000xi32, #tpu.memory_space<vmem>> -> memref<80xi32, #tpu.memory_space<vmem>>
      %dma_start3A_462 = arith.constant 0 : i32
      %dma_start3A_463 = arith.constant 0 : i32
      %dma_start3A_464 = tpu.memref_slice %arg2[%dma_start3A_462, %dma_start3A_463] : memref<10000x64xf32, #tpu.memory_space<hbm>> -> memref<10000x64xf32, #tpu.memory_space<hbm>>
      tpu.enqueue_indirect_dma source(%dma_start3A_464 : memref<10000x64xf32, #tpu.memory_space<hbm>>) target(%arg12 : memref<80x64xf32, #tpu.memory_space<vmem>>) offsets(%dma_start3A_461 : memref<80xi32, #tpu.memory_space<vmem>>) semaphore(%arg19 : memref<!tpu.dma_semaphore, #tpu.memory_space<semaphore_mem>>)
    }
    %scan3A_197 = arith.constant 24 : i32
    %dma_wait3A_198 = arith.constant 9600 : i32
    %dma_wait3A_199 = tpu.memref_slice %arg6[%dma_wait3A_198] : memref<10000xi32, #tpu.memory_space<vmem>> -> memref<80xi32, #tpu.memory_space<vmem>>
    %dma_wait3A_200 = arith.constant 0 : i32
    %dma_wait3A_201 = arith.constant 0 : i32
    %dma_wait3A_202 = tpu.memref_slice %arg2[%dma_wait3A_200, %dma_wait3A_201] : memref<10000x64xf32, #tpu.memory_space<hbm>> -> memref<10000x64xf32, #tpu.memory_space<hbm>>
    tpu.wait_indirect_dma semaphore(%arg15 : memref<!tpu.dma_semaphore, #tpu.memory_space<semaphore_mem>>) src(%dma_wait3A_202 : memref<10000x64xf32, #tpu.memory_space<hbm>>) dst(%arg8 : memref<80x64xf32, #tpu.memory_space<vmem>>)
    %dma_start3A_203 = arith.constant 9600 : i32
    %dma_start3A_204 = tpu.memref_slice %arg7[%dma_start3A_203] : memref<10000xi32, #tpu.memory_space<vmem>> -> memref<80xi32, #tpu.memory_space<vmem>>
    %dma_start3A_205 = arith.constant 0 : i32
    %dma_start3A_206 = arith.constant 0 : i32
    %dma_start3A_207 = tpu.memref_slice %arg14[%dma_start3A_205, %dma_start3A_206] : memref<10000x64xf32, #tpu.memory_space<vmem_shared>> -> memref<10000x64xf32, #tpu.memory_space<vmem_shared>>
    tpu.enqueue_indirect_dma source(%arg8 : memref<80x64xf32, #tpu.memory_space<vmem>>) target(%dma_start3A_207 : memref<10000x64xf32, #tpu.memory_space<vmem_shared>>) offsets(%dma_start3A_204 : memref<80xi32, #tpu.memory_space<vmem>>) semaphore(%arg20 : memref<!tpu.dma_semaphore, #tpu.memory_space<semaphore_mem>>) {add = true}
    %dma_wait3A_208 = arith.constant 9680 : i32
    %dma_wait3A_209 = tpu.memref_slice %arg6[%dma_wait3A_208] : memref<10000xi32, #tpu.memory_space<vmem>> -> memref<80xi32, #tpu.memory_space<vmem>>
    %dma_wait3A_210 = arith.constant 0 : i32
    %dma_wait3A_211 = arith.constant 0 : i32
    %dma_wait3A_212 = tpu.memref_slice %arg2[%dma_wait3A_210, %dma_wait3A_211] : memref<10000x64xf32, #tpu.memory_space<hbm>> -> memref<10000x64xf32, #tpu.memory_space<hbm>>
    tpu.wait_indirect_dma semaphore(%arg16 : memref<!tpu.dma_semaphore, #tpu.memory_space<semaphore_mem>>) src(%dma_wait3A_212 : memref<10000x64xf32, #tpu.memory_space<hbm>>) dst(%arg9 : memref<80x64xf32, #tpu.memory_space<vmem>>)
    %dma_start3A_213 = arith.constant 9680 : i32
    %dma_start3A_214 = tpu.memref_slice %arg7[%dma_start3A_213] : memref<10000xi32, #tpu.memory_space<vmem>> -> memref<80xi32, #tpu.memory_space<vmem>>
    %dma_start3A_215 = arith.constant 0 : i32
    %dma_start3A_216 = arith.constant 0 : i32
    %dma_start3A_217 = tpu.memref_slice %arg14[%dma_start3A_215, %dma_start3A_216] : memref<10000x64xf32, #tpu.memory_space<vmem_shared>> -> memref<10000x64xf32, #tpu.memory_space<vmem_shared>>
    tpu.enqueue_indirect_dma source(%arg9 : memref<80x64xf32, #tpu.memory_space<vmem>>) target(%dma_start3A_217 : memref<10000x64xf32, #tpu.memory_space<vmem_shared>>) offsets(%dma_start3A_214 : memref<80xi32, #tpu.memory_space<vmem>>) semaphore(%arg21 : memref<!tpu.dma_semaphore, #tpu.memory_space<semaphore_mem>>) {add = true}
    %dma_wait3A_218 = arith.constant 9760 : i32
    %dma_wait3A_219 = tpu.memref_slice %arg6[%dma_wait3A_218] : memref<10000xi32, #tpu.memory_space<vmem>> -> memref<80xi32, #tpu.memory_space<vmem>>
    %dma_wait3A_220 = arith.constant 0 : i32
    %dma_wait3A_221 = arith.constant 0 : i32
    %dma_wait3A_222 = tpu.memref_slice %arg2[%dma_wait3A_220, %dma_wait3A_221] : memref<10000x64xf32, #tpu.memory_space<hbm>> -> memref<10000x64xf32, #tpu.memory_space<hbm>>
    tpu.wait_indirect_dma semaphore(%arg17 : memref<!tpu.dma_semaphore, #tpu.memory_space<semaphore_mem>>) src(%dma_wait3A_222 : memref<10000x64xf32, #tpu.memory_space<hbm>>) dst(%arg10 : memref<80x64xf32, #tpu.memory_space<vmem>>)
    %dma_start3A_223 = arith.constant 9760 : i32
    %dma_start3A_224 = tpu.memref_slice %arg7[%dma_start3A_223] : memref<10000xi32, #tpu.memory_space<vmem>> -> memref<80xi32, #tpu.memory_space<vmem>>
    %dma_start3A_225 = arith.constant 0 : i32
    %dma_start3A_226 = arith.constant 0 : i32
    %dma_start3A_227 = tpu.memref_slice %arg14[%dma_start3A_225, %dma_start3A_226] : memref<10000x64xf32, #tpu.memory_space<vmem_shared>> -> memref<10000x64xf32, #tpu.memory_space<vmem_shared>>
    tpu.enqueue_indirect_dma source(%arg10 : memref<80x64xf32, #tpu.memory_space<vmem>>) target(%dma_start3A_227 : memref<10000x64xf32, #tpu.memory_space<vmem_shared>>) offsets(%dma_start3A_224 : memref<80xi32, #tpu.memory_space<vmem>>) semaphore(%arg22 : memref<!tpu.dma_semaphore, #tpu.memory_space<semaphore_mem>>) {add = true}
    %dma_wait3A_228 = arith.constant 9840 : i32
    %dma_wait3A_229 = tpu.memref_slice %arg6[%dma_wait3A_228] : memref<10000xi32, #tpu.memory_space<vmem>> -> memref<80xi32, #tpu.memory_space<vmem>>
    %dma_wait3A_230 = arith.constant 0 : i32
    %dma_wait3A_231 = arith.constant 0 : i32
    %dma_wait3A_232 = tpu.memref_slice %arg2[%dma_wait3A_230, %dma_wait3A_231] : memref<10000x64xf32, #tpu.memory_space<hbm>> -> memref<10000x64xf32, #tpu.memory_space<hbm>>
    tpu.wait_indirect_dma semaphore(%arg18 : memref<!tpu.dma_semaphore, #tpu.memory_space<semaphore_mem>>) src(%dma_wait3A_232 : memref<10000x64xf32, #tpu.memory_space<hbm>>) dst(%arg11 : memref<80x64xf32, #tpu.memory_space<vmem>>)
    %dma_start3A_233 = arith.constant 9840 : i32
    %dma_start3A_234 = tpu.memref_slice %arg7[%dma_start3A_233] : memref<10000xi32, #tpu.memory_space<vmem>> -> memref<80xi32, #tpu.memory_space<vmem>>
    %dma_start3A_235 = arith.constant 0 : i32
    %dma_start3A_236 = arith.constant 0 : i32
    %dma_start3A_237 = tpu.memref_slice %arg14[%dma_start3A_235, %dma_start3A_236] : memref<10000x64xf32, #tpu.memory_space<vmem_shared>> -> memref<10000x64xf32, #tpu.memory_space<vmem_shared>>
    tpu.enqueue_indirect_dma source(%arg11 : memref<80x64xf32, #tpu.memory_space<vmem>>) target(%dma_start3A_237 : memref<10000x64xf32, #tpu.memory_space<vmem_shared>>) offsets(%dma_start3A_234 : memref<80xi32, #tpu.memory_space<vmem>>) semaphore(%arg23 : memref<!tpu.dma_semaphore, #tpu.memory_space<semaphore_mem>>) {add = true}
    %dma_wait3A_238 = arith.constant 9920 : i32
    %dma_wait3A_239 = tpu.memref_slice %arg6[%dma_wait3A_238] : memref<10000xi32, #tpu.memory_space<vmem>> -> memref<80xi32, #tpu.memory_space<vmem>>
    %dma_wait3A_240 = arith.constant 0 : i32
    %dma_wait3A_241 = arith.constant 0 : i32
    %dma_wait3A_242 = tpu.memref_slice %arg2[%dma_wait3A_240, %dma_wait3A_241] : memref<10000x64xf32, #tpu.memory_space<hbm>> -> memref<10000x64xf32, #tpu.memory_space<hbm>>
    tpu.wait_indirect_dma semaphore(%arg19 : memref<!tpu.dma_semaphore, #tpu.memory_space<semaphore_mem>>) src(%dma_wait3A_242 : memref<10000x64xf32, #tpu.memory_space<hbm>>) dst(%arg12 : memref<80x64xf32, #tpu.memory_space<vmem>>)
    %dma_start3A_243 = arith.constant 9920 : i32
    %dma_start3A_244 = tpu.memref_slice %arg7[%dma_start3A_243] : memref<10000xi32, #tpu.memory_space<vmem>> -> memref<80xi32, #tpu.memory_space<vmem>>
    %dma_start3A_245 = arith.constant 0 : i32
    %dma_start3A_246 = arith.constant 0 : i32
    %dma_start3A_247 = tpu.memref_slice %arg14[%dma_start3A_245, %dma_start3A_246] : memref<10000x64xf32, #tpu.memory_space<vmem_shared>> -> memref<10000x64xf32, #tpu.memory_space<vmem_shared>>
    tpu.enqueue_indirect_dma source(%arg12 : memref<80x64xf32, #tpu.memory_space<vmem>>) target(%dma_start3A_247 : memref<10000x64xf32, #tpu.memory_space<vmem_shared>>) offsets(%dma_start3A_244 : memref<80xi32, #tpu.memory_space<vmem>>) semaphore(%arg24 : memref<!tpu.dma_semaphore, #tpu.memory_space<semaphore_mem>>) {add = true}
    %dma_wait3A_248 = arith.constant 9600 : i32
    %dma_wait3A_249 = tpu.memref_slice %arg7[%dma_wait3A_248] : memref<10000xi32, #tpu.memory_space<vmem>> -> memref<80xi32, #tpu.memory_space<vmem>>
    %dma_wait3A_250 = arith.constant 0 : i32
    %dma_wait3A_251 = arith.constant 0 : i32
    %dma_wait3A_252 = tpu.memref_slice %arg14[%dma_wait3A_250, %dma_wait3A_251] : memref<10000x64xf32, #tpu.memory_space<vmem_shared>> -> memref<10000x64xf32, #tpu.memory_space<vmem_shared>>
    tpu.wait_indirect_dma semaphore(%arg20 : memref<!tpu.dma_semaphore, #tpu.memory_space<semaphore_mem>>) src(%arg8 : memref<80x64xf32, #tpu.memory_space<vmem>>) dst(%dma_wait3A_252 : memref<10000x64xf32, #tpu.memory_space<vmem_shared>>)
    %dma_wait3A_253 = arith.constant 9680 : i32
    %dma_wait3A_254 = tpu.memref_slice %arg7[%dma_wait3A_253] : memref<10000xi32, #tpu.memory_space<vmem>> -> memref<80xi32, #tpu.memory_space<vmem>>
    %dma_wait3A_255 = arith.constant 0 : i32
    %dma_wait3A_256 = arith.constant 0 : i32
    %dma_wait3A_257 = tpu.memref_slice %arg14[%dma_wait3A_255, %dma_wait3A_256] : memref<10000x64xf32, #tpu.memory_space<vmem_shared>> -> memref<10000x64xf32, #tpu.memory_space<vmem_shared>>
    tpu.wait_indirect_dma semaphore(%arg21 : memref<!tpu.dma_semaphore, #tpu.memory_space<semaphore_mem>>) src(%arg9 : memref<80x64xf32, #tpu.memory_space<vmem>>) dst(%dma_wait3A_257 : memref<10000x64xf32, #tpu.memory_space<vmem_shared>>)
    %dma_wait3A_258 = arith.constant 9760 : i32
    %dma_wait3A_259 = tpu.memref_slice %arg7[%dma_wait3A_258] : memref<10000xi32, #tpu.memory_space<vmem>> -> memref<80xi32, #tpu.memory_space<vmem>>
    %dma_wait3A_260 = arith.constant 0 : i32
    %dma_wait3A_261 = arith.constant 0 : i32
    %dma_wait3A_262 = tpu.memref_slice %arg14[%dma_wait3A_260, %dma_wait3A_261] : memref<10000x64xf32, #tpu.memory_space<vmem_shared>> -> memref<10000x64xf32, #tpu.memory_space<vmem_shared>>
    tpu.wait_indirect_dma semaphore(%arg22 : memref<!tpu.dma_semaphore, #tpu.memory_space<semaphore_mem>>) src(%arg10 : memref<80x64xf32, #tpu.memory_space<vmem>>) dst(%dma_wait3A_262 : memref<10000x64xf32, #tpu.memory_space<vmem_shared>>)
    %dma_wait3A_263 = arith.constant 9840 : i32
    %dma_wait3A_264 = tpu.memref_slice %arg7[%dma_wait3A_263] : memref<10000xi32, #tpu.memory_space<vmem>> -> memref<80xi32, #tpu.memory_space<vmem>>
    %dma_wait3A_265 = arith.constant 0 : i32
    %dma_wait3A_266 = arith.constant 0 : i32
    %dma_wait3A_267 = tpu.memref_slice %arg14[%dma_wait3A_265, %dma_wait3A_266] : memref<10000x64xf32, #tpu.memory_space<vmem_shared>> -> memref<10000x64xf32, #tpu.memory_space<vmem_shared>>
    tpu.wait_indirect_dma semaphore(%arg23 : memref<!tpu.dma_semaphore, #tpu.memory_space<semaphore_mem>>) src(%arg11 : memref<80x64xf32, #tpu.memory_space<vmem>>) dst(%dma_wait3A_267 : memref<10000x64xf32, #tpu.memory_space<vmem_shared>>)
    %dma_wait3A_268 = arith.constant 9920 : i32
    %dma_wait3A_269 = tpu.memref_slice %arg7[%dma_wait3A_268] : memref<10000xi32, #tpu.memory_space<vmem>> -> memref<80xi32, #tpu.memory_space<vmem>>
    %dma_wait3A_270 = arith.constant 0 : i32
    %dma_wait3A_271 = arith.constant 0 : i32
    %dma_wait3A_272 = tpu.memref_slice %arg14[%dma_wait3A_270, %dma_wait3A_271] : memref<10000x64xf32, #tpu.memory_space<vmem_shared>> -> memref<10000x64xf32, #tpu.memory_space<vmem_shared>>
    tpu.wait_indirect_dma semaphore(%arg24 : memref<!tpu.dma_semaphore, #tpu.memory_space<semaphore_mem>>) src(%arg12 : memref<80x64xf32, #tpu.memory_space<vmem>>) dst(%dma_wait3A_272 : memref<10000x64xf32, #tpu.memory_space<vmem_shared>>)
    %barrier3A_273 = arith.constant 0 : index
    tpu.barrier barrier_id(%barrier3A_273)
    %mul3A_274 = arith.constant 624 : i32
    %mul3A_275 = arith.muli %arg1, %mul3A_274 : i32
    %dma_start3A_276 = arith.constant 0 : i32
    %dma_start3A_277 = tpu.memref_slice %arg5[%arg0, %mul3A_275, %dma_start3A_276] : memref<2x10000x64xf32, #tpu.memory_space<hbm>> -> memref<1x624x64xf32, #tpu.memory_space<hbm>>
    %dma_start3A_278 = tpu.memref_squeeze %dma_start3A_277 : memref<1x624x64xf32, #tpu.memory_space<hbm>> -> memref<624x64xf32, #tpu.memory_space<hbm>>
    %dma_start3A_279 = arith.constant 0 : i32
    %dma_start3A_280 = tpu.memref_slice %arg14[%mul3A_275, %dma_start3A_279] : memref<10000x64xf32, #tpu.memory_space<vmem_shared>> -> memref<624x64xf32, #tpu.memory_space<vmem_shared>>
    tpu.enqueue_dma source(%dma_start3A_280 : memref<624x64xf32, #tpu.memory_space<vmem_shared>>) target(%dma_start3A_278 : memref<624x64xf32, #tpu.memory_space<hbm>>) target_semaphore(%arg25 : memref<!tpu.dma_semaphore, #tpu.memory_space<semaphore_mem>>)
    %dma_wait3A_281 = arith.constant 0 : i32
    %dma_wait3A_282 = tpu.memref_slice %arg5[%arg0, %mul3A_275, %dma_wait3A_281] : memref<2x10000x64xf32, #tpu.memory_space<hbm>> -> memref<1x624x64xf32, #tpu.memory_space<hbm>>
    %dma_wait3A_283 = tpu.memref_squeeze %dma_wait3A_282 : memref<1x624x64xf32, #tpu.memory_space<hbm>> -> memref<624x64xf32, #tpu.memory_space<hbm>>
    %dma_wait3A_284 = arith.constant 0 : i32
    %dma_wait3A_285 = tpu.memref_slice %arg14[%mul3A_275, %dma_wait3A_284] : memref<10000x64xf32, #tpu.memory_space<vmem_shared>> -> memref<624x64xf32, #tpu.memory_space<vmem_shared>>
    tpu.wait_dma2 semaphore(%arg25 : memref<!tpu.dma_semaphore, #tpu.memory_space<semaphore_mem>>) src(%dma_wait3A_285 : memref<624x64xf32, #tpu.memory_space<vmem_shared>>) dst(%dma_wait3A_283 : memref<624x64xf32, #tpu.memory_space<hbm>>)
    %eq3A = arith.constant 15 : i32
    %eq3A_286 = arith.cmpi eq, %arg1, %eq3A : i32
    %convert_element_type3A = arith.extui %eq3A_286 : i1 to i32
    %cond3A = arith.constant 0 : i32
    %cond3A_287 = arith.cmpi ne, %convert_element_type3A, %cond3A : i32
    scf.if %cond3A_287 {
      %dma_start3A_288 = arith.constant 9984 : i32
      %dma_start3A_289 = arith.constant 0 : i32
      %dma_start3A_290 = tpu.memref_slice %arg5[%arg0, %dma_start3A_288, %dma_start3A_289] : memref<2x10000x64xf32, #tpu.memory_space<hbm>> -> memref<1x16x64xf32, #tpu.memory_space<hbm>>
      %dma_start3A_291 = tpu.memref_squeeze %dma_start3A_290 : memref<1x16x64xf32, #tpu.memory_space<hbm>> -> memref<16x64xf32, #tpu.memory_space<hbm>>
      %dma_start3A_292 = arith.constant 9984 : i32
      %dma_start3A_293 = arith.constant 0 : i32
      %dma_start3A_294 = tpu.memref_slice %arg14[%dma_start3A_292, %dma_start3A_293] : memref<10000x64xf32, #tpu.memory_space<vmem_shared>> -> memref<16x64xf32, #tpu.memory_space<vmem_shared>>
      tpu.enqueue_dma source(%dma_start3A_294 : memref<16x64xf32, #tpu.memory_space<vmem_shared>>) target(%dma_start3A_291 : memref<16x64xf32, #tpu.memory_space<hbm>>) target_semaphore(%arg25 : memref<!tpu.dma_semaphore, #tpu.memory_space<semaphore_mem>>)
      %dma_wait3A_295 = arith.constant 9984 : i32
      %dma_wait3A_296 = arith.constant 0 : i32
      %dma_wait3A_297 = tpu.memref_slice %arg5[%arg0, %dma_wait3A_295, %dma_wait3A_296] : memref<2x10000x64xf32, #tpu.memory_space<hbm>> -> memref<1x16x64xf32, #tpu.memory_space<hbm>>
      %dma_wait3A_298 = tpu.memref_squeeze %dma_wait3A_297 : memref<1x16x64xf32, #tpu.memory_space<hbm>> -> memref<16x64xf32, #tpu.memory_space<hbm>>
      %dma_wait3A_299 = arith.constant 9984 : i32
      %dma_wait3A_300 = arith.constant 0 : i32
      %dma_wait3A_301 = tpu.memref_slice %arg14[%dma_wait3A_299, %dma_wait3A_300] : memref<10000x64xf32, #tpu.memory_space<vmem_shared>> -> memref<16x64xf32, #tpu.memory_space<vmem_shared>>
      tpu.wait_dma2 semaphore(%arg25 : memref<!tpu.dma_semaphore, #tpu.memory_space<semaphore_mem>>) src(%dma_wait3A_301 : memref<16x64xf32, #tpu.memory_space<vmem_shared>>) dst(%dma_wait3A_298 : memref<16x64xf32, #tpu.memory_space<hbm>>)
    } else {
    }
    return
  }
}

module attributes {stable_mosaic.version = 14 : i64} {
  func.func @lin1_kernel(%arg0: i32, %arg1: memref<2000x128xf32, #tpu.memory_space<vmem>>, %arg2: memref<128x128xf32, #tpu.memory_space<vmem>>, %arg3: memref<2x2000x16xf32, #tpu.memory_space<vmem>>, %arg4: memref<2000x64xf32, #tpu.memory_space<vmem>>, %arg5: memref<2000x64xf32, #tpu.memory_space<vmem>>) attributes {dimension_semantics = [#tpu.dimension_semantics<arbitrary>], iteration_bounds = array<i64: 5>, scalar_prefetch = 0 : i64, scratch_operands = 0 : i64, tpu.core_type = #tpu.core_type<tc>, window_params = [{transform_indices = @transform_0, window_bounds = array<i64: 2000, 128>}, {pipeline_mode = #tpu.pipeline_mode<synchronous>, transform_indices = @transform_1, window_bounds = array<i64: 128, 128>}, {transform_indices = @transform_2, window_bounds = array<i64: 2, 2000, 16>}, {transform_indices = @transform_3, window_bounds = array<i64: 2000, 64>}, {transform_indices = @transform_4, window_bounds = array<i64: 2000, 64>}]} {
    %get3A = arith.constant 0 : index
    %get3A_0 = arith.constant 0 : index
    %get3A_1 = vector.load %arg1[%get3A, %get3A_0] : memref<2000x128xf32, #tpu.memory_space<vmem>>, vector<2000x128xf32>
    %get3A_2 = arith.constant 0 : index
    %get3A_3 = arith.constant 0 : index
    %get3A_4 = vector.load %arg2[%get3A_2, %get3A_3] : memref<128x128xf32, #tpu.memory_space<vmem>>, vector<128x128xf32>
    %dot_general3A = arith.constant dense<0.000000e+00> : vector<2000x128xf32>
    %dot_general3A_5 = tpu.matmul %get3A_1, %get3A_4, %dot_general3A {dimension_numbers = #tpu.dot_dimension_numbers<[1], [0], [0], [1], [0, 0, 1, 1], [], []>, transpose_lhs_hint = false} : vector<2000x128xf32>, vector<128x128xf32>, vector<2000x128xf32> -> vector<2000x128xf32>
    %get3A_6 = arith.constant 0 : index
    %get3A_7 = arith.constant 0 : index
    %get3A_8 = arith.constant 0 : index
    %get3A_9 = vector.load %arg3[%get3A_6, %get3A_7, %get3A_8] : memref<2x2000x16xf32, #tpu.memory_space<vmem>>, vector<2x2000x16xf32>
    %slice3A = vector.extract_strided_slice %get3A_9 {offsets = [0, 0, 0], sizes = [1, 2000, 16], strides = [1, 1, 1]} : vector<2x2000x16xf32> to vector<1x2000x16xf32>
    %squeeze3A = vector.shape_cast %slice3A : vector<1x2000x16xf32> to vector<2000x16xf32>
    %slice3A_10 = vector.extract_strided_slice %get3A_9 {offsets = [1, 0, 0], sizes = [1, 2000, 16], strides = [1, 1, 1]} : vector<2x2000x16xf32> to vector<1x2000x16xf32>
    %squeeze3A_11 = vector.shape_cast %slice3A_10 : vector<1x2000x16xf32> to vector<2000x16xf32>
    %add3A = arith.addf %squeeze3A, %squeeze3A_11 : vector<2000x16xf32>
    %reduce_sum3A = arith.constant dense<0.000000e+00> : vector<2000xf32>
    %reduce_sum3A_12 = vector.multi_reduction <add>, %add3A, %reduce_sum3A [1] : vector<2000x16xf32> to vector<2000xf32>
    %mul3A = arith.constant 6.250000e-02 : f32
    %mul3A_13 = vector.broadcast %mul3A : f32 to vector<2000xf32>
    %mul3A_14 = arith.mulf %reduce_sum3A_12, %mul3A_13 : vector<2000xf32>
    %add3A_15 = arith.constant 1.000000e+00 : f32
    %add3A_16 = vector.broadcast %add3A_15 : f32 to vector<2000xf32>
    %add3A_17 = arith.addf %mul3A_14, %add3A_16 : vector<2000xf32>
    %rsqrt3A = math.rsqrt %add3A_17 : vector<2000xf32>
    %broadcast_in_dim3A = vector.shape_cast %rsqrt3A : vector<2000xf32> to vector<2000x1xf32>
    %mul3A_18 = vector.broadcast %broadcast_in_dim3A : vector<2000x1xf32> to vector<2000x128xf32>
    %mul3A_19 = arith.mulf %dot_general3A_5, %mul3A_18 : vector<2000x128xf32>
    %slice3A_20 = vector.extract_strided_slice %mul3A_19 {offsets = [0, 0], sizes = [2000, 64], strides = [1, 1]} : vector<2000x128xf32> to vector<2000x64xf32>
    %swap3A = arith.constant 0 : index
    %swap3A_21 = arith.constant 0 : index
    %swap3A_22 = vector.load %arg4[%swap3A, %swap3A_21] : memref<2000x64xf32, #tpu.memory_space<vmem>>, vector<2000x64xf32>
    tpu.vector_store %arg4[%swap3A, %swap3A_21], %slice3A_20 {strides = array<i32>} : memref<2000x64xf32, #tpu.memory_space<vmem>>, vector<2000x64xf32>,
    %slice3A_23 = vector.extract_strided_slice %mul3A_19 {offsets = [0, 64], sizes = [2000, 64], strides = [1, 1]} : vector<2000x128xf32> to vector<2000x64xf32>
    %swap3A_24 = arith.constant 0 : index
    %swap3A_25 = arith.constant 0 : index
    %swap3A_26 = vector.load %arg5[%swap3A_24, %swap3A_25] : memref<2000x64xf32, #tpu.memory_space<vmem>>, vector<2000x64xf32>
    tpu.vector_store %arg5[%swap3A_24, %swap3A_25], %slice3A_23 {strides = array<i32>} : memref<2000x64xf32, #tpu.memory_space<vmem>>, vector<2000x64xf32>,
    return
  }
  func.func @transform_0(%arg0: i32) -> (i32, i32) {
    %c0_i32 = arith.constant 0 : i32
    %c0_i32_0 = arith.constant 0 : i32
    return %arg0, %c0_i32 : i32, i32
  }
  func.func @transform_1(%arg0: i32) -> (i32, i32) {
    %c0_i32 = arith.constant 0 : i32
    %c0_i32_0 = arith.constant 0 : i32
    %c0_i32_1 = arith.constant 0 : i32
    return %c0_i32, %c0_i32_0 : i32, i32
  }
  func.func @transform_2(%arg0: i32) -> (i32, i32, i32) {
    %c0_i32 = arith.constant 0 : i32
    %c0_i32_0 = arith.constant 0 : i32
    %c0_i32_1 = arith.constant 0 : i32
    return %c0_i32, %arg0, %c0_i32_0 : i32, i32, i32
  }
  func.func @transform_3(%arg0: i32) -> (i32, i32) {
    %c0_i32 = arith.constant 0 : i32
    %c0_i32_0 = arith.constant 0 : i32
    return %arg0, %c0_i32 : i32, i32
  }
  func.func @transform_4(%arg0: i32) -> (i32, i32) {
    %c0_i32 = arith.constant 0 : i32
    %c0_i32_0 = arith.constant 0 : i32
    return %arg0, %c0_i32 : i32, i32
  }
}

module attributes {stable_mosaic.version = 14 : i64} {
  func.func @l2_kernel(%arg0: i32, %arg1: memref<2x2000x64xf32, #tpu.memory_space<vmem>>, %arg2: memref<2000x64xf32, #tpu.memory_space<vmem>>, %arg3: memref<2000x64xf32, #tpu.memory_space<vmem>>, %arg4: memref<2x2000x16xf32, #tpu.memory_space<vmem>>, %arg5: memref<128xf32, #tpu.memory_space<vmem>>, %arg6: memref<128x64xf32, #tpu.memory_space<vmem>>, %arg7: memref<2000x64xf32, #tpu.memory_space<vmem>>) attributes {dimension_semantics = [#tpu.dimension_semantics<arbitrary>], iteration_bounds = array<i64: 5>, scalar_prefetch = 0 : i64, scratch_operands = 0 : i64, tpu.core_type = #tpu.core_type<tc>, window_params = [{transform_indices = @transform_0, window_bounds = array<i64: 2, 2000, 64>}, {transform_indices = @transform_1, window_bounds = array<i64: 2000, 64>}, {transform_indices = @transform_2, window_bounds = array<i64: 2000, 64>}, {transform_indices = @transform_3, window_bounds = array<i64: 2, 2000, 16>}, {pipeline_mode = #tpu.pipeline_mode<synchronous>, transform_indices = @transform_4, window_bounds = array<i64: 128>}, {pipeline_mode = #tpu.pipeline_mode<synchronous>, transform_indices = @transform_5, window_bounds = array<i64: 128, 64>}, {transform_indices = @transform_6, window_bounds = array<i64: 2000, 64>}]} {
    %get3A = arith.constant 0 : index
    %get3A_0 = arith.constant 0 : index
    %get3A_1 = arith.constant 0 : index
    %get3A_2 = vector.load %arg1[%get3A, %get3A_0, %get3A_1] : memref<2x2000x64xf32, #tpu.memory_space<vmem>>, vector<1x2000x64xf32>
    %get3A_3 = vector.shape_cast %get3A_2 : vector<1x2000x64xf32> to vector<2000x64xf32>
    %get3A_4 = arith.constant 0 : index
    %get3A_5 = arith.constant 0 : index
    %get3A_6 = vector.load %arg2[%get3A_4, %get3A_5] : memref<2000x64xf32, #tpu.memory_space<vmem>>, vector<2000x64xf32>
    %add3A = arith.addf %get3A_3, %get3A_6 : vector<2000x64xf32>
    %get3A_7 = arith.constant 1 : index
    %get3A_8 = arith.constant 0 : index
    %get3A_9 = arith.constant 0 : index
    %get3A_10 = vector.load %arg1[%get3A_7, %get3A_8, %get3A_9] : memref<2x2000x64xf32, #tpu.memory_space<vmem>>, vector<1x2000x64xf32>
    %get3A_11 = vector.shape_cast %get3A_10 : vector<1x2000x64xf32> to vector<2000x64xf32>
    %get3A_12 = arith.constant 0 : index
    %get3A_13 = arith.constant 0 : index
    %get3A_14 = vector.load %arg3[%get3A_12, %get3A_13] : memref<2000x64xf32, #tpu.memory_space<vmem>>, vector<2000x64xf32>
    %add3A_15 = arith.addf %get3A_11, %get3A_14 : vector<2000x64xf32>
    %concatenate3A = tpu.concatenate %add3A, %add3A_15 in 1 : vector<2000x64xf32>, vector<2000x64xf32> -> vector<2000x128xf32>
    %get3A_16 = arith.constant 0 : index
    %get3A_17 = arith.constant 0 : index
    %get3A_18 = arith.constant 0 : index
    %get3A_19 = vector.load %arg4[%get3A_16, %get3A_17, %get3A_18] : memref<2x2000x16xf32, #tpu.memory_space<vmem>>, vector<2x2000x16xf32>
    %slice3A = vector.extract_strided_slice %get3A_19 {offsets = [0, 0, 0], sizes = [1, 2000, 16], strides = [1, 1, 1]} : vector<2x2000x16xf32> to vector<1x2000x16xf32>
    %squeeze3A = vector.shape_cast %slice3A : vector<1x2000x16xf32> to vector<2000x16xf32>
    %slice3A_20 = vector.extract_strided_slice %get3A_19 {offsets = [1, 0, 0], sizes = [1, 2000, 16], strides = [1, 1, 1]} : vector<2x2000x16xf32> to vector<1x2000x16xf32>
    %squeeze3A_21 = vector.shape_cast %slice3A_20 : vector<1x2000x16xf32> to vector<2000x16xf32>
    %add3A_22 = arith.addf %squeeze3A, %squeeze3A_21 : vector<2000x16xf32>
    %reduce_sum3A = arith.constant dense<0.000000e+00> : vector<2000xf32>
    %reduce_sum3A_23 = vector.multi_reduction <add>, %add3A_22, %reduce_sum3A [1] : vector<2000x16xf32> to vector<2000xf32>
    %mul3A = arith.constant 6.250000e-02 : f32
    %mul3A_24 = vector.broadcast %mul3A : f32 to vector<2000xf32>
    %mul3A_25 = arith.mulf %reduce_sum3A_23, %mul3A_24 : vector<2000xf32>
    %add3A_26 = arith.constant 1.000000e+00 : f32
    %add3A_27 = vector.broadcast %add3A_26 : f32 to vector<2000xf32>
    %add3A_28 = arith.addf %mul3A_25, %add3A_27 : vector<2000xf32>
    %rsqrt3A = math.rsqrt %add3A_28 : vector<2000xf32>
    %broadcast_in_dim3A = vector.shape_cast %rsqrt3A : vector<2000xf32> to vector<2000x1xf32>
    %mul3A_29 = vector.broadcast %broadcast_in_dim3A : vector<2000x1xf32> to vector<2000x128xf32>
    %mul3A_30 = arith.mulf %concatenate3A, %mul3A_29 : vector<2000x128xf32>
    %get3A_31 = arith.constant 0 : index
    %get3A_32 = vector.load %arg5[%get3A_31] : memref<128xf32, #tpu.memory_space<vmem>>, vector<128xf32>
    %broadcast_in_dim3A_33 = vector.shape_cast %get3A_32 : vector<128xf32> to vector<1x128xf32>
    %add3A_34 = vector.broadcast %broadcast_in_dim3A_33 : vector<1x128xf32> to vector<2000x128xf32>
    %add3A_35 = arith.addf %mul3A_30, %add3A_34 : vector<2000x128xf32>
    %max3A = arith.constant 0.000000e+00 : f32
    %max3A_36 = vector.broadcast %max3A : f32 to vector<2000x128xf32>
    %max3A_37 = arith.maximumf %add3A_35, %max3A_36 : vector<2000x128xf32>
    %get3A_38 = arith.constant 0 : index
    %get3A_39 = arith.constant 0 : index
    %get3A_40 = vector.load %arg6[%get3A_38, %get3A_39] : memref<128x64xf32, #tpu.memory_space<vmem>>, vector<128x64xf32>
    %dot_general3A = arith.constant dense<0.000000e+00> : vector<2000x64xf32>
    %dot_general3A_41 = tpu.matmul %max3A_37, %get3A_40, %dot_general3A {dimension_numbers = #tpu.dot_dimension_numbers<[1], [0], [0], [1], [0, 0, 1, 1], [], []>, transpose_lhs_hint = false} : vector<2000x128xf32>, vector<128x64xf32>, vector<2000x64xf32> -> vector<2000x64xf32>
    %mul3A_42 = vector.broadcast %broadcast_in_dim3A : vector<2000x1xf32> to vector<2000x64xf32>
    %mul3A_43 = arith.mulf %dot_general3A_41, %mul3A_42 : vector<2000x64xf32>
    %swap3A = arith.constant 0 : index
    %swap3A_44 = arith.constant 0 : index
    %swap3A_45 = vector.load %arg7[%swap3A, %swap3A_44] : memref<2000x64xf32, #tpu.memory_space<vmem>>, vector<2000x64xf32>
    tpu.vector_store %arg7[%swap3A, %swap3A_44], %mul3A_43 {strides = array<i32>} : memref<2000x64xf32, #tpu.memory_space<vmem>>, vector<2000x64xf32>,
    return
  }
  func.func @transform_0(%arg0: i32) -> (i32, i32, i32) {
    %c0_i32 = arith.constant 0 : i32
    %c0_i32_0 = arith.constant 0 : i32
    %c0_i32_1 = arith.constant 0 : i32
    return %c0_i32, %arg0, %c0_i32_0 : i32, i32, i32
  }
  func.func @transform_1(%arg0: i32) -> (i32, i32) {
    %c0_i32 = arith.constant 0 : i32
    %c0_i32_0 = arith.constant 0 : i32
    return %arg0, %c0_i32 : i32, i32
  }
  func.func @transform_2(%arg0: i32) -> (i32, i32) {
    %c0_i32 = arith.constant 0 : i32
    %c0_i32_0 = arith.constant 0 : i32
    return %arg0, %c0_i32 : i32, i32
  }
  func.func @transform_3(%arg0: i32) -> (i32, i32, i32) {
    %c0_i32 = arith.constant 0 : i32
    %c0_i32_0 = arith.constant 0 : i32
    %c0_i32_1 = arith.constant 0 : i32
    return %c0_i32, %arg0, %c0_i32_0 : i32, i32, i32
  }
  func.func @transform_4(%arg0: i32) -> i32 {
    %c0_i32 = arith.constant 0 : i32
    %c0_i32_0 = arith.constant 0 : i32
    return %c0_i32 : i32
  }
  func.func @transform_5(%arg0: i32) -> (i32, i32) {
    %c0_i32 = arith.constant 0 : i32
    %c0_i32_0 = arith.constant 0 : i32
    %c0_i32_1 = arith.constant 0 : i32
    return %c0_i32, %c0_i32_0 : i32, i32
  }
  func.func @transform_6(%arg0: i32) -> (i32, i32) {
    %c0_i32 = arith.constant 0 : i32
    %c0_i32_0 = arith.constant 0 : i32
    return %arg0, %c0_i32 : i32, i32
  }
}

module attributes {stable_mosaic.version = 14 : i64} {
  func.func @out_kernel(%arg0: i32, %arg1: memref<2x2000x64xf32, #tpu.memory_space<vmem>>, %arg2: memref<2000x64xf32, #tpu.memory_space<vmem>>, %arg3: memref<2x2000x16xf32, #tpu.memory_space<vmem>>, %arg4: memref<64xf32, #tpu.memory_space<vmem>>, %arg5: memref<2000x64xf32, #tpu.memory_space<vmem>>) attributes {dimension_semantics = [#tpu.dimension_semantics<arbitrary>], iteration_bounds = array<i64: 5>, scalar_prefetch = 0 : i64, scratch_operands = 0 : i64, tpu.core_type = #tpu.core_type<tc>, window_params = [{transform_indices = @transform_0, window_bounds = array<i64: 2, 2000, 64>}, {transform_indices = @transform_1, window_bounds = array<i64: 2000, 64>}, {transform_indices = @transform_2, window_bounds = array<i64: 2, 2000, 16>}, {pipeline_mode = #tpu.pipeline_mode<synchronous>, transform_indices = @transform_3, window_bounds = array<i64: 64>}, {transform_indices = @transform_4, window_bounds = array<i64: 2000, 64>}]} {
    %get3A = arith.constant 0 : index
    %get3A_0 = arith.constant 0 : index
    %get3A_1 = arith.constant 0 : index
    %get3A_2 = vector.load %arg1[%get3A, %get3A_0, %get3A_1] : memref<2x2000x64xf32, #tpu.memory_space<vmem>>, vector<1x2000x64xf32>
    %get3A_3 = vector.shape_cast %get3A_2 : vector<1x2000x64xf32> to vector<2000x64xf32>
    %get3A_4 = arith.constant 1 : index
    %get3A_5 = arith.constant 0 : index
    %get3A_6 = arith.constant 0 : index
    %get3A_7 = vector.load %arg1[%get3A_4, %get3A_5, %get3A_6] : memref<2x2000x64xf32, #tpu.memory_space<vmem>>, vector<1x2000x64xf32>
    %get3A_8 = vector.shape_cast %get3A_7 : vector<1x2000x64xf32> to vector<2000x64xf32>
    %add3A = arith.addf %get3A_3, %get3A_8 : vector<2000x64xf32>
    %get3A_9 = arith.constant 0 : index
    %get3A_10 = arith.constant 0 : index
    %get3A_11 = vector.load %arg2[%get3A_9, %get3A_10] : memref<2000x64xf32, #tpu.memory_space<vmem>>, vector<2000x64xf32>
    %add3A_12 = arith.addf %add3A, %get3A_11 : vector<2000x64xf32>
    %get3A_13 = arith.constant 0 : index
    %get3A_14 = arith.constant 0 : index
    %get3A_15 = arith.constant 0 : index
    %get3A_16 = vector.load %arg3[%get3A_13, %get3A_14, %get3A_15] : memref<2x2000x16xf32, #tpu.memory_space<vmem>>, vector<2x2000x16xf32>
    %slice3A = vector.extract_strided_slice %get3A_16 {offsets = [0, 0, 0], sizes = [1, 2000, 16], strides = [1, 1, 1]} : vector<2x2000x16xf32> to vector<1x2000x16xf32>
    %squeeze3A = vector.shape_cast %slice3A : vector<1x2000x16xf32> to vector<2000x16xf32>
    %slice3A_17 = vector.extract_strided_slice %get3A_16 {offsets = [1, 0, 0], sizes = [1, 2000, 16], strides = [1, 1, 1]} : vector<2x2000x16xf32> to vector<1x2000x16xf32>
    %squeeze3A_18 = vector.shape_cast %slice3A_17 : vector<1x2000x16xf32> to vector<2000x16xf32>
    %add3A_19 = arith.addf %squeeze3A, %squeeze3A_18 : vector<2000x16xf32>
    %reduce_sum3A = arith.constant dense<0.000000e+00> : vector<2000xf32>
    %reduce_sum3A_20 = vector.multi_reduction <add>, %add3A_19, %reduce_sum3A [1] : vector<2000x16xf32> to vector<2000xf32>
    %mul3A = arith.constant 6.250000e-02 : f32
    %mul3A_21 = vector.broadcast %mul3A : f32 to vector<2000xf32>
    %mul3A_22 = arith.mulf %reduce_sum3A_20, %mul3A_21 : vector<2000xf32>
    %add3A_23 = arith.constant 1.000000e+00 : f32
    %add3A_24 = vector.broadcast %add3A_23 : f32 to vector<2000xf32>
    %add3A_25 = arith.addf %mul3A_22, %add3A_24 : vector<2000xf32>
    %rsqrt3A = math.rsqrt %add3A_25 : vector<2000xf32>
    %broadcast_in_dim3A = vector.shape_cast %rsqrt3A : vector<2000xf32> to vector<2000x1xf32>
    %mul3A_26 = vector.broadcast %broadcast_in_dim3A : vector<2000x1xf32> to vector<2000x64xf32>
    %mul3A_27 = arith.mulf %add3A_12, %mul3A_26 : vector<2000x64xf32>
    %get3A_28 = arith.constant 0 : index
    %get3A_29 = vector.load %arg4[%get3A_28] : memref<64xf32, #tpu.memory_space<vmem>>, vector<64xf32>
    %broadcast_in_dim3A_30 = vector.shape_cast %get3A_29 : vector<64xf32> to vector<1x64xf32>
    %add3A_31 = vector.broadcast %broadcast_in_dim3A_30 : vector<1x64xf32> to vector<2000x64xf32>
    %add3A_32 = arith.addf %mul3A_27, %add3A_31 : vector<2000x64xf32>
    %logistic3A = arith.negf %add3A_32 : vector<2000x64xf32>
    %logistic3A_33 = math.exp %logistic3A : vector<2000x64xf32>
    %logistic3A_34 = arith.constant 1.000000e+00 : f32
    %logistic3A_35 = vector.broadcast %logistic3A_34 : f32 to vector<2000x64xf32>
    %logistic3A_36 = arith.addf %logistic3A_35, %logistic3A_33 : vector<2000x64xf32>
    %logistic3A_37 = arith.divf %logistic3A_35, %logistic3A_36 : vector<2000x64xf32>
    %swap3A = arith.constant 0 : index
    %swap3A_38 = arith.constant 0 : index
    %swap3A_39 = vector.load %arg5[%swap3A, %swap3A_38] : memref<2000x64xf32, #tpu.memory_space<vmem>>, vector<2000x64xf32>
    tpu.vector_store %arg5[%swap3A, %swap3A_38], %logistic3A_37 {strides = array<i32>} : memref<2000x64xf32, #tpu.memory_space<vmem>>, vector<2000x64xf32>,
    return
  }
  func.func @transform_0(%arg0: i32) -> (i32, i32, i32) {
    %c0_i32 = arith.constant 0 : i32
    %c0_i32_0 = arith.constant 0 : i32
    %c0_i32_1 = arith.constant 0 : i32
    return %c0_i32, %arg0, %c0_i32_0 : i32, i32, i32
  }
  func.func @transform_1(%arg0: i32) -> (i32, i32) {
    %c0_i32 = arith.constant 0 : i32
    %c0_i32_0 = arith.constant 0 : i32
    return %arg0, %c0_i32 : i32, i32
  }
  func.func @transform_2(%arg0: i32) -> (i32, i32, i32) {
    %c0_i32 = arith.constant 0 : i32
    %c0_i32_0 = arith.constant 0 : i32
    %c0_i32_1 = arith.constant 0 : i32
    return %c0_i32, %arg0, %c0_i32_0 : i32, i32, i32
  }
  func.func @transform_3(%arg0: i32) -> i32 {
    %c0_i32 = arith.constant 0 : i32
    %c0_i32_0 = arith.constant 0 : i32
    return %c0_i32 : i32
  }
  func.func @transform_4(%arg0: i32) -> (i32, i32) {
    %c0_i32 = arith.constant 0 : i32
    %c0_i32_0 = arith.constant 0 : i32
    return %arg0, %c0_i32 : i32, i32
  }
}

</mosaic_0001>

<sc_bundles>
// kernel: kernel.11.cloned.1.call-start
scs
__scs_entry_jumppad:
0x0: {  	(pc) =	sbr.rel $0x88, $3  }
0x1: {  	(tag) =	ssettag $0x0;
	lr =	simm.s32 $0x1  }
0x2: {  	[smem:$0x3F9B] =	sst lr;
	_ =	strace $0xD0000000  }
0x3: {  	_ = 	snop  }
0x4: {  	_ = 	snop  }
0x5: {  	_ = 	snop  }
0x6: {  	_ = 	snop  }
0x7: {  	_ = 	snop  }
__scs_overlays_trampoline_lowered:
0x8: {  	[smem:$0x3FAA] =	sst s0  }
0x9: {  	[smem:$0x3FAB] =	sst s1  }
0xa: {  	[smem:$0x3FAC] =	sst s2  }
0xb: {  	[smem:$0x3FAD] =	sst s3  }
0xc: {  	[smem:$0x3FAE] =	sst s4  }
0xd: {  	[smem:$0x3FAF] =	sst s5  }
0xe: {  	[smem:$0x3FB0] =	sst s6  }
0xf: {  	[smem:$0x3FB1] =	sst s7  }
0x10: {  	[smem:$0x3FB2] =	sst s8  }
0x11: {  	[smem:$0x3FB3] =	sst s9;
	s0 =	simm.s32 @!p0 $0x0  }
0x12: {  	s1 =	sld [smem:$0x3F99];
	s0 =	simm.s32 @p0 $0x1  }
0x13: {  	[smem:$0x3FB4] =	sst s0;
	s0 =	simm.s32 @!p1 $0x0  }
0x14: {  	s2 =	sld [smem:$0x3F98];
	s0 =	simm.s32 @p1 $0x1  }
0x15: {  	[smem:$0x3FB5] =	sst s0;
	s0 =	simm.s32 @!p2 $0x0  }
0x16: {  	s3 =	sld [smem:$0x3FDB];
	s0 =	simm.s32 @p2 $0x1  }
0x17: {  	s4 =	simm.s32 $0x1BF5;
	[smem:$0x3FB7] =	sst s0  }
0x18: {  	s0 =	sld [smem:$0x3F9A];
	_ =	swait.ge [sflag:s4], $0x0  }
0x19: {  	s7 =	sld [smem:$0x3F9B]  }
0x1a: {  	s8 =	sadd.s32 $0xFFFFE003, lr  }
0x1b: {  	s9 =	sadd.s32 $0xFFFFFEF7, lr;
	s5 =	simm.s32 $0xFFFFFFFF;
	p2 =	slt.u32 s8, $0xFFFFF086  }
0x1c: {  	p1 =	slt.u32 s9, $0xF7A;
	s5 =	simm.s32 @!p2 $0x0  }
0x1d: {  	s5 =	simm.s32 @p1 $0x1;
	p0 =	seq.s32 s7, s2  }
0x1e: {  	s7 =	smul.u32 @!p0 $0xF7A, s2;
	p2 =	seq.s32 @!p0 s5, $0x0  }
0x1f: {  	s9 =	smul.u32 $0xF7A, s1;
	s8 =	simm.s32 @!p0 $0x1BF5;
	p2 =	por !p2, p0  }
0x20: {  	[sflag:s8] =	ssyncset.s32 @!p0 $0xFFFFF086;
	s6 =	sadd.s32 @!p0 s3, s7;
	s7 =	simm.s32 @!p0 $0x108  }
0x21: {  	s3 =	sadd.s32 s3, s9;
	s6 =	sadd.s32 @!p0 $0x88, s6;
	s7 =	simm.s32 @p2 $0x1082  }
0x22: {  	[simem:s7], [sflag:s8] =	dma.local @!p0 [hbm:s6], $0xF7A  }
0x23: {  	s9 =	sor.u32 $0xD0000000, s2;
	s6 =	simm.s32 $0x108;
	_ =	swait.ge @!p0 [sflag:s8], $0x0  }
0x24: {  	s3 =	sadd.s32 $0x88, s3;
	s6 =	simm.s32 @!p1 $0x1082;
	[sflag:s4] =	ssyncset.s32 $0xFFFFF086  }
0x25: {  	[simem:s6], [sflag:s4] =	dma.local [hbm:s3], $0xF7A  }
0x26: {  	[smem:$0x3F9B] =	sst s1;
	(tag) =	ssettag s2;
	_ =	strace s9  }
0x27: {  	s1 =	sld [smem:$0x3FAB]  }
0x28: {  	s2 =	sld [smem:$0x3FAC]  }
0x29: {  	s4 =	sld [smem:$0x3FAE]  }
0x2a: {  	p0 =	seq.s32 s5, $0x0;
	s5 =	sld [smem:$0x3FAF]  }
0x2b: {  	s6 =	sld [smem:$0x3FB0]  }
0x2c: {  	s7 =	sld [smem:$0x3FB1]  }
0x2d: {  	s3 =	simm.s32 $0x108;
	s8 =	sld [smem:$0x3FB2]  }
0x2e: {  	s3 =	simm.s32 @!p0 $0x1082;
	s9 =	sld [smem:$0x3FB3]  }
0x2f: {  	lr =	sadd.s32 s0, s3;
	s0 =	sld [smem:$0x3FAA]  }
0x30: {  	s3 =	sld [smem:$0x3FAD]  }
0x31: {  	[smem:$0x3FB6] =	sst s10  }
0x32: {  	s10 =	sld [smem:$0x3FB4];
	_ =	sdelay $0x3  }
0x33: {  	p0 =	seq.s32 s10, $0x1;
	s10 =	sld [smem:$0x3FB6];
	_ =	sdelay $0x3  }
0x34: {  	[smem:$0x3FB6] =	sst s10  }
0x35: {  	s10 =	sld [smem:$0x3FB5];
	_ =	sdelay $0x3  }
0x36: {  	p1 =	seq.s32 s10, $0x1;
	s10 =	sld [smem:$0x3FB6];
	_ =	sdelay $0x3  }
0x37: {  	[smem:$0x3FB6] =	sst s10  }
0x38: {  	s10 =	sld [smem:$0x3FB7]  }
0x39: {  	_ = 	snop;
	(pc) =	sbr.ind lr, $3  }
0x3a: {  	_ = 	snop  }
0x3b: {  	_ = 	snop  }
0x3c: {  	p2 =	seq.s32 s10, $0x1;
	s10 =	sld [smem:$0x3FB6]  }
0x3d: {  	_ =	shalt  }
0x3e: {  	_ =	shalt  }
0x3f: {  	_ =	shalt  }
0x40: {  	_ =	shalt  }
0x41: {  	_ =	shalt  }
0x42: {  	_ =	shalt  }
0x43: {  	_ =	shalt  }
0x44: {  	_ =	shalt  }
0x45: {  	_ =	shalt  }
0x46: {  	_ =	shalt  }
0x47: {  	_ =	shalt  }
0x48: {  	_ =	shalt  }
0x49: {  	_ =	shalt  }
0x4a: {  	_ =	shalt  }
0x4b: {  	_ =	shalt  }
0x4c: {  	_ =	shalt  }
0x4d: {  	_ =	shalt  }
0x4e: {  	_ =	shalt  }
0x4f: {  	_ =	shalt  }
0x50: {  	_ =	shalt  }
0x51: {  	_ =	shalt  }
0x52: {  	_ =	shalt  }
0x53: {  	_ =	shalt  }
0x54: {  	_ =	shalt  }
0x55: {  	_ =	shalt  }
0x56: {  	_ =	shalt  }
0x57: {  	_ =	shalt  }
0x58: {  	_ =	shalt  }
0x59: {  	_ =	shalt  }
0x5a: {  	_ =	shalt  }
0x5b: {  	_ =	shalt  }
0x5c: {  	_ =	shalt  }
0x5d: {  	_ =	shalt  }
0x5e: {  	_ =	shalt  }
0x5f: {  	_ =	shalt  }
0x60: {  	_ =	shalt  }
0x61: {  	_ =	shalt  }
0x62: {  	_ =	shalt  }
0x63: {  	_ =	shalt  }
0x64: {  	_ =	shalt  }
0x65: {  	_ =	shalt  }
0x66: {  	_ =	shalt  }
0x67: {  	_ =	shalt  }
0x68: {  	_ =	shalt  }
0x69: {  	_ =	shalt  }
0x6a: {  	_ =	shalt  }
0x6b: {  	_ =	shalt  }
0x6c: {  	_ =	shalt  }
0x6d: {  	_ =	shalt  }
0x6e: {  	_ =	shalt  }
0x6f: {  	_ =	shalt  }
0x70: {  	_ =	shalt  }
0x71: {  	_ =	shalt  }
0x72: {  	_ =	shalt  }
0x73: {  	_ =	shalt  }
0x74: {  	_ =	shalt  }
0x75: {  	_ =	shalt  }
0x76: {  	_ =	shalt  }
0x77: {  	_ =	shalt  }
0x78: {  	_ =	shalt  }
0x79: {  	_ =	shalt  }
0x7a: {  	_ =	shalt  }
0x7b: {  	_ =	shalt  }
0x7c: {  	_ =	shalt  }
0x7d: {  	_ =	shalt  }
0x7e: {  	_ =	shalt  }
0x7f: {  	_ =	shalt  }
0x80: {  	_ =	shalt  }
0x81: {  	_ =	shalt  }
0x82: {  	_ =	shalt  }
0x83: {  	_ =	shalt  }
0x84: {  	_ =	shalt  }
0x85: {  	_ =	shalt  }
0x86: {  	_ =	shalt  }
0x87: {  	_ =	shalt  }
.Lfunc_end0:
.L_simem_size_0:
called_computation.1_lowered:
.L_overlay_start_0:
0x88: {  	s2 =	sld [smem:$0x3FD9]  }
0x89: {  	s3 =	sld [smem:$0x3FFE];
	_ =	sdelay $0x1  }
0x8a: {  	s1 =	srdreg.scid  }
0x8b: {  	s0 =	sand.u32 $0x1, s1  }
0x8c: {  	s17 =	sshll.u32 s0, $0xA;
	s2 =	sadd.s32 s3, s2  }
0x8d: {  	s2 =	sadd.s32 s2, s17  }
0x8e: {  	[smem:$0x3FC2] =	sst s2  }
0x8f: {  	_ = 	snop  }
0x90: {  	s2 =	sld [smem:$0x3FD0];
	(tm) =	ssettm $0x1  }
0x91: {  	s18 =	sld [smem:$0x3FFB];
	_ =	sdelay $0x3  }
0x92: {  	_ =	strace s18  }
0x93: {  	s3 =	sld [smem:$0x3FFC];
	_ =	sdelay $0x3  }
0x94: {  	_ =	strace s3  }
0x95: {  	s3 =	sld [smem:$0x3FFD];
	_ =	sdelay $0x3  }
0x96: {  	_ =	strace s3  }
0x97: {  	_ =	strace $0x8FFFFFFF  }
0x98: {  	s19 =	sld [smem:$0x3FDB];
	_ =	sdelay $0x1  }
0x99: {  	s4 =	simm.s32 $_scs_section_size  }
0x9a: {  	s5 =	simm.s32 $_size__tile_overlayer_lowered;
	s6 =	simm.s32 $_tile_overlayer_lowered  }
0x9b: {  	s22 =	simm.s32 $0x1BFF;
	s21 =	sshll.u32 s6, $0x1;
	s3 =	sadd.s32 s4, s19  }
0x9c: {  	s7 =	simm.s32 $0x0;
	s20 =	sshll.u32 s5, $0x1;
	s5 =	sadd.s32 s21, s3  }
0x9d: {  	[timem:s7], [sflag:s22] =	dma.local [hbm:s5], s20  }
0x9e: {  	_ =	swait.ge [sflag:s22], s20  }
0x9f: {  	s4 =	ssub.s32 $0x0, s20;
	[sflag:s22] =	ssyncset.done $0x0  }
0xa0: {  	[sflag:s22] =	ssyncadd.s32 s4;
	_ =	sdelay $0x1  }
0xa1: {  	s23 =	simm.s32 $0x1B8B  }
0xa2: {  	_ =	swait.ge [sflag:s23], $0x1  }
0xa3: {  	[sflag:s23] =	ssyncset.done $0x0  }
0xa4: {  	s25 =	simm.s32 $0x1B8E;
	s24 =	sld [smem:$0x3FFE];
	[sflag:s23] =	ssyncadd.s32 $0xFFFFFFFF  }
0xa5: {  	s26 =	simm.s32 $execute0_lowered;
	[smem:$0x3FD2] =	sst s25  }
0xa6: {  	s5 =	sshll.u32 s26, $0x1;
	_ =	strace $0x80000049;
	[dreg:$0x1] =	wrdreg $0xFFFFFFFF  }
0xa7: {  	s28 =	simm.s32 $_size_execute0_lowered;
	s3 =	sadd.s32 s3, s5;
	[dreg:$0x0] =	wrdreg $0x0  }
0xa8: {  	s5 =	sshll.u32 s28, $0x1;
	[dreg:$0x2] =	wrdreg s3  }
0xa9: {  	[dreg:$0x3] =	wrdreg s5  }
0xaa: {  	[dreg:$0x4] =	wrdreg $0xC0  }
0xab: {  	_ =	task [dreg:s7], $0x5FFFF  }
0xac: {  	[dreg:$0x1] =	wrdreg $0xFFFFFFFF  }
0xad: {  	[dreg:$0x0] =	wrdreg $0x60  }
0xae: {  	[dreg:$0x2] =	wrdreg s2  }
0xaf: {  	[dreg:$0x3] =	wrdreg s24  }
0xb0: {  	[dreg:$0x4] =	wrdreg $0x10A400  }
0xb1: {  	[dreg:$0x5] =	wrdreg $0x9  }
0xb2: {  	_ =	task.clear_ibuf [dreg:s7], $0x6FFFF;
	_ =	strace $0x90000049  }
0xb3: {  	s29 =	simm.s32 $0x9;
	_ =	strace $0x8000004B  }
0xb4: {  	_ =	swait.ge [sflag:s29], $0x1  }
0xb5: {  	[sflag:s29] =	ssyncadd.s32 $0xFFFFFFFF  }
0xb6: {  	_ =	strace $0x9000004B  }
0xb7: {  	_ =	sfence  }
0xb8: {  	s30 =	sld [smem:$0x0];
	_ =	sdelay $0x2  }
0xb9: {  	s31 =	sshll.u32 s1, $0xD;
	s1 =	sshrl.u32 s1, $0x2  }
0xba: {  	s3 =	sand.u32 $0x4000, s31;
	s1 =	sadd.s32 s1, s30  }
0xbb: {  	s0 =	sor.u32 s3, s0;
	s1 =	sshll.u32 s1, $0x11  }
0xbc: {  	s0 =	sor.u32 s1, s0  }
0xbd: {  	s0 =	sadd.s32 $0x8F2B, s0  }
0xbe: {  	[sflag:s0] =	ssyncadd.remote.s32 $0x1  }
0xbf: {  	_ =	sfence.sel $0xFFFF  }
0xc0: {  	[dreg:$0x0] =	wrdreg $0xFFFFFFFF;
	(pc) =	sbr.abs _section_cstart, $3  }
0xc1: {  	[dreg:$0x1] =	wrdreg $0xFFFFFFFF  }
0xc2: {  	_ =	task.clear_ibuf [dreg:s7], $0x2FFFF;
	_ =	strace $0x9FFFFFFF  }
0xc3: {  	(tm) =	ssettm $0x7FFFFFFF  }
tec
execute0_lowered:
.L_overlay_start_1:
0x0: {  	(tag) =	ssettag $0x1  }
0x1: {  	s1 =	rddreg [dreg:$0x0]  }
0x2: {  	s0 =	rddreg [dreg:$0x1]  }
0x3: {  	s3 =	rddreg [dreg:$0x2];
	s2 =	simm.s32 $0x0  }
0x4: {  	s10 =	stileid.u32;
	s11 =	srdreg.scid;
	s29 =	simm.s32 $0xC  }
0x5: {  	s31 =	simm.s32 $0x10040;
	s30 =	simm.s32 $0x50;
	s4 =	smul.u32 $0x9C4, s10  }
0x6: {  	[smem:$0x7FF] =	sst s2;
	s2 =	sand.u32 $0x1, s11;
	s7 =	smul.u32 $0x27000, s10  }
0x7: {  	s5 =	sadd.s32 $0x63600, s0;
	s9 =	smul.u32 $0x9C00, s10;
	s4 =	sadd.s32 s4, s0  }
0x8: {  	_ =	strace $0x8000004A;
	s7 =	sshrl.u32 s7, $0x2;
	s12 =	sadd.s32 $0x1800, s4  }
0x9: {  	s4 =	sadd.s32 $0xB600, s4;
	s13 =	sadd.s32 s7, s3;
	[dreg:$0x4] =	wrdreg s12  }
0xa: {  	p1 =	sne.s32 s10, $0xF;
	[dreg:$0x5] =	wrdreg s4;
	s7 =	sadd.s32 $0xA00, s13  }
0xb: {  	s10 =	simm.s32 $0x1;
	s14 =	sadd.s32 $0x1400, s13;
	[dreg:$0x6] =	wrdreg s7  }
0xc: {  	s6 =	ssub.s32 $0x2, s2;
	s15 =	sadd.s32 $0x1E00, s13;
	[dreg:$0x7] =	wrdreg s14  }
0xd: {  	s17 =	smul.u32 $0x9C400, s2;
	s16 =	sadd.s32 $0x2800, s13;
	[dreg:$0x8] =	wrdreg s15  }
0xe: {  	p0 =	sne.s32 s2, $0x0;
	s11 =	sadd.s32 $0x3200, s13;
	[dreg:$0x9] =	wrdreg s16  }
0xf: {  	s2 =	simm.s32 $0x9C40;
	s18 =	sadd.s32 $0x3C00, s13;
	[dreg:$0xa] =	wrdreg s11  }
0x10: {  	s0 =	sadd.s32 $0x77000, s0;
	s19 =	sadd.s32 $0x4600, s13;
	[dreg:$0xb] =	wrdreg s18  }
0x11: {  	s8 =	sshrl.u32 s6, $0x1;
	s20 =	sadd.s32 $0x5000, s13;
	[dreg:$0xc] =	wrdreg s19  }
0x12: {  	s6 =	ssub.s32 s6, s8;
	s21 =	sadd.s32 $0x5A00, s13;
	[dreg:$0xd] =	wrdreg s20  }
0x13: {  	s8 =	sadd.s32 s9, s3;
	s22 =	sadd.s32 $0x6400, s13;
	[dreg:$0xe] =	wrdreg s21  }
0x14: {  	s9 =	sadd.s32 s9, s17;
	s23 =	sadd.s32 $0x6E00, s13;
	[dreg:$0xf] =	wrdreg s22  }
0x15: {  	s9 =	sshrl.u32 s9, $0x3;
	s24 =	sadd.s32 $0x7800, s13;
	[dreg:$0x10] =	wrdreg s23  }
0x16: {  	s25 =	sadd.s32 $0x8200, s13;
	s26 =	sadd.s32 $0x8C00, s13;
	[dreg:$0x12] =	wrdreg s24  }
0x17: {  	s4 =	simm.s32 $0xB040;
	s12 =	simm.s32 $0x3;
	[dreg:$0x13] =	wrdreg s25  }
0x18: {  	s7 =	sshrl.u32 s17, $0x3;
	s9 =	sadd.s32 s0, s9;
	[dreg:$0x14] =	wrdreg s26  }
0x19: {  	s24 =	sadd.s32 $0x9600, s13;
	s26 =	smax.u32 s6, $0x1;
	s6 =	simm.s32 $0xC440  }
0x1a: {  	s11 =	simm.s32 $0x2;
	s13 =	simm.s32 $0x4;
	s14 =	simm.s32 $0x5  }
.Ltmp0:
0x1b: {  	s15 =	simm.s32 $0x6;
	s16 =	simm.s32 $0x7;
	(pc) =	sbr.rel .LBB2_1-.Ltmp0, $4  }
0x1c: {  	s17 =	simm.s32 $0x8;
	s18 =	simm.s32 $0x9;
	s19 =	simm.s32 $0xA  }
0x1d: {  	s20 =	simm.s32 $0x0;
	[dreg:$0x11] =	wrdreg s9;
	s0 =	sadd.s32 s0, s7  }
0x1e: {  	s7 =	simm.s32 $0xD840;
	s25 =	sadd.s32 $0x13800, s0;
	s0 =	sadd.s32 $0x9C000, s3  }
0x1f: {  	v0 =	vimm.f32 $0.0e+00;
	s9 =	simm.s32 $0xEC40;
	s28 =	sshrl.u32 @!p1 s0, $0x3;
	s0 =	simm.s32 $0xB  }
.LBB2_9:
0x20: {  	[tilespmem:s9], [sflag:$0x5] =	stream.indirect.gather [hbm4b:s5+s30], $0x40, s22, s30, $0xb8;
	[tilespmem:$0x1A680] =	vst v63  }
.LBB2_10:
0x21: {  	_ =	swait.ge [sflag:s10], $0x1400  }
0x22: {  	[sflag:s10] =	ssyncset.done $0x0  }
0x23: {  	s21 =	simm.s32 $0x9AB0;
	[sflag:s10] =	ssyncadd.s32 $0xFFFFEC00  }
0x24: {  	[spmem:s3] =	stream.indirect.scatter.add.f32 [tilespmem:s2], [sflag:$0x6], $0x40, s21, s30, $0xb8;
	[tilespmem:$0x1A680] =	vst v63  }
0x25: {  	_ =	swait.ge [sflag:s11], $0x1400  }
0x26: {  	[sflag:s11] =	ssyncset.done $0x0  }
0x27: {  	s23 =	simm.s32 $0x9B00;
	[sflag:s11] =	ssyncadd.s32 $0xFFFFEC00  }
0x28: {  	[spmem:s3] =	stream.indirect.scatter.add.f32 [tilespmem:s4], [sflag:$0x7], $0x40, s23, s30, $0xb8;
	[tilespmem:$0x1A680] =	vst v63  }
0x29: {  	_ =	swait.ge [sflag:s12], $0x1400  }
0x2a: {  	[sflag:s12] =	ssyncset.done $0x0  }
0x2b: {  	s22 =	simm.s32 $0x9B50;
	[sflag:s12] =	ssyncadd.s32 $0xFFFFEC00  }
0x2c: {  	[spmem:s3] =	stream.indirect.scatter.add.f32 [tilespmem:s6], [sflag:$0x8], $0x40, s22, s30, $0xb8;
	[tilespmem:$0x1A680] =	vst v63  }
0x2d: {  	_ =	swait.ge [sflag:s13], $0x1400  }
0x2e: {  	[sflag:s13] =	ssyncset.done $0x0  }
0x2f: {  	s23 =	simm.s32 $0x9BA0;
	[sflag:s13] =	ssyncadd.s32 $0xFFFFEC00  }
0x30: {  	[spmem:s3] =	stream.indirect.scatter.add.f32 [tilespmem:s7], [sflag:$0x9], $0x40, s23, s30, $0xb8;
	[tilespmem:$0x1A680] =	vst v63  }
0x31: {  	_ =	swait.ge [sflag:s14], $0x1400  }
0x32: {  	[sflag:s14] =	ssyncset.done $0x0  }
0x33: {  	s22 =	simm.s32 $0x9BF0;
	[sflag:s14] =	ssyncadd.s32 $0xFFFFEC00  }
0x34: {  	[spmem:s3] =	stream.indirect.scatter.add.f32 [tilespmem:s9], [sflag:$0xA], $0x40, s22, s30, $0xb8;
	[tilespmem:$0x1A680] =	vst v63  }
0x35: {  	_ =	swait.ge [sflag:s15], $0x1400  }
0x36: {  	[sflag:s15] =	ssyncset.done $0x0  }
0x37: {  	[sflag:s15] =	ssyncadd.s32 $0xFFFFEC00  }
0x38: {  	_ =	swait.ge [sflag:s16], $0x1400  }
0x39: {  	[sflag:s16] =	ssyncset.done $0x0  }
0x3a: {  	[sflag:s16] =	ssyncadd.s32 $0xFFFFEC00  }
0x3b: {  	_ =	swait.ge [sflag:s17], $0x1400  }
0x3c: {  	[sflag:s17] =	ssyncset.done $0x0  }
0x3d: {  	[sflag:s17] =	ssyncadd.s32 $0xFFFFEC00  }
0x3e: {  	_ =	swait.ge [sflag:s18], $0x1400  }
0x3f: {  	[sflag:s18] =	ssyncset.done $0x0  }
0x40: {  	[sflag:s18] =	ssyncadd.s32 $0xFFFFEC00  }
0x41: {  	_ =	swait.ge [sflag:s19], $0x1400  }
0x42: {  	[sflag:s19] =	ssyncset.done $0x0  }
0x43: {  	s23 =	stileid.u32;
	[sflag:s19] =	ssyncadd.s32 $0xFFFFEC00  }
0x44: {  	s21 =	sshll.u32 s23, $0x6;
	[bflag:$0x0] =	sbarrier.arrive $0xFFFF  }
0x45: {  	s21 =	sor.u32 $0x1C0B, s21;
	s22 =	sshrl.u32 s8, $0x3;
	s23 =	rddreg [dreg:$0x11]  }
0x46: {  	[hbm:s23], [sflag:s21] =	dma.local [spmem:s22], $0x1380  }
0x47: {  	_ =	swait.ge [sflag:s0], $0x1380  }
0x48: {  	s20 =	sadd.s32 $0x1, s20;
	[sflag:s0] =	ssyncset.done $0x0  }
0x49: {  	p2 =	sne.s32 s20, s26;
	[sflag:s0] =	ssyncadd.s32 $0xFFFFEC80  }
0x4a: {  	[hbm:s25], [sflag:s21] =	dma.local @!p1 [spmem:s28], $0x80  }
.Ltmp1:
0x4b: {  	_ = 	snop;
	(pc) =	sbr.rel @!p2 .LBB2_11-.Ltmp1, $4  }
0x4c: {  	s21 =	simm.s32 @!p1 $0xB  }
0x4d: {  	_ =	swait.ge @!p1 [sflag:s21], $0x80  }
0x4e: {  	[sflag:s21] =	ssyncset.done @!p1 $0x0  }
0x4f: {  	[sflag:s21] =	ssyncadd.s32 @!p1 $0xFFFFFF80  }
.LBB2_1:
0x50: {  	s21 =	simm.s32 $0x0;
	s22 =	rddreg [dreg:$0x4]  }
0x51: {  	[tilespmem:s21], [sflag:$0xC] =	stream.linear.gather [hbm4b:s22+s21], $0x4E20, $0x38;
	[tilespmem:$0x1A680] =	vst v63  }
0x52: {  	_ =	swait.ge [sflag:s29], $0x4E20  }
0x53: {  	[sflag:s29] =	ssyncset.done $0x0  }
0x54: {  	s23 =	simm.s32 $0x4E20;
	s22 =	rddreg [dreg:$0x5];
	[sflag:s29] =	ssyncadd.s32 $0xFFFFB1E0  }
0x55: {  	[tilespmem:s23], [sflag:$0xC] =	stream.linear.gather [hbm4b:s22+s21], $0x4E20, $0x38;
	[tilespmem:$0x1A680] =	vst v63  }
0x56: {  	_ =	swait.ge [sflag:s29], $0x4E20  }
0x57: {  	[sflag:s29] =	ssyncset.done $0x0  }
0x58: {  	s22 =	simm.s32 $0x100;
	s21 =	simm.s32 $0x0;
	[sflag:s29] =	ssyncadd.s32 $0xFFFFB1E0  }
.LBB2_2:
0x59: {  	p2 =	sne.s32 s22, $0x2700;
	[tilespmem:s21+$0x10070] =	vst v0;
	s23 =	smov.u32 s22;
	s22 =	sadd.s32 $0x100, s22  }
.Ltmp2:
0x5a: {  	[tilespmem:s21+$0x10060] =	vst v0;
	(pc) =	sbr.rel @p2 .LBB2_2-.Ltmp2, $3  }
0x5b: {  	[tilespmem:s21+$0x10040] =	vst v0  }
0x5c: {  	[tilespmem:s21+$0x10050] =	vst v0;
	_ =	sdelay $0x1  }
0x5d: {  	s21 =	sshra.s32 s23, $0x2  }
0x5e: {  	[tilespmem:s21+$0x10070] =	vst v0  }
0x5f: {  	[tilespmem:s21+$0x10060] =	vst v0  }
0x60: {  	[tilespmem:s21+$0x10040] =	vst v0  }
0x61: {  	[tilespmem:s21+$0x10050] =	vst v0  }
0x62: {  	[spmem:s8] =	stream.linear.scatter [tilespmem:s31], [sflag:$0xB], $0xA00, $0x38;
	[tilespmem:$0x1A680] =	vst v63  }
0x63: {  	_ =	swait.ge [sflag:s0], $0xA00  }
0x64: {  	[sflag:s0] =	ssyncset.done $0x0  }
0x65: {  	s22 =	rddreg [dreg:$0x6];
	[sflag:s0] =	ssyncadd.s32 $0xFFFFF600  }
0x66: {  	[spmem:s22] =	stream.linear.scatter [tilespmem:s31], [sflag:$0xB], $0xA00, $0x38;
	[tilespmem:$0x1A680] =	vst v63  }
0x67: {  	_ =	swait.ge [sflag:s0], $0xA00  }
0x68: {  	[sflag:s0] =	ssyncset.done $0x0  }
0x69: {  	s23 =	rddreg [dreg:$0x7];
	[sflag:s0] =	ssyncadd.s32 $0xFFFFF600  }
0x6a: {  	[spmem:s23] =	stream.linear.scatter [tilespmem:s31], [sflag:$0xB], $0xA00, $0x38;
	[tilespmem:$0x1A680] =	vst v63  }
0x6b: {  	_ =	swait.ge [sflag:s0], $0xA00  }
0x6c: {  	[sflag:s0] =	ssyncset.done $0x0  }
0x6d: {  	s22 =	rddreg [dreg:$0x8];
	[sflag:s0] =	ssyncadd.s32 $0xFFFFF600  }
0x6e: {  	[spmem:s22] =	stream.linear.scatter [tilespmem:s31], [sflag:$0xB], $0xA00, $0x38;
	[tilespmem:$0x1A680] =	vst v63  }
0x6f: {  	_ =	swait.ge [sflag:s0], $0xA00  }
0x70: {  	[sflag:s0] =	ssyncset.done $0x0  }
0x71: {  	s23 =	rddreg [dreg:$0x9];
	[sflag:s0] =	ssyncadd.s32 $0xFFFFF600  }
0x72: {  	[spmem:s23] =	stream.linear.scatter [tilespmem:s31], [sflag:$0xB], $0xA00, $0x38;
	[tilespmem:$0x1A680] =	vst v63  }
0x73: {  	_ =	swait.ge [sflag:s0], $0xA00  }
0x74: {  	[sflag:s0] =	ssyncset.done $0x0  }
0x75: {  	s22 =	rddreg [dreg:$0xa];
	[sflag:s0] =	ssyncadd.s32 $0xFFFFF600  }
0x76: {  	[spmem:s22] =	stream.linear.scatter [tilespmem:s31], [sflag:$0xB], $0xA00, $0x38;
	[tilespmem:$0x1A680] =	vst v63  }
0x77: {  	_ =	swait.ge [sflag:s0], $0xA00  }
0x78: {  	[sflag:s0] =	ssyncset.done $0x0  }
0x79: {  	s23 =	rddreg [dreg:$0xb];
	[sflag:s0] =	ssyncadd.s32 $0xFFFFF600  }
0x7a: {  	[spmem:s23] =	stream.linear.scatter [tilespmem:s31], [sflag:$0xB], $0xA00, $0x38;
	[tilespmem:$0x1A680] =	vst v63  }
0x7b: {  	_ =	swait.ge [sflag:s0], $0xA00  }
0x7c: {  	[sflag:s0] =	ssyncset.done $0x0  }
0x7d: {  	s22 =	rddreg [dreg:$0xc];
	[sflag:s0] =	ssyncadd.s32 $0xFFFFF600  }
0x7e: {  	[spmem:s22] =	stream.linear.scatter [tilespmem:s31], [sflag:$0xB], $0xA00, $0x38;
	[tilespmem:$0x1A680] =	vst v63  }
0x7f: {  	_ =	swait.ge [sflag:s0], $0xA00  }
0x80: {  	[sflag:s0] =	ssyncset.done $0x0  }
0x81: {  	s23 =	rddreg [dreg:$0xd];
	[sflag:s0] =	ssyncadd.s32 $0xFFFFF600  }
0x82: {  	[spmem:s23] =	stream.linear.scatter [tilespmem:s31], [sflag:$0xB], $0xA00, $0x38;
	[tilespmem:$0x1A680] =	vst v63  }
0x83: {  	_ =	swait.ge [sflag:s0], $0xA00  }
0x84: {  	[sflag:s0] =	ssyncset.done $0x0  }
0x85: {  	s22 =	rddreg [dreg:$0xe];
	[sflag:s0] =	ssyncadd.s32 $0xFFFFF600  }
0x86: {  	[spmem:s22] =	stream.linear.scatter [tilespmem:s31], [sflag:$0xB], $0xA00, $0x38;
	[tilespmem:$0x1A680] =	vst v63  }
0x87: {  	_ =	swait.ge [sflag:s0], $0xA00  }
0x88: {  	[sflag:s0] =	ssyncset.done $0x0  }
0x89: {  	s23 =	rddreg [dreg:$0xf];
	[sflag:s0] =	ssyncadd.s32 $0xFFFFF600  }
0x8a: {  	[spmem:s23] =	stream.linear.scatter [tilespmem:s31], [sflag:$0xB], $0xA00, $0x38;
	[tilespmem:$0x1A680] =	vst v63  }
0x8b: {  	_ =	swait.ge [sflag:s0], $0xA00  }
0x8c: {  	[sflag:s0] =	ssyncset.done $0x0  }
0x8d: {  	s22 =	rddreg [dreg:$0x10];
	[sflag:s0] =	ssyncadd.s32 $0xFFFFF600  }
0x8e: {  	[spmem:s22] =	stream.linear.scatter [tilespmem:s31], [sflag:$0xB], $0xA00, $0x38;
	[tilespmem:$0x1A680] =	vst v63  }
0x8f: {  	_ =	swait.ge [sflag:s0], $0xA00  }
0x90: {  	[sflag:s0] =	ssyncset.done $0x0  }
0x91: {  	s23 =	rddreg [dreg:$0x12];
	[sflag:s0] =	ssyncadd.s32 $0xFFFFF600  }
0x92: {  	[spmem:s23] =	stream.linear.scatter [tilespmem:s31], [sflag:$0xB], $0xA00, $0x38;
	[tilespmem:$0x1A680] =	vst v63  }
0x93: {  	_ =	swait.ge [sflag:s0], $0xA00  }
0x94: {  	[sflag:s0] =	ssyncset.done $0x0  }
0x95: {  	s22 =	rddreg [dreg:$0x13];
	[sflag:s0] =	ssyncadd.s32 $0xFFFFF600  }
0x96: {  	[spmem:s22] =	stream.linear.scatter [tilespmem:s31], [sflag:$0xB], $0xA00, $0x38;
	[tilespmem:$0x1A680] =	vst v63  }
0x97: {  	_ =	swait.ge [sflag:s0], $0xA00  }
0x98: {  	[sflag:s0] =	ssyncset.done $0x0  }
0x99: {  	s23 =	rddreg [dreg:$0x14];
	[sflag:s0] =	ssyncadd.s32 $0xFFFFF600  }
0x9a: {  	[spmem:s23] =	stream.linear.scatter [tilespmem:s31], [sflag:$0xB], $0xA00, $0x38;
	[tilespmem:$0x1A680] =	vst v63  }
0x9b: {  	_ =	swait.ge [sflag:s0], $0xA00  }
0x9c: {  	[sflag:s0] =	ssyncset.done $0x0  }
0x9d: {  	[sflag:s0] =	ssyncadd.s32 $0xFFFFF600  }
0x9e: {  	[spmem:s24] =	stream.linear.scatter [tilespmem:s31], [sflag:$0xB], $0xA00, $0x38;
	[tilespmem:$0x1A680] =	vst v63  }
.Ltmp3:
0x9f: {  	_ =	swait.ge [sflag:s0], $0xA00;
	(pc) =	sbr.rel @p0 .LBB2_7-.Ltmp3, $4  }
0xa0: {  	[sflag:s0] =	ssyncset.done $0x0  }
0xa1: {  	[sflag:s0] =	ssyncadd.s32 $0xFFFFF600  }
0xa2: {  	[bflag:$0x0] =	sbarrier.arrive $0xFFFF  }
0xa3: {  	s21 =	simm.s32 $0x0  }
0xa4: {  	[tilespmem:s2], [sflag:$0x1] =	stream.indirect.gather [hbm4b:s1+s30], $0x40, s21, s30, $0xb8;
	[tilespmem:$0x1A680] =	vst v63  }
0xa5: {  	_ = 	snop  }
0xa6: {  	[tilespmem:s4], [sflag:$0x2] =	stream.indirect.gather [hbm4b:s1+s30], $0x40, s30, s30, $0xb8;
	[tilespmem:$0x1A680] =	vst v63  }
0xa7: {  	s22 =	simm.s32 $0xA0  }
0xa8: {  	[tilespmem:s6], [sflag:$0x3] =	stream.indirect.gather [hbm4b:s1+s30], $0x40, s22, s30, $0xb8;
	[tilespmem:$0x1A680] =	vst v63  }
0xa9: {  	s23 =	simm.s32 $0xF0  }
0xaa: {  	[tilespmem:s7], [sflag:$0x4] =	stream.indirect.gather [hbm4b:s1+s30], $0x40, s23, s30, $0xb8;
	[tilespmem:$0x1A680] =	vst v63  }
0xab: {  	s22 =	simm.s32 $0x140  }
0xac: {  	[tilespmem:s9], [sflag:$0x5] =	stream.indirect.gather [hbm4b:s1+s30], $0x40, s22, s30, $0xb8;
	[tilespmem:$0x1A680] =	vst v63  }
0xad: {  	_ =	swait.ge [sflag:s10], $0x1400  }
0xae: {  	[sflag:s10] =	ssyncset.done $0x0  }
0xaf: {  	s23 =	simm.s32 $0x4E20;
	[sflag:s10] =	ssyncadd.s32 $0xFFFFEC00  }
0xb0: {  	[spmem:s3] =	stream.indirect.scatter.add.f32 [tilespmem:s2], [sflag:$0x6], $0x40, s23, s30, $0xb8;
	[tilespmem:$0x1A680] =	vst v63  }
0xb1: {  	_ =	swait.ge [sflag:s11], $0x1400  }
0xb2: {  	[sflag:s11] =	ssyncset.done $0x0  }
0xb3: {  	s22 =	simm.s32 $0x4E70;
	[sflag:s11] =	ssyncadd.s32 $0xFFFFEC00  }
0xb4: {  	[spmem:s3] =	stream.indirect.scatter.add.f32 [tilespmem:s4], [sflag:$0x7], $0x40, s22, s30, $0xb8;
	[tilespmem:$0x1A680] =	vst v63  }
0xb5: {  	_ =	swait.ge [sflag:s12], $0x1400  }
0xb6: {  	[sflag:s12] =	ssyncset.done $0x0  }
0xb7: {  	s23 =	simm.s32 $0x4EC0;
	[sflag:s12] =	ssyncadd.s32 $0xFFFFEC00  }
0xb8: {  	[spmem:s3] =	stream.indirect.scatter.add.f32 [tilespmem:s6], [sflag:$0x8], $0x40, s23, s30, $0xb8;
	[tilespmem:$0x1A680] =	vst v63  }
0xb9: {  	_ =	swait.ge [sflag:s13], $0x1400  }
0xba: {  	[sflag:s13] =	ssyncset.done $0x0  }
0xbb: {  	s22 =	simm.s32 $0x4F10;
	[sflag:s13] =	ssyncadd.s32 $0xFFFFEC00  }
0xbc: {  	[spmem:s3] =	stream.indirect.scatter.add.f32 [tilespmem:s7], [sflag:$0x9], $0x40, s22, s30, $0xb8;
	[tilespmem:$0x1A680] =	vst v63  }
0xbd: {  	_ =	swait.ge [sflag:s14], $0x1400  }
0xbe: {  	[sflag:s14] =	ssyncset.done $0x0  }
0xbf: {  	s23 =	simm.s32 $0x4F60;
	[sflag:s14] =	ssyncadd.s32 $0xFFFFEC00  }
0xc0: {  	[spmem:s3] =	stream.indirect.scatter.add.f32 [tilespmem:s9], [sflag:$0xA], $0x40, s23, s30, $0xb8;
	[tilespmem:$0x1A680] =	vst v63  }
0xc1: {  	_ =	swait.ge [sflag:s15], $0x1400  }
0xc2: {  	[sflag:s15] =	ssyncset.done $0x0  }
0xc3: {  	s22 =	simm.s32 $0x190;
	[sflag:s15] =	ssyncadd.s32 $0xFFFFEC00  }
0xc4: {  	[tilespmem:s2], [sflag:$0x1] =	stream.indirect.gather [hbm4b:s1+s30], $0x40, s22, s30, $0xb8;
	[tilespmem:$0x1A680] =	vst v63  }
0xc5: {  	_ =	swait.ge [sflag:s16], $0x1400  }
0xc6: {  	[sflag:s16] =	ssyncset.done $0x0  }
0xc7: {  	s23 =	simm.s32 $0x1E0;
	[sflag:s16] =	ssyncadd.s32 $0xFFFFEC00  }
0xc8: {  	[tilespmem:s4], [sflag:$0x2] =	stream.indirect.gather [hbm4b:s1+s30], $0x40, s23, s30, $0xb8;
	[tilespmem:$0x1A680] =	vst v63  }
0xc9: {  	_ =	swait.ge [sflag:s17], $0x1400  }
0xca: {  	[sflag:s17] =	ssyncset.done $0x0  }
0xcb: {  	s22 =	simm.s32 $0x230;
	[sflag:s17] =	ssyncadd.s32 $0xFFFFEC00  }
0xcc: {  	[tilespmem:s6], [sflag:$0x3] =	stream.indirect.gather [hbm4b:s1+s30], $0x40, s22, s30, $0xb8;
	[tilespmem:$0x1A680] =	vst v63  }
0xcd: {  	_ =	swait.ge [sflag:s18], $0x1400  }
0xce: {  	[sflag:s18] =	ssyncset.done $0x0  }
0xcf: {  	s23 =	simm.s32 $0x280;
	[sflag:s18] =	ssyncadd.s32 $0xFFFFEC00  }
0xd0: {  	[tilespmem:s7], [sflag:$0x4] =	stream.indirect.gather [hbm4b:s1+s30], $0x40, s23, s30, $0xb8;
	[tilespmem:$0x1A680] =	vst v63  }
0xd1: {  	_ =	swait.ge [sflag:s19], $0x1400  }
0xd2: {  	[sflag:s19] =	ssyncset.done $0x0  }
0xd3: {  	s21 =	simm.s32 $0x640;
	s22 =	simm.s32 $0x2D0;
	[sflag:s19] =	ssyncadd.s32 $0xFFFFEC00  }
.LBB2_5:
0xd4: {  	[tilespmem:s9], [sflag:$0x5] =	stream.indirect.gather [hbm4b:s1+s30], $0x40, s22, s30, $0xb8;
	[tilespmem:$0x1A680] =	vst v63  }
0xd5: {  	s22 =	smov.u32 s21  }
0xd6: {  	p2 =	seq.s32 s21, $0x12C00;
	s21 =	sadd.s32 $0x640, s21;
	_ =	swait.ge [sflag:s10], $0x1400  }
0xd7: {  	s22 =	sshra.s32 s22, $0x2;
	[sflag:s10] =	ssyncset.done $0x0  }
0xd8: {  	s23 =	sadd.s32 $0x4E20, s22;
	[sflag:s10] =	ssyncadd.s32 $0xFFFFEC00  }
0xd9: {  	[spmem:s3] =	stream.indirect.scatter.add.f32 [tilespmem:s2], [sflag:$0x6], $0x40, s23, s30, $0xb8;
	[tilespmem:$0x1A680] =	vst v63  }
0xda: {  	_ =	swait.ge [sflag:s11], $0x1400  }
0xdb: {  	[sflag:s11] =	ssyncset.done $0x0  }
0xdc: {  	s23 =	sadd.s32 $0x4E70, s22;
	[sflag:s11] =	ssyncadd.s32 $0xFFFFEC00  }
0xdd: {  	[spmem:s3] =	stream.indirect.scatter.add.f32 [tilespmem:s4], [sflag:$0x7], $0x40, s23, s30, $0xb8;
	[tilespmem:$0x1A680] =	vst v63  }
0xde: {  	_ =	swait.ge [sflag:s12], $0x1400  }
0xdf: {  	[sflag:s12] =	ssyncset.done $0x0  }
0xe0: {  	s23 =	sadd.s32 $0x4EC0, s22;
	[sflag:s12] =	ssyncadd.s32 $0xFFFFEC00  }
0xe1: {  	[spmem:s3] =	stream.indirect.scatter.add.f32 [tilespmem:s6], [sflag:$0x8], $0x40, s23, s30, $0xb8;
	[tilespmem:$0x1A680] =	vst v63  }
0xe2: {  	_ =	swait.ge [sflag:s13], $0x1400  }
0xe3: {  	[sflag:s13] =	ssyncset.done $0x0  }
0xe4: {  	s23 =	sadd.s32 $0x4F10, s22;
	[sflag:s13] =	ssyncadd.s32 $0xFFFFEC00  }
0xe5: {  	[spmem:s3] =	stream.indirect.scatter.add.f32 [tilespmem:s7], [sflag:$0x9], $0x40, s23, s30, $0xb8;
	[tilespmem:$0x1A680] =	vst v63  }
0xe6: {  	_ =	swait.ge [sflag:s14], $0x1400  }
0xe7: {  	[sflag:s14] =	ssyncset.done $0x0  }
0xe8: {  	s23 =	sadd.s32 $0x4F60, s22;
	[sflag:s14] =	ssyncadd.s32 $0xFFFFEC00  }
0xe9: {  	[spmem:s3] =	stream.indirect.scatter.add.f32 [tilespmem:s9], [sflag:$0xA], $0x40, s23, s30, $0xb8;
	[tilespmem:$0x1A680] =	vst v63  }
0xea: {  	_ =	swait.ge [sflag:s15], $0x1400  }
0xeb: {  	[sflag:s15] =	ssyncset.done $0x0  }
0xec: {  	s23 =	sadd.s32 $0x190, s22;
	[sflag:s15] =	ssyncadd.s32 $0xFFFFEC00  }
0xed: {  	[tilespmem:s2], [sflag:$0x1] =	stream.indirect.gather [hbm4b:s1+s30], $0x40, s23, s30, $0xb8;
	[tilespmem:$0x1A680] =	vst v63  }
0xee: {  	_ =	swait.ge [sflag:s16], $0x1400  }
0xef: {  	[sflag:s16] =	ssyncset.done $0x0  }
0xf0: {  	s23 =	sadd.s32 $0x1E0, s22;
	[sflag:s16] =	ssyncadd.s32 $0xFFFFEC00  }
0xf1: {  	[tilespmem:s4], [sflag:$0x2] =	stream.indirect.gather [hbm4b:s1+s30], $0x40, s23, s30, $0xb8;
	[tilespmem:$0x1A680] =	vst v63  }
0xf2: {  	_ =	swait.ge [sflag:s17], $0x1400  }
0xf3: {  	[sflag:s17] =	ssyncset.done $0x0  }
0xf4: {  	s23 =	sadd.s32 $0x230, s22;
	[sflag:s17] =	ssyncadd.s32 $0xFFFFEC00  }
0xf5: {  	[tilespmem:s6], [sflag:$0x3] =	stream.indirect.gather [hbm4b:s1+s30], $0x40, s23, s30, $0xb8;
	[tilespmem:$0x1A680] =	vst v63  }
0xf6: {  	_ =	swait.ge [sflag:s18], $0x1400  }
0xf7: {  	[sflag:s18] =	ssyncset.done $0x0  }
.Ltmp4:
0xf8: {  	s23 =	sadd.s32 $0x280, s22;
	[sflag:s18] =	ssyncadd.s32 $0xFFFFEC00;
	(pc) =	sbr.rel @!p2 .LBB2_5-.Ltmp4, $4  }
0xf9: {  	[tilespmem:s7], [sflag:$0x4] =	stream.indirect.gather [hbm4b:s1+s30], $0x40, s23, s30, $0xb8;
	[tilespmem:$0x1A680] =	vst v63  }
0xfa: {  	_ =	swait.ge [sflag:s19], $0x1400  }
0xfb: {  	[sflag:s19] =	ssyncset.done $0x0  }
0xfc: {  	s22 =	sadd.s32 $0x2D0, s22;
	[sflag:s19] =	ssyncadd.s32 $0xFFFFEC00  }
.Ltmp5:
0xfd: {  	(pc) =	sbr.rel .LBB2_10-.Ltmp5, $2  }
0xfe: {  	_ =	sdelay $0x2  }
0xff: {  	[tilespmem:s9], [sflag:$0x5] =	stream.indirect.gather [hbm4b:s1+s30], $0x40, s22, s30, $0xb8;
	[tilespmem:$0x1A680] =	vst v63  }
.LBB2_7:
0x100: {  	[tilespmem:s2], [sflag:$0x1] =	stream.indirect.gather [hbm4b:s5+s30], $0x40, s21, s30, $0xb8;
	[tilespmem:$0x1A680] =	vst v63  }
0x101: {  	_ = 	snop  }
0x102: {  	[tilespmem:s4], [sflag:$0x2] =	stream.indirect.gather [hbm4b:s5+s30], $0x40, s30, s30, $0xb8;
	[tilespmem:$0x1A680] =	vst v63  }
0x103: {  	s22 =	simm.s32 $0xA0  }
0x104: {  	[tilespmem:s6], [sflag:$0x3] =	stream.indirect.gather [hbm4b:s5+s30], $0x40, s22, s30, $0xb8;
	[tilespmem:$0x1A680] =	vst v63  }
0x105: {  	s23 =	simm.s32 $0xF0  }
0x106: {  	[tilespmem:s7], [sflag:$0x4] =	stream.indirect.gather [hbm4b:s5+s30], $0x40, s23, s30, $0xb8;
	[tilespmem:$0x1A680] =	vst v63  }
0x107: {  	s22 =	simm.s32 $0x140  }
0x108: {  	[tilespmem:s9], [sflag:$0x5] =	stream.indirect.gather [hbm4b:s5+s30], $0x40, s22, s30, $0xb8;
	[tilespmem:$0x1A680] =	vst v63  }
0x109: {  	_ =	swait.ge [sflag:s10], $0x1400  }
0x10a: {  	[sflag:s10] =	ssyncset.done $0x0  }
0x10b: {  	s23 =	simm.s32 $0x4E20;
	[sflag:s10] =	ssyncadd.s32 $0xFFFFEC00  }
0x10c: {  	[spmem:s3] =	stream.indirect.scatter.add.f32 [tilespmem:s2], [sflag:$0x6], $0x40, s23, s30, $0xb8;
	[tilespmem:$0x1A680] =	vst v63  }
0x10d: {  	_ =	swait.ge [sflag:s11], $0x1400  }
0x10e: {  	[sflag:s11] =	ssyncset.done $0x0  }
0x10f: {  	s22 =	simm.s32 $0x4E70;
	[sflag:s11] =	ssyncadd.s32 $0xFFFFEC00  }
0x110: {  	[spmem:s3] =	stream.indirect.scatter.add.f32 [tilespmem:s4], [sflag:$0x7], $0x40, s22, s30, $0xb8;
	[tilespmem:$0x1A680] =	vst v63  }
0x111: {  	_ =	swait.ge [sflag:s12], $0x1400  }
0x112: {  	[sflag:s12] =	ssyncset.done $0x0  }
0x113: {  	s23 =	simm.s32 $0x4EC0;
	[sflag:s12] =	ssyncadd.s32 $0xFFFFEC00  }
0x114: {  	[spmem:s3] =	stream.indirect.scatter.add.f32 [tilespmem:s6], [sflag:$0x8], $0x40, s23, s30, $0xb8;
	[tilespmem:$0x1A680] =	vst v63  }
0x115: {  	_ =	swait.ge [sflag:s13], $0x1400  }
0x116: {  	[sflag:s13] =	ssyncset.done $0x0  }
0x117: {  	s22 =	simm.s32 $0x4F10;
	[sflag:s13] =	ssyncadd.s32 $0xFFFFEC00  }
0x118: {  	[spmem:s3] =	stream.indirect.scatter.add.f32 [tilespmem:s7], [sflag:$0x9], $0x40, s22, s30, $0xb8;
	[tilespmem:$0x1A680] =	vst v63  }
0x119: {  	_ =	swait.ge [sflag:s14], $0x1400  }
0x11a: {  	[sflag:s14] =	ssyncset.done $0x0  }
0x11b: {  	s23 =	simm.s32 $0x4F60;
	[sflag:s14] =	ssyncadd.s32 $0xFFFFEC00  }
0x11c: {  	[spmem:s3] =	stream.indirect.scatter.add.f32 [tilespmem:s9], [sflag:$0xA], $0x40, s23, s30, $0xb8;
	[tilespmem:$0x1A680] =	vst v63  }
0x11d: {  	_ =	swait.ge [sflag:s15], $0x1400  }
0x11e: {  	[sflag:s15] =	ssyncset.done $0x0  }
0x11f: {  	s22 =	simm.s32 $0x190;
	[sflag:s15] =	ssyncadd.s32 $0xFFFFEC00  }
0x120: {  	[tilespmem:s2], [sflag:$0x1] =	stream.indirect.gather [hbm4b:s5+s30], $0x40, s22, s30, $0xb8;
	[tilespmem:$0x1A680] =	vst v63  }
0x121: {  	_ =	swait.ge [sflag:s16], $0x1400  }
0x122: {  	[sflag:s16] =	ssyncset.done $0x0  }
0x123: {  	s23 =	simm.s32 $0x1E0;
	[sflag:s16] =	ssyncadd.s32 $0xFFFFEC00  }
0x124: {  	[tilespmem:s4], [sflag:$0x2] =	stream.indirect.gather [hbm4b:s5+s30], $0x40, s23, s30, $0xb8;
	[tilespmem:$0x1A680] =	vst v63  }
0x125: {  	_ =	swait.ge [sflag:s17], $0x1400  }
0x126: {  	[sflag:s17] =	ssyncset.done $0x0  }
0x127: {  	s22 =	simm.s32 $0x230;
	[sflag:s17] =	ssyncadd.s32 $0xFFFFEC00  }
0x128: {  	[tilespmem:s6], [sflag:$0x3] =	stream.indirect.gather [hbm4b:s5+s30], $0x40, s22, s30, $0xb8;
	[tilespmem:$0x1A680] =	vst v63  }
0x129: {  	_ =	swait.ge [sflag:s18], $0x1400  }
0x12a: {  	[sflag:s18] =	ssyncset.done $0x0  }
0x12b: {  	s23 =	simm.s32 $0x280;
	[sflag:s18] =	ssyncadd.s32 $0xFFFFEC00  }
0x12c: {  	[tilespmem:s7], [sflag:$0x4] =	stream.indirect.gather [hbm4b:s5+s30], $0x40, s23, s30, $0xb8;
	[tilespmem:$0x1A680] =	vst v63  }
0x12d: {  	_ =	swait.ge [sflag:s19], $0x1400  }
0x12e: {  	[sflag:s19] =	ssyncset.done $0x0  }
0x12f: {  	s21 =	simm.s32 $0x640;
	s22 =	simm.s32 $0x2D0;
	[sflag:s19] =	ssyncadd.s32 $0xFFFFEC00  }
.LBB2_8:
0x130: {  	[tilespmem:s9], [sflag:$0x5] =	stream.indirect.gather [hbm4b:s5+s30], $0x40, s22, s30, $0xb8;
	[tilespmem:$0x1A680] =	vst v63  }
0x131: {  	s22 =	smov.u32 s21  }
0x132: {  	p2 =	sne.s32 s21, $0x12C00;
	s21 =	sadd.s32 $0x640, s21;
	_ =	swait.ge [sflag:s10], $0x1400  }
0x133: {  	s22 =	sshra.s32 s22, $0x2;
	[sflag:s10] =	ssyncset.done $0x0  }
0x134: {  	s23 =	sadd.s32 $0x4E20, s22;
	[sflag:s10] =	ssyncadd.s32 $0xFFFFEC00  }
0x135: {  	[spmem:s3] =	stream.indirect.scatter.add.f32 [tilespmem:s2], [sflag:$0x6], $0x40, s23, s30, $0xb8;
	[tilespmem:$0x1A680] =	vst v63  }
0x136: {  	_ =	swait.ge [sflag:s11], $0x1400  }
0x137: {  	[sflag:s11] =	ssyncset.done $0x0  }
0x138: {  	s23 =	sadd.s32 $0x4E70, s22;
	[sflag:s11] =	ssyncadd.s32 $0xFFFFEC00  }
0x139: {  	[spmem:s3] =	stream.indirect.scatter.add.f32 [tilespmem:s4], [sflag:$0x7], $0x40, s23, s30, $0xb8;
	[tilespmem:$0x1A680] =	vst v63  }
0x13a: {  	_ =	swait.ge [sflag:s12], $0x1400  }
0x13b: {  	[sflag:s12] =	ssyncset.done $0x0  }
0x13c: {  	s23 =	sadd.s32 $0x4EC0, s22;
	[sflag:s12] =	ssyncadd.s32 $0xFFFFEC00  }
0x13d: {  	[spmem:s3] =	stream.indirect.scatter.add.f32 [tilespmem:s6], [sflag:$0x8], $0x40, s23, s30, $0xb8;
	[tilespmem:$0x1A680] =	vst v63  }
0x13e: {  	_ =	swait.ge [sflag:s13], $0x1400  }
0x13f: {  	[sflag:s13] =	ssyncset.done $0x0  }
0x140: {  	s23 =	sadd.s32 $0x4F10, s22;
	[sflag:s13] =	ssyncadd.s32 $0xFFFFEC00  }
0x141: {  	[spmem:s3] =	stream.indirect.scatter.add.f32 [tilespmem:s7], [sflag:$0x9], $0x40, s23, s30, $0xb8;
	[tilespmem:$0x1A680] =	vst v63  }
0x142: {  	_ =	swait.ge [sflag:s14], $0x1400  }
0x143: {  	[sflag:s14] =	ssyncset.done $0x0  }
0x144: {  	s23 =	sadd.s32 $0x4F60, s22;
	[sflag:s14] =	ssyncadd.s32 $0xFFFFEC00  }
0x145: {  	[spmem:s3] =	stream.indirect.scatter.add.f32 [tilespmem:s9], [sflag:$0xA], $0x40, s23, s30, $0xb8;
	[tilespmem:$0x1A680] =	vst v63  }
0x146: {  	_ =	swait.ge [sflag:s15], $0x1400  }
0x147: {  	[sflag:s15] =	ssyncset.done $0x0  }
0x148: {  	s23 =	sadd.s32 $0x190, s22;
	[sflag:s15] =	ssyncadd.s32 $0xFFFFEC00  }
0x149: {  	[tilespmem:s2], [sflag:$0x1] =	stream.indirect.gather [hbm4b:s5+s30], $0x40, s23, s30, $0xb8;
	[tilespmem:$0x1A680] =	vst v63  }
0x14a: {  	_ =	swait.ge [sflag:s16], $0x1400  }
0x14b: {  	[sflag:s16] =	ssyncset.done $0x0  }
0x14c: {  	s23 =	sadd.s32 $0x1E0, s22;
	[sflag:s16] =	ssyncadd.s32 $0xFFFFEC00  }
0x14d: {  	[tilespmem:s4], [sflag:$0x2] =	stream.indirect.gather [hbm4b:s5+s30], $0x40, s23, s30, $0xb8;
	[tilespmem:$0x1A680] =	vst v63  }
0x14e: {  	_ =	swait.ge [sflag:s17], $0x1400  }
0x14f: {  	[sflag:s17] =	ssyncset.done $0x0  }
0x150: {  	s23 =	sadd.s32 $0x230, s22;
	[sflag:s17] =	ssyncadd.s32 $0xFFFFEC00  }
0x151: {  	[tilespmem:s6], [sflag:$0x3] =	stream.indirect.gather [hbm4b:s5+s30], $0x40, s23, s30, $0xb8;
	[tilespmem:$0x1A680] =	vst v63  }
0x152: {  	_ =	swait.ge [sflag:s18], $0x1400  }
0x153: {  	[sflag:s18] =	ssyncset.done $0x0  }
.Ltmp6:
0x154: {  	s23 =	sadd.s32 $0x280, s22;
	[sflag:s18] =	ssyncadd.s32 $0xFFFFEC00;
	(pc) =	sbr.rel @p2 .LBB2_8-.Ltmp6, $4  }
0x155: {  	[tilespmem:s7], [sflag:$0x4] =	stream.indirect.gather [hbm4b:s5+s30], $0x40, s23, s30, $0xb8;
	[tilespmem:$0x1A680] =	vst v63  }
0x156: {  	_ =	swait.ge [sflag:s19], $0x1400  }
0x157: {  	[sflag:s19] =	ssyncset.done $0x0  }
0x158: {  	s22 =	sadd.s32 $0x2D0, s22;
	[sflag:s19] =	ssyncadd.s32 $0xFFFFEC00  }
.Ltmp7:
0x159: {  	_ = 	snop;
	(pc) =	sbr.rel .LBB2_9-.Ltmp7, $1  }
0x15a: {  	_ =	sdelay $0x3  }
.LBB2_11:
0x15b: {  	_ =	sfence.sel $0x180000  }
0x15c: {  	[bflag:$0x0] =	sbarrier.arrive $0xFFFF  }
0x15d: {  	_ =	strace $0x9000004A  }
0x15e: {  	s0 =	stileid.u32;
	[bflag:$0x2] =	sbarrier.arrive $0xFFFF  }
0x15f: {  	p0 =	sne.s32 s0, $0x0;
	s0 =	rddreg [dreg:$0x3]  }
0x160: {  	s0 =	sadd.s32 @!p0 $0x100000, s0  }
0x161: {  	[sflag:s0] =	ssyncadd.tile.s32 @!p0 $0x1;
	_ =	shalt  }
.Lfunc_end2:
_tile_overlayer_lowered:
.L_overlay_start_2:
0x162: {  	(tag) =	ssettag $0x2  }
0x163: {  	s0 =	rddreg [dreg:$0x0];
	s2 =	stileid.u32  }
0x164: {  	s1 =	rddreg [dreg:$0x1];
	p0 =	sne.s32 s2, $0x0  }
0x165: {  	s3 =	rddreg [dreg:$0x2];
	[bflag:$0x3] =	sbarrier.arrive $0xFFFF;
	s2 =	simm.s32 @!p0 $0x1C0C  }
0x166: {  	[timem:s3], [sflag:s2] =	dma.local @!p0 [hbm:s0], s1  }
0x167: {  	s0 =	simm.s32 @!p0 $0xC  }
0x168: {  	_ =	swait.ge @!p0 [sflag:s0], s1  }
0x169: {  	s1 =	ssub.s32 @!p0 $0x0, s1;
	[sflag:s0] =	ssyncset.done @!p0 $0x0  }
0x16a: {  	[sflag:s0] =	ssyncadd.s32 @!p0 s1  }
0x16b: {  	[bflag:$0x3] =	sbarrier.arrive $0xFFFF  }
0x16c: {  	_ =	shalt  }

// kernel: kernel.14.cloned.1.call-start
scs
__scs_entry_jumppad:
0x0: {  	(pc) =	sbr.rel $0x88, $3  }
0x1: {  	(tag) =	ssettag $0x0;
	lr =	simm.s32 $0x1  }
0x2: {  	[smem:$0x3F9B] =	sst lr;
	_ =	strace $0xD0000000  }
0x3: {  	_ = 	snop  }
0x4: {  	_ = 	snop  }
0x5: {  	_ = 	snop  }
0x6: {  	_ = 	snop  }
0x7: {  	_ = 	snop  }
__scs_overlays_trampoline_lowered:
0x8: {  	[smem:$0x3FAA] =	sst s0  }
0x9: {  	[smem:$0x3FAB] =	sst s1  }
0xa: {  	[smem:$0x3FAC] =	sst s2  }
0xb: {  	[smem:$0x3FAD] =	sst s3  }
0xc: {  	[smem:$0x3FAE] =	sst s4  }
0xd: {  	[smem:$0x3FAF] =	sst s5  }
0xe: {  	[smem:$0x3FB0] =	sst s6  }
0xf: {  	[smem:$0x3FB1] =	sst s7  }
0x10: {  	[smem:$0x3FB2] =	sst s8  }
0x11: {  	[smem:$0x3FB3] =	sst s9;
	s0 =	simm.s32 @!p0 $0x0  }
0x12: {  	s1 =	sld [smem:$0x3F99];
	s0 =	simm.s32 @p0 $0x1  }
0x13: {  	[smem:$0x3FB4] =	sst s0;
	s0 =	simm.s32 @!p1 $0x0  }
0x14: {  	s2 =	sld [smem:$0x3F98];
	s0 =	simm.s32 @p1 $0x1  }
0x15: {  	[smem:$0x3FB5] =	sst s0;
	s0 =	simm.s32 @!p2 $0x0  }
0x16: {  	s3 =	sld [smem:$0x3FDB];
	s0 =	simm.s32 @p2 $0x1  }
0x17: {  	s4 =	simm.s32 $0x1BF5;
	[smem:$0x3FB7] =	sst s0  }
0x18: {  	s0 =	sld [smem:$0x3F9A];
	_ =	swait.ge [sflag:s4], $0x0  }
0x19: {  	s7 =	sld [smem:$0x3F9B]  }
0x1a: {  	s8 =	sadd.s32 $0xFFFFE003, lr  }
0x1b: {  	s9 =	sadd.s32 $0xFFFFFEF7, lr;
	s5 =	simm.s32 $0xFFFFFFFF;
	p2 =	slt.u32 s8, $0xFFFFF086  }
0x1c: {  	p1 =	slt.u32 s9, $0xF7A;
	s5 =	simm.s32 @!p2 $0x0  }
0x1d: {  	s5 =	simm.s32 @p1 $0x1;
	p0 =	seq.s32 s7, s2  }
0x1e: {  	s7 =	smul.u32 @!p0 $0xF7A, s2;
	p2 =	seq.s32 @!p0 s5, $0x0  }
0x1f: {  	s9 =	smul.u32 $0xF7A, s1;
	s8 =	simm.s32 @!p0 $0x1BF5;
	p2 =	por !p2, p0  }
0x20: {  	[sflag:s8] =	ssyncset.s32 @!p0 $0xFFFFF086;
	s6 =	sadd.s32 @!p0 s3, s7;
	s7 =	simm.s32 @!p0 $0x108  }
0x21: {  	s3 =	sadd.s32 s3, s9;
	s6 =	sadd.s32 @!p0 $0x88, s6;
	s7 =	simm.s32 @p2 $0x1082  }
0x22: {  	[simem:s7], [sflag:s8] =	dma.local @!p0 [hbm:s6], $0xF7A  }
0x23: {  	s9 =	sor.u32 $0xD0000000, s2;
	s6 =	simm.s32 $0x108;
	_ =	swait.ge @!p0 [sflag:s8], $0x0  }
0x24: {  	s3 =	sadd.s32 $0x88, s3;
	s6 =	simm.s32 @!p1 $0x1082;
	[sflag:s4] =	ssyncset.s32 $0xFFFFF086  }
0x25: {  	[simem:s6], [sflag:s4] =	dma.local [hbm:s3], $0xF7A  }
0x26: {  	[smem:$0x3F9B] =	sst s1;
	(tag) =	ssettag s2;
	_ =	strace s9  }
0x27: {  	s1 =	sld [smem:$0x3FAB]  }
0x28: {  	s2 =	sld [smem:$0x3FAC]  }
0x29: {  	s4 =	sld [smem:$0x3FAE]  }
0x2a: {  	p0 =	seq.s32 s5, $0x0;
	s5 =	sld [smem:$0x3FAF]  }
0x2b: {  	s6 =	sld [smem:$0x3FB0]  }
0x2c: {  	s7 =	sld [smem:$0x3FB1]  }
0x2d: {  	s3 =	simm.s32 $0x108;
	s8 =	sld [smem:$0x3FB2]  }
0x2e: {  	s3 =	simm.s32 @!p0 $0x1082;
	s9 =	sld [smem:$0x3FB3]  }
0x2f: {  	lr =	sadd.s32 s0, s3;
	s0 =	sld [smem:$0x3FAA]  }
0x30: {  	s3 =	sld [smem:$0x3FAD]  }
0x31: {  	[smem:$0x3FB6] =	sst s10  }
0x32: {  	s10 =	sld [smem:$0x3FB4];
	_ =	sdelay $0x3  }
0x33: {  	p0 =	seq.s32 s10, $0x1;
	s10 =	sld [smem:$0x3FB6];
	_ =	sdelay $0x3  }
0x34: {  	[smem:$0x3FB6] =	sst s10  }
0x35: {  	s10 =	sld [smem:$0x3FB5];
	_ =	sdelay $0x3  }
0x36: {  	p1 =	seq.s32 s10, $0x1;
	s10 =	sld [smem:$0x3FB6];
	_ =	sdelay $0x3  }
0x37: {  	[smem:$0x3FB6] =	sst s10  }
0x38: {  	s10 =	sld [smem:$0x3FB7]  }
0x39: {  	_ = 	snop;
	(pc) =	sbr.ind lr, $3  }
0x3a: {  	_ = 	snop  }
0x3b: {  	_ = 	snop  }
0x3c: {  	p2 =	seq.s32 s10, $0x1;
	s10 =	sld [smem:$0x3FB6]  }
0x3d: {  	_ =	shalt  }
0x3e: {  	_ =	shalt  }
0x3f: {  	_ =	shalt  }
0x40: {  	_ =	shalt  }
0x41: {  	_ =	shalt  }
0x42: {  	_ =	shalt  }
0x43: {  	_ =	shalt  }
0x44: {  	_ =	shalt  }
0x45: {  	_ =	shalt  }
0x46: {  	_ =	shalt  }
0x47: {  	_ =	shalt  }
0x48: {  	_ =	shalt  }
0x49: {  	_ =	shalt  }
0x4a: {  	_ =	shalt  }
0x4b: {  	_ =	shalt  }
0x4c: {  	_ =	shalt  }
0x4d: {  	_ =	shalt  }
0x4e: {  	_ =	shalt  }
0x4f: {  	_ =	shalt  }
0x50: {  	_ =	shalt  }
0x51: {  	_ =	shalt  }
0x52: {  	_ =	shalt  }
0x53: {  	_ =	shalt  }
0x54: {  	_ =	shalt  }
0x55: {  	_ =	shalt  }
0x56: {  	_ =	shalt  }
0x57: {  	_ =	shalt  }
0x58: {  	_ =	shalt  }
0x59: {  	_ =	shalt  }
0x5a: {  	_ =	shalt  }
0x5b: {  	_ =	shalt  }
0x5c: {  	_ =	shalt  }
0x5d: {  	_ =	shalt  }
0x5e: {  	_ =	shalt  }
0x5f: {  	_ =	shalt  }
0x60: {  	_ =	shalt  }
0x61: {  	_ =	shalt  }
0x62: {  	_ =	shalt  }
0x63: {  	_ =	shalt  }
0x64: {  	_ =	shalt  }
0x65: {  	_ =	shalt  }
0x66: {  	_ =	shalt  }
0x67: {  	_ =	shalt  }
0x68: {  	_ =	shalt  }
0x69: {  	_ =	shalt  }
0x6a: {  	_ =	shalt  }
0x6b: {  	_ =	shalt  }
0x6c: {  	_ =	shalt  }
0x6d: {  	_ =	shalt  }
0x6e: {  	_ =	shalt  }
0x6f: {  	_ =	shalt  }
0x70: {  	_ =	shalt  }
0x71: {  	_ =	shalt  }
0x72: {  	_ =	shalt  }
0x73: {  	_ =	shalt  }
0x74: {  	_ =	shalt  }
0x75: {  	_ =	shalt  }
0x76: {  	_ =	shalt  }
0x77: {  	_ =	shalt  }
0x78: {  	_ =	shalt  }
0x79: {  	_ =	shalt  }
0x7a: {  	_ =	shalt  }
0x7b: {  	_ =	shalt  }
0x7c: {  	_ =	shalt  }
0x7d: {  	_ =	shalt  }
0x7e: {  	_ =	shalt  }
0x7f: {  	_ =	shalt  }
0x80: {  	_ =	shalt  }
0x81: {  	_ =	shalt  }
0x82: {  	_ =	shalt  }
0x83: {  	_ =	shalt  }
0x84: {  	_ =	shalt  }
0x85: {  	_ =	shalt  }
0x86: {  	_ =	shalt  }
0x87: {  	_ =	shalt  }
.Lfunc_end0:
.L_simem_size_0:
called_computation.2_lowered:
.L_overlay_start_0:
0x88: {  	s2 =	sld [smem:$0x3FD9]  }
0x89: {  	s3 =	sld [smem:$0x3FFE];
	_ =	sdelay $0x1  }
0x8a: {  	s1 =	srdreg.scid  }
0x8b: {  	s0 =	sand.u32 $0x1, s1  }
0x8c: {  	s17 =	sshll.u32 s0, $0xA;
	s2 =	sadd.s32 s3, s2  }
0x8d: {  	s2 =	sadd.s32 s2, s17  }
0x8e: {  	[smem:$0x3FC2] =	sst s2  }
0x8f: {  	_ = 	snop  }
0x90: {  	s2 =	sld [smem:$0x3FD0];
	(tm) =	ssettm $0x1  }
0x91: {  	s18 =	sld [smem:$0x3FFB];
	_ =	sdelay $0x3  }
0x92: {  	_ =	strace s18  }
0x93: {  	s3 =	sld [smem:$0x3FFC];
	_ =	sdelay $0x3  }
0x94: {  	_ =	strace s3  }
0x95: {  	s3 =	sld [smem:$0x3FFD];
	_ =	sdelay $0x3  }
0x96: {  	_ =	strace s3  }
0x97: {  	_ =	strace $0x8FFFFFFF  }
0x98: {  	s19 =	sld [smem:$0x3FDB];
	_ =	sdelay $0x1  }
0x99: {  	s4 =	simm.s32 $_scs_section_size  }
0x9a: {  	s5 =	simm.s32 $_size__tile_overlayer_lowered;
	s6 =	simm.s32 $_tile_overlayer_lowered  }
0x9b: {  	s22 =	simm.s32 $0x1BFF;
	s21 =	sshll.u32 s6, $0x1;
	s3 =	sadd.s32 s4, s19  }
0x9c: {  	s7 =	simm.s32 $0x0;
	s20 =	sshll.u32 s5, $0x1;
	s5 =	sadd.s32 s21, s3  }
0x9d: {  	[timem:s7], [sflag:s22] =	dma.local [hbm:s5], s20  }
0x9e: {  	_ =	swait.ge [sflag:s22], s20  }
0x9f: {  	s4 =	ssub.s32 $0x0, s20;
	[sflag:s22] =	ssyncset.done $0x0  }
0xa0: {  	[sflag:s22] =	ssyncadd.s32 s4;
	_ =	sdelay $0x1  }
0xa1: {  	s23 =	simm.s32 $0x1B8B  }
0xa2: {  	_ =	swait.ge [sflag:s23], $0x1  }
0xa3: {  	[sflag:s23] =	ssyncset.done $0x0  }
0xa4: {  	s25 =	simm.s32 $0x1B8E;
	s24 =	sld [smem:$0x3FFE];
	[sflag:s23] =	ssyncadd.s32 $0xFFFFFFFF  }
0xa5: {  	s26 =	simm.s32 $execute0_lowered;
	[smem:$0x3FD2] =	sst s25  }
0xa6: {  	s5 =	sshll.u32 s26, $0x1;
	_ =	strace $0x8000004C;
	[dreg:$0x1] =	wrdreg $0xFFFFFFFF  }
0xa7: {  	s28 =	simm.s32 $_size_execute0_lowered;
	s3 =	sadd.s32 s3, s5;
	[dreg:$0x0] =	wrdreg $0x0  }
0xa8: {  	s5 =	sshll.u32 s28, $0x1;
	[dreg:$0x2] =	wrdreg s3  }
0xa9: {  	[dreg:$0x3] =	wrdreg s5  }
0xaa: {  	[dreg:$0x4] =	wrdreg $0xC0  }
0xab: {  	_ =	task [dreg:s7], $0x5FFFF  }
0xac: {  	[dreg:$0x1] =	wrdreg $0xFFFFFFFF  }
0xad: {  	[dreg:$0x0] =	wrdreg $0x60  }
0xae: {  	[dreg:$0x2] =	wrdreg s2  }
0xaf: {  	[dreg:$0x3] =	wrdreg s24  }
0xb0: {  	[dreg:$0x4] =	wrdreg $0xBC200  }
0xb1: {  	[dreg:$0x5] =	wrdreg $0x9  }
0xb2: {  	_ =	task.clear_ibuf [dreg:s7], $0x6FFFF;
	_ =	strace $0x9000004C  }
0xb3: {  	s29 =	simm.s32 $0x9;
	_ =	strace $0x8000004E  }
0xb4: {  	_ =	swait.ge [sflag:s29], $0x1  }
0xb5: {  	[sflag:s29] =	ssyncadd.s32 $0xFFFFFFFF  }
0xb6: {  	_ =	strace $0x9000004E  }
0xb7: {  	_ =	sfence  }
0xb8: {  	s30 =	sld [smem:$0x0];
	_ =	sdelay $0x2  }
0xb9: {  	s31 =	sshll.u32 s1, $0xD;
	s1 =	sshrl.u32 s1, $0x2  }
0xba: {  	s3 =	sand.u32 $0x4000, s31;
	s1 =	sadd.s32 s1, s30  }
0xbb: {  	s0 =	sor.u32 s3, s0;
	s1 =	sshll.u32 s1, $0x11  }
0xbc: {  	s0 =	sor.u32 s1, s0  }
0xbd: {  	s0 =	sadd.s32 $0x8F2B, s0  }
0xbe: {  	[sflag:s0] =	ssyncadd.remote.s32 $0x1  }
0xbf: {  	_ =	sfence.sel $0xFFFF  }
0xc0: {  	[dreg:$0x0] =	wrdreg $0xFFFFFFFF;
	(pc) =	sbr.abs _section_cstart, $3  }
0xc1: {  	[dreg:$0x1] =	wrdreg $0xFFFFFFFF  }
0xc2: {  	_ =	task.clear_ibuf [dreg:s7], $0x2FFFF;
	_ =	strace $0x9FFFFFFF  }
0xc3: {  	(tm) =	ssettm $0x7FFFFFFF  }
tec
execute0_lowered:
.L_overlay_start_1:
0x0: {  	(tag) =	ssettag $0x1  }
0x1: {  	s1 =	rddreg [dreg:$0x0]  }
0x2: {  	s0 =	rddreg [dreg:$0x1];
	s2 =	srdreg.scid  }
0x3: {  	s10 =	stileid.u32;
	s3 =	rddreg [dreg:$0x2];
	s4 =	simm.s32 $0x0  }
0x4: {  	s28 =	simm.s32 $0xC;
	s30 =	simm.s32 $0x50;
	s6 =	smul.u32 $0x27000, s10  }
0x5: {  	s31 =	simm.s32 $0x4E20;
	s29 =	simm.s32 $0x8A20;
	s2 =	sand.u32 $0x1, s2  }
0x6: {  	s5 =	sshll.u32 s10, $0x1;
	[smem:$0x7FF] =	sst s4;
	s6 =	sshrl.u32 s6, $0x2  }
0x7: {  	s9 =	smul.u32 $0x9C00, s10;
	p0 =	sne.s32 s10, $0xF;
	s6 =	sadd.s32 s6, s3  }
0x8: {  	s10 =	simm.s32 $0x2;
	s5 =	sor.u32 s2, s5;
	s12 =	sadd.s32 $0xA00, s6  }
0x9: {  	_ =	strace $0x8000004D;
	s13 =	sadd.s32 $0x1400, s6;
	[dreg:$0x6] =	wrdreg s12  }
0xa: {  	s7 =	ssub.s32 $0x2, s2;
	s14 =	sadd.s32 $0x1E00, s6;
	[dreg:$0x7] =	wrdreg s13  }
0xb: {  	s2 =	smul.u32 $0x9C400, s2;
	s15 =	sadd.s32 $0x2800, s6;
	[dreg:$0x8] =	wrdreg s14  }
0xc: {  	s5 =	smul.u32 $0x4E2, s5;
	s16 =	sadd.s32 $0x3200, s6;
	[dreg:$0x9] =	wrdreg s15  }
0xd: {  	s8 =	sshrl.u32 s7, $0x1;
	s17 =	sadd.s32 $0x3C00, s6;
	[dreg:$0xa] =	wrdreg s16  }
0xe: {  	s8 =	ssub.s32 s7, s8;
	s18 =	sadd.s32 $0x4600, s6;
	[dreg:$0xb] =	wrdreg s17  }
0xf: {  	s7 =	sadd.s32 s9, s3;
	s19 =	sadd.s32 $0x5000, s6;
	[dreg:$0xc] =	wrdreg s18  }
0x10: {  	s23 =	sadd.s32 s9, s2;
	s20 =	sadd.s32 $0x5A00, s6;
	[dreg:$0xd] =	wrdreg s19  }
0x11: {  	s2 =	sshrl.u32 s2, $0x3;
	s21 =	sadd.s32 $0x6400, s6;
	[dreg:$0xe] =	wrdreg s20  }
0x12: {  	s9 =	simm.s32 $0x1;
	s22 =	sadd.s32 $0x6E00, s6;
	[dreg:$0xf] =	wrdreg s21  }
0x13: {  	s5 =	sadd.s32 s5, s0;
	s24 =	sadd.s32 $0x7800, s6;
	[dreg:$0x10] =	wrdreg s22  }
0x14: {  	s0 =	sadd.s32 $0x63600, s0;
	s25 =	sadd.s32 $0x8200, s6;
	[dreg:$0x11] =	wrdreg s24  }
0x15: {  	s26 =	sadd.s32 $0x8C00, s6;
	s11 =	sadd.s32 $0x1800, s5;
	[dreg:$0x12] =	wrdreg s25  }
0x16: {  	s5 =	sadd.s32 $0xB600, s5;
	[dreg:$0x14] =	wrdreg s26;
	s25 =	smax.u32 s8, $0x1  }
0x17: {  	s8 =	simm.s32 $0xB;
	s12 =	simm.s32 $0x4;
	s13 =	simm.s32 $0x5  }
0x18: {  	s14 =	simm.s32 $0x6;
	s15 =	simm.s32 $0x7;
	s16 =	simm.s32 $0x8  }
0x19: {  	s17 =	simm.s32 $0x9;
	s18 =	simm.s32 $0xA;
	[dreg:$0x4] =	wrdreg s11  }
0x1a: {  	s19 =	simm.s32 $0x0;
	[dreg:$0x5] =	wrdreg s5;
	s5 =	sshrl.u32 s23, $0x3  }
0x1b: {  	s23 =	sadd.s32 $0x9600, s6;
	s6 =	simm.s32 $0xB220;
	s11 =	simm.s32 $0x3  }
0x1c: {  	s5 =	sadd.s32 s0, s5;
	s0 =	sadd.s32 s0, s2;
	s2 =	simm.s32 $0x6220  }
0x1d: {  	[dreg:$0x13] =	wrdreg s5;
	s24 =	sadd.s32 $0x13800, s0;
	s0 =	sadd.s32 $0x9C000, s3  }
0x1e: {  	v0 =	vimm.f32 $0.0e+00;
	s5 =	simm.s32 $0x9E20;
	s26 =	sshrl.u32 @!p0 s0, $0x3;
	s0 =	simm.s32 $0x7620  }
.LBB2_1:
0x1f: {  	s20 =	rddreg [dreg:$0x4]  }
0x20: {  	[tilespmem:s4], [sflag:$0xC] =	stream.linear.gather [hbm4b:s20+s4], $0x2710, $0x38;
	[tilespmem:$0x15860] =	vst v63  }
0x21: {  	_ =	swait.ge [sflag:s28], $0x2710  }
0x22: {  	[sflag:s28] =	ssyncset.done $0x0  }
0x23: {  	s21 =	simm.s32 $0x2710;
	s22 =	rddreg [dreg:$0x5];
	[sflag:s28] =	ssyncadd.s32 $0xFFFFD8F0  }
0x24: {  	[tilespmem:s21], [sflag:$0xC] =	stream.linear.gather [hbm4b:s22+s4], $0x2710, $0x38;
	[tilespmem:$0x15860] =	vst v63  }
0x25: {  	_ =	swait.ge [sflag:s28], $0x2710  }
0x26: {  	[sflag:s28] =	ssyncset.done $0x0  }
0x27: {  	[sflag:s28] =	ssyncadd.s32 $0xFFFFD8F0  }
0x28: {  	[tilespmem:s31], [sflag:$0x1] =	stream.indirect.gather [hbm4b:s1+s30], $0x40, s4, s30, $0xb8;
	[tilespmem:$0x15860] =	vst v63  }
0x29: {  	_ = 	snop  }
0x2a: {  	[tilespmem:s2], [sflag:$0x2] =	stream.indirect.gather [hbm4b:s1+s30], $0x40, s30, s30, $0xb8;
	[tilespmem:$0x15860] =	vst v63  }
0x2b: {  	s22 =	simm.s32 $0xA0  }
0x2c: {  	[tilespmem:s0], [sflag:$0x3] =	stream.indirect.gather [hbm4b:s1+s30], $0x40, s22, s30, $0xb8;
	[tilespmem:$0x15860] =	vst v63  }
0x2d: {  	s21 =	simm.s32 $0xF0  }
0x2e: {  	[tilespmem:s29], [sflag:$0x4] =	stream.indirect.gather [hbm4b:s1+s30], $0x40, s21, s30, $0xb8;
	[tilespmem:$0x15860] =	vst v63  }
0x2f: {  	s20 =	simm.s32 $0x0;
	s22 =	simm.s32 $0x140;
	s21 =	simm.s32 $0x100  }
0x30: {  	[tilespmem:s5], [sflag:$0x5] =	stream.indirect.gather [hbm4b:s1+s30], $0x40, s22, s30, $0xb8;
	[tilespmem:$0x15860] =	vst v63  }
.LBB2_2:
0x31: {  	p1 =	sne.s32 s21, $0x2700;
	[tilespmem:s20+$0xB250] =	vst v0;
	s22 =	smov.u32 s21;
	s21 =	sadd.s32 $0x100, s21  }
.Ltmp0:
0x32: {  	[tilespmem:s20+$0xB240] =	vst v0;
	(pc) =	sbr.rel @p1 .LBB2_2-.Ltmp0, $3  }
0x33: {  	[tilespmem:s20+$0xB220] =	vst v0  }
0x34: {  	[tilespmem:s20+$0xB230] =	vst v0;
	_ =	sdelay $0x1  }
0x35: {  	s20 =	sshra.s32 s22, $0x2  }
0x36: {  	[tilespmem:s20+$0xB250] =	vst v0  }
0x37: {  	[tilespmem:s20+$0xB240] =	vst v0  }
0x38: {  	[tilespmem:s20+$0xB220] =	vst v0  }
0x39: {  	[tilespmem:s20+$0xB230] =	vst v0  }
0x3a: {  	[spmem:s7] =	stream.linear.scatter [tilespmem:s6], [sflag:$0xB], $0xA00, $0x38;
	[tilespmem:$0x15860] =	vst v63  }
0x3b: {  	_ =	swait.ge [sflag:s8], $0xA00  }
0x3c: {  	[sflag:s8] =	ssyncset.done $0x0  }
0x3d: {  	s22 =	rddreg [dreg:$0x6];
	[sflag:s8] =	ssyncadd.s32 $0xFFFFF600  }
0x3e: {  	[spmem:s22] =	stream.linear.scatter [tilespmem:s6], [sflag:$0xB], $0xA00, $0x38;
	[tilespmem:$0x15860] =	vst v63  }
0x3f: {  	_ =	swait.ge [sflag:s8], $0xA00  }
0x40: {  	[sflag:s8] =	ssyncset.done $0x0  }
0x41: {  	s21 =	rddreg [dreg:$0x7];
	[sflag:s8] =	ssyncadd.s32 $0xFFFFF600  }
0x42: {  	[spmem:s21] =	stream.linear.scatter [tilespmem:s6], [sflag:$0xB], $0xA00, $0x38;
	[tilespmem:$0x15860] =	vst v63  }
0x43: {  	_ =	swait.ge [sflag:s8], $0xA00  }
0x44: {  	[sflag:s8] =	ssyncset.done $0x0  }
0x45: {  	s22 =	rddreg [dreg:$0x8];
	[sflag:s8] =	ssyncadd.s32 $0xFFFFF600  }
0x46: {  	[spmem:s22] =	stream.linear.scatter [tilespmem:s6], [sflag:$0xB], $0xA00, $0x38;
	[tilespmem:$0x15860] =	vst v63  }
0x47: {  	_ =	swait.ge [sflag:s8], $0xA00  }
0x48: {  	[sflag:s8] =	ssyncset.done $0x0  }
0x49: {  	s21 =	rddreg [dreg:$0x9];
	[sflag:s8] =	ssyncadd.s32 $0xFFFFF600  }
0x4a: {  	[spmem:s21] =	stream.linear.scatter [tilespmem:s6], [sflag:$0xB], $0xA00, $0x38;
	[tilespmem:$0x15860] =	vst v63  }
0x4b: {  	_ =	swait.ge [sflag:s8], $0xA00  }
0x4c: {  	[sflag:s8] =	ssyncset.done $0x0  }
0x4d: {  	s22 =	rddreg [dreg:$0xa];
	[sflag:s8] =	ssyncadd.s32 $0xFFFFF600  }
0x4e: {  	[spmem:s22] =	stream.linear.scatter [tilespmem:s6], [sflag:$0xB], $0xA00, $0x38;
	[tilespmem:$0x15860] =	vst v63  }
0x4f: {  	_ =	swait.ge [sflag:s8], $0xA00  }
0x50: {  	[sflag:s8] =	ssyncset.done $0x0  }
0x51: {  	s21 =	rddreg [dreg:$0xb];
	[sflag:s8] =	ssyncadd.s32 $0xFFFFF600  }
0x52: {  	[spmem:s21] =	stream.linear.scatter [tilespmem:s6], [sflag:$0xB], $0xA00, $0x38;
	[tilespmem:$0x15860] =	vst v63  }
0x53: {  	_ =	swait.ge [sflag:s8], $0xA00  }
0x54: {  	[sflag:s8] =	ssyncset.done $0x0  }
0x55: {  	s22 =	rddreg [dreg:$0xc];
	[sflag:s8] =	ssyncadd.s32 $0xFFFFF600  }
0x56: {  	[spmem:s22] =	stream.linear.scatter [tilespmem:s6], [sflag:$0xB], $0xA00, $0x38;
	[tilespmem:$0x15860] =	vst v63  }
0x57: {  	_ =	swait.ge [sflag:s8], $0xA00  }
0x58: {  	[sflag:s8] =	ssyncset.done $0x0  }
0x59: {  	s21 =	rddreg [dreg:$0xd];
	[sflag:s8] =	ssyncadd.s32 $0xFFFFF600  }
0x5a: {  	[spmem:s21] =	stream.linear.scatter [tilespmem:s6], [sflag:$0xB], $0xA00, $0x38;
	[tilespmem:$0x15860] =	vst v63  }
0x5b: {  	_ =	swait.ge [sflag:s8], $0xA00  }
0x5c: {  	[sflag:s8] =	ssyncset.done $0x0  }
0x5d: {  	s22 =	rddreg [dreg:$0xe];
	[sflag:s8] =	ssyncadd.s32 $0xFFFFF600  }
0x5e: {  	[spmem:s22] =	stream.linear.scatter [tilespmem:s6], [sflag:$0xB], $0xA00, $0x38;
	[tilespmem:$0x15860] =	vst v63  }
0x5f: {  	_ =	swait.ge [sflag:s8], $0xA00  }
0x60: {  	[sflag:s8] =	ssyncset.done $0x0  }
0x61: {  	s21 =	rddreg [dreg:$0xf];
	[sflag:s8] =	ssyncadd.s32 $0xFFFFF600  }
0x62: {  	[spmem:s21] =	stream.linear.scatter [tilespmem:s6], [sflag:$0xB], $0xA00, $0x38;
	[tilespmem:$0x15860] =	vst v63  }
0x63: {  	_ =	swait.ge [sflag:s8], $0xA00  }
0x64: {  	[sflag:s8] =	ssyncset.done $0x0  }
0x65: {  	s22 =	rddreg [dreg:$0x10];
	[sflag:s8] =	ssyncadd.s32 $0xFFFFF600  }
0x66: {  	[spmem:s22] =	stream.linear.scatter [tilespmem:s6], [sflag:$0xB], $0xA00, $0x38;
	[tilespmem:$0x15860] =	vst v63  }
0x67: {  	_ =	swait.ge [sflag:s8], $0xA00  }
0x68: {  	[sflag:s8] =	ssyncset.done $0x0  }
0x69: {  	s21 =	rddreg [dreg:$0x11];
	[sflag:s8] =	ssyncadd.s32 $0xFFFFF600  }
0x6a: {  	[spmem:s21] =	stream.linear.scatter [tilespmem:s6], [sflag:$0xB], $0xA00, $0x38;
	[tilespmem:$0x15860] =	vst v63  }
0x6b: {  	_ =	swait.ge [sflag:s8], $0xA00  }
0x6c: {  	[sflag:s8] =	ssyncset.done $0x0  }
0x6d: {  	s22 =	rddreg [dreg:$0x12];
	[sflag:s8] =	ssyncadd.s32 $0xFFFFF600  }
0x6e: {  	[spmem:s22] =	stream.linear.scatter [tilespmem:s6], [sflag:$0xB], $0xA00, $0x38;
	[tilespmem:$0x15860] =	vst v63  }
0x6f: {  	_ =	swait.ge [sflag:s8], $0xA00  }
0x70: {  	[sflag:s8] =	ssyncset.done $0x0  }
0x71: {  	s21 =	rddreg [dreg:$0x14];
	[sflag:s8] =	ssyncadd.s32 $0xFFFFF600  }
0x72: {  	[spmem:s21] =	stream.linear.scatter [tilespmem:s6], [sflag:$0xB], $0xA00, $0x38;
	[tilespmem:$0x15860] =	vst v63  }
0x73: {  	_ =	swait.ge [sflag:s8], $0xA00  }
0x74: {  	[sflag:s8] =	ssyncset.done $0x0  }
0x75: {  	[sflag:s8] =	ssyncadd.s32 $0xFFFFF600  }
0x76: {  	[spmem:s23] =	stream.linear.scatter [tilespmem:s6], [sflag:$0xB], $0xA00, $0x38;
	[tilespmem:$0x15860] =	vst v63  }
0x77: {  	_ =	swait.ge [sflag:s8], $0xA00  }
0x78: {  	[sflag:s8] =	ssyncset.done $0x0  }
0x79: {  	[sflag:s8] =	ssyncadd.s32 $0xFFFFF600  }
0x7a: {  	[bflag:$0x0] =	sbarrier.arrive $0xFFFF  }
0x7b: {  	_ =	swait.ge [sflag:s9], $0x1400  }
0x7c: {  	[sflag:s9] =	ssyncset.done $0x0  }
0x7d: {  	s22 =	simm.s32 $0x2710;
	[sflag:s9] =	ssyncadd.s32 $0xFFFFEC00  }
0x7e: {  	[spmem:s3] =	stream.indirect.scatter.add.f32 [tilespmem:s31], [sflag:$0x6], $0x40, s22, s30, $0xb8;
	[tilespmem:$0x15860] =	vst v63  }
0x7f: {  	_ =	swait.ge [sflag:s10], $0x1400  }
0x80: {  	[sflag:s10] =	ssyncset.done $0x0  }
0x81: {  	s21 =	simm.s32 $0x2760;
	[sflag:s10] =	ssyncadd.s32 $0xFFFFEC00  }
0x82: {  	[spmem:s3] =	stream.indirect.scatter.add.f32 [tilespmem:s2], [sflag:$0x7], $0x40, s21, s30, $0xb8;
	[tilespmem:$0x15860] =	vst v63  }
0x83: {  	_ =	swait.ge [sflag:s11], $0x1400  }
0x84: {  	[sflag:s11] =	ssyncset.done $0x0  }
0x85: {  	s22 =	simm.s32 $0x27B0;
	[sflag:s11] =	ssyncadd.s32 $0xFFFFEC00  }
0x86: {  	[spmem:s3] =	stream.indirect.scatter.add.f32 [tilespmem:s0], [sflag:$0x8], $0x40, s22, s30, $0xb8;
	[tilespmem:$0x15860] =	vst v63  }
0x87: {  	_ =	swait.ge [sflag:s12], $0x1400  }
0x88: {  	[sflag:s12] =	ssyncset.done $0x0  }
0x89: {  	s21 =	simm.s32 $0x2800;
	[sflag:s12] =	ssyncadd.s32 $0xFFFFEC00  }
0x8a: {  	[spmem:s3] =	stream.indirect.scatter.add.f32 [tilespmem:s29], [sflag:$0x9], $0x40, s21, s30, $0xb8;
	[tilespmem:$0x15860] =	vst v63  }
0x8b: {  	_ =	swait.ge [sflag:s13], $0x1400  }
0x8c: {  	[sflag:s13] =	ssyncset.done $0x0  }
0x8d: {  	s22 =	simm.s32 $0x2850;
	[sflag:s13] =	ssyncadd.s32 $0xFFFFEC00  }
0x8e: {  	[spmem:s3] =	stream.indirect.scatter.add.f32 [tilespmem:s5], [sflag:$0xA], $0x40, s22, s30, $0xb8;
	[tilespmem:$0x15860] =	vst v63  }
0x8f: {  	_ =	swait.ge [sflag:s14], $0x1400  }
0x90: {  	[sflag:s14] =	ssyncset.done $0x0  }
0x91: {  	s21 =	simm.s32 $0x190;
	[sflag:s14] =	ssyncadd.s32 $0xFFFFEC00  }
0x92: {  	[tilespmem:s31], [sflag:$0x1] =	stream.indirect.gather [hbm4b:s1+s30], $0x40, s21, s30, $0xb8;
	[tilespmem:$0x15860] =	vst v63  }
0x93: {  	_ =	swait.ge [sflag:s15], $0x1400  }
0x94: {  	[sflag:s15] =	ssyncset.done $0x0  }
0x95: {  	s22 =	simm.s32 $0x1E0;
	[sflag:s15] =	ssyncadd.s32 $0xFFFFEC00  }
0x96: {  	[tilespmem:s2], [sflag:$0x2] =	stream.indirect.gather [hbm4b:s1+s30], $0x40, s22, s30, $0xb8;
	[tilespmem:$0x15860] =	vst v63  }
0x97: {  	_ =	swait.ge [sflag:s16], $0x1400  }
0x98: {  	[sflag:s16] =	ssyncset.done $0x0  }
0x99: {  	s21 =	simm.s32 $0x230;
	[sflag:s16] =	ssyncadd.s32 $0xFFFFEC00  }
0x9a: {  	[tilespmem:s0], [sflag:$0x3] =	stream.indirect.gather [hbm4b:s1+s30], $0x40, s21, s30, $0xb8;
	[tilespmem:$0x15860] =	vst v63  }
0x9b: {  	_ =	swait.ge [sflag:s17], $0x1400  }
0x9c: {  	[sflag:s17] =	ssyncset.done $0x0  }
0x9d: {  	s22 =	simm.s32 $0x280;
	[sflag:s17] =	ssyncadd.s32 $0xFFFFEC00  }
0x9e: {  	[tilespmem:s29], [sflag:$0x4] =	stream.indirect.gather [hbm4b:s1+s30], $0x40, s22, s30, $0xb8;
	[tilespmem:$0x15860] =	vst v63  }
0x9f: {  	_ =	swait.ge [sflag:s18], $0x1400  }
0xa0: {  	[sflag:s18] =	ssyncset.done $0x0  }
0xa1: {  	s20 =	simm.s32 $0x640;
	s21 =	simm.s32 $0x2D0;
	[sflag:s18] =	ssyncadd.s32 $0xFFFFEC00  }
.LBB2_4:
0xa2: {  	[tilespmem:s5], [sflag:$0x5] =	stream.indirect.gather [hbm4b:s1+s30], $0x40, s21, s30, $0xb8;
	[tilespmem:$0x15860] =	vst v63  }
0xa3: {  	s21 =	smov.u32 s20  }
0xa4: {  	p1 =	sne.s32 s20, $0x8FC0;
	s20 =	sadd.s32 $0x640, s20;
	_ =	swait.ge [sflag:s9], $0x1400  }
0xa5: {  	s21 =	sshra.s32 s21, $0x2;
	[sflag:s9] =	ssyncset.done $0x0  }
0xa6: {  	s22 =	sadd.s32 $0x2710, s21;
	[sflag:s9] =	ssyncadd.s32 $0xFFFFEC00  }
0xa7: {  	[spmem:s3] =	stream.indirect.scatter.add.f32 [tilespmem:s31], [sflag:$0x6], $0x40, s22, s30, $0xb8;
	[tilespmem:$0x15860] =	vst v63  }
0xa8: {  	_ =	swait.ge [sflag:s10], $0x1400  }
0xa9: {  	[sflag:s10] =	ssyncset.done $0x0  }
0xaa: {  	s22 =	sadd.s32 $0x2760, s21;
	[sflag:s10] =	ssyncadd.s32 $0xFFFFEC00  }
0xab: {  	[spmem:s3] =	stream.indirect.scatter.add.f32 [tilespmem:s2], [sflag:$0x7], $0x40, s22, s30, $0xb8;
	[tilespmem:$0x15860] =	vst v63  }
0xac: {  	_ =	swait.ge [sflag:s11], $0x1400  }
0xad: {  	[sflag:s11] =	ssyncset.done $0x0  }
0xae: {  	s22 =	sadd.s32 $0x27B0, s21;
	[sflag:s11] =	ssyncadd.s32 $0xFFFFEC00  }
0xaf: {  	[spmem:s3] =	stream.indirect.scatter.add.f32 [tilespmem:s0], [sflag:$0x8], $0x40, s22, s30, $0xb8;
	[tilespmem:$0x15860] =	vst v63  }
0xb0: {  	_ =	swait.ge [sflag:s12], $0x1400  }
0xb1: {  	[sflag:s12] =	ssyncset.done $0x0  }
0xb2: {  	s22 =	sadd.s32 $0x2800, s21;
	[sflag:s12] =	ssyncadd.s32 $0xFFFFEC00  }
0xb3: {  	[spmem:s3] =	stream.indirect.scatter.add.f32 [tilespmem:s29], [sflag:$0x9], $0x40, s22, s30, $0xb8;
	[tilespmem:$0x15860] =	vst v63  }
0xb4: {  	_ =	swait.ge [sflag:s13], $0x1400  }
0xb5: {  	[sflag:s13] =	ssyncset.done $0x0  }
0xb6: {  	s22 =	sadd.s32 $0x2850, s21;
	[sflag:s13] =	ssyncadd.s32 $0xFFFFEC00  }
0xb7: {  	[spmem:s3] =	stream.indirect.scatter.add.f32 [tilespmem:s5], [sflag:$0xA], $0x40, s22, s30, $0xb8;
	[tilespmem:$0x15860] =	vst v63  }
0xb8: {  	_ =	swait.ge [sflag:s14], $0x1400  }
0xb9: {  	[sflag:s14] =	ssyncset.done $0x0  }
0xba: {  	s22 =	sadd.s32 $0x190, s21;
	[sflag:s14] =	ssyncadd.s32 $0xFFFFEC00  }
0xbb: {  	[tilespmem:s31], [sflag:$0x1] =	stream.indirect.gather [hbm4b:s1+s30], $0x40, s22, s30, $0xb8;
	[tilespmem:$0x15860] =	vst v63  }
0xbc: {  	_ =	swait.ge [sflag:s15], $0x1400  }
0xbd: {  	[sflag:s15] =	ssyncset.done $0x0  }
0xbe: {  	s22 =	sadd.s32 $0x1E0, s21;
	[sflag:s15] =	ssyncadd.s32 $0xFFFFEC00  }
0xbf: {  	[tilespmem:s2], [sflag:$0x2] =	stream.indirect.gather [hbm4b:s1+s30], $0x40, s22, s30, $0xb8;
	[tilespmem:$0x15860] =	vst v63  }
0xc0: {  	_ =	swait.ge [sflag:s16], $0x1400  }
0xc1: {  	[sflag:s16] =	ssyncset.done $0x0  }
0xc2: {  	s22 =	sadd.s32 $0x230, s21;
	[sflag:s16] =	ssyncadd.s32 $0xFFFFEC00  }
0xc3: {  	[tilespmem:s0], [sflag:$0x3] =	stream.indirect.gather [hbm4b:s1+s30], $0x40, s22, s30, $0xb8;
	[tilespmem:$0x15860] =	vst v63  }
0xc4: {  	_ =	swait.ge [sflag:s17], $0x1400  }
0xc5: {  	[sflag:s17] =	ssyncset.done $0x0  }
.Ltmp1:
0xc6: {  	s22 =	sadd.s32 $0x280, s21;
	[sflag:s17] =	ssyncadd.s32 $0xFFFFEC00;
	(pc) =	sbr.rel @p1 .LBB2_4-.Ltmp1, $4  }
0xc7: {  	[tilespmem:s29], [sflag:$0x4] =	stream.indirect.gather [hbm4b:s1+s30], $0x40, s22, s30, $0xb8;
	[tilespmem:$0x15860] =	vst v63  }
0xc8: {  	_ =	swait.ge [sflag:s18], $0x1400  }
0xc9: {  	[sflag:s18] =	ssyncset.done $0x0  }
0xca: {  	s21 =	sadd.s32 $0x2D0, s21;
	[sflag:s18] =	ssyncadd.s32 $0xFFFFEC00  }
0xcb: {  	[tilespmem:s5], [sflag:$0x5] =	stream.indirect.gather [hbm4b:s1+s30], $0x40, s21, s30, $0xb8;
	[tilespmem:$0x15860] =	vst v63  }
0xcc: {  	_ =	swait.ge [sflag:s9], $0x1400  }
0xcd: {  	[sflag:s9] =	ssyncset.done $0x0  }
0xce: {  	s20 =	simm.s32 $0x4C90;
	[sflag:s9] =	ssyncadd.s32 $0xFFFFEC00  }
0xcf: {  	[spmem:s3] =	stream.indirect.scatter.add.f32 [tilespmem:s31], [sflag:$0x6], $0x40, s20, s30, $0xb8;
	[tilespmem:$0x15860] =	vst v63  }
0xd0: {  	_ =	swait.ge [sflag:s10], $0x1400  }
0xd1: {  	[sflag:s10] =	ssyncset.done $0x0  }
0xd2: {  	s22 =	simm.s32 $0x4CE0;
	[sflag:s10] =	ssyncadd.s32 $0xFFFFEC00  }
0xd3: {  	[spmem:s3] =	stream.indirect.scatter.add.f32 [tilespmem:s2], [sflag:$0x7], $0x40, s22, s30, $0xb8;
	[tilespmem:$0x15860] =	vst v63  }
0xd4: {  	_ =	swait.ge [sflag:s11], $0x1400  }
0xd5: {  	[sflag:s11] =	ssyncset.done $0x0  }
0xd6: {  	s21 =	simm.s32 $0x4D30;
	[sflag:s11] =	ssyncadd.s32 $0xFFFFEC00  }
0xd7: {  	[spmem:s3] =	stream.indirect.scatter.add.f32 [tilespmem:s0], [sflag:$0x8], $0x40, s21, s30, $0xb8;
	[tilespmem:$0x15860] =	vst v63  }
0xd8: {  	_ =	swait.ge [sflag:s12], $0x1400  }
0xd9: {  	[sflag:s12] =	ssyncset.done $0x0  }
0xda: {  	s22 =	simm.s32 $0x4D80;
	[sflag:s12] =	ssyncadd.s32 $0xFFFFEC00  }
0xdb: {  	[spmem:s3] =	stream.indirect.scatter.add.f32 [tilespmem:s29], [sflag:$0x9], $0x40, s22, s30, $0xb8;
	[tilespmem:$0x15860] =	vst v63  }
0xdc: {  	_ =	swait.ge [sflag:s13], $0x1400  }
0xdd: {  	[sflag:s13] =	ssyncset.done $0x0  }
0xde: {  	s21 =	simm.s32 $0x4DD0;
	[sflag:s13] =	ssyncadd.s32 $0xFFFFEC00  }
0xdf: {  	[spmem:s3] =	stream.indirect.scatter.add.f32 [tilespmem:s5], [sflag:$0xA], $0x40, s21, s30, $0xb8;
	[tilespmem:$0x15860] =	vst v63  }
0xe0: {  	_ =	swait.ge [sflag:s14], $0x1400  }
0xe1: {  	[sflag:s14] =	ssyncset.done $0x0  }
0xe2: {  	[sflag:s14] =	ssyncadd.s32 $0xFFFFEC00  }
0xe3: {  	_ =	swait.ge [sflag:s15], $0x1400  }
0xe4: {  	[sflag:s15] =	ssyncset.done $0x0  }
0xe5: {  	[sflag:s15] =	ssyncadd.s32 $0xFFFFEC00  }
0xe6: {  	_ =	swait.ge [sflag:s16], $0x1400  }
0xe7: {  	[sflag:s16] =	ssyncset.done $0x0  }
0xe8: {  	[sflag:s16] =	ssyncadd.s32 $0xFFFFEC00  }
0xe9: {  	_ =	swait.ge [sflag:s17], $0x1400  }
0xea: {  	[sflag:s17] =	ssyncset.done $0x0  }
0xeb: {  	[sflag:s17] =	ssyncadd.s32 $0xFFFFEC00  }
0xec: {  	_ =	swait.ge [sflag:s18], $0x1400  }
0xed: {  	[sflag:s18] =	ssyncset.done $0x0  }
0xee: {  	s22 =	stileid.u32;
	[sflag:s18] =	ssyncadd.s32 $0xFFFFEC00  }
0xef: {  	s20 =	sshll.u32 s22, $0x6;
	[bflag:$0x0] =	sbarrier.arrive $0xFFFF  }
0xf0: {  	s20 =	sor.u32 $0x1C0B, s20;
	s21 =	sshrl.u32 s7, $0x3;
	s22 =	rddreg [dreg:$0x13]  }
0xf1: {  	[hbm:s22], [sflag:s20] =	dma.local [spmem:s21], $0x1380  }
0xf2: {  	_ =	swait.ge [sflag:s8], $0x1380  }
0xf3: {  	s19 =	sadd.s32 $0x1, s19;
	[sflag:s8] =	ssyncset.done $0x0  }
0xf4: {  	p1 =	sne.s32 s19, s25;
	[sflag:s8] =	ssyncadd.s32 $0xFFFFEC80  }
0xf5: {  	[hbm:s24], [sflag:s20] =	dma.local @!p0 [spmem:s26], $0x80  }
.Ltmp2:
0xf6: {  	_ = 	snop;
	(pc) =	sbr.rel @p1 .LBB2_1-.Ltmp2, $4  }
0xf7: {  	s20 =	simm.s32 @!p0 $0xB  }
0xf8: {  	_ =	swait.ge @!p0 [sflag:s20], $0x80  }
0xf9: {  	[sflag:s20] =	ssyncset.done @!p0 $0x0  }
0xfa: {  	[sflag:s20] =	ssyncadd.s32 @!p0 $0xFFFFFF80  }
0xfb: {  	_ =	sfence.sel $0x180000  }
0xfc: {  	[bflag:$0x0] =	sbarrier.arrive $0xFFFF  }
0xfd: {  	_ =	strace $0x9000004D  }
0xfe: {  	s0 =	stileid.u32;
	[bflag:$0x2] =	sbarrier.arrive $0xFFFF  }
0xff: {  	p0 =	sne.s32 s0, $0x0;
	s0 =	rddreg [dreg:$0x3]  }
0x100: {  	s0 =	sadd.s32 @!p0 $0x100000, s0  }
0x101: {  	[sflag:s0] =	ssyncadd.tile.s32 @!p0 $0x1;
	_ =	shalt  }
.Lfunc_end2:
_tile_overlayer_lowered:
.L_overlay_start_2:
0x102: {  	(tag) =	ssettag $0x2  }
0x103: {  	s0 =	rddreg [dreg:$0x0];
	s2 =	stileid.u32  }
0x104: {  	s1 =	rddreg [dreg:$0x1];
	p0 =	sne.s32 s2, $0x0  }
0x105: {  	s3 =	rddreg [dreg:$0x2];
	[bflag:$0x3] =	sbarrier.arrive $0xFFFF;
	s2 =	simm.s32 @!p0 $0x1C0C  }
0x106: {  	[timem:s3], [sflag:s2] =	dma.local @!p0 [hbm:s0], s1  }
0x107: {  	s0 =	simm.s32 @!p0 $0xC  }
0x108: {  	_ =	swait.ge @!p0 [sflag:s0], s1  }
0x109: {  	s1 =	ssub.s32 @!p0 $0x0, s1;
	[sflag:s0] =	ssyncset.done @!p0 $0x0  }
0x10a: {  	[sflag:s0] =	ssyncadd.s32 @!p0 s1  }
0x10b: {  	[bflag:$0x3] =	sbarrier.arrive $0xFFFF  }
0x10c: {  	_ =	shalt  }

// kernel: kernel.8.cloned.1.call-start
scs
__scs_entry_jumppad:
0x0: {  	(pc) =	sbr.rel $0x88, $3  }
0x1: {  	(tag) =	ssettag $0x0;
	lr =	simm.s32 $0x1  }
0x2: {  	[smem:$0x3F9B] =	sst lr;
	_ =	strace $0xD0000000  }
0x3: {  	_ = 	snop  }
0x4: {  	_ = 	snop  }
0x5: {  	_ = 	snop  }
0x6: {  	_ = 	snop  }
0x7: {  	_ = 	snop  }
__scs_overlays_trampoline_lowered:
0x8: {  	[smem:$0x3FAA] =	sst s0  }
0x9: {  	[smem:$0x3FAB] =	sst s1  }
0xa: {  	[smem:$0x3FAC] =	sst s2  }
0xb: {  	[smem:$0x3FAD] =	sst s3  }
0xc: {  	[smem:$0x3FAE] =	sst s4  }
0xd: {  	[smem:$0x3FAF] =	sst s5  }
0xe: {  	[smem:$0x3FB0] =	sst s6  }
0xf: {  	[smem:$0x3FB1] =	sst s7  }
0x10: {  	[smem:$0x3FB2] =	sst s8  }
0x11: {  	[smem:$0x3FB3] =	sst s9;
	s0 =	simm.s32 @!p0 $0x0  }
0x12: {  	s1 =	sld [smem:$0x3F99];
	s0 =	simm.s32 @p0 $0x1  }
0x13: {  	[smem:$0x3FB4] =	sst s0;
	s0 =	simm.s32 @!p1 $0x0  }
0x14: {  	s2 =	sld [smem:$0x3F98];
	s0 =	simm.s32 @p1 $0x1  }
0x15: {  	[smem:$0x3FB5] =	sst s0;
	s0 =	simm.s32 @!p2 $0x0  }
0x16: {  	s3 =	sld [smem:$0x3FDB];
	s0 =	simm.s32 @p2 $0x1  }
0x17: {  	s4 =	simm.s32 $0x1BF5;
	[smem:$0x3FB7] =	sst s0  }
0x18: {  	s0 =	sld [smem:$0x3F9A];
	_ =	swait.ge [sflag:s4], $0x0  }
0x19: {  	s7 =	sld [smem:$0x3F9B]  }
0x1a: {  	s8 =	sadd.s32 $0xFFFFE003, lr  }
0x1b: {  	s9 =	sadd.s32 $0xFFFFFEF7, lr;
	s5 =	simm.s32 $0xFFFFFFFF;
	p2 =	slt.u32 s8, $0xFFFFF086  }
0x1c: {  	p1 =	slt.u32 s9, $0xF7A;
	s5 =	simm.s32 @!p2 $0x0  }
0x1d: {  	s5 =	simm.s32 @p1 $0x1;
	p0 =	seq.s32 s7, s2  }
0x1e: {  	s7 =	smul.u32 @!p0 $0xF7A, s2;
	p2 =	seq.s32 @!p0 s5, $0x0  }
0x1f: {  	s9 =	smul.u32 $0xF7A, s1;
	s8 =	simm.s32 @!p0 $0x1BF5;
	p2 =	por !p2, p0  }
0x20: {  	[sflag:s8] =	ssyncset.s32 @!p0 $0xFFFFF086;
	s6 =	sadd.s32 @!p0 s3, s7;
	s7 =	simm.s32 @!p0 $0x108  }
0x21: {  	s3 =	sadd.s32 s3, s9;
	s6 =	sadd.s32 @!p0 $0x88, s6;
	s7 =	simm.s32 @p2 $0x1082  }
0x22: {  	[simem:s7], [sflag:s8] =	dma.local @!p0 [hbm:s6], $0xF7A  }
0x23: {  	s9 =	sor.u32 $0xD0000000, s2;
	s6 =	simm.s32 $0x108;
	_ =	swait.ge @!p0 [sflag:s8], $0x0  }
0x24: {  	s3 =	sadd.s32 $0x88, s3;
	s6 =	simm.s32 @!p1 $0x1082;
	[sflag:s4] =	ssyncset.s32 $0xFFFFF086  }
0x25: {  	[simem:s6], [sflag:s4] =	dma.local [hbm:s3], $0xF7A  }
0x26: {  	[smem:$0x3F9B] =	sst s1;
	(tag) =	ssettag s2;
	_ =	strace s9  }
0x27: {  	s1 =	sld [smem:$0x3FAB]  }
0x28: {  	s2 =	sld [smem:$0x3FAC]  }
0x29: {  	s4 =	sld [smem:$0x3FAE]  }
0x2a: {  	p0 =	seq.s32 s5, $0x0;
	s5 =	sld [smem:$0x3FAF]  }
0x2b: {  	s6 =	sld [smem:$0x3FB0]  }
0x2c: {  	s7 =	sld [smem:$0x3FB1]  }
0x2d: {  	s3 =	simm.s32 $0x108;
	s8 =	sld [smem:$0x3FB2]  }
0x2e: {  	s3 =	simm.s32 @!p0 $0x1082;
	s9 =	sld [smem:$0x3FB3]  }
0x2f: {  	lr =	sadd.s32 s0, s3;
	s0 =	sld [smem:$0x3FAA]  }
0x30: {  	s3 =	sld [smem:$0x3FAD]  }
0x31: {  	[smem:$0x3FB6] =	sst s10  }
0x32: {  	s10 =	sld [smem:$0x3FB4];
	_ =	sdelay $0x3  }
0x33: {  	p0 =	seq.s32 s10, $0x1;
	s10 =	sld [smem:$0x3FB6];
	_ =	sdelay $0x3  }
0x34: {  	[smem:$0x3FB6] =	sst s10  }
0x35: {  	s10 =	sld [smem:$0x3FB5];
	_ =	sdelay $0x3  }
0x36: {  	p1 =	seq.s32 s10, $0x1;
	s10 =	sld [smem:$0x3FB6];
	_ =	sdelay $0x3  }
0x37: {  	[smem:$0x3FB6] =	sst s10  }
0x38: {  	s10 =	sld [smem:$0x3FB7]  }
0x39: {  	_ = 	snop;
	(pc) =	sbr.ind lr, $3  }
0x3a: {  	_ = 	snop  }
0x3b: {  	_ = 	snop  }
0x3c: {  	p2 =	seq.s32 s10, $0x1;
	s10 =	sld [smem:$0x3FB6]  }
0x3d: {  	_ =	shalt  }
0x3e: {  	_ =	shalt  }
0x3f: {  	_ =	shalt  }
0x40: {  	_ =	shalt  }
0x41: {  	_ =	shalt  }
0x42: {  	_ =	shalt  }
0x43: {  	_ =	shalt  }
0x44: {  	_ =	shalt  }
0x45: {  	_ =	shalt  }
0x46: {  	_ =	shalt  }
0x47: {  	_ =	shalt  }
0x48: {  	_ =	shalt  }
0x49: {  	_ =	shalt  }
0x4a: {  	_ =	shalt  }
0x4b: {  	_ =	shalt  }
0x4c: {  	_ =	shalt  }
0x4d: {  	_ =	shalt  }
0x4e: {  	_ =	shalt  }
0x4f: {  	_ =	shalt  }
0x50: {  	_ =	shalt  }
0x51: {  	_ =	shalt  }
0x52: {  	_ =	shalt  }
0x53: {  	_ =	shalt  }
0x54: {  	_ =	shalt  }
0x55: {  	_ =	shalt  }
0x56: {  	_ =	shalt  }
0x57: {  	_ =	shalt  }
0x58: {  	_ =	shalt  }
0x59: {  	_ =	shalt  }
0x5a: {  	_ =	shalt  }
0x5b: {  	_ =	shalt  }
0x5c: {  	_ =	shalt  }
0x5d: {  	_ =	shalt  }
0x5e: {  	_ =	shalt  }
0x5f: {  	_ =	shalt  }
0x60: {  	_ =	shalt  }
0x61: {  	_ =	shalt  }
0x62: {  	_ =	shalt  }
0x63: {  	_ =	shalt  }
0x64: {  	_ =	shalt  }
0x65: {  	_ =	shalt  }
0x66: {  	_ =	shalt  }
0x67: {  	_ =	shalt  }
0x68: {  	_ =	shalt  }
0x69: {  	_ =	shalt  }
0x6a: {  	_ =	shalt  }
0x6b: {  	_ =	shalt  }
0x6c: {  	_ =	shalt  }
0x6d: {  	_ =	shalt  }
0x6e: {  	_ =	shalt  }
0x6f: {  	_ =	shalt  }
0x70: {  	_ =	shalt  }
0x71: {  	_ =	shalt  }
0x72: {  	_ =	shalt  }
0x73: {  	_ =	shalt  }
0x74: {  	_ =	shalt  }
0x75: {  	_ =	shalt  }
0x76: {  	_ =	shalt  }
0x77: {  	_ =	shalt  }
0x78: {  	_ =	shalt  }
0x79: {  	_ =	shalt  }
0x7a: {  	_ =	shalt  }
0x7b: {  	_ =	shalt  }
0x7c: {  	_ =	shalt  }
0x7d: {  	_ =	shalt  }
0x7e: {  	_ =	shalt  }
0x7f: {  	_ =	shalt  }
0x80: {  	_ =	shalt  }
0x81: {  	_ =	shalt  }
0x82: {  	_ =	shalt  }
0x83: {  	_ =	shalt  }
0x84: {  	_ =	shalt  }
0x85: {  	_ =	shalt  }
0x86: {  	_ =	shalt  }
0x87: {  	_ =	shalt  }
.Lfunc_end0:
.L_simem_size_0:
called_computation_lowered:
.L_overlay_start_0:
0x88: {  	s2 =	sld [smem:$0x3FD9]  }
0x89: {  	s3 =	sld [smem:$0x3FFE];
	_ =	sdelay $0x1  }
0x8a: {  	s1 =	srdreg.scid  }
0x8b: {  	s0 =	sand.u32 $0x1, s1  }
0x8c: {  	s17 =	sshll.u32 s0, $0xA;
	s2 =	sadd.s32 s3, s2  }
0x8d: {  	s2 =	sadd.s32 s2, s17  }
0x8e: {  	[smem:$0x3FC2] =	sst s2  }
0x8f: {  	_ = 	snop  }
0x90: {  	s2 =	sld [smem:$0x3FD0];
	(tm) =	ssettm $0x1  }
0x91: {  	s18 =	sld [smem:$0x3FFB];
	_ =	sdelay $0x3  }
0x92: {  	_ =	strace s18  }
0x93: {  	s3 =	sld [smem:$0x3FFC];
	_ =	sdelay $0x3  }
0x94: {  	_ =	strace s3  }
0x95: {  	s3 =	sld [smem:$0x3FFD];
	_ =	sdelay $0x3  }
0x96: {  	_ =	strace s3  }
0x97: {  	_ =	strace $0x8FFFFFFF  }
0x98: {  	s19 =	sld [smem:$0x3FDB];
	_ =	sdelay $0x1  }
0x99: {  	s4 =	simm.s32 $_scs_section_size  }
0x9a: {  	s5 =	simm.s32 $_size__tile_overlayer_lowered;
	s6 =	simm.s32 $_tile_overlayer_lowered  }
0x9b: {  	s22 =	simm.s32 $0x1BFF;
	s21 =	sshll.u32 s6, $0x1;
	s3 =	sadd.s32 s4, s19  }
0x9c: {  	s7 =	simm.s32 $0x0;
	s20 =	sshll.u32 s5, $0x1;
	s5 =	sadd.s32 s21, s3  }
0x9d: {  	[timem:s7], [sflag:s22] =	dma.local [hbm:s5], s20  }
0x9e: {  	_ =	swait.ge [sflag:s22], s20  }
0x9f: {  	s4 =	ssub.s32 $0x0, s20;
	[sflag:s22] =	ssyncset.done $0x0  }
0xa0: {  	[sflag:s22] =	ssyncadd.s32 s4;
	_ =	sdelay $0x1  }
0xa1: {  	s23 =	simm.s32 $0x1B8B  }
0xa2: {  	_ =	swait.ge [sflag:s23], $0x1  }
0xa3: {  	[sflag:s23] =	ssyncset.done $0x0  }
0xa4: {  	s25 =	simm.s32 $0x1B8E;
	s24 =	sld [smem:$0x3FFE];
	[sflag:s23] =	ssyncadd.s32 $0xFFFFFFFF  }
0xa5: {  	s26 =	simm.s32 $execute0_lowered;
	[smem:$0x3FD2] =	sst s25  }
0xa6: {  	s5 =	sshll.u32 s26, $0x1;
	_ =	strace $0x80000046;
	[dreg:$0x1] =	wrdreg $0xFFFFFFFF  }
0xa7: {  	s28 =	simm.s32 $_size_execute0_lowered;
	s3 =	sadd.s32 s3, s5;
	[dreg:$0x0] =	wrdreg $0x0  }
0xa8: {  	s5 =	sshll.u32 s28, $0x1;
	[dreg:$0x2] =	wrdreg s3  }
0xa9: {  	[dreg:$0x3] =	wrdreg s5  }
0xaa: {  	[dreg:$0x4] =	wrdreg $0xC0  }
0xab: {  	_ =	task [dreg:s7], $0x5FFFF  }
0xac: {  	[dreg:$0x1] =	wrdreg $0xFFFFFFFF  }
0xad: {  	[dreg:$0x0] =	wrdreg $0x60  }
0xae: {  	[dreg:$0x2] =	wrdreg s2  }
0xaf: {  	[dreg:$0x3] =	wrdreg s24  }
0xb0: {  	[dreg:$0x4] =	wrdreg $0x7C000  }
0xb1: {  	[dreg:$0x5] =	wrdreg $0x9  }
0xb2: {  	_ =	task.clear_ibuf [dreg:s7], $0x6FFFF;
	_ =	strace $0x90000046  }
0xb3: {  	s29 =	simm.s32 $0x9;
	_ =	strace $0x80000048  }
0xb4: {  	_ =	swait.ge [sflag:s29], $0x1  }
0xb5: {  	[sflag:s29] =	ssyncadd.s32 $0xFFFFFFFF  }
0xb6: {  	_ =	strace $0x90000048  }
0xb7: {  	_ =	sfence  }
0xb8: {  	s30 =	sld [smem:$0x0];
	_ =	sdelay $0x2  }
0xb9: {  	s31 =	sshll.u32 s1, $0xD;
	s1 =	sshrl.u32 s1, $0x2  }
0xba: {  	s3 =	sand.u32 $0x4000, s31;
	s1 =	sadd.s32 s1, s30  }
0xbb: {  	s0 =	sor.u32 s3, s0;
	s1 =	sshll.u32 s1, $0x11  }
0xbc: {  	s0 =	sor.u32 s1, s0  }
0xbd: {  	s0 =	sadd.s32 $0x8F2B, s0  }
0xbe: {  	[sflag:s0] =	ssyncadd.remote.s32 $0x1  }
0xbf: {  	_ =	sfence.sel $0xFFFF  }
0xc0: {  	[dreg:$0x0] =	wrdreg $0xFFFFFFFF;
	(pc) =	sbr.abs _section_cstart, $3  }
0xc1: {  	[dreg:$0x1] =	wrdreg $0xFFFFFFFF  }
0xc2: {  	_ =	task.clear_ibuf [dreg:s7], $0x2FFFF;
	_ =	strace $0x9FFFFFFF  }
0xc3: {  	(tm) =	ssettm $0x7FFFFFFF  }
tec
execute0_lowered:
.L_overlay_start_1:
0x0: {  	(tag) =	ssettag $0x1  }
0x1: {  	s0 =	rddreg [dreg:$0x0]  }
0x2: {  	s2 =	rddreg [dreg:$0x1]  }
0x3: {  	s1 =	rddreg [dreg:$0x2]  }
0x4: {  	s4 =	simm.s32 $0x0;
	s3 =	srdreg.scid;
	s9 =	stileid.u32  }
0x5: {  	s28 =	simm.s32 $0x6;
	s29 =	simm.s32 $0x50;
	s30 =	simm.s32 $0x4000  }
0x6: {  	s31 =	simm.s32 $0x3;
	[smem:$0x7FF] =	sst s4;
	s3 =	sand.u32 $0x1, s3  }
0x7: {  	s5 =	smul.u32 $0x4E000, s9;
	s2 =	sadd.s32 $0x15400, s2;
	s8 =	sshll.u32 s9, $0xC  }
0x8: {  	s26 =	smul.u32 $0x13800, s9;
	p0 =	sne.s32 s9, $0xF;
	_ =	strace $0x80000047  }
0x9: {  	s20 =	ssub.s32 $0x2, s3;
	s7 =	sshll.u32 s3, $0xB;
	s25 =	smul.u32 $0x138800, s3  }
0xa: {  	s6 =	sshrl.u32 s20, $0x1;
	s0 =	sadd.s32 s0, s7;
	s5 =	sshrl.u32 s5, $0x2  }
0xb: {  	s4 =	ssub.s32 s20, s6;
	s0 =	sadd.s32 s8, s0;
	s5 =	sadd.s32 s5, s1  }
0xc: {  	s3 =	sadd.s32 s26, s25;
	s26 =	simm.s32 $0x6800;
	s6 =	simm.s32 $0x0  }
0xd: {  	[dreg:$0x4] =	wrdreg s0;
	s21 =	sadd.s32 $0x1400, s5;
	s22 =	sadd.s32 $0x2800, s5  }
0xe: {  	s23 =	sadd.s32 $0x3C00, s5;
	s24 =	sadd.s32 $0x5000, s5;
	s10 =	sadd.s32 $0x6400, s5  }
0xf: {  	s11 =	sadd.s32 $0x7800, s5;
	s12 =	sadd.s32 $0x8C00, s5;
	s13 =	sadd.s32 $0xA000, s5  }
0x10: {  	s14 =	sadd.s32 $0xB400, s5;
	s15 =	sadd.s32 $0xC800, s5;
	s16 =	sadd.s32 $0xDC00, s5  }
0x11: {  	s17 =	sadd.s32 $0xF000, s5;
	s18 =	sadd.s32 $0x10400, s5;
	[dreg:$0x5] =	wrdreg s21  }
0x12: {  	s19 =	sadd.s32 $0x11800, s5;
	s0 =	sshrl.u32 s25, $0x3;
	[dreg:$0x6] =	wrdreg s22  }
0x13: {  	s20 =	sadd.s32 $0x12C00, s5;
	s3 =	sshrl.u32 s3, $0x3;
	[dreg:$0x7] =	wrdreg s23  }
0x14: {  	[dreg:$0x8] =	wrdreg s24;
	s0 =	sadd.s32 s2, s0;
	s21 =	sadd.s32 s2, s3  }
0x15: {  	s23 =	smax.u32 s4, $0x1;
	s24 =	simm.s32 $0x7;
	s2 =	simm.s32 $0x2  }
0x16: {  	s3 =	simm.s32 $0x4;
	s22 =	sadd.s32 $0x27000, s0;
	s0 =	sadd.s32 $0x138000, s1  }
0x17: {  	v0 =	vimm.f32 $1.000000000e+00;
	v1 =	vimm.f32 $0.0e+00;
	s4 =	simm.s32 $0x5;
	s25 =	sshrl.u32 @!p0 s0, $0x3;
	s0 =	simm.s32 $0x1  }
.LBB2_1:
0x18: {  	s7 =	simm.s32 $0x0;
	s8 =	rddreg [dreg:$0x4]  }
0x19: {  	[tilespmem:s7], [sflag:$0x7] =	stream.linear.gather [hbm4b:s8+s7], $0x3E80, $0x38;
	[tilespmem:$0xA310] =	vst v63  }
0x1a: {  	_ =	swait.ge [sflag:s24], $0x3E80  }
0x1b: {  	[sflag:s24] =	ssyncset.done $0x0  }
0x1c: {  	s7 =	simm.s32 $0x200;
	s8 =	simm.s32 $0x0;
	[sflag:s24] =	ssyncadd.s32 $0xFFFFC180  }
.LBB2_2:
0x1d: {  	p1 =	sne.s32 s7, $0x9E00;
	[tilespmem:s8+$0x4000] =	vst v0;
	s8 =	smov.u32 s7;
	s7 =	sadd.s32 $0x200, s7  }
.Ltmp0:
0x1e: {  	(pc) =	sbr.rel @p1 .LBB2_2-.Ltmp0, $2  }
0x1f: {  	_ =	sdelay $0x2  }
0x20: {  	s8 =	sshra.s32 s8, $0x2  }
0x21: {  	[tilespmem:s8+$0x4000] =	vst v0  }
0x22: {  	[tilespmem:$0x6800] =	vst v1  }
0x23: {  	[tilespmem:$0x6880] =	vst v1  }
0x24: {  	[tilespmem:$0x6900] =	vst v1  }
0x25: {  	[tilespmem:$0x6980] =	vst v1  }
0x26: {  	[tilespmem:$0x6A00] =	vst v1  }
0x27: {  	[tilespmem:$0x6A80] =	vst v1  }
0x28: {  	[tilespmem:$0x6B00] =	vst v1  }
0x29: {  	[tilespmem:$0x6B80] =	vst v1  }
0x2a: {  	[tilespmem:$0x6C00] =	vst v1  }
0x2b: {  	[tilespmem:$0x6C80] =	vst v1  }
0x2c: {  	[tilespmem:$0x6D00] =	vst v1  }
0x2d: {  	[tilespmem:$0x6D80] =	vst v1  }
0x2e: {  	[tilespmem:$0x6E00] =	vst v1  }
0x2f: {  	[tilespmem:$0x6E80] =	vst v1  }
0x30: {  	[tilespmem:$0x6F00] =	vst v1  }
0x31: {  	[tilespmem:$0x6F80] =	vst v1  }
0x32: {  	[tilespmem:$0x7000] =	vst v1  }
0x33: {  	[tilespmem:$0x7080] =	vst v1  }
0x34: {  	[tilespmem:$0x7100] =	vst v1  }
0x35: {  	[tilespmem:$0x7180] =	vst v1  }
0x36: {  	[tilespmem:$0x7200] =	vst v1  }
0x37: {  	[tilespmem:$0x7280] =	vst v1  }
0x38: {  	[tilespmem:$0x7300] =	vst v1  }
0x39: {  	[tilespmem:$0x7380] =	vst v1  }
0x3a: {  	[tilespmem:$0x7400] =	vst v1  }
0x3b: {  	[tilespmem:$0x7480] =	vst v1  }
0x3c: {  	[tilespmem:$0x7500] =	vst v1  }
0x3d: {  	[tilespmem:$0x7580] =	vst v1  }
0x3e: {  	[tilespmem:$0x7600] =	vst v1  }
0x3f: {  	[tilespmem:$0x7680] =	vst v1  }
0x40: {  	[tilespmem:$0x7700] =	vst v1  }
0x41: {  	[tilespmem:$0x7780] =	vst v1  }
0x42: {  	[tilespmem:$0x7800] =	vst v1  }
0x43: {  	[tilespmem:$0x7880] =	vst v1  }
0x44: {  	[tilespmem:$0x7900] =	vst v1  }
0x45: {  	[tilespmem:$0x7980] =	vst v1  }
0x46: {  	[tilespmem:$0x7A00] =	vst v1  }
0x47: {  	[tilespmem:$0x7A80] =	vst v1  }
0x48: {  	[tilespmem:$0x7B00] =	vst v1  }
0x49: {  	[tilespmem:$0x7B80] =	vst v1  }
0x4a: {  	[spmem:s5] =	stream.linear.scatter [tilespmem:s26], [sflag:$0x6], $0x1400, $0x38;
	[tilespmem:$0xA310] =	vst v63  }
0x4b: {  	_ =	swait.ge [sflag:s28], $0x1400  }
0x4c: {  	[sflag:s28] =	ssyncset.done $0x0  }
0x4d: {  	s7 =	rddreg [dreg:$0x5];
	[sflag:s28] =	ssyncadd.s32 $0xFFFFEC00  }
0x4e: {  	[spmem:s7] =	stream.linear.scatter [tilespmem:s26], [sflag:$0x6], $0x1400, $0x38;
	[tilespmem:$0xA310] =	vst v63  }
0x4f: {  	_ =	swait.ge [sflag:s28], $0x1400  }
0x50: {  	[sflag:s28] =	ssyncset.done $0x0  }
0x51: {  	s8 =	rddreg [dreg:$0x6];
	[sflag:s28] =	ssyncadd.s32 $0xFFFFEC00  }
0x52: {  	[spmem:s8] =	stream.linear.scatter [tilespmem:s26], [sflag:$0x6], $0x1400, $0x38;
	[tilespmem:$0xA310] =	vst v63  }
0x53: {  	_ =	swait.ge [sflag:s28], $0x1400  }
0x54: {  	[sflag:s28] =	ssyncset.done $0x0  }
0x55: {  	s9 =	rddreg [dreg:$0x7];
	[sflag:s28] =	ssyncadd.s32 $0xFFFFEC00  }
0x56: {  	[spmem:s9] =	stream.linear.scatter [tilespmem:s26], [sflag:$0x6], $0x1400, $0x38;
	[tilespmem:$0xA310] =	vst v63  }
0x57: {  	_ =	swait.ge [sflag:s28], $0x1400  }
0x58: {  	[sflag:s28] =	ssyncset.done $0x0  }
0x59: {  	s8 =	rddreg [dreg:$0x8];
	[sflag:s28] =	ssyncadd.s32 $0xFFFFEC00  }
0x5a: {  	[spmem:s8] =	stream.linear.scatter [tilespmem:s26], [sflag:$0x6], $0x1400, $0x38;
	[tilespmem:$0xA310] =	vst v63  }
0x5b: {  	_ =	swait.ge [sflag:s28], $0x1400  }
0x5c: {  	[sflag:s28] =	ssyncset.done $0x0  }
0x5d: {  	[sflag:s28] =	ssyncadd.s32 $0xFFFFEC00  }
0x5e: {  	[spmem:s10] =	stream.linear.scatter [tilespmem:s26], [sflag:$0x6], $0x1400, $0x38;
	[tilespmem:$0xA310] =	vst v63  }
0x5f: {  	_ =	swait.ge [sflag:s28], $0x1400  }
0x60: {  	[sflag:s28] =	ssyncset.done $0x0  }
0x61: {  	[sflag:s28] =	ssyncadd.s32 $0xFFFFEC00  }
0x62: {  	[spmem:s11] =	stream.linear.scatter [tilespmem:s26], [sflag:$0x6], $0x1400, $0x38;
	[tilespmem:$0xA310] =	vst v63  }
0x63: {  	_ =	swait.ge [sflag:s28], $0x1400  }
0x64: {  	[sflag:s28] =	ssyncset.done $0x0  }
0x65: {  	[sflag:s28] =	ssyncadd.s32 $0xFFFFEC00  }
0x66: {  	[spmem:s12] =	stream.linear.scatter [tilespmem:s26], [sflag:$0x6], $0x1400, $0x38;
	[tilespmem:$0xA310] =	vst v63  }
0x67: {  	_ =	swait.ge [sflag:s28], $0x1400  }
0x68: {  	[sflag:s28] =	ssyncset.done $0x0  }
0x69: {  	[sflag:s28] =	ssyncadd.s32 $0xFFFFEC00  }
0x6a: {  	[spmem:s13] =	stream.linear.scatter [tilespmem:s26], [sflag:$0x6], $0x1400, $0x38;
	[tilespmem:$0xA310] =	vst v63  }
0x6b: {  	_ =	swait.ge [sflag:s28], $0x1400  }
0x6c: {  	[sflag:s28] =	ssyncset.done $0x0  }
0x6d: {  	[sflag:s28] =	ssyncadd.s32 $0xFFFFEC00  }
0x6e: {  	[spmem:s14] =	stream.linear.scatter [tilespmem:s26], [sflag:$0x6], $0x1400, $0x38;
	[tilespmem:$0xA310] =	vst v63  }
0x6f: {  	_ =	swait.ge [sflag:s28], $0x1400  }
0x70: {  	[sflag:s28] =	ssyncset.done $0x0  }
0x71: {  	[sflag:s28] =	ssyncadd.s32 $0xFFFFEC00  }
0x72: {  	[spmem:s15] =	stream.linear.scatter [tilespmem:s26], [sflag:$0x6], $0x1400, $0x38;
	[tilespmem:$0xA310] =	vst v63  }
0x73: {  	_ =	swait.ge [sflag:s28], $0x1400  }
0x74: {  	[sflag:s28] =	ssyncset.done $0x0  }
0x75: {  	[sflag:s28] =	ssyncadd.s32 $0xFFFFEC00  }
0x76: {  	[spmem:s16] =	stream.linear.scatter [tilespmem:s26], [sflag:$0x6], $0x1400, $0x38;
	[tilespmem:$0xA310] =	vst v63  }
0x77: {  	_ =	swait.ge [sflag:s28], $0x1400  }
0x78: {  	[sflag:s28] =	ssyncset.done $0x0  }
0x79: {  	[sflag:s28] =	ssyncadd.s32 $0xFFFFEC00  }
0x7a: {  	[spmem:s17] =	stream.linear.scatter [tilespmem:s26], [sflag:$0x6], $0x1400, $0x38;
	[tilespmem:$0xA310] =	vst v63  }
0x7b: {  	_ =	swait.ge [sflag:s28], $0x1400  }
0x7c: {  	[sflag:s28] =	ssyncset.done $0x0  }
0x7d: {  	[sflag:s28] =	ssyncadd.s32 $0xFFFFEC00  }
0x7e: {  	[spmem:s18] =	stream.linear.scatter [tilespmem:s26], [sflag:$0x6], $0x1400, $0x38;
	[tilespmem:$0xA310] =	vst v63  }
0x7f: {  	_ =	swait.ge [sflag:s28], $0x1400  }
0x80: {  	[sflag:s28] =	ssyncset.done $0x0  }
0x81: {  	[sflag:s28] =	ssyncadd.s32 $0xFFFFEC00  }
0x82: {  	[spmem:s19] =	stream.linear.scatter [tilespmem:s26], [sflag:$0x6], $0x1400, $0x38;
	[tilespmem:$0xA310] =	vst v63  }
0x83: {  	_ =	swait.ge [sflag:s28], $0x1400  }
0x84: {  	[sflag:s28] =	ssyncset.done $0x0  }
0x85: {  	[sflag:s28] =	ssyncadd.s32 $0xFFFFEC00  }
0x86: {  	[spmem:s20] =	stream.linear.scatter [tilespmem:s26], [sflag:$0x6], $0x1400, $0x38;
	[tilespmem:$0xA310] =	vst v63  }
0x87: {  	_ =	swait.ge [sflag:s28], $0x1400  }
0x88: {  	[sflag:s28] =	ssyncset.done $0x0  }
0x89: {  	[sflag:s28] =	ssyncadd.s32 $0xFFFFEC00  }
0x8a: {  	s9 =	simm.s32 $0x0;
	[bflag:$0x0] =	sbarrier.arrive $0xFFFF  }
0x8b: {  	[spmem:s1] =	stream.indirect.scatter.add.f32 [tilespmem:s30], [sflag:$0x1], $0x10, s9, s29, $0xb8;
	[tilespmem:$0xA310] =	vst v63  }
0x8c: {  	s8 =	simm.s32 $0x80  }
0x8d: {  	[spmem:s1] =	stream.indirect.scatter.add.f32 [tilespmem:s30], [sflag:$0x2], $0x10, s8, s29, $0xb8;
	[tilespmem:$0xA310] =	vst v63  }
0x8e: {  	s9 =	simm.s32 $0x100  }
0x8f: {  	[spmem:s1] =	stream.indirect.scatter.add.f32 [tilespmem:s30], [sflag:$0x3], $0x10, s9, s29, $0xb8;
	[tilespmem:$0xA310] =	vst v63  }
0x90: {  	s8 =	simm.s32 $0x180  }
0x91: {  	[spmem:s1] =	stream.indirect.scatter.add.f32 [tilespmem:s30], [sflag:$0x4], $0x10, s8, s29, $0xb8;
	[tilespmem:$0xA310] =	vst v63  }
0x92: {  	s9 =	simm.s32 $0x200  }
0x93: {  	[spmem:s1] =	stream.indirect.scatter.add.f32 [tilespmem:s30], [sflag:$0x5], $0x10, s9, s29, $0xb8;
	[tilespmem:$0xA310] =	vst v63  }
0x94: {  	_ =	swait.ge [sflag:s0], $0x500  }
0x95: {  	[sflag:s0] =	ssyncset.done $0x0  }
0x96: {  	s8 =	simm.s32 $0x280;
	[sflag:s0] =	ssyncadd.s32 $0xFFFFFB00  }
0x97: {  	[spmem:s1] =	stream.indirect.scatter.add.f32 [tilespmem:s30], [sflag:$0x1], $0x10, s8, s29, $0xb8;
	[tilespmem:$0xA310] =	vst v63  }
0x98: {  	_ =	swait.ge [sflag:s2], $0x500  }
0x99: {  	[sflag:s2] =	ssyncset.done $0x0  }
0x9a: {  	s9 =	simm.s32 $0x300;
	[sflag:s2] =	ssyncadd.s32 $0xFFFFFB00  }
0x9b: {  	[spmem:s1] =	stream.indirect.scatter.add.f32 [tilespmem:s30], [sflag:$0x2], $0x10, s9, s29, $0xb8;
	[tilespmem:$0xA310] =	vst v63  }
0x9c: {  	_ =	swait.ge [sflag:s31], $0x500  }
0x9d: {  	[sflag:s31] =	ssyncset.done $0x0  }
0x9e: {  	s8 =	simm.s32 $0x380;
	[sflag:s31] =	ssyncadd.s32 $0xFFFFFB00  }
0x9f: {  	[spmem:s1] =	stream.indirect.scatter.add.f32 [tilespmem:s30], [sflag:$0x3], $0x10, s8, s29, $0xb8;
	[tilespmem:$0xA310] =	vst v63  }
0xa0: {  	_ =	swait.ge [sflag:s3], $0x500  }
0xa1: {  	[sflag:s3] =	ssyncset.done $0x0  }
0xa2: {  	s9 =	simm.s32 $0x400;
	[sflag:s3] =	ssyncadd.s32 $0xFFFFFB00  }
0xa3: {  	[spmem:s1] =	stream.indirect.scatter.add.f32 [tilespmem:s30], [sflag:$0x4], $0x10, s9, s29, $0xb8;
	[tilespmem:$0xA310] =	vst v63  }
0xa4: {  	_ =	swait.ge [sflag:s4], $0x500  }
0xa5: {  	[sflag:s4] =	ssyncset.done $0x0  }
0xa6: {  	s7 =	simm.s32 $0xFFFF1A00;
	s8 =	simm.s32 $0x480;
	[sflag:s4] =	ssyncadd.s32 $0xFFFFFB00  }
.LBB2_4:
0xa7: {  	[spmem:s1] =	stream.indirect.scatter.add.f32 [tilespmem:s30], [sflag:$0x5], $0x10, s8, s29, $0xb8;
	[tilespmem:$0xA310] =	vst v63  }
0xa8: {  	s8 =	smov.u32 s7  }
0xa9: {  	p1 =	sne.s32 s7, $0xFFFFF600;
	s7 =	sadd.s32 $0xA00, s7;
	_ =	swait.ge [sflag:s0], $0x500  }
0xaa: {  	s8 =	sshra.s32 s8, $0x2;
	[sflag:s0] =	ssyncset.done $0x0  }
0xab: {  	s9 =	sadd.s32 $0x3E80, s8;
	[sflag:s0] =	ssyncadd.s32 $0xFFFFFB00  }
0xac: {  	[spmem:s1] =	stream.indirect.scatter.add.f32 [tilespmem:s30], [sflag:$0x1], $0x10, s9, s29, $0xb8;
	[tilespmem:$0xA310] =	vst v63  }
0xad: {  	_ =	swait.ge [sflag:s2], $0x500  }
0xae: {  	[sflag:s2] =	ssyncset.done $0x0  }
0xaf: {  	s9 =	sadd.s32 $0x3F00, s8;
	[sflag:s2] =	ssyncadd.s32 $0xFFFFFB00  }
0xb0: {  	[spmem:s1] =	stream.indirect.scatter.add.f32 [tilespmem:s30], [sflag:$0x2], $0x10, s9, s29, $0xb8;
	[tilespmem:$0xA310] =	vst v63  }
0xb1: {  	_ =	swait.ge [sflag:s31], $0x500  }
0xb2: {  	[sflag:s31] =	ssyncset.done $0x0  }
0xb3: {  	s9 =	sadd.s32 $0x3F80, s8;
	[sflag:s31] =	ssyncadd.s32 $0xFFFFFB00  }
0xb4: {  	[spmem:s1] =	stream.indirect.scatter.add.f32 [tilespmem:s30], [sflag:$0x3], $0x10, s9, s29, $0xb8;
	[tilespmem:$0xA310] =	vst v63  }
0xb5: {  	_ =	swait.ge [sflag:s3], $0x500  }
0xb6: {  	[sflag:s3] =	ssyncset.done $0x0  }
.Ltmp1:
0xb7: {  	s9 =	sadd.s32 $0x4000, s8;
	[sflag:s3] =	ssyncadd.s32 $0xFFFFFB00;
	(pc) =	sbr.rel @p1 .LBB2_4-.Ltmp1, $4  }
0xb8: {  	[spmem:s1] =	stream.indirect.scatter.add.f32 [tilespmem:s30], [sflag:$0x4], $0x10, s9, s29, $0xb8;
	[tilespmem:$0xA310] =	vst v63  }
0xb9: {  	_ =	swait.ge [sflag:s4], $0x500  }
0xba: {  	[sflag:s4] =	ssyncset.done $0x0  }
0xbb: {  	s8 =	sadd.s32 $0x4080, s8;
	[sflag:s4] =	ssyncadd.s32 $0xFFFFFB00  }
0xbc: {  	[spmem:s1] =	stream.indirect.scatter.add.f32 [tilespmem:s30], [sflag:$0x5], $0x10, s8, s29, $0xb8;
	[tilespmem:$0xA310] =	vst v63  }
0xbd: {  	_ =	swait.ge [sflag:s0], $0x500  }
0xbe: {  	[sflag:s0] =	ssyncset.done $0x0  }
0xbf: {  	[sflag:s0] =	ssyncadd.s32 $0xFFFFFB00  }
0xc0: {  	_ =	swait.ge [sflag:s2], $0x500  }
0xc1: {  	[sflag:s2] =	ssyncset.done $0x0  }
0xc2: {  	[sflag:s2] =	ssyncadd.s32 $0xFFFFFB00  }
0xc3: {  	_ =	swait.ge [sflag:s31], $0x500  }
0xc4: {  	[sflag:s31] =	ssyncset.done $0x0  }
0xc5: {  	[sflag:s31] =	ssyncadd.s32 $0xFFFFFB00  }
0xc6: {  	_ =	swait.ge [sflag:s3], $0x500  }
0xc7: {  	[sflag:s3] =	ssyncset.done $0x0  }
0xc8: {  	[sflag:s3] =	ssyncadd.s32 $0xFFFFFB00  }
0xc9: {  	_ =	swait.ge [sflag:s4], $0x500  }
0xca: {  	s7 =	stileid.u32;
	[sflag:s4] =	ssyncset.done $0x0  }
0xcb: {  	s7 =	sshll.u32 s7, $0x6;
	[sflag:s4] =	ssyncadd.s32 $0xFFFFFB00  }
0xcc: {  	s9 =	sshrl.u32 s5, $0x3;
	s7 =	sor.u32 $0x1C06, s7;
	[bflag:$0x0] =	sbarrier.arrive $0xFFFF  }
0xcd: {  	[hbm:s21], [sflag:s7] =	dma.local [spmem:s9], $0x2700  }
0xce: {  	_ =	swait.ge [sflag:s28], $0x2700  }
0xcf: {  	s6 =	sadd.s32 $0x1, s6;
	[sflag:s28] =	ssyncset.done $0x0  }
0xd0: {  	p1 =	sne.s32 s6, s23;
	[sflag:s28] =	ssyncadd.s32 $0xFFFFD900  }
0xd1: {  	[hbm:s22], [sflag:s7] =	dma.local @!p0 [spmem:s25], $0x100  }
.Ltmp2:
0xd2: {  	_ = 	snop;
	(pc) =	sbr.rel @p1 .LBB2_1-.Ltmp2, $4  }
0xd3: {  	s7 =	simm.s32 @!p0 $0x6  }
0xd4: {  	_ =	swait.ge @!p0 [sflag:s7], $0x100  }
0xd5: {  	[sflag:s7] =	ssyncset.done @!p0 $0x0  }
0xd6: {  	[sflag:s7] =	ssyncadd.s32 @!p0 $0xFFFFFF00  }
0xd7: {  	_ =	sfence.sel $0x180000  }
0xd8: {  	[bflag:$0x0] =	sbarrier.arrive $0xFFFF  }
0xd9: {  	_ =	strace $0x90000047  }
0xda: {  	s0 =	stileid.u32;
	[bflag:$0x2] =	sbarrier.arrive $0xFFFF  }
0xdb: {  	p0 =	sne.s32 s0, $0x0;
	s0 =	rddreg [dreg:$0x3]  }
0xdc: {  	s0 =	sadd.s32 @!p0 $0x100000, s0  }
0xdd: {  	[sflag:s0] =	ssyncadd.tile.s32 @!p0 $0x1;
	_ =	shalt  }
.Lfunc_end2:
_tile_overlayer_lowered:
.L_overlay_start_2:
0xde: {  	(tag) =	ssettag $0x2  }
0xdf: {  	s0 =	rddreg [dreg:$0x0];
	s2 =	stileid.u32  }
0xe0: {  	s1 =	rddreg [dreg:$0x1];
	p0 =	sne.s32 s2, $0x0  }
0xe1: {  	s3 =	rddreg [dreg:$0x2];
	[bflag:$0x3] =	sbarrier.arrive $0xFFFF;
	s2 =	simm.s32 @!p0 $0x1C07  }
0xe2: {  	[timem:s3], [sflag:s2] =	dma.local @!p0 [hbm:s0], s1  }
0xe3: {  	s0 =	simm.s32 @!p0 $0x7  }
0xe4: {  	_ =	swait.ge @!p0 [sflag:s0], s1  }
0xe5: {  	s1 =	ssub.s32 @!p0 $0x0, s1;
	[sflag:s0] =	ssyncset.done @!p0 $0x0  }
0xe6: {  	[sflag:s0] =	ssyncadd.s32 @!p0 s1  }
0xe7: {  	[bflag:$0x3] =	sbarrier.arrive $0xFFFF  }
0xe8: {  	_ =	shalt  }

</sc_bundles>
